<compile_context>
chip_gen: v7x
topology: tpu7x:2x2x1
jax: 0.10.2.dev20260603
libtpu: 0.0.44.dev20260713+nightly
codegen_flags: <defaults>
</compile_context>

<pallas_src>
import functools
import math

import jax
import jax.numpy as jnp
from jax import lax
from jax.experimental import pallas as pl
from jax.experimental.pallas import tpu as pltpu
from jax.experimental.pallas import tpu_sc as plsc

_N = 10000
_E = 320000
_MEM = 128
_EDGE_F = 16
_TDIM = 100
_OUT = 32
_H = 2
_HO = _H * _OUT
_PW = 128

_NC, _NS = 2, 16
_NW = _NC * _NS
_EH = _E // 2
_EPW = _EH // _NW
_GC = 40
_NCHUNK = _EPW // _GC

_BE = 3200
_BN = 1000


def _s1_body(mem_ref, wq_ref, wk_ref, bt_ref, t_ref):
    m = mem_ref[...]
    ct = jnp.cos(bt_ref[...])
    qconst = lax.dot_general(ct, wq_ref[:, _MEM:],
                             (((1,), (1,)), ((), ())),
                             preferred_element_type=jnp.float32)
    qn = lax.dot_general(m, wq_ref[:, :_MEM], (((1,), (1,)), ((), ())),
                         preferred_element_type=jnp.float32) + qconst
    kn = lax.dot_general(m, wk_ref[:, :_MEM], (((1,), (1,)), ((), ())),
                         preferred_element_type=jnp.float32)
    t_ref[...] = jnp.concatenate([kn, qn], axis=1)


def _node_tables(memory, W_Q, W_K, b_time2d):
    nb = _N // _BN
    return pl.pallas_call(
        _s1_body,
        grid=(nb,),
        in_specs=[
            pl.BlockSpec((_BN, _MEM), lambda i: (i, 0)),
            pl.BlockSpec((_HO, _MEM + _TDIM), lambda i: (0, 0)),
            pl.BlockSpec((_HO, _MEM + _EDGE_F + _TDIM), lambda i: (0, 0)),
            pl.BlockSpec((1, _TDIM), lambda i: (0, 0)),
        ],
        out_specs=pl.BlockSpec((_BN, 2 * _HO), lambda i: (i, 0)),
        out_shape=jax.ShapeDtypeStruct((_N, 2 * _HO), jnp.float32),
    )(memory, W_Q, W_K, b_time2d)


_NBUF = 5


def _sc_gather_body(src_hbm, dst_hbm, ets_hbm, ts_hbm, t_hbm,
                    td_hbm, gs_hbm, gd_hbm, *refs):
    srcs = refs[0:_NBUF]
    dsts = refs[_NBUF:2 * _NBUF]
    etss = refs[2 * _NBUF:3 * _NBUF]
    tsgs = refs[3 * _NBUF:4 * _NBUF]
    tds = refs[4 * _NBUF:5 * _NBUF]
    ksrs = refs[5 * _NBUF:6 * _NBUF]
    qdrs = refs[6 * _NBUF:7 * _NBUF]
    sem_i, sem_g, sem_o = refs[7 * _NBUF:7 * _NBUF + 3]
    c = lax.axis_index("c")
    s = lax.axis_index("s")
    base = (c * _NS + s) * _EPW

    def group(g, carry):
        off0 = base + g * (_NBUF * _GC)
        cpi = []
        for b in range(_NBUF):
            off = off0 + b * _GC
            cpi.append(pltpu.async_copy(src_hbm.at[pl.ds(off, _GC)], srcs[b], sem_i))
            cpi.append(pltpu.async_copy(dst_hbm.at[pl.ds(off, _GC)], dsts[b], sem_i))
            cpi.append(pltpu.async_copy(ets_hbm.at[pl.ds(off, _GC)], etss[b], sem_i))
        cpg = []
        for b in range(_NBUF):
            for cp in cpi[3 * b:3 * b + 3]:
                cp.wait()
            cpg.append(pltpu.async_copy(t_hbm.at[srcs[b]], ksrs[b], sem_g))
            cpg.append(pltpu.async_copy(t_hbm.at[dsts[b]], qdrs[b], sem_g))
            cpg.append(pltpu.async_copy(ts_hbm.at[srcs[b]], tsgs[b], sem_g))
        cpo = []
        for b in range(_NBUF):
            off = off0 + b * _GC
            for cp in cpg[3 * b:3 * b + 3]:
                cp.wait()
            starts = list(range(0, _GC - 15, 16))
            if _GC % 16:
                starts.append(_GC - 16)
            for st in starts:
                sl = pl.ds(st, 16)
                tds[b][sl] = etss[b][sl] - tsgs[b][sl]
            cpo.append(pltpu.async_copy(ksrs[b], gs_hbm.at[pl.ds(off, _GC)], sem_o))
            cpo.append(pltpu.async_copy(qdrs[b], gd_hbm.at[pl.ds(off, _GC)], sem_o))
            cpo.append(pltpu.async_copy(tds[b], td_hbm.at[pl.ds(off, _GC)], sem_o))
        for cp in cpo:
            cp.wait()
        return carry

    lax.fori_loop(0, _NCHUNK // _NBUF, group, 0)


_NCOS = 32


def _s3_body(td_ref, ef_ref, gs_ref, gd_ref, w_ref, b_ref, wte_ref, wef_ref,
             k_ref, a0_ref, a1_ref, amax_ref, msc):
    i = pl.program_id(0)
    tdr = td_ref[...]
    x_hi = w_ref[:_NCOS] * tdr + b_ref[:_NCOS]
    te_hi = jnp.cos(x_hi)
    x_lo = w_ref[_NCOS:] * tdr
    te_lo = 1.0 - 0.5 * (x_lo * x_lo)
    teT = jnp.concatenate([te_hi, te_lo], axis=0)
    k = (lax.dot_general(teT, wte_ref[...], (((0,), (0,)), ((), ())),
                         preferred_element_type=jnp.float32)
         + lax.dot_general(ef_ref[...], wef_ref[...], (((1,), (0,)), ((), ())),
                           preferred_element_type=jnp.float32)
         + gs_ref[:, :_HO])
    k_ref[...] = k.astype(jnp.bfloat16)
    prod = gd_ref[:, _HO:] * k
    srow = lax.broadcasted_iota(jnp.int32, (_H, _HO), 0)
    lcol = lax.broadcasted_iota(jnp.int32, (_H, _HO), 1)
    sel = jnp.where(lcol // _OUT == srow, 1.0, 0.0)
    aT = lax.dot_general(sel, prod, (((1,), (1,)), ((), ())),
                         preferred_element_type=jnp.float32)
    a0_ref[...] = aT[0:1]
    a1_ref[...] = aT[1:2]
    m0 = jnp.max(aT[0:1])
    m1 = jnp.max(aT[1:2])

    @pl.when(i == 0)
    def _():
        msc[0] = m0
        msc[1] = m1

    @pl.when(i > 0)
    def _():
        msc[0] = jnp.maximum(msc[0], m0)
        msc[1] = jnp.maximum(msc[1], m1)

    @pl.when(i == pl.num_programs(0) - 1)
    def _():
        amax_ref[0] = msc[0]
        amax_ref[1] = msc[1]


def _edge_dense(half, td_row, edge_feats, GS, GD, wcol, bcol, WkteT_pad, WkefT):
    nb = _EH // _BE
    off = half * nb
    return pl.pallas_call(
        _s3_body,
        grid=(nb,),
        in_specs=[
            pl.BlockSpec((1, _BE), lambda i: (0, i)),
            pl.BlockSpec((_BE, _EDGE_F), lambda i: (i + off, 0)),
            pl.BlockSpec((_BE, 2 * _HO), lambda i: (i, 0)),
            pl.BlockSpec((_BE, 2 * _HO), lambda i: (i, 0)),
            pl.BlockSpec((128, 1), lambda i: (0, 0)),
            pl.BlockSpec((128, 1), lambda i: (0, 0)),
            pl.BlockSpec((128, _HO), lambda i: (0, 0)),
            pl.BlockSpec((_EDGE_F, _HO), lambda i: (0, 0)),
        ],
        out_specs=[
            pl.BlockSpec((_BE, _HO), lambda i: (i, 0)),
            pl.BlockSpec((1, _BE), lambda i: (0, i)),
            pl.BlockSpec((1, _BE), lambda i: (0, i)),
            pl.BlockSpec(memory_space=pltpu.SMEM),
        ],
        out_shape=[
            jax.ShapeDtypeStruct((_EH, _HO), jnp.bfloat16),
            jax.ShapeDtypeStruct((1, _EH), jnp.float32),
            jax.ShapeDtypeStruct((1, _EH), jnp.float32),
            jax.ShapeDtypeStruct((2,), jnp.float32),
        ],
        scratch_shapes=[pltpu.SMEM((2,), jnp.float32)],
    )(td_row, edge_feats, GS, GD, wcol, bcol, WkteT_pad, WkefT)


def _s4_body(k_ref, a0_ref, a1_ref, amax_ref, p_ref):
    be = a0_ref.shape[1]
    ex0 = jnp.exp(a0_ref[...] - amax_ref[0]).reshape(be, 1)
    ex1 = jnp.exp(a1_ref[...] - amax_ref[1]).reshape(be, 1)
    k = k_ref[...].astype(jnp.float32)
    pad = jnp.zeros((k.shape[0], _PW - _HO - 2), dtype=jnp.float32)
    p_ref[...] = jnp.concatenate(
        [k[:, :_OUT] * ex0, k[:, _OUT:] * ex1, ex0, ex1, pad], axis=1)


def _edge_rows(k, a0, a1, amax):
    nb = _EH // _BE
    return pl.pallas_call(
        _s4_body,
        grid=(nb,),
        in_specs=[
            pl.BlockSpec((_BE, _HO), lambda i: (i, 0)),
            pl.BlockSpec((1, _BE), lambda i: (0, i)),
            pl.BlockSpec((1, _BE), lambda i: (0, i)),
            pl.BlockSpec(memory_space=pltpu.SMEM),
        ],
        out_specs=pl.BlockSpec((_BE, _PW), lambda i: (i, 0)),
        out_shape=jax.ShapeDtypeStruct((_EH, _PW), jnp.float32),
    )(k, a0, a1, amax)


_RPT = _N // _NS
_GCS = 40
_NCHUNKS = _EPW // _GCS


def _sc_scatter_body(p_hbm, dst_hbm, z_hbm, up_hbm, u_sp, *refs):
    idxs = refs[0:_NBUF]
    pvs = refs[_NBUF:2 * _NBUF]
    sem_i, sem_p, sem_s = refs[2 * _NBUF:2 * _NBUF + 3]
    c = lax.axis_index("c")
    s = lax.axis_index("s")
    rows = pl.ds(s * _RPT, _RPT)
    pltpu.sync_copy(z_hbm.at[c, rows], u_sp.at[rows])
    plsc.subcore_barrier()
    base = (c * _NS + s) * _EPW

    def group(g, carry):
        off0 = base + g * (_NBUF * _GCS)
        cpi = []
        cpp = []
        for b in range(_NBUF):
            off = off0 + b * _GCS
            cpi.append(pltpu.async_copy(dst_hbm.at[pl.ds(off, _GCS)], idxs[b], sem_i))
            cpp.append(pltpu.async_copy(p_hbm.at[pl.ds(off, _GCS)], pvs[b], sem_p))
        cps = []
        for b in range(_NBUF):
            cpi[b].wait()
            cpp[b].wait()
            cps.append(pltpu.async_copy(pvs[b], u_sp.at[idxs[b]], sem_s, add=True))
        for cp in cps:
            cp.wait()
        return carry

    lax.fori_loop(0, _NCHUNKS // _NBUF, group, 0)
    plsc.subcore_barrier()
    pltpu.sync_copy(u_sp.at[rows], up_hbm.at[c, rows])


@functools.cache
def _sc_kernels():
    mesh = plsc.VectorSubcoreMesh(core_axis_name="c", subcore_axis_name="s",
                                  num_cores=_NC, num_subcores=_NS)
    cparams = pltpu.CompilerParams(use_tc_tiling_on_sc=False)
    gather = pl.kernel(
        _sc_gather_body,
        out_type=(
            jax.ShapeDtypeStruct((_EH,), jnp.float32),
            jax.ShapeDtypeStruct((_EH, 2 * _HO), jnp.float32),
            jax.ShapeDtypeStruct((_EH, 2 * _HO), jnp.float32),
        ),
        mesh=mesh,
        scratch_types=(
            [pltpu.VMEM((_GC,), jnp.int32) for _ in range(_NBUF)]
            + [pltpu.VMEM((_GC,), jnp.int32) for _ in range(_NBUF)]
            + [pltpu.VMEM((_GC,), jnp.float32) for _ in range(_NBUF)]
            + [pltpu.VMEM((_GC,), jnp.float32) for _ in range(_NBUF)]
            + [pltpu.VMEM((_GC,), jnp.float32) for _ in range(_NBUF)]
            + [pltpu.VMEM((_GC, 2 * _HO), jnp.float32) for _ in range(_NBUF)]
            + [pltpu.VMEM((_GC, 2 * _HO), jnp.float32) for _ in range(_NBUF)]
            + [pltpu.SemaphoreType.DMA] * 3
        ),
        compiler_params=cparams,
    )
    scatter = pl.kernel(
        _sc_scatter_body,
        out_type=jax.ShapeDtypeStruct((_NC, _N, _PW), jnp.float32),
        mesh=mesh,
        scratch_types=(
            [pltpu.VMEM_SHARED((_N, _PW), jnp.float32)]
            + [pltpu.VMEM((_GCS,), jnp.int32) for _ in range(_NBUF)]
            + [pltpu.VMEM((_GCS, _PW), jnp.float32) for _ in range(_NBUF)]
            + [pltpu.SemaphoreType.DMA] * 3
        ),
        compiler_params=cparams,
    )
    return gather, scatter


_ISQRT = 1.0 / math.sqrt(float(_OUT))


def _s6_body(up_ref, mem_ref, w1_ref, b1_ref, w2_ref, b2_ref, out_ref):
    u = up_ref[0] + up_ref[1]
    d0 = u[:, _HO:_HO + 1]
    d1 = u[:, _HO + 1:_HO + 2]
    inv0 = jnp.where(d0 > 0, _ISQRT / d0, 0.0)
    inv1 = jnp.where(d1 > 0, _ISQRT / d1, 0.0)
    x = jnp.concatenate(
        [u[:, :_OUT] * inv0, u[:, _OUT:_HO] * inv1, mem_ref[...]], axis=1)
    h = lax.dot_general(x, w1_ref[...], (((1,), (1,)), ((), ())),
                        preferred_element_type=jnp.float32) + b1_ref[...]
    h = jnp.maximum(h, 0.0)
    out_ref[...] = lax.dot_general(h, w2_ref[...], (((1,), (1,)), ((), ())),
                                   preferred_element_type=jnp.float32) + b2_ref[...]


def _final_mlp(up, memory, fc1_w, fc1_b2d, fc2_w, fc2_b2d):
    nb = _N // _BN
    return pl.pallas_call(
        _s6_body,
        grid=(nb,),
        in_specs=[
            pl.BlockSpec((_NC, _BN, _PW), lambda i: (0, i, 0)),
            pl.BlockSpec((_BN, _MEM), lambda i: (i, 0)),
            pl.BlockSpec((512, _MEM + _HO), lambda i: (0, 0)),
            pl.BlockSpec((1, 512), lambda i: (0, 0)),
            pl.BlockSpec((_OUT, 512), lambda i: (0, 0)),
            pl.BlockSpec((1, _OUT), lambda i: (0, 0)),
        ],
        out_specs=pl.BlockSpec((_BN, _OUT), lambda i: (i, 0)),
        out_shape=jax.ShapeDtypeStruct((_N, _OUT), jnp.float32),
    )(up, memory, fc1_w, fc1_b2d, fc2_w, fc2_b2d)


def kernel(memory, ts, edge_feats, edge_timestamp, W_Q, W_K, w_time, b_time,
           fc1_w, fc1_b, fc2_w, fc2_b, edge_index):
    f32 = jnp.float32
    b_time2d = b_time.reshape(1, _TDIM).astype(f32)
    wcol = jnp.zeros((128, 1), f32).at[:_TDIM, 0].set(w_time)
    bcol = jnp.zeros((128, 1), f32).at[:_TDIM, 0].set(b_time)
    WkteT_pad = jnp.zeros((128, _HO), f32).at[:_TDIM, :].set(
        W_K[:, _MEM + _EDGE_F:].T)
    WkefT = W_K[:, _MEM:_MEM + _EDGE_F].T

    sc_gather, sc_scatter = _sc_kernels()
    src = edge_index[0]
    dst = edge_index[1]
    tbl = _node_tables(memory, W_Q, W_K, b_time2d)
    halves = []
    tbl_h = tbl
    for h in range(2):
        sl = slice(h * _EH, (h + 1) * _EH)
        td_h, gs_h, gd_h = sc_gather(src[sl], dst[sl], edge_timestamp[sl],
                                     ts, tbl_h)
        halves.append((td_h, gs_h, gd_h))
        tbl_h = lax.optimization_barrier((tbl, td_h))[0]
    dense = []
    for h in range(2):
        td_h, gs_h, gd_h = halves[h]
        dense.append(_edge_dense(h, td_h.reshape(1, _EH), edge_feats,
                                 gs_h, gd_h, wcol, bcol, WkteT_pad, WkefT))
    amax = jnp.maximum(dense[0][3], dense[1][3])
    acc = jnp.zeros((_NC, _N, _PW), f32)
    for h in range(2):
        k_h, a0_h, a1_h, _ = dense[h]
        sl = slice(h * _EH, (h + 1) * _EH)
        p_h = _edge_rows(k_h, a0_h, a1_h, amax)
        acc = sc_scatter(p_h, dst[sl], acc)
    return _final_mlp(acc, memory, fc1_w, fc1_b.reshape(1, 512),
                      fc2_w, fc2_b.reshape(1, _OUT))

# --- scband reference (transcript-rebuilt; emitter-appended) ---
"""Pipeline reference for scband-temporal-gatconv-12240656794125 (READ-ONLY COPY).

The authoritative reference and input builder live on the scoring server;
editing this copy changes nothing except your own understanding.
"""

import jax, jax.numpy as jnp
import numpy as np

N = 10000
E = 320000
MEM = 128
EDGE_F = 16
TDIM = 100
OUT = 32
H = 2

def setup_inputs(seed: int = 0) -> dict:
    key = jax.random.key(seed)
    ks = jax.random.split(key, 10)
    memory = jax.random.normal(ks[0], (N, MEM), dtype=jnp.float32)
    ts = jax.random.uniform(ks[1], (N,), dtype=jnp.float32) * 100.0
    edge_index = jax.random.randint(ks[2], (2, E), 0, N, dtype=jnp.int32)
    edge_feats = jax.random.normal(ks[3], (E, EDGE_F), dtype=jnp.float32)
    edge_timestamp = jax.random.uniform(ks[4], (E,), dtype=jnp.float32) * 100.0
    W_Q = jax.random.normal(ks[5], (H * OUT, MEM + TDIM), dtype=jnp.float32) * (1.0 / np.sqrt(MEM + TDIM))
    W_K = jax.random.normal(ks[6], (H * OUT, MEM + EDGE_F + TDIM), dtype=jnp.float32) * (1.0 / np.sqrt(MEM + EDGE_F + TDIM))
    w_time = jnp.asarray(1.0 / 10 ** np.linspace(0, 9, TDIM), dtype=jnp.float32)
    b_time = jnp.zeros((TDIM,), dtype=jnp.float32)
    fc1_w = jax.random.normal(ks[7], (512, MEM + H * OUT), dtype=jnp.float32) * (1.0 / np.sqrt(MEM + H * OUT))
    fc1_b = jnp.zeros((512,), dtype=jnp.float32)
    fc2_w = jax.random.normal(ks[8], (OUT, 512), dtype=jnp.float32) * (1.0 / np.sqrt(512.0))
    fc2_b = jnp.zeros((OUT,), dtype=jnp.float32)
    return {"memory": memory, "ts": ts, "edge_feats": edge_feats, "edge_timestamp": edge_timestamp, "W_Q": W_Q, "W_K": W_K, "w_time": w_time, "b_time": b_time, "fc1_w": fc1_w, "fc1_b": fc1_b, "fc2_w": fc2_w, "fc2_b": fc2_b, "edge_index": edge_index}

def reference(memory, ts, edge_feats, edge_timestamp, W_Q, W_K, w_time, b_time, fc1_w, fc1_b, fc2_w, fc2_b, edge_index):
    src = edge_index[0]
    dst = edge_index[1]
    # Q input: dst memory + TimeEncode(0) (cos of bias since t0 == 0)
    te0 = jnp.broadcast_to(jnp.cos(b_time), (E, TDIM))
    q_in = jnp.concatenate([jnp.take(memory, dst, axis=0), te0], axis=1)
    # K input: src memory + edge feats + TimeEncode(edge_ts - src_ts)
    tdiff = edge_timestamp - jnp.take(ts, src, axis=0)
    te = jnp.cos(tdiff[:, None] * w_time[None, :] + b_time[None, :])
    k_in = jnp.concatenate([jnp.take(memory, src, axis=0), edge_feats, te], axis=1)
    q = (q_in @ W_Q.T).reshape(E, H, OUT)
    k = (k_in @ W_K.T).reshape(E, H, OUT)
    a = jnp.sum(q * k, axis=2)  # [E, H]
    # edge softmax over incoming edges of each dst node
    amax = jax.ops.segment_max(a, dst, num_segments=N)
    ex = jnp.exp(a - amax[dst])
    denom = jax.ops.segment_sum(ex, dst, num_segments=N)
    sa = ex / denom[dst] / jnp.sqrt(float(OUT))
    # message: attention-weighted K features (module uses squeezed_k as values)
    msg = sa[:, :, None] * k
    agg = jax.ops.segment_sum(msg.reshape(E, H * OUT), dst, num_segments=N)
    # MergeLayer skip connection
    x = jnp.concatenate([agg, memory], axis=1)
    h = jax.nn.relu(x @ fc1_w.T + fc1_b)
    return h @ fc2_w.T + fc2_b

if __name__ == "__main__":
    import jax
    _d = setup_inputs()
    print(jax.jit(kernel)(*tuple(_d.values())))

</pallas_src>

<mosaic_0001>
#map = affine_map<(d0, d1) -> (0)>
#map1 = affine_map<(d0, d1) -> (0, 0)>
module attributes {stable_mosaic.version = 14 : i64} {
  func.func @_sc_gather_body(%arg0: i32, %arg1: i32, %arg2: memref<160000xi32, #tpu.memory_space<hbm>>, %arg3: memref<160000xi32, #tpu.memory_space<hbm>>, %arg4: memref<160000xf32, #tpu.memory_space<hbm>>, %arg5: memref<10000xf32, #tpu.memory_space<hbm>>, %arg6: memref<10000x128xf32, #tpu.memory_space<hbm>>, %arg7: memref<160000xf32, #tpu.memory_space<hbm>>, %arg8: memref<160000x128xf32, #tpu.memory_space<hbm>>, %arg9: memref<160000x128xf32, #tpu.memory_space<hbm>>, %arg10: memref<40xi32, #tpu.memory_space<vmem>>, %arg11: memref<40xi32, #tpu.memory_space<vmem>>, %arg12: memref<40xi32, #tpu.memory_space<vmem>>, %arg13: memref<40xi32, #tpu.memory_space<vmem>>, %arg14: memref<40xi32, #tpu.memory_space<vmem>>, %arg15: memref<40xi32, #tpu.memory_space<vmem>>, %arg16: memref<40xi32, #tpu.memory_space<vmem>>, %arg17: memref<40xi32, #tpu.memory_space<vmem>>, %arg18: memref<40xi32, #tpu.memory_space<vmem>>, %arg19: memref<40xi32, #tpu.memory_space<vmem>>, %arg20: memref<40xf32, #tpu.memory_space<vmem>>, %arg21: memref<40xf32, #tpu.memory_space<vmem>>, %arg22: memref<40xf32, #tpu.memory_space<vmem>>, %arg23: memref<40xf32, #tpu.memory_space<vmem>>, %arg24: memref<40xf32, #tpu.memory_space<vmem>>, %arg25: memref<40xf32, #tpu.memory_space<vmem>>, %arg26: memref<40xf32, #tpu.memory_space<vmem>>, %arg27: memref<40xf32, #tpu.memory_space<vmem>>, %arg28: memref<40xf32, #tpu.memory_space<vmem>>, %arg29: memref<40xf32, #tpu.memory_space<vmem>>, %arg30: memref<40xf32, #tpu.memory_space<vmem>>, %arg31: memref<40xf32, #tpu.memory_space<vmem>>, %arg32: memref<40xf32, #tpu.memory_space<vmem>>, %arg33: memref<40xf32, #tpu.memory_space<vmem>>, %arg34: memref<40xf32, #tpu.memory_space<vmem>>, %arg35: memref<40x128xf32, #tpu.memory_space<vmem>>, %arg36: memref<40x128xf32, #tpu.memory_space<vmem>>, %arg37: memref<40x128xf32, #tpu.memory_space<vmem>>, %arg38: memref<40x128xf32, #tpu.memory_space<vmem>>, %arg39: memref<40x128xf32, #tpu.memory_space<vmem>>, %arg40: memref<40x128xf32, #tpu.memory_space<vmem>>, %arg41: memref<40x128xf32, #tpu.memory_space<vmem>>, %arg42: memref<40x128xf32, #tpu.memory_space<vmem>>, %arg43: memref<40x128xf32, #tpu.memory_space<vmem>>, %arg44: memref<40x128xf32, #tpu.memory_space<vmem>>, %arg45: memref<!tpu.dma_semaphore, #tpu.memory_space<semaphore_mem>>, %arg46: memref<!tpu.dma_semaphore, #tpu.memory_space<semaphore_mem>>, %arg47: memref<!tpu.dma_semaphore, #tpu.memory_space<semaphore_mem>>) attributes {dimension_semantics = [#tpu.dimension_semantics<core_parallel>, #tpu.dimension_semantics<subcore_parallel>], iteration_bounds = array<i64: 2, 16>, scalar_prefetch = 0 : i64, scratch_operands = 38 : i64, tpu.core_type = #tpu.core_type<sc_vector_subcore>, window_params = [{transform_indices = #map}, {transform_indices = #map}, {transform_indices = #map}, {transform_indices = #map}, {transform_indices = #map1}, {transform_indices = #map}, {transform_indices = #map1}, {transform_indices = #map1}]} {
    %mul3A = arith.constant 16 : i32
    %mul3A_0 = arith.muli %arg0, %mul3A : i32
    %add3A = arith.addi %mul3A_0, %arg1 : i32
    %mul3A_1 = arith.constant 5000 : i32
    %mul3A_2 = arith.muli %add3A, %mul3A_1 : i32
    %scan3A = arith.constant 0 : i32
    %scan3A_3 = arith.constant 0 : i32
    %scan3A_4 = arith.constant 25 : i32
    %scan3A_5 = arith.addi %scan3A_3, %scan3A_4 : i32
    %scan3A_6 = arith.constant 1 : i32
    scf.for %scan3A_8 = %scan3A_3 to %scan3A_5 step %scan3A_6  : i32 {
      %mul3A_9 = arith.constant 200 : i32
      %mul3A_10 = arith.muli %scan3A_8, %mul3A_9 : i32
      %add3A_11 = arith.addi %mul3A_2, %mul3A_10 : i32
      %add3A_12 = arith.constant 0 : i32
      %add3A_13 = arith.addi %add3A_11, %add3A_12 : i32
      %dma_start3A = tpu.memref_slice %arg2[%add3A_13] : memref<160000xi32, #tpu.memory_space<hbm>> -> memref<40xi32, #tpu.memory_space<hbm>>
      %dma_start3A_14 = tpu.memref_slice %arg2[%add3A_13] : memref<160000xi32, #tpu.memory_space<hbm>> -> memref<40xi32, #tpu.memory_space<hbm>>
      tpu.enqueue_dma source(%dma_start3A_14 : memref<40xi32, #tpu.memory_space<hbm>>) target(%arg10 : memref<40xi32, #tpu.memory_space<vmem>>) target_semaphore(%arg45 : memref<!tpu.dma_semaphore, #tpu.memory_space<semaphore_mem>>)
      %dma_start3A_15 = tpu.memref_slice %arg3[%add3A_13] : memref<160000xi32, #tpu.memory_space<hbm>> -> memref<40xi32, #tpu.memory_space<hbm>>
      %dma_start3A_16 = tpu.memref_slice %arg3[%add3A_13] : memref<160000xi32, #tpu.memory_space<hbm>> -> memref<40xi32, #tpu.memory_space<hbm>>
      tpu.enqueue_dma source(%dma_start3A_16 : memref<40xi32, #tpu.memory_space<hbm>>) target(%arg15 : memref<40xi32, #tpu.memory_space<vmem>>) target_semaphore(%arg45 : memref<!tpu.dma_semaphore, #tpu.memory_space<semaphore_mem>>)
      %dma_start3A_17 = tpu.memref_slice %arg4[%add3A_13] : memref<160000xf32, #tpu.memory_space<hbm>> -> memref<40xf32, #tpu.memory_space<hbm>>
      %dma_start3A_18 = tpu.memref_slice %arg4[%add3A_13] : memref<160000xf32, #tpu.memory_space<hbm>> -> memref<40xf32, #tpu.memory_space<hbm>>
      tpu.enqueue_dma source(%dma_start3A_18 : memref<40xf32, #tpu.memory_space<hbm>>) target(%arg20 : memref<40xf32, #tpu.memory_space<vmem>>) target_semaphore(%arg45 : memref<!tpu.dma_semaphore, #tpu.memory_space<semaphore_mem>>)
      %add3A_19 = arith.constant 40 : i32
      %add3A_20 = arith.addi %add3A_11, %add3A_19 : i32
      %dma_start3A_21 = tpu.memref_slice %arg2[%add3A_20] : memref<160000xi32, #tpu.memory_space<hbm>> -> memref<40xi32, #tpu.memory_space<hbm>>
      %dma_start3A_22 = tpu.memref_slice %arg2[%add3A_20] : memref<160000xi32, #tpu.memory_space<hbm>> -> memref<40xi32, #tpu.memory_space<hbm>>
      tpu.enqueue_dma source(%dma_start3A_22 : memref<40xi32, #tpu.memory_space<hbm>>) target(%arg11 : memref<40xi32, #tpu.memory_space<vmem>>) target_semaphore(%arg45 : memref<!tpu.dma_semaphore, #tpu.memory_space<semaphore_mem>>)
      %dma_start3A_23 = tpu.memref_slice %arg3[%add3A_20] : memref<160000xi32, #tpu.memory_space<hbm>> -> memref<40xi32, #tpu.memory_space<hbm>>
      %dma_start3A_24 = tpu.memref_slice %arg3[%add3A_20] : memref<160000xi32, #tpu.memory_space<hbm>> -> memref<40xi32, #tpu.memory_space<hbm>>
      tpu.enqueue_dma source(%dma_start3A_24 : memref<40xi32, #tpu.memory_space<hbm>>) target(%arg16 : memref<40xi32, #tpu.memory_space<vmem>>) target_semaphore(%arg45 : memref<!tpu.dma_semaphore, #tpu.memory_space<semaphore_mem>>)
      %dma_start3A_25 = tpu.memref_slice %arg4[%add3A_20] : memref<160000xf32, #tpu.memory_space<hbm>> -> memref<40xf32, #tpu.memory_space<hbm>>
      %dma_start3A_26 = tpu.memref_slice %arg4[%add3A_20] : memref<160000xf32, #tpu.memory_space<hbm>> -> memref<40xf32, #tpu.memory_space<hbm>>
      tpu.enqueue_dma source(%dma_start3A_26 : memref<40xf32, #tpu.memory_space<hbm>>) target(%arg21 : memref<40xf32, #tpu.memory_space<vmem>>) target_semaphore(%arg45 : memref<!tpu.dma_semaphore, #tpu.memory_space<semaphore_mem>>)
      %add3A_27 = arith.constant 80 : i32
      %add3A_28 = arith.addi %add3A_11, %add3A_27 : i32
      %dma_start3A_29 = tpu.memref_slice %arg2[%add3A_28] : memref<160000xi32, #tpu.memory_space<hbm>> -> memref<40xi32, #tpu.memory_space<hbm>>
      %dma_start3A_30 = tpu.memref_slice %arg2[%add3A_28] : memref<160000xi32, #tpu.memory_space<hbm>> -> memref<40xi32, #tpu.memory_space<hbm>>
      tpu.enqueue_dma source(%dma_start3A_30 : memref<40xi32, #tpu.memory_space<hbm>>) target(%arg12 : memref<40xi32, #tpu.memory_space<vmem>>) target_semaphore(%arg45 : memref<!tpu.dma_semaphore, #tpu.memory_space<semaphore_mem>>)
      %dma_start3A_31 = tpu.memref_slice %arg3[%add3A_28] : memref<160000xi32, #tpu.memory_space<hbm>> -> memref<40xi32, #tpu.memory_space<hbm>>
      %dma_start3A_32 = tpu.memref_slice %arg3[%add3A_28] : memref<160000xi32, #tpu.memory_space<hbm>> -> memref<40xi32, #tpu.memory_space<hbm>>
      tpu.enqueue_dma source(%dma_start3A_32 : memref<40xi32, #tpu.memory_space<hbm>>) target(%arg17 : memref<40xi32, #tpu.memory_space<vmem>>) target_semaphore(%arg45 : memref<!tpu.dma_semaphore, #tpu.memory_space<semaphore_mem>>)
      %dma_start3A_33 = tpu.memref_slice %arg4[%add3A_28] : memref<160000xf32, #tpu.memory_space<hbm>> -> memref<40xf32, #tpu.memory_space<hbm>>
      %dma_start3A_34 = tpu.memref_slice %arg4[%add3A_28] : memref<160000xf32, #tpu.memory_space<hbm>> -> memref<40xf32, #tpu.memory_space<hbm>>
      tpu.enqueue_dma source(%dma_start3A_34 : memref<40xf32, #tpu.memory_space<hbm>>) target(%arg22 : memref<40xf32, #tpu.memory_space<vmem>>) target_semaphore(%arg45 : memref<!tpu.dma_semaphore, #tpu.memory_space<semaphore_mem>>)
      %add3A_35 = arith.constant 120 : i32
      %add3A_36 = arith.addi %add3A_11, %add3A_35 : i32
      %dma_start3A_37 = tpu.memref_slice %arg2[%add3A_36] : memref<160000xi32, #tpu.memory_space<hbm>> -> memref<40xi32, #tpu.memory_space<hbm>>
      %dma_start3A_38 = tpu.memref_slice %arg2[%add3A_36] : memref<160000xi32, #tpu.memory_space<hbm>> -> memref<40xi32, #tpu.memory_space<hbm>>
      tpu.enqueue_dma source(%dma_start3A_38 : memref<40xi32, #tpu.memory_space<hbm>>) target(%arg13 : memref<40xi32, #tpu.memory_space<vmem>>) target_semaphore(%arg45 : memref<!tpu.dma_semaphore, #tpu.memory_space<semaphore_mem>>)
      %dma_start3A_39 = tpu.memref_slice %arg3[%add3A_36] : memref<160000xi32, #tpu.memory_space<hbm>> -> memref<40xi32, #tpu.memory_space<hbm>>
      %dma_start3A_40 = tpu.memref_slice %arg3[%add3A_36] : memref<160000xi32, #tpu.memory_space<hbm>> -> memref<40xi32, #tpu.memory_space<hbm>>
      tpu.enqueue_dma source(%dma_start3A_40 : memref<40xi32, #tpu.memory_space<hbm>>) target(%arg18 : memref<40xi32, #tpu.memory_space<vmem>>) target_semaphore(%arg45 : memref<!tpu.dma_semaphore, #tpu.memory_space<semaphore_mem>>)
      %dma_start3A_41 = tpu.memref_slice %arg4[%add3A_36] : memref<160000xf32, #tpu.memory_space<hbm>> -> memref<40xf32, #tpu.memory_space<hbm>>
      %dma_start3A_42 = tpu.memref_slice %arg4[%add3A_36] : memref<160000xf32, #tpu.memory_space<hbm>> -> memref<40xf32, #tpu.memory_space<hbm>>
      tpu.enqueue_dma source(%dma_start3A_42 : memref<40xf32, #tpu.memory_space<hbm>>) target(%arg23 : memref<40xf32, #tpu.memory_space<vmem>>) target_semaphore(%arg45 : memref<!tpu.dma_semaphore, #tpu.memory_space<semaphore_mem>>)
      %add3A_43 = arith.constant 160 : i32
      %add3A_44 = arith.addi %add3A_11, %add3A_43 : i32
      %dma_start3A_45 = tpu.memref_slice %arg2[%add3A_44] : memref<160000xi32, #tpu.memory_space<hbm>> -> memref<40xi32, #tpu.memory_space<hbm>>
      %dma_start3A_46 = tpu.memref_slice %arg2[%add3A_44] : memref<160000xi32, #tpu.memory_space<hbm>> -> memref<40xi32, #tpu.memory_space<hbm>>
      tpu.enqueue_dma source(%dma_start3A_46 : memref<40xi32, #tpu.memory_space<hbm>>) target(%arg14 : memref<40xi32, #tpu.memory_space<vmem>>) target_semaphore(%arg45 : memref<!tpu.dma_semaphore, #tpu.memory_space<semaphore_mem>>)
      %dma_start3A_47 = tpu.memref_slice %arg3[%add3A_44] : memref<160000xi32, #tpu.memory_space<hbm>> -> memref<40xi32, #tpu.memory_space<hbm>>
      %dma_start3A_48 = tpu.memref_slice %arg3[%add3A_44] : memref<160000xi32, #tpu.memory_space<hbm>> -> memref<40xi32, #tpu.memory_space<hbm>>
      tpu.enqueue_dma source(%dma_start3A_48 : memref<40xi32, #tpu.memory_space<hbm>>) target(%arg19 : memref<40xi32, #tpu.memory_space<vmem>>) target_semaphore(%arg45 : memref<!tpu.dma_semaphore, #tpu.memory_space<semaphore_mem>>)
      %dma_start3A_49 = tpu.memref_slice %arg4[%add3A_44] : memref<160000xf32, #tpu.memory_space<hbm>> -> memref<40xf32, #tpu.memory_space<hbm>>
      %dma_start3A_50 = tpu.memref_slice %arg4[%add3A_44] : memref<160000xf32, #tpu.memory_space<hbm>> -> memref<40xf32, #tpu.memory_space<hbm>>
      tpu.enqueue_dma source(%dma_start3A_50 : memref<40xf32, #tpu.memory_space<hbm>>) target(%arg24 : memref<40xf32, #tpu.memory_space<vmem>>) target_semaphore(%arg45 : memref<!tpu.dma_semaphore, #tpu.memory_space<semaphore_mem>>)
      %dma_wait3A = tpu.memref_slice %arg2[%add3A_13] : memref<160000xi32, #tpu.memory_space<hbm>> -> memref<40xi32, #tpu.memory_space<hbm>>
      %dma_wait3A_51 = tpu.memref_slice %arg2[%add3A_13] : memref<160000xi32, #tpu.memory_space<hbm>> -> memref<40xi32, #tpu.memory_space<hbm>>
      tpu.wait_dma2 semaphore(%arg45 : memref<!tpu.dma_semaphore, #tpu.memory_space<semaphore_mem>>) src(%dma_wait3A_51 : memref<40xi32, #tpu.memory_space<hbm>>) dst(%arg10 : memref<40xi32, #tpu.memory_space<vmem>>)
      %dma_wait3A_52 = tpu.memref_slice %arg3[%add3A_13] : memref<160000xi32, #tpu.memory_space<hbm>> -> memref<40xi32, #tpu.memory_space<hbm>>
      %dma_wait3A_53 = tpu.memref_slice %arg3[%add3A_13] : memref<160000xi32, #tpu.memory_space<hbm>> -> memref<40xi32, #tpu.memory_space<hbm>>
      tpu.wait_dma2 semaphore(%arg45 : memref<!tpu.dma_semaphore, #tpu.memory_space<semaphore_mem>>) src(%dma_wait3A_53 : memref<40xi32, #tpu.memory_space<hbm>>) dst(%arg15 : memref<40xi32, #tpu.memory_space<vmem>>)
      %dma_wait3A_54 = tpu.memref_slice %arg4[%add3A_13] : memref<160000xf32, #tpu.memory_space<hbm>> -> memref<40xf32, #tpu.memory_space<hbm>>
      %dma_wait3A_55 = tpu.memref_slice %arg4[%add3A_13] : memref<160000xf32, #tpu.memory_space<hbm>> -> memref<40xf32, #tpu.memory_space<hbm>>
      tpu.wait_dma2 semaphore(%arg45 : memref<!tpu.dma_semaphore, #tpu.memory_space<semaphore_mem>>) src(%dma_wait3A_55 : memref<40xf32, #tpu.memory_space<hbm>>) dst(%arg20 : memref<40xf32, #tpu.memory_space<vmem>>)
      %dma_start3A_56 = arith.constant 0 : i32
      %dma_start3A_57 = arith.constant 0 : i32
      %dma_start3A_58 = tpu.memref_slice %arg6[%dma_start3A_56, %dma_start3A_57] : memref<10000x128xf32, #tpu.memory_space<hbm>> -> memref<10000x128xf32, #tpu.memory_space<hbm>>
      tpu.enqueue_indirect_dma source(%dma_start3A_58 : memref<10000x128xf32, #tpu.memory_space<hbm>>) target(%arg35 : memref<40x128xf32, #tpu.memory_space<vmem>>) offsets(%arg10 : memref<40xi32, #tpu.memory_space<vmem>>) semaphore(%arg46 : memref<!tpu.dma_semaphore, #tpu.memory_space<semaphore_mem>>)
      %dma_start3A_59 = arith.constant 0 : i32
      %dma_start3A_60 = arith.constant 0 : i32
      %dma_start3A_61 = tpu.memref_slice %arg6[%dma_start3A_59, %dma_start3A_60] : memref<10000x128xf32, #tpu.memory_space<hbm>> -> memref<10000x128xf32, #tpu.memory_space<hbm>>
      tpu.enqueue_indirect_dma source(%dma_start3A_61 : memref<10000x128xf32, #tpu.memory_space<hbm>>) target(%arg40 : memref<40x128xf32, #tpu.memory_space<vmem>>) offsets(%arg15 : memref<40xi32, #tpu.memory_space<vmem>>) semaphore(%arg46 : memref<!tpu.dma_semaphore, #tpu.memory_space<semaphore_mem>>)
      %dma_start3A_62 = arith.constant 0 : i32
      %dma_start3A_63 = tpu.memref_slice %arg5[%dma_start3A_62] : memref<10000xf32, #tpu.memory_space<hbm>> -> memref<10000xf32, #tpu.memory_space<hbm>>
      tpu.enqueue_indirect_dma source(%dma_start3A_63 : memref<10000xf32, #tpu.memory_space<hbm>>) target(%arg25 : memref<40xf32, #tpu.memory_space<vmem>>) offsets(%arg10 : memref<40xi32, #tpu.memory_space<vmem>>) semaphore(%arg46 : memref<!tpu.dma_semaphore, #tpu.memory_space<semaphore_mem>>)
      %dma_wait3A_64 = tpu.memref_slice %arg2[%add3A_20] : memref<160000xi32, #tpu.memory_space<hbm>> -> memref<40xi32, #tpu.memory_space<hbm>>
      %dma_wait3A_65 = tpu.memref_slice %arg2[%add3A_20] : memref<160000xi32, #tpu.memory_space<hbm>> -> memref<40xi32, #tpu.memory_space<hbm>>
      tpu.wait_dma2 semaphore(%arg45 : memref<!tpu.dma_semaphore, #tpu.memory_space<semaphore_mem>>) src(%dma_wait3A_65 : memref<40xi32, #tpu.memory_space<hbm>>) dst(%arg11 : memref<40xi32, #tpu.memory_space<vmem>>)
      %dma_wait3A_66 = tpu.memref_slice %arg3[%add3A_20] : memref<160000xi32, #tpu.memory_space<hbm>> -> memref<40xi32, #tpu.memory_space<hbm>>
      %dma_wait3A_67 = tpu.memref_slice %arg3[%add3A_20] : memref<160000xi32, #tpu.memory_space<hbm>> -> memref<40xi32, #tpu.memory_space<hbm>>
      tpu.wait_dma2 semaphore(%arg45 : memref<!tpu.dma_semaphore, #tpu.memory_space<semaphore_mem>>) src(%dma_wait3A_67 : memref<40xi32, #tpu.memory_space<hbm>>) dst(%arg16 : memref<40xi32, #tpu.memory_space<vmem>>)
      %dma_wait3A_68 = tpu.memref_slice %arg4[%add3A_20] : memref<160000xf32, #tpu.memory_space<hbm>> -> memref<40xf32, #tpu.memory_space<hbm>>
      %dma_wait3A_69 = tpu.memref_slice %arg4[%add3A_20] : memref<160000xf32, #tpu.memory_space<hbm>> -> memref<40xf32, #tpu.memory_space<hbm>>
      tpu.wait_dma2 semaphore(%arg45 : memref<!tpu.dma_semaphore, #tpu.memory_space<semaphore_mem>>) src(%dma_wait3A_69 : memref<40xf32, #tpu.memory_space<hbm>>) dst(%arg21 : memref<40xf32, #tpu.memory_space<vmem>>)
      %dma_start3A_70 = arith.constant 0 : i32
      %dma_start3A_71 = arith.constant 0 : i32
      %dma_start3A_72 = tpu.memref_slice %arg6[%dma_start3A_70, %dma_start3A_71] : memref<10000x128xf32, #tpu.memory_space<hbm>> -> memref<10000x128xf32, #tpu.memory_space<hbm>>
      tpu.enqueue_indirect_dma source(%dma_start3A_72 : memref<10000x128xf32, #tpu.memory_space<hbm>>) target(%arg36 : memref<40x128xf32, #tpu.memory_space<vmem>>) offsets(%arg11 : memref<40xi32, #tpu.memory_space<vmem>>) semaphore(%arg46 : memref<!tpu.dma_semaphore, #tpu.memory_space<semaphore_mem>>)
      %dma_start3A_73 = arith.constant 0 : i32
      %dma_start3A_74 = arith.constant 0 : i32
      %dma_start3A_75 = tpu.memref_slice %arg6[%dma_start3A_73, %dma_start3A_74] : memref<10000x128xf32, #tpu.memory_space<hbm>> -> memref<10000x128xf32, #tpu.memory_space<hbm>>
      tpu.enqueue_indirect_dma source(%dma_start3A_75 : memref<10000x128xf32, #tpu.memory_space<hbm>>) target(%arg41 : memref<40x128xf32, #tpu.memory_space<vmem>>) offsets(%arg16 : memref<40xi32, #tpu.memory_space<vmem>>) semaphore(%arg46 : memref<!tpu.dma_semaphore, #tpu.memory_space<semaphore_mem>>)
      %dma_start3A_76 = arith.constant 0 : i32
      %dma_start3A_77 = tpu.memref_slice %arg5[%dma_start3A_76] : memref<10000xf32, #tpu.memory_space<hbm>> -> memref<10000xf32, #tpu.memory_space<hbm>>
      tpu.enqueue_indirect_dma source(%dma_start3A_77 : memref<10000xf32, #tpu.memory_space<hbm>>) target(%arg26 : memref<40xf32, #tpu.memory_space<vmem>>) offsets(%arg11 : memref<40xi32, #tpu.memory_space<vmem>>) semaphore(%arg46 : memref<!tpu.dma_semaphore, #tpu.memory_space<semaphore_mem>>)
      %dma_wait3A_78 = tpu.memref_slice %arg2[%add3A_28] : memref<160000xi32, #tpu.memory_space<hbm>> -> memref<40xi32, #tpu.memory_space<hbm>>
      %dma_wait3A_79 = tpu.memref_slice %arg2[%add3A_28] : memref<160000xi32, #tpu.memory_space<hbm>> -> memref<40xi32, #tpu.memory_space<hbm>>
      tpu.wait_dma2 semaphore(%arg45 : memref<!tpu.dma_semaphore, #tpu.memory_space<semaphore_mem>>) src(%dma_wait3A_79 : memref<40xi32, #tpu.memory_space<hbm>>) dst(%arg12 : memref<40xi32, #tpu.memory_space<vmem>>)
      %dma_wait3A_80 = tpu.memref_slice %arg3[%add3A_28] : memref<160000xi32, #tpu.memory_space<hbm>> -> memref<40xi32, #tpu.memory_space<hbm>>
      %dma_wait3A_81 = tpu.memref_slice %arg3[%add3A_28] : memref<160000xi32, #tpu.memory_space<hbm>> -> memref<40xi32, #tpu.memory_space<hbm>>
      tpu.wait_dma2 semaphore(%arg45 : memref<!tpu.dma_semaphore, #tpu.memory_space<semaphore_mem>>) src(%dma_wait3A_81 : memref<40xi32, #tpu.memory_space<hbm>>) dst(%arg17 : memref<40xi32, #tpu.memory_space<vmem>>)
      %dma_wait3A_82 = tpu.memref_slice %arg4[%add3A_28] : memref<160000xf32, #tpu.memory_space<hbm>> -> memref<40xf32, #tpu.memory_space<hbm>>
      %dma_wait3A_83 = tpu.memref_slice %arg4[%add3A_28] : memref<160000xf32, #tpu.memory_space<hbm>> -> memref<40xf32, #tpu.memory_space<hbm>>
      tpu.wait_dma2 semaphore(%arg45 : memref<!tpu.dma_semaphore, #tpu.memory_space<semaphore_mem>>) src(%dma_wait3A_83 : memref<40xf32, #tpu.memory_space<hbm>>) dst(%arg22 : memref<40xf32, #tpu.memory_space<vmem>>)
      %dma_start3A_84 = arith.constant 0 : i32
      %dma_start3A_85 = arith.constant 0 : i32
      %dma_start3A_86 = tpu.memref_slice %arg6[%dma_start3A_84, %dma_start3A_85] : memref<10000x128xf32, #tpu.memory_space<hbm>> -> memref<10000x128xf32, #tpu.memory_space<hbm>>
      tpu.enqueue_indirect_dma source(%dma_start3A_86 : memref<10000x128xf32, #tpu.memory_space<hbm>>) target(%arg37 : memref<40x128xf32, #tpu.memory_space<vmem>>) offsets(%arg12 : memref<40xi32, #tpu.memory_space<vmem>>) semaphore(%arg46 : memref<!tpu.dma_semaphore, #tpu.memory_space<semaphore_mem>>)
      %dma_start3A_87 = arith.constant 0 : i32
      %dma_start3A_88 = arith.constant 0 : i32
      %dma_start3A_89 = tpu.memref_slice %arg6[%dma_start3A_87, %dma_start3A_88] : memref<10000x128xf32, #tpu.memory_space<hbm>> -> memref<10000x128xf32, #tpu.memory_space<hbm>>
      tpu.enqueue_indirect_dma source(%dma_start3A_89 : memref<10000x128xf32, #tpu.memory_space<hbm>>) target(%arg42 : memref<40x128xf32, #tpu.memory_space<vmem>>) offsets(%arg17 : memref<40xi32, #tpu.memory_space<vmem>>) semaphore(%arg46 : memref<!tpu.dma_semaphore, #tpu.memory_space<semaphore_mem>>)
      %dma_start3A_90 = arith.constant 0 : i32
      %dma_start3A_91 = tpu.memref_slice %arg5[%dma_start3A_90] : memref<10000xf32, #tpu.memory_space<hbm>> -> memref<10000xf32, #tpu.memory_space<hbm>>
      tpu.enqueue_indirect_dma source(%dma_start3A_91 : memref<10000xf32, #tpu.memory_space<hbm>>) target(%arg27 : memref<40xf32, #tpu.memory_space<vmem>>) offsets(%arg12 : memref<40xi32, #tpu.memory_space<vmem>>) semaphore(%arg46 : memref<!tpu.dma_semaphore, #tpu.memory_space<semaphore_mem>>)
      %dma_wait3A_92 = tpu.memref_slice %arg2[%add3A_36] : memref<160000xi32, #tpu.memory_space<hbm>> -> memref<40xi32, #tpu.memory_space<hbm>>
      %dma_wait3A_93 = tpu.memref_slice %arg2[%add3A_36] : memref<160000xi32, #tpu.memory_space<hbm>> -> memref<40xi32, #tpu.memory_space<hbm>>
      tpu.wait_dma2 semaphore(%arg45 : memref<!tpu.dma_semaphore, #tpu.memory_space<semaphore_mem>>) src(%dma_wait3A_93 : memref<40xi32, #tpu.memory_space<hbm>>) dst(%arg13 : memref<40xi32, #tpu.memory_space<vmem>>)
      %dma_wait3A_94 = tpu.memref_slice %arg3[%add3A_36] : memref<160000xi32, #tpu.memory_space<hbm>> -> memref<40xi32, #tpu.memory_space<hbm>>
      %dma_wait3A_95 = tpu.memref_slice %arg3[%add3A_36] : memref<160000xi32, #tpu.memory_space<hbm>> -> memref<40xi32, #tpu.memory_space<hbm>>
      tpu.wait_dma2 semaphore(%arg45 : memref<!tpu.dma_semaphore, #tpu.memory_space<semaphore_mem>>) src(%dma_wait3A_95 : memref<40xi32, #tpu.memory_space<hbm>>) dst(%arg18 : memref<40xi32, #tpu.memory_space<vmem>>)
      %dma_wait3A_96 = tpu.memref_slice %arg4[%add3A_36] : memref<160000xf32, #tpu.memory_space<hbm>> -> memref<40xf32, #tpu.memory_space<hbm>>
      %dma_wait3A_97 = tpu.memref_slice %arg4[%add3A_36] : memref<160000xf32, #tpu.memory_space<hbm>> -> memref<40xf32, #tpu.memory_space<hbm>>
      tpu.wait_dma2 semaphore(%arg45 : memref<!tpu.dma_semaphore, #tpu.memory_space<semaphore_mem>>) src(%dma_wait3A_97 : memref<40xf32, #tpu.memory_space<hbm>>) dst(%arg23 : memref<40xf32, #tpu.memory_space<vmem>>)
      %dma_start3A_98 = arith.constant 0 : i32
      %dma_start3A_99 = arith.constant 0 : i32
      %dma_start3A_100 = tpu.memref_slice %arg6[%dma_start3A_98, %dma_start3A_99] : memref<10000x128xf32, #tpu.memory_space<hbm>> -> memref<10000x128xf32, #tpu.memory_space<hbm>>
      tpu.enqueue_indirect_dma source(%dma_start3A_100 : memref<10000x128xf32, #tpu.memory_space<hbm>>) target(%arg38 : memref<40x128xf32, #tpu.memory_space<vmem>>) offsets(%arg13 : memref<40xi32, #tpu.memory_space<vmem>>) semaphore(%arg46 : memref<!tpu.dma_semaphore, #tpu.memory_space<semaphore_mem>>)
      %dma_start3A_101 = arith.constant 0 : i32
      %dma_start3A_102 = arith.constant 0 : i32
      %dma_start3A_103 = tpu.memref_slice %arg6[%dma_start3A_101, %dma_start3A_102] : memref<10000x128xf32, #tpu.memory_space<hbm>> -> memref<10000x128xf32, #tpu.memory_space<hbm>>
      tpu.enqueue_indirect_dma source(%dma_start3A_103 : memref<10000x128xf32, #tpu.memory_space<hbm>>) target(%arg43 : memref<40x128xf32, #tpu.memory_space<vmem>>) offsets(%arg18 : memref<40xi32, #tpu.memory_space<vmem>>) semaphore(%arg46 : memref<!tpu.dma_semaphore, #tpu.memory_space<semaphore_mem>>)
      %dma_start3A_104 = arith.constant 0 : i32
      %dma_start3A_105 = tpu.memref_slice %arg5[%dma_start3A_104] : memref<10000xf32, #tpu.memory_space<hbm>> -> memref<10000xf32, #tpu.memory_space<hbm>>
      tpu.enqueue_indirect_dma source(%dma_start3A_105 : memref<10000xf32, #tpu.memory_space<hbm>>) target(%arg28 : memref<40xf32, #tpu.memory_space<vmem>>) offsets(%arg13 : memref<40xi32, #tpu.memory_space<vmem>>) semaphore(%arg46 : memref<!tpu.dma_semaphore, #tpu.memory_space<semaphore_mem>>)
      %dma_wait3A_106 = tpu.memref_slice %arg2[%add3A_44] : memref<160000xi32, #tpu.memory_space<hbm>> -> memref<40xi32, #tpu.memory_space<hbm>>
      %dma_wait3A_107 = tpu.memref_slice %arg2[%add3A_44] : memref<160000xi32, #tpu.memory_space<hbm>> -> memref<40xi32, #tpu.memory_space<hbm>>
      tpu.wait_dma2 semaphore(%arg45 : memref<!tpu.dma_semaphore, #tpu.memory_space<semaphore_mem>>) src(%dma_wait3A_107 : memref<40xi32, #tpu.memory_space<hbm>>) dst(%arg14 : memref<40xi32, #tpu.memory_space<vmem>>)
      %dma_wait3A_108 = tpu.memref_slice %arg3[%add3A_44] : memref<160000xi32, #tpu.memory_space<hbm>> -> memref<40xi32, #tpu.memory_space<hbm>>
      %dma_wait3A_109 = tpu.memref_slice %arg3[%add3A_44] : memref<160000xi32, #tpu.memory_space<hbm>> -> memref<40xi32, #tpu.memory_space<hbm>>
      tpu.wait_dma2 semaphore(%arg45 : memref<!tpu.dma_semaphore, #tpu.memory_space<semaphore_mem>>) src(%dma_wait3A_109 : memref<40xi32, #tpu.memory_space<hbm>>) dst(%arg19 : memref<40xi32, #tpu.memory_space<vmem>>)
      %dma_wait3A_110 = tpu.memref_slice %arg4[%add3A_44] : memref<160000xf32, #tpu.memory_space<hbm>> -> memref<40xf32, #tpu.memory_space<hbm>>
      %dma_wait3A_111 = tpu.memref_slice %arg4[%add3A_44] : memref<160000xf32, #tpu.memory_space<hbm>> -> memref<40xf32, #tpu.memory_space<hbm>>
      tpu.wait_dma2 semaphore(%arg45 : memref<!tpu.dma_semaphore, #tpu.memory_space<semaphore_mem>>) src(%dma_wait3A_111 : memref<40xf32, #tpu.memory_space<hbm>>) dst(%arg24 : memref<40xf32, #tpu.memory_space<vmem>>)
      %dma_start3A_112 = arith.constant 0 : i32
      %dma_start3A_113 = arith.constant 0 : i32
      %dma_start3A_114 = tpu.memref_slice %arg6[%dma_start3A_112, %dma_start3A_113] : memref<10000x128xf32, #tpu.memory_space<hbm>> -> memref<10000x128xf32, #tpu.memory_space<hbm>>
      tpu.enqueue_indirect_dma source(%dma_start3A_114 : memref<10000x128xf32, #tpu.memory_space<hbm>>) target(%arg39 : memref<40x128xf32, #tpu.memory_space<vmem>>) offsets(%arg14 : memref<40xi32, #tpu.memory_space<vmem>>) semaphore(%arg46 : memref<!tpu.dma_semaphore, #tpu.memory_space<semaphore_mem>>)
      %dma_start3A_115 = arith.constant 0 : i32
      %dma_start3A_116 = arith.constant 0 : i32
      %dma_start3A_117 = tpu.memref_slice %arg6[%dma_start3A_115, %dma_start3A_116] : memref<10000x128xf32, #tpu.memory_space<hbm>> -> memref<10000x128xf32, #tpu.memory_space<hbm>>
      tpu.enqueue_indirect_dma source(%dma_start3A_117 : memref<10000x128xf32, #tpu.memory_space<hbm>>) target(%arg44 : memref<40x128xf32, #tpu.memory_space<vmem>>) offsets(%arg19 : memref<40xi32, #tpu.memory_space<vmem>>) semaphore(%arg46 : memref<!tpu.dma_semaphore, #tpu.memory_space<semaphore_mem>>)
      %dma_start3A_118 = arith.constant 0 : i32
      %dma_start3A_119 = tpu.memref_slice %arg5[%dma_start3A_118] : memref<10000xf32, #tpu.memory_space<hbm>> -> memref<10000xf32, #tpu.memory_space<hbm>>
      tpu.enqueue_indirect_dma source(%dma_start3A_119 : memref<10000xf32, #tpu.memory_space<hbm>>) target(%arg29 : memref<40xf32, #tpu.memory_space<vmem>>) offsets(%arg14 : memref<40xi32, #tpu.memory_space<vmem>>) semaphore(%arg46 : memref<!tpu.dma_semaphore, #tpu.memory_space<semaphore_mem>>)
      %add3A_120 = arith.constant 0 : i32
      %add3A_121 = arith.addi %add3A_11, %add3A_120 : i32
      %dma_wait3A_122 = arith.constant 0 : i32
      %dma_wait3A_123 = arith.constant 0 : i32
      %dma_wait3A_124 = tpu.memref_slice %arg6[%dma_wait3A_122, %dma_wait3A_123] : memref<10000x128xf32, #tpu.memory_space<hbm>> -> memref<10000x128xf32, #tpu.memory_space<hbm>>
      tpu.wait_indirect_dma semaphore(%arg46 : memref<!tpu.dma_semaphore, #tpu.memory_space<semaphore_mem>>) src(%dma_wait3A_124 : memref<10000x128xf32, #tpu.memory_space<hbm>>) dst(%arg35 : memref<40x128xf32, #tpu.memory_space<vmem>>)
      %dma_wait3A_125 = arith.constant 0 : i32
      %dma_wait3A_126 = arith.constant 0 : i32
      %dma_wait3A_127 = tpu.memref_slice %arg6[%dma_wait3A_125, %dma_wait3A_126] : memref<10000x128xf32, #tpu.memory_space<hbm>> -> memref<10000x128xf32, #tpu.memory_space<hbm>>
      tpu.wait_indirect_dma semaphore(%arg46 : memref<!tpu.dma_semaphore, #tpu.memory_space<semaphore_mem>>) src(%dma_wait3A_127 : memref<10000x128xf32, #tpu.memory_space<hbm>>) dst(%arg40 : memref<40x128xf32, #tpu.memory_space<vmem>>)
      %dma_wait3A_128 = arith.constant 0 : i32
      %dma_wait3A_129 = tpu.memref_slice %arg5[%dma_wait3A_128] : memref<10000xf32, #tpu.memory_space<hbm>> -> memref<10000xf32, #tpu.memory_space<hbm>>
      tpu.wait_indirect_dma semaphore(%arg46 : memref<!tpu.dma_semaphore, #tpu.memory_space<semaphore_mem>>) src(%dma_wait3A_129 : memref<10000xf32, #tpu.memory_space<hbm>>) dst(%arg25 : memref<40xf32, #tpu.memory_space<vmem>>)
      %get3A = arith.constant 0 : index
      %get3A_130 = tpu.vector_load %arg20[%get3A] {strides = array<i32>} : memref<40xf32, #tpu.memory_space<vmem>>, vector<16xf32>,
      %get3A_131 = vector.shape_cast %get3A_130 : vector<16xf32> to vector<16xf32>
      %get3A_132 = arith.constant 0 : index
      %get3A_133 = tpu.vector_load %arg25[%get3A_132] {strides = array<i32>} : memref<40xf32, #tpu.memory_space<vmem>>, vector<16xf32>,
      %get3A_134 = vector.shape_cast %get3A_133 : vector<16xf32> to vector<16xf32>
      %sub3A = arith.subf %get3A_131, %get3A_134 : vector<16xf32>
      %swap3A = arith.constant 0 : index
      %swap3A_135 = tpu.vector_load %arg30[%swap3A] {strides = array<i32>} : memref<40xf32, #tpu.memory_space<vmem>>, vector<16xf32>,
      %swap3A_136 = vector.shape_cast %swap3A_135 : vector<16xf32> to vector<16xf32>
      %swap3A_137 = vector.shape_cast %sub3A : vector<16xf32> to vector<16xf32>
      tpu.vector_store %arg30[%swap3A], %swap3A_137 {strides = array<i32>} : memref<40xf32, #tpu.memory_space<vmem>>, vector<16xf32>,
      %get3A_138 = arith.constant 16 : index
      %get3A_139 = tpu.vector_load %arg20[%get3A_138] {strides = array<i32>} : memref<40xf32, #tpu.memory_space<vmem>>, vector<16xf32>,
      %get3A_140 = vector.shape_cast %get3A_139 : vector<16xf32> to vector<16xf32>
      %get3A_141 = arith.constant 16 : index
      %get3A_142 = tpu.vector_load %arg25[%get3A_141] {strides = array<i32>} : memref<40xf32, #tpu.memory_space<vmem>>, vector<16xf32>,
      %get3A_143 = vector.shape_cast %get3A_142 : vector<16xf32> to vector<16xf32>
      %sub3A_144 = arith.subf %get3A_140, %get3A_143 : vector<16xf32>
      %swap3A_145 = arith.constant 16 : index
      %swap3A_146 = tpu.vector_load %arg30[%swap3A_145] {strides = array<i32>} : memref<40xf32, #tpu.memory_space<vmem>>, vector<16xf32>,
      %swap3A_147 = vector.shape_cast %swap3A_146 : vector<16xf32> to vector<16xf32>
      %swap3A_148 = vector.shape_cast %sub3A_144 : vector<16xf32> to vector<16xf32>
      tpu.vector_store %arg30[%swap3A_145], %swap3A_148 {strides = array<i32>} : memref<40xf32, #tpu.memory_space<vmem>>, vector<16xf32>,
      %get3A_149 = arith.constant 24 : index
      %get3A_150 = tpu.vector_load %arg20[%get3A_149] {strides = array<i32>} : memref<40xf32, #tpu.memory_space<vmem>>, vector<16xf32>,
      %get3A_151 = vector.shape_cast %get3A_150 : vector<16xf32> to vector<16xf32>
      %get3A_152 = arith.constant 24 : index
      %get3A_153 = tpu.vector_load %arg25[%get3A_152] {strides = array<i32>} : memref<40xf32, #tpu.memory_space<vmem>>, vector<16xf32>,
      %get3A_154 = vector.shape_cast %get3A_153 : vector<16xf32> to vector<16xf32>
      %sub3A_155 = arith.subf %get3A_151, %get3A_154 : vector<16xf32>
      %swap3A_156 = arith.constant 24 : index
      %swap3A_157 = tpu.vector_load %arg30[%swap3A_156] {strides = array<i32>} : memref<40xf32, #tpu.memory_space<vmem>>, vector<16xf32>,
      %swap3A_158 = vector.shape_cast %swap3A_157 : vector<16xf32> to vector<16xf32>
      %swap3A_159 = vector.shape_cast %sub3A_155 : vector<16xf32> to vector<16xf32>
      tpu.vector_store %arg30[%swap3A_156], %swap3A_159 {strides = array<i32>} : memref<40xf32, #tpu.memory_space<vmem>>, vector<16xf32>,
      %dma_start3A_160 = arith.constant 0 : i32
      %dma_start3A_161 = tpu.memref_slice %arg8[%add3A_121, %dma_start3A_160] : memref<160000x128xf32, #tpu.memory_space<hbm>> -> memref<40x128xf32, #tpu.memory_space<hbm>>
      %dma_start3A_162 = arith.constant 0 : i32
      %dma_start3A_163 = tpu.memref_slice %arg8[%add3A_121, %dma_start3A_162] : memref<160000x128xf32, #tpu.memory_space<hbm>> -> memref<40x128xf32, #tpu.memory_space<hbm>>
      tpu.enqueue_dma source(%arg35 : memref<40x128xf32, #tpu.memory_space<vmem>>) target(%dma_start3A_163 : memref<40x128xf32, #tpu.memory_space<hbm>>) target_semaphore(%arg47 : memref<!tpu.dma_semaphore, #tpu.memory_space<semaphore_mem>>)
      %dma_start3A_164 = arith.constant 0 : i32
      %dma_start3A_165 = tpu.memref_slice %arg9[%add3A_121, %dma_start3A_164] : memref<160000x128xf32, #tpu.memory_space<hbm>> -> memref<40x128xf32, #tpu.memory_space<hbm>>
      %dma_start3A_166 = arith.constant 0 : i32
      %dma_start3A_167 = tpu.memref_slice %arg9[%add3A_121, %dma_start3A_166] : memref<160000x128xf32, #tpu.memory_space<hbm>> -> memref<40x128xf32, #tpu.memory_space<hbm>>
      tpu.enqueue_dma source(%arg40 : memref<40x128xf32, #tpu.memory_space<vmem>>) target(%dma_start3A_167 : memref<40x128xf32, #tpu.memory_space<hbm>>) target_semaphore(%arg47 : memref<!tpu.dma_semaphore, #tpu.memory_space<semaphore_mem>>)
      %dma_start3A_168 = tpu.memref_slice %arg7[%add3A_121] : memref<160000xf32, #tpu.memory_space<hbm>> -> memref<40xf32, #tpu.memory_space<hbm>>
      %dma_start3A_169 = tpu.memref_slice %arg7[%add3A_121] : memref<160000xf32, #tpu.memory_space<hbm>> -> memref<40xf32, #tpu.memory_space<hbm>>
      tpu.enqueue_dma source(%arg30 : memref<40xf32, #tpu.memory_space<vmem>>) target(%dma_start3A_169 : memref<40xf32, #tpu.memory_space<hbm>>) target_semaphore(%arg47 : memref<!tpu.dma_semaphore, #tpu.memory_space<semaphore_mem>>)
      %add3A_170 = arith.constant 40 : i32
      %add3A_171 = arith.addi %add3A_11, %add3A_170 : i32
      %dma_wait3A_172 = arith.constant 0 : i32
      %dma_wait3A_173 = arith.constant 0 : i32
      %dma_wait3A_174 = tpu.memref_slice %arg6[%dma_wait3A_172, %dma_wait3A_173] : memref<10000x128xf32, #tpu.memory_space<hbm>> -> memref<10000x128xf32, #tpu.memory_space<hbm>>
      tpu.wait_indirect_dma semaphore(%arg46 : memref<!tpu.dma_semaphore, #tpu.memory_space<semaphore_mem>>) src(%dma_wait3A_174 : memref<10000x128xf32, #tpu.memory_space<hbm>>) dst(%arg36 : memref<40x128xf32, #tpu.memory_space<vmem>>)
      %dma_wait3A_175 = arith.constant 0 : i32
      %dma_wait3A_176 = arith.constant 0 : i32
      %dma_wait3A_177 = tpu.memref_slice %arg6[%dma_wait3A_175, %dma_wait3A_176] : memref<10000x128xf32, #tpu.memory_space<hbm>> -> memref<10000x128xf32, #tpu.memory_space<hbm>>
      tpu.wait_indirect_dma semaphore(%arg46 : memref<!tpu.dma_semaphore, #tpu.memory_space<semaphore_mem>>) src(%dma_wait3A_177 : memref<10000x128xf32, #tpu.memory_space<hbm>>) dst(%arg41 : memref<40x128xf32, #tpu.memory_space<vmem>>)
      %dma_wait3A_178 = arith.constant 0 : i32
      %dma_wait3A_179 = tpu.memref_slice %arg5[%dma_wait3A_178] : memref<10000xf32, #tpu.memory_space<hbm>> -> memref<10000xf32, #tpu.memory_space<hbm>>
      tpu.wait_indirect_dma semaphore(%arg46 : memref<!tpu.dma_semaphore, #tpu.memory_space<semaphore_mem>>) src(%dma_wait3A_179 : memref<10000xf32, #tpu.memory_space<hbm>>) dst(%arg26 : memref<40xf32, #tpu.memory_space<vmem>>)
      %get3A_180 = arith.constant 0 : index
      %get3A_181 = tpu.vector_load %arg21[%get3A_180] {strides = array<i32>} : memref<40xf32, #tpu.memory_space<vmem>>, vector<16xf32>,
      %get3A_182 = vector.shape_cast %get3A_181 : vector<16xf32> to vector<16xf32>
      %get3A_183 = arith.constant 0 : index
      %get3A_184 = tpu.vector_load %arg26[%get3A_183] {strides = array<i32>} : memref<40xf32, #tpu.memory_space<vmem>>, vector<16xf32>,
      %get3A_185 = vector.shape_cast %get3A_184 : vector<16xf32> to vector<16xf32>
      %sub3A_186 = arith.subf %get3A_182, %get3A_185 : vector<16xf32>
      %swap3A_187 = arith.constant 0 : index
      %swap3A_188 = tpu.vector_load %arg31[%swap3A_187] {strides = array<i32>} : memref<40xf32, #tpu.memory_space<vmem>>, vector<16xf32>,
      %swap3A_189 = vector.shape_cast %swap3A_188 : vector<16xf32> to vector<16xf32>
      %swap3A_190 = vector.shape_cast %sub3A_186 : vector<16xf32> to vector<16xf32>
      tpu.vector_store %arg31[%swap3A_187], %swap3A_190 {strides = array<i32>} : memref<40xf32, #tpu.memory_space<vmem>>, vector<16xf32>,
      %get3A_191 = arith.constant 16 : index
      %get3A_192 = tpu.vector_load %arg21[%get3A_191] {strides = array<i32>} : memref<40xf32, #tpu.memory_space<vmem>>, vector<16xf32>,
      %get3A_193 = vector.shape_cast %get3A_192 : vector<16xf32> to vector<16xf32>
      %get3A_194 = arith.constant 16 : index
      %get3A_195 = tpu.vector_load %arg26[%get3A_194] {strides = array<i32>} : memref<40xf32, #tpu.memory_space<vmem>>, vector<16xf32>,
      %get3A_196 = vector.shape_cast %get3A_195 : vector<16xf32> to vector<16xf32>
      %sub3A_197 = arith.subf %get3A_193, %get3A_196 : vector<16xf32>
      %swap3A_198 = arith.constant 16 : index
      %swap3A_199 = tpu.vector_load %arg31[%swap3A_198] {strides = array<i32>} : memref<40xf32, #tpu.memory_space<vmem>>, vector<16xf32>,
      %swap3A_200 = vector.shape_cast %swap3A_199 : vector<16xf32> to vector<16xf32>
      %swap3A_201 = vector.shape_cast %sub3A_197 : vector<16xf32> to vector<16xf32>
      tpu.vector_store %arg31[%swap3A_198], %swap3A_201 {strides = array<i32>} : memref<40xf32, #tpu.memory_space<vmem>>, vector<16xf32>,
      %get3A_202 = arith.constant 24 : index
      %get3A_203 = tpu.vector_load %arg21[%get3A_202] {strides = array<i32>} : memref<40xf32, #tpu.memory_space<vmem>>, vector<16xf32>,
      %get3A_204 = vector.shape_cast %get3A_203 : vector<16xf32> to vector<16xf32>
      %get3A_205 = arith.constant 24 : index
      %get3A_206 = tpu.vector_load %arg26[%get3A_205] {strides = array<i32>} : memref<40xf32, #tpu.memory_space<vmem>>, vector<16xf32>,
      %get3A_207 = vector.shape_cast %get3A_206 : vector<16xf32> to vector<16xf32>
      %sub3A_208 = arith.subf %get3A_204, %get3A_207 : vector<16xf32>
      %swap3A_209 = arith.constant 24 : index
      %swap3A_210 = tpu.vector_load %arg31[%swap3A_209] {strides = array<i32>} : memref<40xf32, #tpu.memory_space<vmem>>, vector<16xf32>,
      %swap3A_211 = vector.shape_cast %swap3A_210 : vector<16xf32> to vector<16xf32>
      %swap3A_212 = vector.shape_cast %sub3A_208 : vector<16xf32> to vector<16xf32>
      tpu.vector_store %arg31[%swap3A_209], %swap3A_212 {strides = array<i32>} : memref<40xf32, #tpu.memory_space<vmem>>, vector<16xf32>,
      %dma_start3A_213 = arith.constant 0 : i32
      %dma_start3A_214 = tpu.memref_slice %arg8[%add3A_171, %dma_start3A_213] : memref<160000x128xf32, #tpu.memory_space<hbm>> -> memref<40x128xf32, #tpu.memory_space<hbm>>
      %dma_start3A_215 = arith.constant 0 : i32
      %dma_start3A_216 = tpu.memref_slice %arg8[%add3A_171, %dma_start3A_215] : memref<160000x128xf32, #tpu.memory_space<hbm>> -> memref<40x128xf32, #tpu.memory_space<hbm>>
      tpu.enqueue_dma source(%arg36 : memref<40x128xf32, #tpu.memory_space<vmem>>) target(%dma_start3A_216 : memref<40x128xf32, #tpu.memory_space<hbm>>) target_semaphore(%arg47 : memref<!tpu.dma_semaphore, #tpu.memory_space<semaphore_mem>>)
      %dma_start3A_217 = arith.constant 0 : i32
      %dma_start3A_218 = tpu.memref_slice %arg9[%add3A_171, %dma_start3A_217] : memref<160000x128xf32, #tpu.memory_space<hbm>> -> memref<40x128xf32, #tpu.memory_space<hbm>>
      %dma_start3A_219 = arith.constant 0 : i32
      %dma_start3A_220 = tpu.memref_slice %arg9[%add3A_171, %dma_start3A_219] : memref<160000x128xf32, #tpu.memory_space<hbm>> -> memref<40x128xf32, #tpu.memory_space<hbm>>
      tpu.enqueue_dma source(%arg41 : memref<40x128xf32, #tpu.memory_space<vmem>>) target(%dma_start3A_220 : memref<40x128xf32, #tpu.memory_space<hbm>>) target_semaphore(%arg47 : memref<!tpu.dma_semaphore, #tpu.memory_space<semaphore_mem>>)
      %dma_start3A_221 = tpu.memref_slice %arg7[%add3A_171] : memref<160000xf32, #tpu.memory_space<hbm>> -> memref<40xf32, #tpu.memory_space<hbm>>
      %dma_start3A_222 = tpu.memref_slice %arg7[%add3A_171] : memref<160000xf32, #tpu.memory_space<hbm>> -> memref<40xf32, #tpu.memory_space<hbm>>
      tpu.enqueue_dma source(%arg31 : memref<40xf32, #tpu.memory_space<vmem>>) target(%dma_start3A_222 : memref<40xf32, #tpu.memory_space<hbm>>) target_semaphore(%arg47 : memref<!tpu.dma_semaphore, #tpu.memory_space<semaphore_mem>>)
      %add3A_223 = arith.constant 80 : i32
      %add3A_224 = arith.addi %add3A_11, %add3A_223 : i32
      %dma_wait3A_225 = arith.constant 0 : i32
      %dma_wait3A_226 = arith.constant 0 : i32
      %dma_wait3A_227 = tpu.memref_slice %arg6[%dma_wait3A_225, %dma_wait3A_226] : memref<10000x128xf32, #tpu.memory_space<hbm>> -> memref<10000x128xf32, #tpu.memory_space<hbm>>
      tpu.wait_indirect_dma semaphore(%arg46 : memref<!tpu.dma_semaphore, #tpu.memory_space<semaphore_mem>>) src(%dma_wait3A_227 : memref<10000x128xf32, #tpu.memory_space<hbm>>) dst(%arg37 : memref<40x128xf32, #tpu.memory_space<vmem>>)
      %dma_wait3A_228 = arith.constant 0 : i32
      %dma_wait3A_229 = arith.constant 0 : i32
      %dma_wait3A_230 = tpu.memref_slice %arg6[%dma_wait3A_228, %dma_wait3A_229] : memref<10000x128xf32, #tpu.memory_space<hbm>> -> memref<10000x128xf32, #tpu.memory_space<hbm>>
      tpu.wait_indirect_dma semaphore(%arg46 : memref<!tpu.dma_semaphore, #tpu.memory_space<semaphore_mem>>) src(%dma_wait3A_230 : memref<10000x128xf32, #tpu.memory_space<hbm>>) dst(%arg42 : memref<40x128xf32, #tpu.memory_space<vmem>>)
      %dma_wait3A_231 = arith.constant 0 : i32
      %dma_wait3A_232 = tpu.memref_slice %arg5[%dma_wait3A_231] : memref<10000xf32, #tpu.memory_space<hbm>> -> memref<10000xf32, #tpu.memory_space<hbm>>
      tpu.wait_indirect_dma semaphore(%arg46 : memref<!tpu.dma_semaphore, #tpu.memory_space<semaphore_mem>>) src(%dma_wait3A_232 : memref<10000xf32, #tpu.memory_space<hbm>>) dst(%arg27 : memref<40xf32, #tpu.memory_space<vmem>>)
      %get3A_233 = arith.constant 0 : index
      %get3A_234 = tpu.vector_load %arg22[%get3A_233] {strides = array<i32>} : memref<40xf32, #tpu.memory_space<vmem>>, vector<16xf32>,
      %get3A_235 = vector.shape_cast %get3A_234 : vector<16xf32> to vector<16xf32>
      %get3A_236 = arith.constant 0 : index
      %get3A_237 = tpu.vector_load %arg27[%get3A_236] {strides = array<i32>} : memref<40xf32, #tpu.memory_space<vmem>>, vector<16xf32>,
      %get3A_238 = vector.shape_cast %get3A_237 : vector<16xf32> to vector<16xf32>
      %sub3A_239 = arith.subf %get3A_235, %get3A_238 : vector<16xf32>
      %swap3A_240 = arith.constant 0 : index
      %swap3A_241 = tpu.vector_load %arg32[%swap3A_240] {strides = array<i32>} : memref<40xf32, #tpu.memory_space<vmem>>, vector<16xf32>,
      %swap3A_242 = vector.shape_cast %swap3A_241 : vector<16xf32> to vector<16xf32>
      %swap3A_243 = vector.shape_cast %sub3A_239 : vector<16xf32> to vector<16xf32>
      tpu.vector_store %arg32[%swap3A_240], %swap3A_243 {strides = array<i32>} : memref<40xf32, #tpu.memory_space<vmem>>, vector<16xf32>,
      %get3A_244 = arith.constant 16 : index
      %get3A_245 = tpu.vector_load %arg22[%get3A_244] {strides = array<i32>} : memref<40xf32, #tpu.memory_space<vmem>>, vector<16xf32>,
      %get3A_246 = vector.shape_cast %get3A_245 : vector<16xf32> to vector<16xf32>
      %get3A_247 = arith.constant 16 : index
      %get3A_248 = tpu.vector_load %arg27[%get3A_247] {strides = array<i32>} : memref<40xf32, #tpu.memory_space<vmem>>, vector<16xf32>,
      %get3A_249 = vector.shape_cast %get3A_248 : vector<16xf32> to vector<16xf32>
      %sub3A_250 = arith.subf %get3A_246, %get3A_249 : vector<16xf32>
      %swap3A_251 = arith.constant 16 : index
      %swap3A_252 = tpu.vector_load %arg32[%swap3A_251] {strides = array<i32>} : memref<40xf32, #tpu.memory_space<vmem>>, vector<16xf32>,
      %swap3A_253 = vector.shape_cast %swap3A_252 : vector<16xf32> to vector<16xf32>
      %swap3A_254 = vector.shape_cast %sub3A_250 : vector<16xf32> to vector<16xf32>
      tpu.vector_store %arg32[%swap3A_251], %swap3A_254 {strides = array<i32>} : memref<40xf32, #tpu.memory_space<vmem>>, vector<16xf32>,
      %get3A_255 = arith.constant 24 : index
      %get3A_256 = tpu.vector_load %arg22[%get3A_255] {strides = array<i32>} : memref<40xf32, #tpu.memory_space<vmem>>, vector<16xf32>,
      %get3A_257 = vector.shape_cast %get3A_256 : vector<16xf32> to vector<16xf32>
      %get3A_258 = arith.constant 24 : index
      %get3A_259 = tpu.vector_load %arg27[%get3A_258] {strides = array<i32>} : memref<40xf32, #tpu.memory_space<vmem>>, vector<16xf32>,
      %get3A_260 = vector.shape_cast %get3A_259 : vector<16xf32> to vector<16xf32>
      %sub3A_261 = arith.subf %get3A_257, %get3A_260 : vector<16xf32>
      %swap3A_262 = arith.constant 24 : index
      %swap3A_263 = tpu.vector_load %arg32[%swap3A_262] {strides = array<i32>} : memref<40xf32, #tpu.memory_space<vmem>>, vector<16xf32>,
      %swap3A_264 = vector.shape_cast %swap3A_263 : vector<16xf32> to vector<16xf32>
      %swap3A_265 = vector.shape_cast %sub3A_261 : vector<16xf32> to vector<16xf32>
      tpu.vector_store %arg32[%swap3A_262], %swap3A_265 {strides = array<i32>} : memref<40xf32, #tpu.memory_space<vmem>>, vector<16xf32>,
      %dma_start3A_266 = arith.constant 0 : i32
      %dma_start3A_267 = tpu.memref_slice %arg8[%add3A_224, %dma_start3A_266] : memref<160000x128xf32, #tpu.memory_space<hbm>> -> memref<40x128xf32, #tpu.memory_space<hbm>>
      %dma_start3A_268 = arith.constant 0 : i32
      %dma_start3A_269 = tpu.memref_slice %arg8[%add3A_224, %dma_start3A_268] : memref<160000x128xf32, #tpu.memory_space<hbm>> -> memref<40x128xf32, #tpu.memory_space<hbm>>
      tpu.enqueue_dma source(%arg37 : memref<40x128xf32, #tpu.memory_space<vmem>>) target(%dma_start3A_269 : memref<40x128xf32, #tpu.memory_space<hbm>>) target_semaphore(%arg47 : memref<!tpu.dma_semaphore, #tpu.memory_space<semaphore_mem>>)
      %dma_start3A_270 = arith.constant 0 : i32
      %dma_start3A_271 = tpu.memref_slice %arg9[%add3A_224, %dma_start3A_270] : memref<160000x128xf32, #tpu.memory_space<hbm>> -> memref<40x128xf32, #tpu.memory_space<hbm>>
      %dma_start3A_272 = arith.constant 0 : i32
      %dma_start3A_273 = tpu.memref_slice %arg9[%add3A_224, %dma_start3A_272] : memref<160000x128xf32, #tpu.memory_space<hbm>> -> memref<40x128xf32, #tpu.memory_space<hbm>>
      tpu.enqueue_dma source(%arg42 : memref<40x128xf32, #tpu.memory_space<vmem>>) target(%dma_start3A_273 : memref<40x128xf32, #tpu.memory_space<hbm>>) target_semaphore(%arg47 : memref<!tpu.dma_semaphore, #tpu.memory_space<semaphore_mem>>)
      %dma_start3A_274 = tpu.memref_slice %arg7[%add3A_224] : memref<160000xf32, #tpu.memory_space<hbm>> -> memref<40xf32, #tpu.memory_space<hbm>>
      %dma_start3A_275 = tpu.memref_slice %arg7[%add3A_224] : memref<160000xf32, #tpu.memory_space<hbm>> -> memref<40xf32, #tpu.memory_space<hbm>>
      tpu.enqueue_dma source(%arg32 : memref<40xf32, #tpu.memory_space<vmem>>) target(%dma_start3A_275 : memref<40xf32, #tpu.memory_space<hbm>>) target_semaphore(%arg47 : memref<!tpu.dma_semaphore, #tpu.memory_space<semaphore_mem>>)
      %add3A_276 = arith.constant 120 : i32
      %add3A_277 = arith.addi %add3A_11, %add3A_276 : i32
      %dma_wait3A_278 = arith.constant 0 : i32
      %dma_wait3A_279 = arith.constant 0 : i32
      %dma_wait3A_280 = tpu.memref_slice %arg6[%dma_wait3A_278, %dma_wait3A_279] : memref<10000x128xf32, #tpu.memory_space<hbm>> -> memref<10000x128xf32, #tpu.memory_space<hbm>>
      tpu.wait_indirect_dma semaphore(%arg46 : memref<!tpu.dma_semaphore, #tpu.memory_space<semaphore_mem>>) src(%dma_wait3A_280 : memref<10000x128xf32, #tpu.memory_space<hbm>>) dst(%arg38 : memref<40x128xf32, #tpu.memory_space<vmem>>)
      %dma_wait3A_281 = arith.constant 0 : i32
      %dma_wait3A_282 = arith.constant 0 : i32
      %dma_wait3A_283 = tpu.memref_slice %arg6[%dma_wait3A_281, %dma_wait3A_282] : memref<10000x128xf32, #tpu.memory_space<hbm>> -> memref<10000x128xf32, #tpu.memory_space<hbm>>
      tpu.wait_indirect_dma semaphore(%arg46 : memref<!tpu.dma_semaphore, #tpu.memory_space<semaphore_mem>>) src(%dma_wait3A_283 : memref<10000x128xf32, #tpu.memory_space<hbm>>) dst(%arg43 : memref<40x128xf32, #tpu.memory_space<vmem>>)
      %dma_wait3A_284 = arith.constant 0 : i32
      %dma_wait3A_285 = tpu.memref_slice %arg5[%dma_wait3A_284] : memref<10000xf32, #tpu.memory_space<hbm>> -> memref<10000xf32, #tpu.memory_space<hbm>>
      tpu.wait_indirect_dma semaphore(%arg46 : memref<!tpu.dma_semaphore, #tpu.memory_space<semaphore_mem>>) src(%dma_wait3A_285 : memref<10000xf32, #tpu.memory_space<hbm>>) dst(%arg28 : memref<40xf32, #tpu.memory_space<vmem>>)
      %get3A_286 = arith.constant 0 : index
      %get3A_287 = tpu.vector_load %arg23[%get3A_286] {strides = array<i32>} : memref<40xf32, #tpu.memory_space<vmem>>, vector<16xf32>,
      %get3A_288 = vector.shape_cast %get3A_287 : vector<16xf32> to vector<16xf32>
      %get3A_289 = arith.constant 0 : index
      %get3A_290 = tpu.vector_load %arg28[%get3A_289] {strides = array<i32>} : memref<40xf32, #tpu.memory_space<vmem>>, vector<16xf32>,
      %get3A_291 = vector.shape_cast %get3A_290 : vector<16xf32> to vector<16xf32>
      %sub3A_292 = arith.subf %get3A_288, %get3A_291 : vector<16xf32>
      %swap3A_293 = arith.constant 0 : index
      %swap3A_294 = tpu.vector_load %arg33[%swap3A_293] {strides = array<i32>} : memref<40xf32, #tpu.memory_space<vmem>>, vector<16xf32>,
      %swap3A_295 = vector.shape_cast %swap3A_294 : vector<16xf32> to vector<16xf32>
      %swap3A_296 = vector.shape_cast %sub3A_292 : vector<16xf32> to vector<16xf32>
      tpu.vector_store %arg33[%swap3A_293], %swap3A_296 {strides = array<i32>} : memref<40xf32, #tpu.memory_space<vmem>>, vector<16xf32>,
      %get3A_297 = arith.constant 16 : index
      %get3A_298 = tpu.vector_load %arg23[%get3A_297] {strides = array<i32>} : memref<40xf32, #tpu.memory_space<vmem>>, vector<16xf32>,
      %get3A_299 = vector.shape_cast %get3A_298 : vector<16xf32> to vector<16xf32>
      %get3A_300 = arith.constant 16 : index
      %get3A_301 = tpu.vector_load %arg28[%get3A_300] {strides = array<i32>} : memref<40xf32, #tpu.memory_space<vmem>>, vector<16xf32>,
      %get3A_302 = vector.shape_cast %get3A_301 : vector<16xf32> to vector<16xf32>
      %sub3A_303 = arith.subf %get3A_299, %get3A_302 : vector<16xf32>
      %swap3A_304 = arith.constant 16 : index
      %swap3A_305 = tpu.vector_load %arg33[%swap3A_304] {strides = array<i32>} : memref<40xf32, #tpu.memory_space<vmem>>, vector<16xf32>,
      %swap3A_306 = vector.shape_cast %swap3A_305 : vector<16xf32> to vector<16xf32>
      %swap3A_307 = vector.shape_cast %sub3A_303 : vector<16xf32> to vector<16xf32>
      tpu.vector_store %arg33[%swap3A_304], %swap3A_307 {strides = array<i32>} : memref<40xf32, #tpu.memory_space<vmem>>, vector<16xf32>,
      %get3A_308 = arith.constant 24 : index
      %get3A_309 = tpu.vector_load %arg23[%get3A_308] {strides = array<i32>} : memref<40xf32, #tpu.memory_space<vmem>>, vector<16xf32>,
      %get3A_310 = vector.shape_cast %get3A_309 : vector<16xf32> to vector<16xf32>
      %get3A_311 = arith.constant 24 : index
      %get3A_312 = tpu.vector_load %arg28[%get3A_311] {strides = array<i32>} : memref<40xf32, #tpu.memory_space<vmem>>, vector<16xf32>,
      %get3A_313 = vector.shape_cast %get3A_312 : vector<16xf32> to vector<16xf32>
      %sub3A_314 = arith.subf %get3A_310, %get3A_313 : vector<16xf32>
      %swap3A_315 = arith.constant 24 : index
      %swap3A_316 = tpu.vector_load %arg33[%swap3A_315] {strides = array<i32>} : memref<40xf32, #tpu.memory_space<vmem>>, vector<16xf32>,
      %swap3A_317 = vector.shape_cast %swap3A_316 : vector<16xf32> to vector<16xf32>
      %swap3A_318 = vector.shape_cast %sub3A_314 : vector<16xf32> to vector<16xf32>
      tpu.vector_store %arg33[%swap3A_315], %swap3A_318 {strides = array<i32>} : memref<40xf32, #tpu.memory_space<vmem>>, vector<16xf32>,
      %dma_start3A_319 = arith.constant 0 : i32
      %dma_start3A_320 = tpu.memref_slice %arg8[%add3A_277, %dma_start3A_319] : memref<160000x128xf32, #tpu.memory_space<hbm>> -> memref<40x128xf32, #tpu.memory_space<hbm>>
      %dma_start3A_321 = arith.constant 0 : i32
      %dma_start3A_322 = tpu.memref_slice %arg8[%add3A_277, %dma_start3A_321] : memref<160000x128xf32, #tpu.memory_space<hbm>> -> memref<40x128xf32, #tpu.memory_space<hbm>>
      tpu.enqueue_dma source(%arg38 : memref<40x128xf32, #tpu.memory_space<vmem>>) target(%dma_start3A_322 : memref<40x128xf32, #tpu.memory_space<hbm>>) target_semaphore(%arg47 : memref<!tpu.dma_semaphore, #tpu.memory_space<semaphore_mem>>)
      %dma_start3A_323 = arith.constant 0 : i32
      %dma_start3A_324 = tpu.memref_slice %arg9[%add3A_277, %dma_start3A_323] : memref<160000x128xf32, #tpu.memory_space<hbm>> -> memref<40x128xf32, #tpu.memory_space<hbm>>
      %dma_start3A_325 = arith.constant 0 : i32
      %dma_start3A_326 = tpu.memref_slice %arg9[%add3A_277, %dma_start3A_325] : memref<160000x128xf32, #tpu.memory_space<hbm>> -> memref<40x128xf32, #tpu.memory_space<hbm>>
      tpu.enqueue_dma source(%arg43 : memref<40x128xf32, #tpu.memory_space<vmem>>) target(%dma_start3A_326 : memref<40x128xf32, #tpu.memory_space<hbm>>) target_semaphore(%arg47 : memref<!tpu.dma_semaphore, #tpu.memory_space<semaphore_mem>>)
      %dma_start3A_327 = tpu.memref_slice %arg7[%add3A_277] : memref<160000xf32, #tpu.memory_space<hbm>> -> memref<40xf32, #tpu.memory_space<hbm>>
      %dma_start3A_328 = tpu.memref_slice %arg7[%add3A_277] : memref<160000xf32, #tpu.memory_space<hbm>> -> memref<40xf32, #tpu.memory_space<hbm>>
      tpu.enqueue_dma source(%arg33 : memref<40xf32, #tpu.memory_space<vmem>>) target(%dma_start3A_328 : memref<40xf32, #tpu.memory_space<hbm>>) target_semaphore(%arg47 : memref<!tpu.dma_semaphore, #tpu.memory_space<semaphore_mem>>)
      %add3A_329 = arith.constant 160 : i32
      %add3A_330 = arith.addi %add3A_11, %add3A_329 : i32
      %dma_wait3A_331 = arith.constant 0 : i32
      %dma_wait3A_332 = arith.constant 0 : i32
      %dma_wait3A_333 = tpu.memref_slice %arg6[%dma_wait3A_331, %dma_wait3A_332] : memref<10000x128xf32, #tpu.memory_space<hbm>> -> memref<10000x128xf32, #tpu.memory_space<hbm>>
      tpu.wait_indirect_dma semaphore(%arg46 : memref<!tpu.dma_semaphore, #tpu.memory_space<semaphore_mem>>) src(%dma_wait3A_333 : memref<10000x128xf32, #tpu.memory_space<hbm>>) dst(%arg39 : memref<40x128xf32, #tpu.memory_space<vmem>>)
      %dma_wait3A_334 = arith.constant 0 : i32
      %dma_wait3A_335 = arith.constant 0 : i32
      %dma_wait3A_336 = tpu.memref_slice %arg6[%dma_wait3A_334, %dma_wait3A_335] : memref<10000x128xf32, #tpu.memory_space<hbm>> -> memref<10000x128xf32, #tpu.memory_space<hbm>>
      tpu.wait_indirect_dma semaphore(%arg46 : memref<!tpu.dma_semaphore, #tpu.memory_space<semaphore_mem>>) src(%dma_wait3A_336 : memref<10000x128xf32, #tpu.memory_space<hbm>>) dst(%arg44 : memref<40x128xf32, #tpu.memory_space<vmem>>)
      %dma_wait3A_337 = arith.constant 0 : i32
      %dma_wait3A_338 = tpu.memref_slice %arg5[%dma_wait3A_337] : memref<10000xf32, #tpu.memory_space<hbm>> -> memref<10000xf32, #tpu.memory_space<hbm>>
      tpu.wait_indirect_dma semaphore(%arg46 : memref<!tpu.dma_semaphore, #tpu.memory_space<semaphore_mem>>) src(%dma_wait3A_338 : memref<10000xf32, #tpu.memory_space<hbm>>) dst(%arg29 : memref<40xf32, #tpu.memory_space<vmem>>)
      %get3A_339 = arith.constant 0 : index
      %get3A_340 = tpu.vector_load %arg24[%get3A_339] {strides = array<i32>} : memref<40xf32, #tpu.memory_space<vmem>>, vector<16xf32>,
      %get3A_341 = vector.shape_cast %get3A_340 : vector<16xf32> to vector<16xf32>
      %get3A_342 = arith.constant 0 : index
      %get3A_343 = tpu.vector_load %arg29[%get3A_342] {strides = array<i32>} : memref<40xf32, #tpu.memory_space<vmem>>, vector<16xf32>,
      %get3A_344 = vector.shape_cast %get3A_343 : vector<16xf32> to vector<16xf32>
      %sub3A_345 = arith.subf %get3A_341, %get3A_344 : vector<16xf32>
      %swap3A_346 = arith.constant 0 : index
      %swap3A_347 = tpu.vector_load %arg34[%swap3A_346] {strides = array<i32>} : memref<40xf32, #tpu.memory_space<vmem>>, vector<16xf32>,
      %swap3A_348 = vector.shape_cast %swap3A_347 : vector<16xf32> to vector<16xf32>
      %swap3A_349 = vector.shape_cast %sub3A_345 : vector<16xf32> to vector<16xf32>
      tpu.vector_store %arg34[%swap3A_346], %swap3A_349 {strides = array<i32>} : memref<40xf32, #tpu.memory_space<vmem>>, vector<16xf32>,
      %get3A_350 = arith.constant 16 : index
      %get3A_351 = tpu.vector_load %arg24[%get3A_350] {strides = array<i32>} : memref<40xf32, #tpu.memory_space<vmem>>, vector<16xf32>,
      %get3A_352 = vector.shape_cast %get3A_351 : vector<16xf32> to vector<16xf32>
      %get3A_353 = arith.constant 16 : index
      %get3A_354 = tpu.vector_load %arg29[%get3A_353] {strides = array<i32>} : memref<40xf32, #tpu.memory_space<vmem>>, vector<16xf32>,
      %get3A_355 = vector.shape_cast %get3A_354 : vector<16xf32> to vector<16xf32>
      %sub3A_356 = arith.subf %get3A_352, %get3A_355 : vector<16xf32>
      %swap3A_357 = arith.constant 16 : index
      %swap3A_358 = tpu.vector_load %arg34[%swap3A_357] {strides = array<i32>} : memref<40xf32, #tpu.memory_space<vmem>>, vector<16xf32>,
      %swap3A_359 = vector.shape_cast %swap3A_358 : vector<16xf32> to vector<16xf32>
      %swap3A_360 = vector.shape_cast %sub3A_356 : vector<16xf32> to vector<16xf32>
      tpu.vector_store %arg34[%swap3A_357], %swap3A_360 {strides = array<i32>} : memref<40xf32, #tpu.memory_space<vmem>>, vector<16xf32>,
      %get3A_361 = arith.constant 24 : index
      %get3A_362 = tpu.vector_load %arg24[%get3A_361] {strides = array<i32>} : memref<40xf32, #tpu.memory_space<vmem>>, vector<16xf32>,
      %get3A_363 = vector.shape_cast %get3A_362 : vector<16xf32> to vector<16xf32>
      %get3A_364 = arith.constant 24 : index
      %get3A_365 = tpu.vector_load %arg29[%get3A_364] {strides = array<i32>} : memref<40xf32, #tpu.memory_space<vmem>>, vector<16xf32>,
      %get3A_366 = vector.shape_cast %get3A_365 : vector<16xf32> to vector<16xf32>
      %sub3A_367 = arith.subf %get3A_363, %get3A_366 : vector<16xf32>
      %swap3A_368 = arith.constant 24 : index
      %swap3A_369 = tpu.vector_load %arg34[%swap3A_368] {strides = array<i32>} : memref<40xf32, #tpu.memory_space<vmem>>, vector<16xf32>,
      %swap3A_370 = vector.shape_cast %swap3A_369 : vector<16xf32> to vector<16xf32>
      %swap3A_371 = vector.shape_cast %sub3A_367 : vector<16xf32> to vector<16xf32>
      tpu.vector_store %arg34[%swap3A_368], %swap3A_371 {strides = array<i32>} : memref<40xf32, #tpu.memory_space<vmem>>, vector<16xf32>,
      %dma_start3A_372 = arith.constant 0 : i32
      %dma_start3A_373 = tpu.memref_slice %arg8[%add3A_330, %dma_start3A_372] : memref<160000x128xf32, #tpu.memory_space<hbm>> -> memref<40x128xf32, #tpu.memory_space<hbm>>
      %dma_start3A_374 = arith.constant 0 : i32
      %dma_start3A_375 = tpu.memref_slice %arg8[%add3A_330, %dma_start3A_374] : memref<160000x128xf32, #tpu.memory_space<hbm>> -> memref<40x128xf32, #tpu.memory_space<hbm>>
      tpu.enqueue_dma source(%arg39 : memref<40x128xf32, #tpu.memory_space<vmem>>) target(%dma_start3A_375 : memref<40x128xf32, #tpu.memory_space<hbm>>) target_semaphore(%arg47 : memref<!tpu.dma_semaphore, #tpu.memory_space<semaphore_mem>>)
      %dma_start3A_376 = arith.constant 0 : i32
      %dma_start3A_377 = tpu.memref_slice %arg9[%add3A_330, %dma_start3A_376] : memref<160000x128xf32, #tpu.memory_space<hbm>> -> memref<40x128xf32, #tpu.memory_space<hbm>>
      %dma_start3A_378 = arith.constant 0 : i32
      %dma_start3A_379 = tpu.memref_slice %arg9[%add3A_330, %dma_start3A_378] : memref<160000x128xf32, #tpu.memory_space<hbm>> -> memref<40x128xf32, #tpu.memory_space<hbm>>
      tpu.enqueue_dma source(%arg44 : memref<40x128xf32, #tpu.memory_space<vmem>>) target(%dma_start3A_379 : memref<40x128xf32, #tpu.memory_space<hbm>>) target_semaphore(%arg47 : memref<!tpu.dma_semaphore, #tpu.memory_space<semaphore_mem>>)
      %dma_start3A_380 = tpu.memref_slice %arg7[%add3A_330] : memref<160000xf32, #tpu.memory_space<hbm>> -> memref<40xf32, #tpu.memory_space<hbm>>
      %dma_start3A_381 = tpu.memref_slice %arg7[%add3A_330] : memref<160000xf32, #tpu.memory_space<hbm>> -> memref<40xf32, #tpu.memory_space<hbm>>
      tpu.enqueue_dma source(%arg34 : memref<40xf32, #tpu.memory_space<vmem>>) target(%dma_start3A_381 : memref<40xf32, #tpu.memory_space<hbm>>) target_semaphore(%arg47 : memref<!tpu.dma_semaphore, #tpu.memory_space<semaphore_mem>>)
      %dma_wait3A_382 = arith.constant 0 : i32
      %dma_wait3A_383 = tpu.memref_slice %arg8[%add3A_121, %dma_wait3A_382] : memref<160000x128xf32, #tpu.memory_space<hbm>> -> memref<40x128xf32, #tpu.memory_space<hbm>>
      %dma_wait3A_384 = arith.constant 0 : i32
      %dma_wait3A_385 = tpu.memref_slice %arg8[%add3A_121, %dma_wait3A_384] : memref<160000x128xf32, #tpu.memory_space<hbm>> -> memref<40x128xf32, #tpu.memory_space<hbm>>
      tpu.wait_dma2 semaphore(%arg47 : memref<!tpu.dma_semaphore, #tpu.memory_space<semaphore_mem>>) src(%arg35 : memref<40x128xf32, #tpu.memory_space<vmem>>) dst(%dma_wait3A_385 : memref<40x128xf32, #tpu.memory_space<hbm>>)
      %dma_wait3A_386 = arith.constant 0 : i32
      %dma_wait3A_387 = tpu.memref_slice %arg9[%add3A_121, %dma_wait3A_386] : memref<160000x128xf32, #tpu.memory_space<hbm>> -> memref<40x128xf32, #tpu.memory_space<hbm>>
      %dma_wait3A_388 = arith.constant 0 : i32
      %dma_wait3A_389 = tpu.memref_slice %arg9[%add3A_121, %dma_wait3A_388] : memref<160000x128xf32, #tpu.memory_space<hbm>> -> memref<40x128xf32, #tpu.memory_space<hbm>>
      tpu.wait_dma2 semaphore(%arg47 : memref<!tpu.dma_semaphore, #tpu.memory_space<semaphore_mem>>) src(%arg40 : memref<40x128xf32, #tpu.memory_space<vmem>>) dst(%dma_wait3A_389 : memref<40x128xf32, #tpu.memory_space<hbm>>)
      %dma_wait3A_390 = tpu.memref_slice %arg7[%add3A_121] : memref<160000xf32, #tpu.memory_space<hbm>> -> memref<40xf32, #tpu.memory_space<hbm>>
      %dma_wait3A_391 = tpu.memref_slice %arg7[%add3A_121] : memref<160000xf32, #tpu.memory_space<hbm>> -> memref<40xf32, #tpu.memory_space<hbm>>
      tpu.wait_dma2 semaphore(%arg47 : memref<!tpu.dma_semaphore, #tpu.memory_space<semaphore_mem>>) src(%arg30 : memref<40xf32, #tpu.memory_space<vmem>>) dst(%dma_wait3A_391 : memref<40xf32, #tpu.memory_space<hbm>>)
      %dma_wait3A_392 = arith.constant 0 : i32
      %dma_wait3A_393 = tpu.memref_slice %arg8[%add3A_171, %dma_wait3A_392] : memref<160000x128xf32, #tpu.memory_space<hbm>> -> memref<40x128xf32, #tpu.memory_space<hbm>>
      %dma_wait3A_394 = arith.constant 0 : i32
      %dma_wait3A_395 = tpu.memref_slice %arg8[%add3A_171, %dma_wait3A_394] : memref<160000x128xf32, #tpu.memory_space<hbm>> -> memref<40x128xf32, #tpu.memory_space<hbm>>
      tpu.wait_dma2 semaphore(%arg47 : memref<!tpu.dma_semaphore, #tpu.memory_space<semaphore_mem>>) src(%arg36 : memref<40x128xf32, #tpu.memory_space<vmem>>) dst(%dma_wait3A_395 : memref<40x128xf32, #tpu.memory_space<hbm>>)
      %dma_wait3A_396 = arith.constant 0 : i32
      %dma_wait3A_397 = tpu.memref_slice %arg9[%add3A_171, %dma_wait3A_396] : memref<160000x128xf32, #tpu.memory_space<hbm>> -> memref<40x128xf32, #tpu.memory_space<hbm>>
      %dma_wait3A_398 = arith.constant 0 : i32
      %dma_wait3A_399 = tpu.memref_slice %arg9[%add3A_171, %dma_wait3A_398] : memref<160000x128xf32, #tpu.memory_space<hbm>> -> memref<40x128xf32, #tpu.memory_space<hbm>>
      tpu.wait_dma2 semaphore(%arg47 : memref<!tpu.dma_semaphore, #tpu.memory_space<semaphore_mem>>) src(%arg41 : memref<40x128xf32, #tpu.memory_space<vmem>>) dst(%dma_wait3A_399 : memref<40x128xf32, #tpu.memory_space<hbm>>)
      %dma_wait3A_400 = tpu.memref_slice %arg7[%add3A_171] : memref<160000xf32, #tpu.memory_space<hbm>> -> memref<40xf32, #tpu.memory_space<hbm>>
      %dma_wait3A_401 = tpu.memref_slice %arg7[%add3A_171] : memref<160000xf32, #tpu.memory_space<hbm>> -> memref<40xf32, #tpu.memory_space<hbm>>
      tpu.wait_dma2 semaphore(%arg47 : memref<!tpu.dma_semaphore, #tpu.memory_space<semaphore_mem>>) src(%arg31 : memref<40xf32, #tpu.memory_space<vmem>>) dst(%dma_wait3A_401 : memref<40xf32, #tpu.memory_space<hbm>>)
      %dma_wait3A_402 = arith.constant 0 : i32
      %dma_wait3A_403 = tpu.memref_slice %arg8[%add3A_224, %dma_wait3A_402] : memref<160000x128xf32, #tpu.memory_space<hbm>> -> memref<40x128xf32, #tpu.memory_space<hbm>>
      %dma_wait3A_404 = arith.constant 0 : i32
      %dma_wait3A_405 = tpu.memref_slice %arg8[%add3A_224, %dma_wait3A_404] : memref<160000x128xf32, #tpu.memory_space<hbm>> -> memref<40x128xf32, #tpu.memory_space<hbm>>
      tpu.wait_dma2 semaphore(%arg47 : memref<!tpu.dma_semaphore, #tpu.memory_space<semaphore_mem>>) src(%arg37 : memref<40x128xf32, #tpu.memory_space<vmem>>) dst(%dma_wait3A_405 : memref<40x128xf32, #tpu.memory_space<hbm>>)
      %dma_wait3A_406 = arith.constant 0 : i32
      %dma_wait3A_407 = tpu.memref_slice %arg9[%add3A_224, %dma_wait3A_406] : memref<160000x128xf32, #tpu.memory_space<hbm>> -> memref<40x128xf32, #tpu.memory_space<hbm>>
      %dma_wait3A_408 = arith.constant 0 : i32
      %dma_wait3A_409 = tpu.memref_slice %arg9[%add3A_224, %dma_wait3A_408] : memref<160000x128xf32, #tpu.memory_space<hbm>> -> memref<40x128xf32, #tpu.memory_space<hbm>>
      tpu.wait_dma2 semaphore(%arg47 : memref<!tpu.dma_semaphore, #tpu.memory_space<semaphore_mem>>) src(%arg42 : memref<40x128xf32, #tpu.memory_space<vmem>>) dst(%dma_wait3A_409 : memref<40x128xf32, #tpu.memory_space<hbm>>)
      %dma_wait3A_410 = tpu.memref_slice %arg7[%add3A_224] : memref<160000xf32, #tpu.memory_space<hbm>> -> memref<40xf32, #tpu.memory_space<hbm>>
      %dma_wait3A_411 = tpu.memref_slice %arg7[%add3A_224] : memref<160000xf32, #tpu.memory_space<hbm>> -> memref<40xf32, #tpu.memory_space<hbm>>
      tpu.wait_dma2 semaphore(%arg47 : memref<!tpu.dma_semaphore, #tpu.memory_space<semaphore_mem>>) src(%arg32 : memref<40xf32, #tpu.memory_space<vmem>>) dst(%dma_wait3A_411 : memref<40xf32, #tpu.memory_space<hbm>>)
      %dma_wait3A_412 = arith.constant 0 : i32
      %dma_wait3A_413 = tpu.memref_slice %arg8[%add3A_277, %dma_wait3A_412] : memref<160000x128xf32, #tpu.memory_space<hbm>> -> memref<40x128xf32, #tpu.memory_space<hbm>>
      %dma_wait3A_414 = arith.constant 0 : i32
      %dma_wait3A_415 = tpu.memref_slice %arg8[%add3A_277, %dma_wait3A_414] : memref<160000x128xf32, #tpu.memory_space<hbm>> -> memref<40x128xf32, #tpu.memory_space<hbm>>
      tpu.wait_dma2 semaphore(%arg47 : memref<!tpu.dma_semaphore, #tpu.memory_space<semaphore_mem>>) src(%arg38 : memref<40x128xf32, #tpu.memory_space<vmem>>) dst(%dma_wait3A_415 : memref<40x128xf32, #tpu.memory_space<hbm>>)
      %dma_wait3A_416 = arith.constant 0 : i32
      %dma_wait3A_417 = tpu.memref_slice %arg9[%add3A_277, %dma_wait3A_416] : memref<160000x128xf32, #tpu.memory_space<hbm>> -> memref<40x128xf32, #tpu.memory_space<hbm>>
      %dma_wait3A_418 = arith.constant 0 : i32
      %dma_wait3A_419 = tpu.memref_slice %arg9[%add3A_277, %dma_wait3A_418] : memref<160000x128xf32, #tpu.memory_space<hbm>> -> memref<40x128xf32, #tpu.memory_space<hbm>>
      tpu.wait_dma2 semaphore(%arg47 : memref<!tpu.dma_semaphore, #tpu.memory_space<semaphore_mem>>) src(%arg43 : memref<40x128xf32, #tpu.memory_space<vmem>>) dst(%dma_wait3A_419 : memref<40x128xf32, #tpu.memory_space<hbm>>)
      %dma_wait3A_420 = tpu.memref_slice %arg7[%add3A_277] : memref<160000xf32, #tpu.memory_space<hbm>> -> memref<40xf32, #tpu.memory_space<hbm>>
      %dma_wait3A_421 = tpu.memref_slice %arg7[%add3A_277] : memref<160000xf32, #tpu.memory_space<hbm>> -> memref<40xf32, #tpu.memory_space<hbm>>
      tpu.wait_dma2 semaphore(%arg47 : memref<!tpu.dma_semaphore, #tpu.memory_space<semaphore_mem>>) src(%arg33 : memref<40xf32, #tpu.memory_space<vmem>>) dst(%dma_wait3A_421 : memref<40xf32, #tpu.memory_space<hbm>>)
      %dma_wait3A_422 = arith.constant 0 : i32
      %dma_wait3A_423 = tpu.memref_slice %arg8[%add3A_330, %dma_wait3A_422] : memref<160000x128xf32, #tpu.memory_space<hbm>> -> memref<40x128xf32, #tpu.memory_space<hbm>>
      %dma_wait3A_424 = arith.constant 0 : i32
      %dma_wait3A_425 = tpu.memref_slice %arg8[%add3A_330, %dma_wait3A_424] : memref<160000x128xf32, #tpu.memory_space<hbm>> -> memref<40x128xf32, #tpu.memory_space<hbm>>
      tpu.wait_dma2 semaphore(%arg47 : memref<!tpu.dma_semaphore, #tpu.memory_space<semaphore_mem>>) src(%arg39 : memref<40x128xf32, #tpu.memory_space<vmem>>) dst(%dma_wait3A_425 : memref<40x128xf32, #tpu.memory_space<hbm>>)
      %dma_wait3A_426 = arith.constant 0 : i32
      %dma_wait3A_427 = tpu.memref_slice %arg9[%add3A_330, %dma_wait3A_426] : memref<160000x128xf32, #tpu.memory_space<hbm>> -> memref<40x128xf32, #tpu.memory_space<hbm>>
      %dma_wait3A_428 = arith.constant 0 : i32
      %dma_wait3A_429 = tpu.memref_slice %arg9[%add3A_330, %dma_wait3A_428] : memref<160000x128xf32, #tpu.memory_space<hbm>> -> memref<40x128xf32, #tpu.memory_space<hbm>>
      tpu.wait_dma2 semaphore(%arg47 : memref<!tpu.dma_semaphore, #tpu.memory_space<semaphore_mem>>) src(%arg44 : memref<40x128xf32, #tpu.memory_space<vmem>>) dst(%dma_wait3A_429 : memref<40x128xf32, #tpu.memory_space<hbm>>)
      %dma_wait3A_430 = tpu.memref_slice %arg7[%add3A_330] : memref<160000xf32, #tpu.memory_space<hbm>> -> memref<40xf32, #tpu.memory_space<hbm>>
      %dma_wait3A_431 = tpu.memref_slice %arg7[%add3A_330] : memref<160000xf32, #tpu.memory_space<hbm>> -> memref<40xf32, #tpu.memory_space<hbm>>
      tpu.wait_dma2 semaphore(%arg47 : memref<!tpu.dma_semaphore, #tpu.memory_space<semaphore_mem>>) src(%arg34 : memref<40xf32, #tpu.memory_space<vmem>>) dst(%dma_wait3A_431 : memref<40xf32, #tpu.memory_space<hbm>>)
    }
    %scan3A_7 = arith.constant 25 : i32
    return
  }
}

#map = affine_map<(d0, d1) -> (0)>
#map1 = affine_map<(d0, d1) -> (0, 0)>
module attributes {stable_mosaic.version = 14 : i64} {
  func.func @_sc_gather_body(%arg0: i32, %arg1: i32, %arg2: memref<160000xi32, #tpu.memory_space<hbm>>, %arg3: memref<160000xi32, #tpu.memory_space<hbm>>, %arg4: memref<160000xf32, #tpu.memory_space<hbm>>, %arg5: memref<10000xf32, #tpu.memory_space<hbm>>, %arg6: memref<10000x128xf32, #tpu.memory_space<hbm>>, %arg7: memref<160000xf32, #tpu.memory_space<hbm>>, %arg8: memref<160000x128xf32, #tpu.memory_space<hbm>>, %arg9: memref<160000x128xf32, #tpu.memory_space<hbm>>, %arg10: memref<40xi32, #tpu.memory_space<vmem>>, %arg11: memref<40xi32, #tpu.memory_space<vmem>>, %arg12: memref<40xi32, #tpu.memory_space<vmem>>, %arg13: memref<40xi32, #tpu.memory_space<vmem>>, %arg14: memref<40xi32, #tpu.memory_space<vmem>>, %arg15: memref<40xi32, #tpu.memory_space<vmem>>, %arg16: memref<40xi32, #tpu.memory_space<vmem>>, %arg17: memref<40xi32, #tpu.memory_space<vmem>>, %arg18: memref<40xi32, #tpu.memory_space<vmem>>, %arg19: memref<40xi32, #tpu.memory_space<vmem>>, %arg20: memref<40xf32, #tpu.memory_space<vmem>>, %arg21: memref<40xf32, #tpu.memory_space<vmem>>, %arg22: memref<40xf32, #tpu.memory_space<vmem>>, %arg23: memref<40xf32, #tpu.memory_space<vmem>>, %arg24: memref<40xf32, #tpu.memory_space<vmem>>, %arg25: memref<40xf32, #tpu.memory_space<vmem>>, %arg26: memref<40xf32, #tpu.memory_space<vmem>>, %arg27: memref<40xf32, #tpu.memory_space<vmem>>, %arg28: memref<40xf32, #tpu.memory_space<vmem>>, %arg29: memref<40xf32, #tpu.memory_space<vmem>>, %arg30: memref<40xf32, #tpu.memory_space<vmem>>, %arg31: memref<40xf32, #tpu.memory_space<vmem>>, %arg32: memref<40xf32, #tpu.memory_space<vmem>>, %arg33: memref<40xf32, #tpu.memory_space<vmem>>, %arg34: memref<40xf32, #tpu.memory_space<vmem>>, %arg35: memref<40x128xf32, #tpu.memory_space<vmem>>, %arg36: memref<40x128xf32, #tpu.memory_space<vmem>>, %arg37: memref<40x128xf32, #tpu.memory_space<vmem>>, %arg38: memref<40x128xf32, #tpu.memory_space<vmem>>, %arg39: memref<40x128xf32, #tpu.memory_space<vmem>>, %arg40: memref<40x128xf32, #tpu.memory_space<vmem>>, %arg41: memref<40x128xf32, #tpu.memory_space<vmem>>, %arg42: memref<40x128xf32, #tpu.memory_space<vmem>>, %arg43: memref<40x128xf32, #tpu.memory_space<vmem>>, %arg44: memref<40x128xf32, #tpu.memory_space<vmem>>, %arg45: memref<!tpu.dma_semaphore, #tpu.memory_space<semaphore_mem>>, %arg46: memref<!tpu.dma_semaphore, #tpu.memory_space<semaphore_mem>>, %arg47: memref<!tpu.dma_semaphore, #tpu.memory_space<semaphore_mem>>) attributes {dimension_semantics = [#tpu.dimension_semantics<core_parallel>, #tpu.dimension_semantics<subcore_parallel>], iteration_bounds = array<i64: 2, 16>, scalar_prefetch = 0 : i64, scratch_operands = 38 : i64, tpu.core_type = #tpu.core_type<sc_vector_subcore>, window_params = [{transform_indices = #map}, {transform_indices = #map}, {transform_indices = #map}, {transform_indices = #map}, {transform_indices = #map1}, {transform_indices = #map}, {transform_indices = #map1}, {transform_indices = #map1}]} {
    %mul3A = arith.constant 16 : i32
    %mul3A_0 = arith.muli %arg0, %mul3A : i32
    %add3A = arith.addi %mul3A_0, %arg1 : i32
    %mul3A_1 = arith.constant 5000 : i32
    %mul3A_2 = arith.muli %add3A, %mul3A_1 : i32
    %scan3A = arith.constant 0 : i32
    %scan3A_3 = arith.constant 0 : i32
    %scan3A_4 = arith.constant 25 : i32
    %scan3A_5 = arith.addi %scan3A_3, %scan3A_4 : i32
    %scan3A_6 = arith.constant 1 : i32
    scf.for %scan3A_8 = %scan3A_3 to %scan3A_5 step %scan3A_6  : i32 {
      %mul3A_9 = arith.constant 200 : i32
      %mul3A_10 = arith.muli %scan3A_8, %mul3A_9 : i32
      %add3A_11 = arith.addi %mul3A_2, %mul3A_10 : i32
      %add3A_12 = arith.constant 0 : i32
      %add3A_13 = arith.addi %add3A_11, %add3A_12 : i32
      %dma_start3A = tpu.memref_slice %arg2[%add3A_13] : memref<160000xi32, #tpu.memory_space<hbm>> -> memref<40xi32, #tpu.memory_space<hbm>>
      %dma_start3A_14 = tpu.memref_slice %arg2[%add3A_13] : memref<160000xi32, #tpu.memory_space<hbm>> -> memref<40xi32, #tpu.memory_space<hbm>>
      tpu.enqueue_dma source(%dma_start3A_14 : memref<40xi32, #tpu.memory_space<hbm>>) target(%arg10 : memref<40xi32, #tpu.memory_space<vmem>>) target_semaphore(%arg45 : memref<!tpu.dma_semaphore, #tpu.memory_space<semaphore_mem>>)
      %dma_start3A_15 = tpu.memref_slice %arg3[%add3A_13] : memref<160000xi32, #tpu.memory_space<hbm>> -> memref<40xi32, #tpu.memory_space<hbm>>
      %dma_start3A_16 = tpu.memref_slice %arg3[%add3A_13] : memref<160000xi32, #tpu.memory_space<hbm>> -> memref<40xi32, #tpu.memory_space<hbm>>
      tpu.enqueue_dma source(%dma_start3A_16 : memref<40xi32, #tpu.memory_space<hbm>>) target(%arg15 : memref<40xi32, #tpu.memory_space<vmem>>) target_semaphore(%arg45 : memref<!tpu.dma_semaphore, #tpu.memory_space<semaphore_mem>>)
      %dma_start3A_17 = tpu.memref_slice %arg4[%add3A_13] : memref<160000xf32, #tpu.memory_space<hbm>> -> memref<40xf32, #tpu.memory_space<hbm>>
      %dma_start3A_18 = tpu.memref_slice %arg4[%add3A_13] : memref<160000xf32, #tpu.memory_space<hbm>> -> memref<40xf32, #tpu.memory_space<hbm>>
      tpu.enqueue_dma source(%dma_start3A_18 : memref<40xf32, #tpu.memory_space<hbm>>) target(%arg20 : memref<40xf32, #tpu.memory_space<vmem>>) target_semaphore(%arg45 : memref<!tpu.dma_semaphore, #tpu.memory_space<semaphore_mem>>)
      %add3A_19 = arith.constant 40 : i32
      %add3A_20 = arith.addi %add3A_11, %add3A_19 : i32
      %dma_start3A_21 = tpu.memref_slice %arg2[%add3A_20] : memref<160000xi32, #tpu.memory_space<hbm>> -> memref<40xi32, #tpu.memory_space<hbm>>
      %dma_start3A_22 = tpu.memref_slice %arg2[%add3A_20] : memref<160000xi32, #tpu.memory_space<hbm>> -> memref<40xi32, #tpu.memory_space<hbm>>
      tpu.enqueue_dma source(%dma_start3A_22 : memref<40xi32, #tpu.memory_space<hbm>>) target(%arg11 : memref<40xi32, #tpu.memory_space<vmem>>) target_semaphore(%arg45 : memref<!tpu.dma_semaphore, #tpu.memory_space<semaphore_mem>>)
      %dma_start3A_23 = tpu.memref_slice %arg3[%add3A_20] : memref<160000xi32, #tpu.memory_space<hbm>> -> memref<40xi32, #tpu.memory_space<hbm>>
      %dma_start3A_24 = tpu.memref_slice %arg3[%add3A_20] : memref<160000xi32, #tpu.memory_space<hbm>> -> memref<40xi32, #tpu.memory_space<hbm>>
      tpu.enqueue_dma source(%dma_start3A_24 : memref<40xi32, #tpu.memory_space<hbm>>) target(%arg16 : memref<40xi32, #tpu.memory_space<vmem>>) target_semaphore(%arg45 : memref<!tpu.dma_semaphore, #tpu.memory_space<semaphore_mem>>)
      %dma_start3A_25 = tpu.memref_slice %arg4[%add3A_20] : memref<160000xf32, #tpu.memory_space<hbm>> -> memref<40xf32, #tpu.memory_space<hbm>>
      %dma_start3A_26 = tpu.memref_slice %arg4[%add3A_20] : memref<160000xf32, #tpu.memory_space<hbm>> -> memref<40xf32, #tpu.memory_space<hbm>>
      tpu.enqueue_dma source(%dma_start3A_26 : memref<40xf32, #tpu.memory_space<hbm>>) target(%arg21 : memref<40xf32, #tpu.memory_space<vmem>>) target_semaphore(%arg45 : memref<!tpu.dma_semaphore, #tpu.memory_space<semaphore_mem>>)
      %add3A_27 = arith.constant 80 : i32
      %add3A_28 = arith.addi %add3A_11, %add3A_27 : i32
      %dma_start3A_29 = tpu.memref_slice %arg2[%add3A_28] : memref<160000xi32, #tpu.memory_space<hbm>> -> memref<40xi32, #tpu.memory_space<hbm>>
      %dma_start3A_30 = tpu.memref_slice %arg2[%add3A_28] : memref<160000xi32, #tpu.memory_space<hbm>> -> memref<40xi32, #tpu.memory_space<hbm>>
      tpu.enqueue_dma source(%dma_start3A_30 : memref<40xi32, #tpu.memory_space<hbm>>) target(%arg12 : memref<40xi32, #tpu.memory_space<vmem>>) target_semaphore(%arg45 : memref<!tpu.dma_semaphore, #tpu.memory_space<semaphore_mem>>)
      %dma_start3A_31 = tpu.memref_slice %arg3[%add3A_28] : memref<160000xi32, #tpu.memory_space<hbm>> -> memref<40xi32, #tpu.memory_space<hbm>>
      %dma_start3A_32 = tpu.memref_slice %arg3[%add3A_28] : memref<160000xi32, #tpu.memory_space<hbm>> -> memref<40xi32, #tpu.memory_space<hbm>>
      tpu.enqueue_dma source(%dma_start3A_32 : memref<40xi32, #tpu.memory_space<hbm>>) target(%arg17 : memref<40xi32, #tpu.memory_space<vmem>>) target_semaphore(%arg45 : memref<!tpu.dma_semaphore, #tpu.memory_space<semaphore_mem>>)
      %dma_start3A_33 = tpu.memref_slice %arg4[%add3A_28] : memref<160000xf32, #tpu.memory_space<hbm>> -> memref<40xf32, #tpu.memory_space<hbm>>
      %dma_start3A_34 = tpu.memref_slice %arg4[%add3A_28] : memref<160000xf32, #tpu.memory_space<hbm>> -> memref<40xf32, #tpu.memory_space<hbm>>
      tpu.enqueue_dma source(%dma_start3A_34 : memref<40xf32, #tpu.memory_space<hbm>>) target(%arg22 : memref<40xf32, #tpu.memory_space<vmem>>) target_semaphore(%arg45 : memref<!tpu.dma_semaphore, #tpu.memory_space<semaphore_mem>>)
      %add3A_35 = arith.constant 120 : i32
      %add3A_36 = arith.addi %add3A_11, %add3A_35 : i32
      %dma_start3A_37 = tpu.memref_slice %arg2[%add3A_36] : memref<160000xi32, #tpu.memory_space<hbm>> -> memref<40xi32, #tpu.memory_space<hbm>>
      %dma_start3A_38 = tpu.memref_slice %arg2[%add3A_36] : memref<160000xi32, #tpu.memory_space<hbm>> -> memref<40xi32, #tpu.memory_space<hbm>>
      tpu.enqueue_dma source(%dma_start3A_38 : memref<40xi32, #tpu.memory_space<hbm>>) target(%arg13 : memref<40xi32, #tpu.memory_space<vmem>>) target_semaphore(%arg45 : memref<!tpu.dma_semaphore, #tpu.memory_space<semaphore_mem>>)
      %dma_start3A_39 = tpu.memref_slice %arg3[%add3A_36] : memref<160000xi32, #tpu.memory_space<hbm>> -> memref<40xi32, #tpu.memory_space<hbm>>
      %dma_start3A_40 = tpu.memref_slice %arg3[%add3A_36] : memref<160000xi32, #tpu.memory_space<hbm>> -> memref<40xi32, #tpu.memory_space<hbm>>
      tpu.enqueue_dma source(%dma_start3A_40 : memref<40xi32, #tpu.memory_space<hbm>>) target(%arg18 : memref<40xi32, #tpu.memory_space<vmem>>) target_semaphore(%arg45 : memref<!tpu.dma_semaphore, #tpu.memory_space<semaphore_mem>>)
      %dma_start3A_41 = tpu.memref_slice %arg4[%add3A_36] : memref<160000xf32, #tpu.memory_space<hbm>> -> memref<40xf32, #tpu.memory_space<hbm>>
      %dma_start3A_42 = tpu.memref_slice %arg4[%add3A_36] : memref<160000xf32, #tpu.memory_space<hbm>> -> memref<40xf32, #tpu.memory_space<hbm>>
      tpu.enqueue_dma source(%dma_start3A_42 : memref<40xf32, #tpu.memory_space<hbm>>) target(%arg23 : memref<40xf32, #tpu.memory_space<vmem>>) target_semaphore(%arg45 : memref<!tpu.dma_semaphore, #tpu.memory_space<semaphore_mem>>)
      %add3A_43 = arith.constant 160 : i32
      %add3A_44 = arith.addi %add3A_11, %add3A_43 : i32
      %dma_start3A_45 = tpu.memref_slice %arg2[%add3A_44] : memref<160000xi32, #tpu.memory_space<hbm>> -> memref<40xi32, #tpu.memory_space<hbm>>
      %dma_start3A_46 = tpu.memref_slice %arg2[%add3A_44] : memref<160000xi32, #tpu.memory_space<hbm>> -> memref<40xi32, #tpu.memory_space<hbm>>
      tpu.enqueue_dma source(%dma_start3A_46 : memref<40xi32, #tpu.memory_space<hbm>>) target(%arg14 : memref<40xi32, #tpu.memory_space<vmem>>) target_semaphore(%arg45 : memref<!tpu.dma_semaphore, #tpu.memory_space<semaphore_mem>>)
      %dma_start3A_47 = tpu.memref_slice %arg3[%add3A_44] : memref<160000xi32, #tpu.memory_space<hbm>> -> memref<40xi32, #tpu.memory_space<hbm>>
      %dma_start3A_48 = tpu.memref_slice %arg3[%add3A_44] : memref<160000xi32, #tpu.memory_space<hbm>> -> memref<40xi32, #tpu.memory_space<hbm>>
      tpu.enqueue_dma source(%dma_start3A_48 : memref<40xi32, #tpu.memory_space<hbm>>) target(%arg19 : memref<40xi32, #tpu.memory_space<vmem>>) target_semaphore(%arg45 : memref<!tpu.dma_semaphore, #tpu.memory_space<semaphore_mem>>)
      %dma_start3A_49 = tpu.memref_slice %arg4[%add3A_44] : memref<160000xf32, #tpu.memory_space<hbm>> -> memref<40xf32, #tpu.memory_space<hbm>>
      %dma_start3A_50 = tpu.memref_slice %arg4[%add3A_44] : memref<160000xf32, #tpu.memory_space<hbm>> -> memref<40xf32, #tpu.memory_space<hbm>>
      tpu.enqueue_dma source(%dma_start3A_50 : memref<40xf32, #tpu.memory_space<hbm>>) target(%arg24 : memref<40xf32, #tpu.memory_space<vmem>>) target_semaphore(%arg45 : memref<!tpu.dma_semaphore, #tpu.memory_space<semaphore_mem>>)
      %dma_wait3A = tpu.memref_slice %arg2[%add3A_13] : memref<160000xi32, #tpu.memory_space<hbm>> -> memref<40xi32, #tpu.memory_space<hbm>>
      %dma_wait3A_51 = tpu.memref_slice %arg2[%add3A_13] : memref<160000xi32, #tpu.memory_space<hbm>> -> memref<40xi32, #tpu.memory_space<hbm>>
      tpu.wait_dma2 semaphore(%arg45 : memref<!tpu.dma_semaphore, #tpu.memory_space<semaphore_mem>>) src(%dma_wait3A_51 : memref<40xi32, #tpu.memory_space<hbm>>) dst(%arg10 : memref<40xi32, #tpu.memory_space<vmem>>)
      %dma_wait3A_52 = tpu.memref_slice %arg3[%add3A_13] : memref<160000xi32, #tpu.memory_space<hbm>> -> memref<40xi32, #tpu.memory_space<hbm>>
      %dma_wait3A_53 = tpu.memref_slice %arg3[%add3A_13] : memref<160000xi32, #tpu.memory_space<hbm>> -> memref<40xi32, #tpu.memory_space<hbm>>
      tpu.wait_dma2 semaphore(%arg45 : memref<!tpu.dma_semaphore, #tpu.memory_space<semaphore_mem>>) src(%dma_wait3A_53 : memref<40xi32, #tpu.memory_space<hbm>>) dst(%arg15 : memref<40xi32, #tpu.memory_space<vmem>>)
      %dma_wait3A_54 = tpu.memref_slice %arg4[%add3A_13] : memref<160000xf32, #tpu.memory_space<hbm>> -> memref<40xf32, #tpu.memory_space<hbm>>
      %dma_wait3A_55 = tpu.memref_slice %arg4[%add3A_13] : memref<160000xf32, #tpu.memory_space<hbm>> -> memref<40xf32, #tpu.memory_space<hbm>>
      tpu.wait_dma2 semaphore(%arg45 : memref<!tpu.dma_semaphore, #tpu.memory_space<semaphore_mem>>) src(%dma_wait3A_55 : memref<40xf32, #tpu.memory_space<hbm>>) dst(%arg20 : memref<40xf32, #tpu.memory_space<vmem>>)
      %dma_start3A_56 = arith.constant 0 : i32
      %dma_start3A_57 = arith.constant 0 : i32
      %dma_start3A_58 = tpu.memref_slice %arg6[%dma_start3A_56, %dma_start3A_57] : memref<10000x128xf32, #tpu.memory_space<hbm>> -> memref<10000x128xf32, #tpu.memory_space<hbm>>
      tpu.enqueue_indirect_dma source(%dma_start3A_58 : memref<10000x128xf32, #tpu.memory_space<hbm>>) target(%arg35 : memref<40x128xf32, #tpu.memory_space<vmem>>) offsets(%arg10 : memref<40xi32, #tpu.memory_space<vmem>>) semaphore(%arg46 : memref<!tpu.dma_semaphore, #tpu.memory_space<semaphore_mem>>)
      %dma_start3A_59 = arith.constant 0 : i32
      %dma_start3A_60 = arith.constant 0 : i32
      %dma_start3A_61 = tpu.memref_slice %arg6[%dma_start3A_59, %dma_start3A_60] : memref<10000x128xf32, #tpu.memory_space<hbm>> -> memref<10000x128xf32, #tpu.memory_space<hbm>>
      tpu.enqueue_indirect_dma source(%dma_start3A_61 : memref<10000x128xf32, #tpu.memory_space<hbm>>) target(%arg40 : memref<40x128xf32, #tpu.memory_space<vmem>>) offsets(%arg15 : memref<40xi32, #tpu.memory_space<vmem>>) semaphore(%arg46 : memref<!tpu.dma_semaphore, #tpu.memory_space<semaphore_mem>>)
      %dma_start3A_62 = arith.constant 0 : i32
      %dma_start3A_63 = tpu.memref_slice %arg5[%dma_start3A_62] : memref<10000xf32, #tpu.memory_space<hbm>> -> memref<10000xf32, #tpu.memory_space<hbm>>
      tpu.enqueue_indirect_dma source(%dma_start3A_63 : memref<10000xf32, #tpu.memory_space<hbm>>) target(%arg25 : memref<40xf32, #tpu.memory_space<vmem>>) offsets(%arg10 : memref<40xi32, #tpu.memory_space<vmem>>) semaphore(%arg46 : memref<!tpu.dma_semaphore, #tpu.memory_space<semaphore_mem>>)
      %dma_wait3A_64 = tpu.memref_slice %arg2[%add3A_20] : memref<160000xi32, #tpu.memory_space<hbm>> -> memref<40xi32, #tpu.memory_space<hbm>>
      %dma_wait3A_65 = tpu.memref_slice %arg2[%add3A_20] : memref<160000xi32, #tpu.memory_space<hbm>> -> memref<40xi32, #tpu.memory_space<hbm>>
      tpu.wait_dma2 semaphore(%arg45 : memref<!tpu.dma_semaphore, #tpu.memory_space<semaphore_mem>>) src(%dma_wait3A_65 : memref<40xi32, #tpu.memory_space<hbm>>) dst(%arg11 : memref<40xi32, #tpu.memory_space<vmem>>)
      %dma_wait3A_66 = tpu.memref_slice %arg3[%add3A_20] : memref<160000xi32, #tpu.memory_space<hbm>> -> memref<40xi32, #tpu.memory_space<hbm>>
      %dma_wait3A_67 = tpu.memref_slice %arg3[%add3A_20] : memref<160000xi32, #tpu.memory_space<hbm>> -> memref<40xi32, #tpu.memory_space<hbm>>
      tpu.wait_dma2 semaphore(%arg45 : memref<!tpu.dma_semaphore, #tpu.memory_space<semaphore_mem>>) src(%dma_wait3A_67 : memref<40xi32, #tpu.memory_space<hbm>>) dst(%arg16 : memref<40xi32, #tpu.memory_space<vmem>>)
      %dma_wait3A_68 = tpu.memref_slice %arg4[%add3A_20] : memref<160000xf32, #tpu.memory_space<hbm>> -> memref<40xf32, #tpu.memory_space<hbm>>
      %dma_wait3A_69 = tpu.memref_slice %arg4[%add3A_20] : memref<160000xf32, #tpu.memory_space<hbm>> -> memref<40xf32, #tpu.memory_space<hbm>>
      tpu.wait_dma2 semaphore(%arg45 : memref<!tpu.dma_semaphore, #tpu.memory_space<semaphore_mem>>) src(%dma_wait3A_69 : memref<40xf32, #tpu.memory_space<hbm>>) dst(%arg21 : memref<40xf32, #tpu.memory_space<vmem>>)
      %dma_start3A_70 = arith.constant 0 : i32
      %dma_start3A_71 = arith.constant 0 : i32
      %dma_start3A_72 = tpu.memref_slice %arg6[%dma_start3A_70, %dma_start3A_71] : memref<10000x128xf32, #tpu.memory_space<hbm>> -> memref<10000x128xf32, #tpu.memory_space<hbm>>
      tpu.enqueue_indirect_dma source(%dma_start3A_72 : memref<10000x128xf32, #tpu.memory_space<hbm>>) target(%arg36 : memref<40x128xf32, #tpu.memory_space<vmem>>) offsets(%arg11 : memref<40xi32, #tpu.memory_space<vmem>>) semaphore(%arg46 : memref<!tpu.dma_semaphore, #tpu.memory_space<semaphore_mem>>)
      %dma_start3A_73 = arith.constant 0 : i32
      %dma_start3A_74 = arith.constant 0 : i32
      %dma_start3A_75 = tpu.memref_slice %arg6[%dma_start3A_73, %dma_start3A_74] : memref<10000x128xf32, #tpu.memory_space<hbm>> -> memref<10000x128xf32, #tpu.memory_space<hbm>>
      tpu.enqueue_indirect_dma source(%dma_start3A_75 : memref<10000x128xf32, #tpu.memory_space<hbm>>) target(%arg41 : memref<40x128xf32, #tpu.memory_space<vmem>>) offsets(%arg16 : memref<40xi32, #tpu.memory_space<vmem>>) semaphore(%arg46 : memref<!tpu.dma_semaphore, #tpu.memory_space<semaphore_mem>>)
      %dma_start3A_76 = arith.constant 0 : i32
      %dma_start3A_77 = tpu.memref_slice %arg5[%dma_start3A_76] : memref<10000xf32, #tpu.memory_space<hbm>> -> memref<10000xf32, #tpu.memory_space<hbm>>
      tpu.enqueue_indirect_dma source(%dma_start3A_77 : memref<10000xf32, #tpu.memory_space<hbm>>) target(%arg26 : memref<40xf32, #tpu.memory_space<vmem>>) offsets(%arg11 : memref<40xi32, #tpu.memory_space<vmem>>) semaphore(%arg46 : memref<!tpu.dma_semaphore, #tpu.memory_space<semaphore_mem>>)
      %dma_wait3A_78 = tpu.memref_slice %arg2[%add3A_28] : memref<160000xi32, #tpu.memory_space<hbm>> -> memref<40xi32, #tpu.memory_space<hbm>>
      %dma_wait3A_79 = tpu.memref_slice %arg2[%add3A_28] : memref<160000xi32, #tpu.memory_space<hbm>> -> memref<40xi32, #tpu.memory_space<hbm>>
      tpu.wait_dma2 semaphore(%arg45 : memref<!tpu.dma_semaphore, #tpu.memory_space<semaphore_mem>>) src(%dma_wait3A_79 : memref<40xi32, #tpu.memory_space<hbm>>) dst(%arg12 : memref<40xi32, #tpu.memory_space<vmem>>)
      %dma_wait3A_80 = tpu.memref_slice %arg3[%add3A_28] : memref<160000xi32, #tpu.memory_space<hbm>> -> memref<40xi32, #tpu.memory_space<hbm>>
      %dma_wait3A_81 = tpu.memref_slice %arg3[%add3A_28] : memref<160000xi32, #tpu.memory_space<hbm>> -> memref<40xi32, #tpu.memory_space<hbm>>
      tpu.wait_dma2 semaphore(%arg45 : memref<!tpu.dma_semaphore, #tpu.memory_space<semaphore_mem>>) src(%dma_wait3A_81 : memref<40xi32, #tpu.memory_space<hbm>>) dst(%arg17 : memref<40xi32, #tpu.memory_space<vmem>>)
      %dma_wait3A_82 = tpu.memref_slice %arg4[%add3A_28] : memref<160000xf32, #tpu.memory_space<hbm>> -> memref<40xf32, #tpu.memory_space<hbm>>
      %dma_wait3A_83 = tpu.memref_slice %arg4[%add3A_28] : memref<160000xf32, #tpu.memory_space<hbm>> -> memref<40xf32, #tpu.memory_space<hbm>>
      tpu.wait_dma2 semaphore(%arg45 : memref<!tpu.dma_semaphore, #tpu.memory_space<semaphore_mem>>) src(%dma_wait3A_83 : memref<40xf32, #tpu.memory_space<hbm>>) dst(%arg22 : memref<40xf32, #tpu.memory_space<vmem>>)
      %dma_start3A_84 = arith.constant 0 : i32
      %dma_start3A_85 = arith.constant 0 : i32
      %dma_start3A_86 = tpu.memref_slice %arg6[%dma_start3A_84, %dma_start3A_85] : memref<10000x128xf32, #tpu.memory_space<hbm>> -> memref<10000x128xf32, #tpu.memory_space<hbm>>
      tpu.enqueue_indirect_dma source(%dma_start3A_86 : memref<10000x128xf32, #tpu.memory_space<hbm>>) target(%arg37 : memref<40x128xf32, #tpu.memory_space<vmem>>) offsets(%arg12 : memref<40xi32, #tpu.memory_space<vmem>>) semaphore(%arg46 : memref<!tpu.dma_semaphore, #tpu.memory_space<semaphore_mem>>)
      %dma_start3A_87 = arith.constant 0 : i32
      %dma_start3A_88 = arith.constant 0 : i32
      %dma_start3A_89 = tpu.memref_slice %arg6[%dma_start3A_87, %dma_start3A_88] : memref<10000x128xf32, #tpu.memory_space<hbm>> -> memref<10000x128xf32, #tpu.memory_space<hbm>>
      tpu.enqueue_indirect_dma source(%dma_start3A_89 : memref<10000x128xf32, #tpu.memory_space<hbm>>) target(%arg42 : memref<40x128xf32, #tpu.memory_space<vmem>>) offsets(%arg17 : memref<40xi32, #tpu.memory_space<vmem>>) semaphore(%arg46 : memref<!tpu.dma_semaphore, #tpu.memory_space<semaphore_mem>>)
      %dma_start3A_90 = arith.constant 0 : i32
      %dma_start3A_91 = tpu.memref_slice %arg5[%dma_start3A_90] : memref<10000xf32, #tpu.memory_space<hbm>> -> memref<10000xf32, #tpu.memory_space<hbm>>
      tpu.enqueue_indirect_dma source(%dma_start3A_91 : memref<10000xf32, #tpu.memory_space<hbm>>) target(%arg27 : memref<40xf32, #tpu.memory_space<vmem>>) offsets(%arg12 : memref<40xi32, #tpu.memory_space<vmem>>) semaphore(%arg46 : memref<!tpu.dma_semaphore, #tpu.memory_space<semaphore_mem>>)
      %dma_wait3A_92 = tpu.memref_slice %arg2[%add3A_36] : memref<160000xi32, #tpu.memory_space<hbm>> -> memref<40xi32, #tpu.memory_space<hbm>>
      %dma_wait3A_93 = tpu.memref_slice %arg2[%add3A_36] : memref<160000xi32, #tpu.memory_space<hbm>> -> memref<40xi32, #tpu.memory_space<hbm>>
      tpu.wait_dma2 semaphore(%arg45 : memref<!tpu.dma_semaphore, #tpu.memory_space<semaphore_mem>>) src(%dma_wait3A_93 : memref<40xi32, #tpu.memory_space<hbm>>) dst(%arg13 : memref<40xi32, #tpu.memory_space<vmem>>)
      %dma_wait3A_94 = tpu.memref_slice %arg3[%add3A_36] : memref<160000xi32, #tpu.memory_space<hbm>> -> memref<40xi32, #tpu.memory_space<hbm>>
      %dma_wait3A_95 = tpu.memref_slice %arg3[%add3A_36] : memref<160000xi32, #tpu.memory_space<hbm>> -> memref<40xi32, #tpu.memory_space<hbm>>
      tpu.wait_dma2 semaphore(%arg45 : memref<!tpu.dma_semaphore, #tpu.memory_space<semaphore_mem>>) src(%dma_wait3A_95 : memref<40xi32, #tpu.memory_space<hbm>>) dst(%arg18 : memref<40xi32, #tpu.memory_space<vmem>>)
      %dma_wait3A_96 = tpu.memref_slice %arg4[%add3A_36] : memref<160000xf32, #tpu.memory_space<hbm>> -> memref<40xf32, #tpu.memory_space<hbm>>
      %dma_wait3A_97 = tpu.memref_slice %arg4[%add3A_36] : memref<160000xf32, #tpu.memory_space<hbm>> -> memref<40xf32, #tpu.memory_space<hbm>>
      tpu.wait_dma2 semaphore(%arg45 : memref<!tpu.dma_semaphore, #tpu.memory_space<semaphore_mem>>) src(%dma_wait3A_97 : memref<40xf32, #tpu.memory_space<hbm>>) dst(%arg23 : memref<40xf32, #tpu.memory_space<vmem>>)
      %dma_start3A_98 = arith.constant 0 : i32
      %dma_start3A_99 = arith.constant 0 : i32
      %dma_start3A_100 = tpu.memref_slice %arg6[%dma_start3A_98, %dma_start3A_99] : memref<10000x128xf32, #tpu.memory_space<hbm>> -> memref<10000x128xf32, #tpu.memory_space<hbm>>
      tpu.enqueue_indirect_dma source(%dma_start3A_100 : memref<10000x128xf32, #tpu.memory_space<hbm>>) target(%arg38 : memref<40x128xf32, #tpu.memory_space<vmem>>) offsets(%arg13 : memref<40xi32, #tpu.memory_space<vmem>>) semaphore(%arg46 : memref<!tpu.dma_semaphore, #tpu.memory_space<semaphore_mem>>)
      %dma_start3A_101 = arith.constant 0 : i32
      %dma_start3A_102 = arith.constant 0 : i32
      %dma_start3A_103 = tpu.memref_slice %arg6[%dma_start3A_101, %dma_start3A_102] : memref<10000x128xf32, #tpu.memory_space<hbm>> -> memref<10000x128xf32, #tpu.memory_space<hbm>>
      tpu.enqueue_indirect_dma source(%dma_start3A_103 : memref<10000x128xf32, #tpu.memory_space<hbm>>) target(%arg43 : memref<40x128xf32, #tpu.memory_space<vmem>>) offsets(%arg18 : memref<40xi32, #tpu.memory_space<vmem>>) semaphore(%arg46 : memref<!tpu.dma_semaphore, #tpu.memory_space<semaphore_mem>>)
      %dma_start3A_104 = arith.constant 0 : i32
      %dma_start3A_105 = tpu.memref_slice %arg5[%dma_start3A_104] : memref<10000xf32, #tpu.memory_space<hbm>> -> memref<10000xf32, #tpu.memory_space<hbm>>
      tpu.enqueue_indirect_dma source(%dma_start3A_105 : memref<10000xf32, #tpu.memory_space<hbm>>) target(%arg28 : memref<40xf32, #tpu.memory_space<vmem>>) offsets(%arg13 : memref<40xi32, #tpu.memory_space<vmem>>) semaphore(%arg46 : memref<!tpu.dma_semaphore, #tpu.memory_space<semaphore_mem>>)
      %dma_wait3A_106 = tpu.memref_slice %arg2[%add3A_44] : memref<160000xi32, #tpu.memory_space<hbm>> -> memref<40xi32, #tpu.memory_space<hbm>>
      %dma_wait3A_107 = tpu.memref_slice %arg2[%add3A_44] : memref<160000xi32, #tpu.memory_space<hbm>> -> memref<40xi32, #tpu.memory_space<hbm>>
      tpu.wait_dma2 semaphore(%arg45 : memref<!tpu.dma_semaphore, #tpu.memory_space<semaphore_mem>>) src(%dma_wait3A_107 : memref<40xi32, #tpu.memory_space<hbm>>) dst(%arg14 : memref<40xi32, #tpu.memory_space<vmem>>)
      %dma_wait3A_108 = tpu.memref_slice %arg3[%add3A_44] : memref<160000xi32, #tpu.memory_space<hbm>> -> memref<40xi32, #tpu.memory_space<hbm>>
      %dma_wait3A_109 = tpu.memref_slice %arg3[%add3A_44] : memref<160000xi32, #tpu.memory_space<hbm>> -> memref<40xi32, #tpu.memory_space<hbm>>
      tpu.wait_dma2 semaphore(%arg45 : memref<!tpu.dma_semaphore, #tpu.memory_space<semaphore_mem>>) src(%dma_wait3A_109 : memref<40xi32, #tpu.memory_space<hbm>>) dst(%arg19 : memref<40xi32, #tpu.memory_space<vmem>>)
      %dma_wait3A_110 = tpu.memref_slice %arg4[%add3A_44] : memref<160000xf32, #tpu.memory_space<hbm>> -> memref<40xf32, #tpu.memory_space<hbm>>
      %dma_wait3A_111 = tpu.memref_slice %arg4[%add3A_44] : memref<160000xf32, #tpu.memory_space<hbm>> -> memref<40xf32, #tpu.memory_space<hbm>>
      tpu.wait_dma2 semaphore(%arg45 : memref<!tpu.dma_semaphore, #tpu.memory_space<semaphore_mem>>) src(%dma_wait3A_111 : memref<40xf32, #tpu.memory_space<hbm>>) dst(%arg24 : memref<40xf32, #tpu.memory_space<vmem>>)
      %dma_start3A_112 = arith.constant 0 : i32
      %dma_start3A_113 = arith.constant 0 : i32
      %dma_start3A_114 = tpu.memref_slice %arg6[%dma_start3A_112, %dma_start3A_113] : memref<10000x128xf32, #tpu.memory_space<hbm>> -> memref<10000x128xf32, #tpu.memory_space<hbm>>
      tpu.enqueue_indirect_dma source(%dma_start3A_114 : memref<10000x128xf32, #tpu.memory_space<hbm>>) target(%arg39 : memref<40x128xf32, #tpu.memory_space<vmem>>) offsets(%arg14 : memref<40xi32, #tpu.memory_space<vmem>>) semaphore(%arg46 : memref<!tpu.dma_semaphore, #tpu.memory_space<semaphore_mem>>)
      %dma_start3A_115 = arith.constant 0 : i32
      %dma_start3A_116 = arith.constant 0 : i32
      %dma_start3A_117 = tpu.memref_slice %arg6[%dma_start3A_115, %dma_start3A_116] : memref<10000x128xf32, #tpu.memory_space<hbm>> -> memref<10000x128xf32, #tpu.memory_space<hbm>>
      tpu.enqueue_indirect_dma source(%dma_start3A_117 : memref<10000x128xf32, #tpu.memory_space<hbm>>) target(%arg44 : memref<40x128xf32, #tpu.memory_space<vmem>>) offsets(%arg19 : memref<40xi32, #tpu.memory_space<vmem>>) semaphore(%arg46 : memref<!tpu.dma_semaphore, #tpu.memory_space<semaphore_mem>>)
      %dma_start3A_118 = arith.constant 0 : i32
      %dma_start3A_119 = tpu.memref_slice %arg5[%dma_start3A_118] : memref<10000xf32, #tpu.memory_space<hbm>> -> memref<10000xf32, #tpu.memory_space<hbm>>
      tpu.enqueue_indirect_dma source(%dma_start3A_119 : memref<10000xf32, #tpu.memory_space<hbm>>) target(%arg29 : memref<40xf32, #tpu.memory_space<vmem>>) offsets(%arg14 : memref<40xi32, #tpu.memory_space<vmem>>) semaphore(%arg46 : memref<!tpu.dma_semaphore, #tpu.memory_space<semaphore_mem>>)
      %add3A_120 = arith.constant 0 : i32
      %add3A_121 = arith.addi %add3A_11, %add3A_120 : i32
      %dma_wait3A_122 = arith.constant 0 : i32
      %dma_wait3A_123 = arith.constant 0 : i32
      %dma_wait3A_124 = tpu.memref_slice %arg6[%dma_wait3A_122, %dma_wait3A_123] : memref<10000x128xf32, #tpu.memory_space<hbm>> -> memref<10000x128xf32, #tpu.memory_space<hbm>>
      tpu.wait_indirect_dma semaphore(%arg46 : memref<!tpu.dma_semaphore, #tpu.memory_space<semaphore_mem>>) src(%dma_wait3A_124 : memref<10000x128xf32, #tpu.memory_space<hbm>>) dst(%arg35 : memref<40x128xf32, #tpu.memory_space<vmem>>)
      %dma_wait3A_125 = arith.constant 0 : i32
      %dma_wait3A_126 = arith.constant 0 : i32
      %dma_wait3A_127 = tpu.memref_slice %arg6[%dma_wait3A_125, %dma_wait3A_126] : memref<10000x128xf32, #tpu.memory_space<hbm>> -> memref<10000x128xf32, #tpu.memory_space<hbm>>
      tpu.wait_indirect_dma semaphore(%arg46 : memref<!tpu.dma_semaphore, #tpu.memory_space<semaphore_mem>>) src(%dma_wait3A_127 : memref<10000x128xf32, #tpu.memory_space<hbm>>) dst(%arg40 : memref<40x128xf32, #tpu.memory_space<vmem>>)
      %dma_wait3A_128 = arith.constant 0 : i32
      %dma_wait3A_129 = tpu.memref_slice %arg5[%dma_wait3A_128] : memref<10000xf32, #tpu.memory_space<hbm>> -> memref<10000xf32, #tpu.memory_space<hbm>>
      tpu.wait_indirect_dma semaphore(%arg46 : memref<!tpu.dma_semaphore, #tpu.memory_space<semaphore_mem>>) src(%dma_wait3A_129 : memref<10000xf32, #tpu.memory_space<hbm>>) dst(%arg25 : memref<40xf32, #tpu.memory_space<vmem>>)
      %get3A = arith.constant 0 : index
      %get3A_130 = tpu.vector_load %arg20[%get3A] {strides = array<i32>} : memref<40xf32, #tpu.memory_space<vmem>>, vector<16xf32>,
      %get3A_131 = vector.shape_cast %get3A_130 : vector<16xf32> to vector<16xf32>
      %get3A_132 = arith.constant 0 : index
      %get3A_133 = tpu.vector_load %arg25[%get3A_132] {strides = array<i32>} : memref<40xf32, #tpu.memory_space<vmem>>, vector<16xf32>,
      %get3A_134 = vector.shape_cast %get3A_133 : vector<16xf32> to vector<16xf32>
      %sub3A = arith.subf %get3A_131, %get3A_134 : vector<16xf32>
      %swap3A = arith.constant 0 : index
      %swap3A_135 = tpu.vector_load %arg30[%swap3A] {strides = array<i32>} : memref<40xf32, #tpu.memory_space<vmem>>, vector<16xf32>,
      %swap3A_136 = vector.shape_cast %swap3A_135 : vector<16xf32> to vector<16xf32>
      %swap3A_137 = vector.shape_cast %sub3A : vector<16xf32> to vector<16xf32>
      tpu.vector_store %arg30[%swap3A], %swap3A_137 {strides = array<i32>} : memref<40xf32, #tpu.memory_space<vmem>>, vector<16xf32>,
      %get3A_138 = arith.constant 16 : index
      %get3A_139 = tpu.vector_load %arg20[%get3A_138] {strides = array<i32>} : memref<40xf32, #tpu.memory_space<vmem>>, vector<16xf32>,
      %get3A_140 = vector.shape_cast %get3A_139 : vector<16xf32> to vector<16xf32>
      %get3A_141 = arith.constant 16 : index
      %get3A_142 = tpu.vector_load %arg25[%get3A_141] {strides = array<i32>} : memref<40xf32, #tpu.memory_space<vmem>>, vector<16xf32>,
      %get3A_143 = vector.shape_cast %get3A_142 : vector<16xf32> to vector<16xf32>
      %sub3A_144 = arith.subf %get3A_140, %get3A_143 : vector<16xf32>
      %swap3A_145 = arith.constant 16 : index
      %swap3A_146 = tpu.vector_load %arg30[%swap3A_145] {strides = array<i32>} : memref<40xf32, #tpu.memory_space<vmem>>, vector<16xf32>,
      %swap3A_147 = vector.shape_cast %swap3A_146 : vector<16xf32> to vector<16xf32>
      %swap3A_148 = vector.shape_cast %sub3A_144 : vector<16xf32> to vector<16xf32>
      tpu.vector_store %arg30[%swap3A_145], %swap3A_148 {strides = array<i32>} : memref<40xf32, #tpu.memory_space<vmem>>, vector<16xf32>,
      %get3A_149 = arith.constant 24 : index
      %get3A_150 = tpu.vector_load %arg20[%get3A_149] {strides = array<i32>} : memref<40xf32, #tpu.memory_space<vmem>>, vector<16xf32>,
      %get3A_151 = vector.shape_cast %get3A_150 : vector<16xf32> to vector<16xf32>
      %get3A_152 = arith.constant 24 : index
      %get3A_153 = tpu.vector_load %arg25[%get3A_152] {strides = array<i32>} : memref<40xf32, #tpu.memory_space<vmem>>, vector<16xf32>,
      %get3A_154 = vector.shape_cast %get3A_153 : vector<16xf32> to vector<16xf32>
      %sub3A_155 = arith.subf %get3A_151, %get3A_154 : vector<16xf32>
      %swap3A_156 = arith.constant 24 : index
      %swap3A_157 = tpu.vector_load %arg30[%swap3A_156] {strides = array<i32>} : memref<40xf32, #tpu.memory_space<vmem>>, vector<16xf32>,
      %swap3A_158 = vector.shape_cast %swap3A_157 : vector<16xf32> to vector<16xf32>
      %swap3A_159 = vector.shape_cast %sub3A_155 : vector<16xf32> to vector<16xf32>
      tpu.vector_store %arg30[%swap3A_156], %swap3A_159 {strides = array<i32>} : memref<40xf32, #tpu.memory_space<vmem>>, vector<16xf32>,
      %dma_start3A_160 = arith.constant 0 : i32
      %dma_start3A_161 = tpu.memref_slice %arg8[%add3A_121, %dma_start3A_160] : memref<160000x128xf32, #tpu.memory_space<hbm>> -> memref<40x128xf32, #tpu.memory_space<hbm>>
      %dma_start3A_162 = arith.constant 0 : i32
      %dma_start3A_163 = tpu.memref_slice %arg8[%add3A_121, %dma_start3A_162] : memref<160000x128xf32, #tpu.memory_space<hbm>> -> memref<40x128xf32, #tpu.memory_space<hbm>>
      tpu.enqueue_dma source(%arg35 : memref<40x128xf32, #tpu.memory_space<vmem>>) target(%dma_start3A_163 : memref<40x128xf32, #tpu.memory_space<hbm>>) target_semaphore(%arg47 : memref<!tpu.dma_semaphore, #tpu.memory_space<semaphore_mem>>)
      %dma_start3A_164 = arith.constant 0 : i32
      %dma_start3A_165 = tpu.memref_slice %arg9[%add3A_121, %dma_start3A_164] : memref<160000x128xf32, #tpu.memory_space<hbm>> -> memref<40x128xf32, #tpu.memory_space<hbm>>
      %dma_start3A_166 = arith.constant 0 : i32
      %dma_start3A_167 = tpu.memref_slice %arg9[%add3A_121, %dma_start3A_166] : memref<160000x128xf32, #tpu.memory_space<hbm>> -> memref<40x128xf32, #tpu.memory_space<hbm>>
      tpu.enqueue_dma source(%arg40 : memref<40x128xf32, #tpu.memory_space<vmem>>) target(%dma_start3A_167 : memref<40x128xf32, #tpu.memory_space<hbm>>) target_semaphore(%arg47 : memref<!tpu.dma_semaphore, #tpu.memory_space<semaphore_mem>>)
      %dma_start3A_168 = tpu.memref_slice %arg7[%add3A_121] : memref<160000xf32, #tpu.memory_space<hbm>> -> memref<40xf32, #tpu.memory_space<hbm>>
      %dma_start3A_169 = tpu.memref_slice %arg7[%add3A_121] : memref<160000xf32, #tpu.memory_space<hbm>> -> memref<40xf32, #tpu.memory_space<hbm>>
      tpu.enqueue_dma source(%arg30 : memref<40xf32, #tpu.memory_space<vmem>>) target(%dma_start3A_169 : memref<40xf32, #tpu.memory_space<hbm>>) target_semaphore(%arg47 : memref<!tpu.dma_semaphore, #tpu.memory_space<semaphore_mem>>)
      %add3A_170 = arith.constant 40 : i32
      %add3A_171 = arith.addi %add3A_11, %add3A_170 : i32
      %dma_wait3A_172 = arith.constant 0 : i32
      %dma_wait3A_173 = arith.constant 0 : i32
      %dma_wait3A_174 = tpu.memref_slice %arg6[%dma_wait3A_172, %dma_wait3A_173] : memref<10000x128xf32, #tpu.memory_space<hbm>> -> memref<10000x128xf32, #tpu.memory_space<hbm>>
      tpu.wait_indirect_dma semaphore(%arg46 : memref<!tpu.dma_semaphore, #tpu.memory_space<semaphore_mem>>) src(%dma_wait3A_174 : memref<10000x128xf32, #tpu.memory_space<hbm>>) dst(%arg36 : memref<40x128xf32, #tpu.memory_space<vmem>>)
      %dma_wait3A_175 = arith.constant 0 : i32
      %dma_wait3A_176 = arith.constant 0 : i32
      %dma_wait3A_177 = tpu.memref_slice %arg6[%dma_wait3A_175, %dma_wait3A_176] : memref<10000x128xf32, #tpu.memory_space<hbm>> -> memref<10000x128xf32, #tpu.memory_space<hbm>>
      tpu.wait_indirect_dma semaphore(%arg46 : memref<!tpu.dma_semaphore, #tpu.memory_space<semaphore_mem>>) src(%dma_wait3A_177 : memref<10000x128xf32, #tpu.memory_space<hbm>>) dst(%arg41 : memref<40x128xf32, #tpu.memory_space<vmem>>)
      %dma_wait3A_178 = arith.constant 0 : i32
      %dma_wait3A_179 = tpu.memref_slice %arg5[%dma_wait3A_178] : memref<10000xf32, #tpu.memory_space<hbm>> -> memref<10000xf32, #tpu.memory_space<hbm>>
      tpu.wait_indirect_dma semaphore(%arg46 : memref<!tpu.dma_semaphore, #tpu.memory_space<semaphore_mem>>) src(%dma_wait3A_179 : memref<10000xf32, #tpu.memory_space<hbm>>) dst(%arg26 : memref<40xf32, #tpu.memory_space<vmem>>)
      %get3A_180 = arith.constant 0 : index
      %get3A_181 = tpu.vector_load %arg21[%get3A_180] {strides = array<i32>} : memref<40xf32, #tpu.memory_space<vmem>>, vector<16xf32>,
      %get3A_182 = vector.shape_cast %get3A_181 : vector<16xf32> to vector<16xf32>
      %get3A_183 = arith.constant 0 : index
      %get3A_184 = tpu.vector_load %arg26[%get3A_183] {strides = array<i32>} : memref<40xf32, #tpu.memory_space<vmem>>, vector<16xf32>,
      %get3A_185 = vector.shape_cast %get3A_184 : vector<16xf32> to vector<16xf32>
      %sub3A_186 = arith.subf %get3A_182, %get3A_185 : vector<16xf32>
      %swap3A_187 = arith.constant 0 : index
      %swap3A_188 = tpu.vector_load %arg31[%swap3A_187] {strides = array<i32>} : memref<40xf32, #tpu.memory_space<vmem>>, vector<16xf32>,
      %swap3A_189 = vector.shape_cast %swap3A_188 : vector<16xf32> to vector<16xf32>
      %swap3A_190 = vector.shape_cast %sub3A_186 : vector<16xf32> to vector<16xf32>
      tpu.vector_store %arg31[%swap3A_187], %swap3A_190 {strides = array<i32>} : memref<40xf32, #tpu.memory_space<vmem>>, vector<16xf32>,
      %get3A_191 = arith.constant 16 : index
      %get3A_192 = tpu.vector_load %arg21[%get3A_191] {strides = array<i32>} : memref<40xf32, #tpu.memory_space<vmem>>, vector<16xf32>,
      %get3A_193 = vector.shape_cast %get3A_192 : vector<16xf32> to vector<16xf32>
      %get3A_194 = arith.constant 16 : index
      %get3A_195 = tpu.vector_load %arg26[%get3A_194] {strides = array<i32>} : memref<40xf32, #tpu.memory_space<vmem>>, vector<16xf32>,
      %get3A_196 = vector.shape_cast %get3A_195 : vector<16xf32> to vector<16xf32>
      %sub3A_197 = arith.subf %get3A_193, %get3A_196 : vector<16xf32>
      %swap3A_198 = arith.constant 16 : index
      %swap3A_199 = tpu.vector_load %arg31[%swap3A_198] {strides = array<i32>} : memref<40xf32, #tpu.memory_space<vmem>>, vector<16xf32>,
      %swap3A_200 = vector.shape_cast %swap3A_199 : vector<16xf32> to vector<16xf32>
      %swap3A_201 = vector.shape_cast %sub3A_197 : vector<16xf32> to vector<16xf32>
      tpu.vector_store %arg31[%swap3A_198], %swap3A_201 {strides = array<i32>} : memref<40xf32, #tpu.memory_space<vmem>>, vector<16xf32>,
      %get3A_202 = arith.constant 24 : index
      %get3A_203 = tpu.vector_load %arg21[%get3A_202] {strides = array<i32>} : memref<40xf32, #tpu.memory_space<vmem>>, vector<16xf32>,
      %get3A_204 = vector.shape_cast %get3A_203 : vector<16xf32> to vector<16xf32>
      %get3A_205 = arith.constant 24 : index
      %get3A_206 = tpu.vector_load %arg26[%get3A_205] {strides = array<i32>} : memref<40xf32, #tpu.memory_space<vmem>>, vector<16xf32>,
      %get3A_207 = vector.shape_cast %get3A_206 : vector<16xf32> to vector<16xf32>
      %sub3A_208 = arith.subf %get3A_204, %get3A_207 : vector<16xf32>
      %swap3A_209 = arith.constant 24 : index
      %swap3A_210 = tpu.vector_load %arg31[%swap3A_209] {strides = array<i32>} : memref<40xf32, #tpu.memory_space<vmem>>, vector<16xf32>,
      %swap3A_211 = vector.shape_cast %swap3A_210 : vector<16xf32> to vector<16xf32>
      %swap3A_212 = vector.shape_cast %sub3A_208 : vector<16xf32> to vector<16xf32>
      tpu.vector_store %arg31[%swap3A_209], %swap3A_212 {strides = array<i32>} : memref<40xf32, #tpu.memory_space<vmem>>, vector<16xf32>,
      %dma_start3A_213 = arith.constant 0 : i32
      %dma_start3A_214 = tpu.memref_slice %arg8[%add3A_171, %dma_start3A_213] : memref<160000x128xf32, #tpu.memory_space<hbm>> -> memref<40x128xf32, #tpu.memory_space<hbm>>
      %dma_start3A_215 = arith.constant 0 : i32
      %dma_start3A_216 = tpu.memref_slice %arg8[%add3A_171, %dma_start3A_215] : memref<160000x128xf32, #tpu.memory_space<hbm>> -> memref<40x128xf32, #tpu.memory_space<hbm>>
      tpu.enqueue_dma source(%arg36 : memref<40x128xf32, #tpu.memory_space<vmem>>) target(%dma_start3A_216 : memref<40x128xf32, #tpu.memory_space<hbm>>) target_semaphore(%arg47 : memref<!tpu.dma_semaphore, #tpu.memory_space<semaphore_mem>>)
      %dma_start3A_217 = arith.constant 0 : i32
      %dma_start3A_218 = tpu.memref_slice %arg9[%add3A_171, %dma_start3A_217] : memref<160000x128xf32, #tpu.memory_space<hbm>> -> memref<40x128xf32, #tpu.memory_space<hbm>>
      %dma_start3A_219 = arith.constant 0 : i32
      %dma_start3A_220 = tpu.memref_slice %arg9[%add3A_171, %dma_start3A_219] : memref<160000x128xf32, #tpu.memory_space<hbm>> -> memref<40x128xf32, #tpu.memory_space<hbm>>
      tpu.enqueue_dma source(%arg41 : memref<40x128xf32, #tpu.memory_space<vmem>>) target(%dma_start3A_220 : memref<40x128xf32, #tpu.memory_space<hbm>>) target_semaphore(%arg47 : memref<!tpu.dma_semaphore, #tpu.memory_space<semaphore_mem>>)
      %dma_start3A_221 = tpu.memref_slice %arg7[%add3A_171] : memref<160000xf32, #tpu.memory_space<hbm>> -> memref<40xf32, #tpu.memory_space<hbm>>
      %dma_start3A_222 = tpu.memref_slice %arg7[%add3A_171] : memref<160000xf32, #tpu.memory_space<hbm>> -> memref<40xf32, #tpu.memory_space<hbm>>
      tpu.enqueue_dma source(%arg31 : memref<40xf32, #tpu.memory_space<vmem>>) target(%dma_start3A_222 : memref<40xf32, #tpu.memory_space<hbm>>) target_semaphore(%arg47 : memref<!tpu.dma_semaphore, #tpu.memory_space<semaphore_mem>>)
      %add3A_223 = arith.constant 80 : i32
      %add3A_224 = arith.addi %add3A_11, %add3A_223 : i32
      %dma_wait3A_225 = arith.constant 0 : i32
      %dma_wait3A_226 = arith.constant 0 : i32
      %dma_wait3A_227 = tpu.memref_slice %arg6[%dma_wait3A_225, %dma_wait3A_226] : memref<10000x128xf32, #tpu.memory_space<hbm>> -> memref<10000x128xf32, #tpu.memory_space<hbm>>
      tpu.wait_indirect_dma semaphore(%arg46 : memref<!tpu.dma_semaphore, #tpu.memory_space<semaphore_mem>>) src(%dma_wait3A_227 : memref<10000x128xf32, #tpu.memory_space<hbm>>) dst(%arg37 : memref<40x128xf32, #tpu.memory_space<vmem>>)
      %dma_wait3A_228 = arith.constant 0 : i32
      %dma_wait3A_229 = arith.constant 0 : i32
      %dma_wait3A_230 = tpu.memref_slice %arg6[%dma_wait3A_228, %dma_wait3A_229] : memref<10000x128xf32, #tpu.memory_space<hbm>> -> memref<10000x128xf32, #tpu.memory_space<hbm>>
      tpu.wait_indirect_dma semaphore(%arg46 : memref<!tpu.dma_semaphore, #tpu.memory_space<semaphore_mem>>) src(%dma_wait3A_230 : memref<10000x128xf32, #tpu.memory_space<hbm>>) dst(%arg42 : memref<40x128xf32, #tpu.memory_space<vmem>>)
      %dma_wait3A_231 = arith.constant 0 : i32
      %dma_wait3A_232 = tpu.memref_slice %arg5[%dma_wait3A_231] : memref<10000xf32, #tpu.memory_space<hbm>> -> memref<10000xf32, #tpu.memory_space<hbm>>
      tpu.wait_indirect_dma semaphore(%arg46 : memref<!tpu.dma_semaphore, #tpu.memory_space<semaphore_mem>>) src(%dma_wait3A_232 : memref<10000xf32, #tpu.memory_space<hbm>>) dst(%arg27 : memref<40xf32, #tpu.memory_space<vmem>>)
      %get3A_233 = arith.constant 0 : index
      %get3A_234 = tpu.vector_load %arg22[%get3A_233] {strides = array<i32>} : memref<40xf32, #tpu.memory_space<vmem>>, vector<16xf32>,
      %get3A_235 = vector.shape_cast %get3A_234 : vector<16xf32> to vector<16xf32>
      %get3A_236 = arith.constant 0 : index
      %get3A_237 = tpu.vector_load %arg27[%get3A_236] {strides = array<i32>} : memref<40xf32, #tpu.memory_space<vmem>>, vector<16xf32>,
      %get3A_238 = vector.shape_cast %get3A_237 : vector<16xf32> to vector<16xf32>
      %sub3A_239 = arith.subf %get3A_235, %get3A_238 : vector<16xf32>
      %swap3A_240 = arith.constant 0 : index
      %swap3A_241 = tpu.vector_load %arg32[%swap3A_240] {strides = array<i32>} : memref<40xf32, #tpu.memory_space<vmem>>, vector<16xf32>,
      %swap3A_242 = vector.shape_cast %swap3A_241 : vector<16xf32> to vector<16xf32>
      %swap3A_243 = vector.shape_cast %sub3A_239 : vector<16xf32> to vector<16xf32>
      tpu.vector_store %arg32[%swap3A_240], %swap3A_243 {strides = array<i32>} : memref<40xf32, #tpu.memory_space<vmem>>, vector<16xf32>,
      %get3A_244 = arith.constant 16 : index
      %get3A_245 = tpu.vector_load %arg22[%get3A_244] {strides = array<i32>} : memref<40xf32, #tpu.memory_space<vmem>>, vector<16xf32>,
      %get3A_246 = vector.shape_cast %get3A_245 : vector<16xf32> to vector<16xf32>
      %get3A_247 = arith.constant 16 : index
      %get3A_248 = tpu.vector_load %arg27[%get3A_247] {strides = array<i32>} : memref<40xf32, #tpu.memory_space<vmem>>, vector<16xf32>,
      %get3A_249 = vector.shape_cast %get3A_248 : vector<16xf32> to vector<16xf32>
      %sub3A_250 = arith.subf %get3A_246, %get3A_249 : vector<16xf32>
      %swap3A_251 = arith.constant 16 : index
      %swap3A_252 = tpu.vector_load %arg32[%swap3A_251] {strides = array<i32>} : memref<40xf32, #tpu.memory_space<vmem>>, vector<16xf32>,
      %swap3A_253 = vector.shape_cast %swap3A_252 : vector<16xf32> to vector<16xf32>
      %swap3A_254 = vector.shape_cast %sub3A_250 : vector<16xf32> to vector<16xf32>
      tpu.vector_store %arg32[%swap3A_251], %swap3A_254 {strides = array<i32>} : memref<40xf32, #tpu.memory_space<vmem>>, vector<16xf32>,
      %get3A_255 = arith.constant 24 : index
      %get3A_256 = tpu.vector_load %arg22[%get3A_255] {strides = array<i32>} : memref<40xf32, #tpu.memory_space<vmem>>, vector<16xf32>,
      %get3A_257 = vector.shape_cast %get3A_256 : vector<16xf32> to vector<16xf32>
      %get3A_258 = arith.constant 24 : index
      %get3A_259 = tpu.vector_load %arg27[%get3A_258] {strides = array<i32>} : memref<40xf32, #tpu.memory_space<vmem>>, vector<16xf32>,
      %get3A_260 = vector.shape_cast %get3A_259 : vector<16xf32> to vector<16xf32>
      %sub3A_261 = arith.subf %get3A_257, %get3A_260 : vector<16xf32>
      %swap3A_262 = arith.constant 24 : index
      %swap3A_263 = tpu.vector_load %arg32[%swap3A_262] {strides = array<i32>} : memref<40xf32, #tpu.memory_space<vmem>>, vector<16xf32>,
      %swap3A_264 = vector.shape_cast %swap3A_263 : vector<16xf32> to vector<16xf32>
      %swap3A_265 = vector.shape_cast %sub3A_261 : vector<16xf32> to vector<16xf32>
      tpu.vector_store %arg32[%swap3A_262], %swap3A_265 {strides = array<i32>} : memref<40xf32, #tpu.memory_space<vmem>>, vector<16xf32>,
      %dma_start3A_266 = arith.constant 0 : i32
      %dma_start3A_267 = tpu.memref_slice %arg8[%add3A_224, %dma_start3A_266] : memref<160000x128xf32, #tpu.memory_space<hbm>> -> memref<40x128xf32, #tpu.memory_space<hbm>>
      %dma_start3A_268 = arith.constant 0 : i32
      %dma_start3A_269 = tpu.memref_slice %arg8[%add3A_224, %dma_start3A_268] : memref<160000x128xf32, #tpu.memory_space<hbm>> -> memref<40x128xf32, #tpu.memory_space<hbm>>
      tpu.enqueue_dma source(%arg37 : memref<40x128xf32, #tpu.memory_space<vmem>>) target(%dma_start3A_269 : memref<40x128xf32, #tpu.memory_space<hbm>>) target_semaphore(%arg47 : memref<!tpu.dma_semaphore, #tpu.memory_space<semaphore_mem>>)
      %dma_start3A_270 = arith.constant 0 : i32
      %dma_start3A_271 = tpu.memref_slice %arg9[%add3A_224, %dma_start3A_270] : memref<160000x128xf32, #tpu.memory_space<hbm>> -> memref<40x128xf32, #tpu.memory_space<hbm>>
      %dma_start3A_272 = arith.constant 0 : i32
      %dma_start3A_273 = tpu.memref_slice %arg9[%add3A_224, %dma_start3A_272] : memref<160000x128xf32, #tpu.memory_space<hbm>> -> memref<40x128xf32, #tpu.memory_space<hbm>>
      tpu.enqueue_dma source(%arg42 : memref<40x128xf32, #tpu.memory_space<vmem>>) target(%dma_start3A_273 : memref<40x128xf32, #tpu.memory_space<hbm>>) target_semaphore(%arg47 : memref<!tpu.dma_semaphore, #tpu.memory_space<semaphore_mem>>)
      %dma_start3A_274 = tpu.memref_slice %arg7[%add3A_224] : memref<160000xf32, #tpu.memory_space<hbm>> -> memref<40xf32, #tpu.memory_space<hbm>>
      %dma_start3A_275 = tpu.memref_slice %arg7[%add3A_224] : memref<160000xf32, #tpu.memory_space<hbm>> -> memref<40xf32, #tpu.memory_space<hbm>>
      tpu.enqueue_dma source(%arg32 : memref<40xf32, #tpu.memory_space<vmem>>) target(%dma_start3A_275 : memref<40xf32, #tpu.memory_space<hbm>>) target_semaphore(%arg47 : memref<!tpu.dma_semaphore, #tpu.memory_space<semaphore_mem>>)
      %add3A_276 = arith.constant 120 : i32
      %add3A_277 = arith.addi %add3A_11, %add3A_276 : i32
      %dma_wait3A_278 = arith.constant 0 : i32
      %dma_wait3A_279 = arith.constant 0 : i32
      %dma_wait3A_280 = tpu.memref_slice %arg6[%dma_wait3A_278, %dma_wait3A_279] : memref<10000x128xf32, #tpu.memory_space<hbm>> -> memref<10000x128xf32, #tpu.memory_space<hbm>>
      tpu.wait_indirect_dma semaphore(%arg46 : memref<!tpu.dma_semaphore, #tpu.memory_space<semaphore_mem>>) src(%dma_wait3A_280 : memref<10000x128xf32, #tpu.memory_space<hbm>>) dst(%arg38 : memref<40x128xf32, #tpu.memory_space<vmem>>)
      %dma_wait3A_281 = arith.constant 0 : i32
      %dma_wait3A_282 = arith.constant 0 : i32
      %dma_wait3A_283 = tpu.memref_slice %arg6[%dma_wait3A_281, %dma_wait3A_282] : memref<10000x128xf32, #tpu.memory_space<hbm>> -> memref<10000x128xf32, #tpu.memory_space<hbm>>
      tpu.wait_indirect_dma semaphore(%arg46 : memref<!tpu.dma_semaphore, #tpu.memory_space<semaphore_mem>>) src(%dma_wait3A_283 : memref<10000x128xf32, #tpu.memory_space<hbm>>) dst(%arg43 : memref<40x128xf32, #tpu.memory_space<vmem>>)
      %dma_wait3A_284 = arith.constant 0 : i32
      %dma_wait3A_285 = tpu.memref_slice %arg5[%dma_wait3A_284] : memref<10000xf32, #tpu.memory_space<hbm>> -> memref<10000xf32, #tpu.memory_space<hbm>>
      tpu.wait_indirect_dma semaphore(%arg46 : memref<!tpu.dma_semaphore, #tpu.memory_space<semaphore_mem>>) src(%dma_wait3A_285 : memref<10000xf32, #tpu.memory_space<hbm>>) dst(%arg28 : memref<40xf32, #tpu.memory_space<vmem>>)
      %get3A_286 = arith.constant 0 : index
      %get3A_287 = tpu.vector_load %arg23[%get3A_286] {strides = array<i32>} : memref<40xf32, #tpu.memory_space<vmem>>, vector<16xf32>,
      %get3A_288 = vector.shape_cast %get3A_287 : vector<16xf32> to vector<16xf32>
      %get3A_289 = arith.constant 0 : index
      %get3A_290 = tpu.vector_load %arg28[%get3A_289] {strides = array<i32>} : memref<40xf32, #tpu.memory_space<vmem>>, vector<16xf32>,
      %get3A_291 = vector.shape_cast %get3A_290 : vector<16xf32> to vector<16xf32>
      %sub3A_292 = arith.subf %get3A_288, %get3A_291 : vector<16xf32>
      %swap3A_293 = arith.constant 0 : index
      %swap3A_294 = tpu.vector_load %arg33[%swap3A_293] {strides = array<i32>} : memref<40xf32, #tpu.memory_space<vmem>>, vector<16xf32>,
      %swap3A_295 = vector.shape_cast %swap3A_294 : vector<16xf32> to vector<16xf32>
      %swap3A_296 = vector.shape_cast %sub3A_292 : vector<16xf32> to vector<16xf32>
      tpu.vector_store %arg33[%swap3A_293], %swap3A_296 {strides = array<i32>} : memref<40xf32, #tpu.memory_space<vmem>>, vector<16xf32>,
      %get3A_297 = arith.constant 16 : index
      %get3A_298 = tpu.vector_load %arg23[%get3A_297] {strides = array<i32>} : memref<40xf32, #tpu.memory_space<vmem>>, vector<16xf32>,
      %get3A_299 = vector.shape_cast %get3A_298 : vector<16xf32> to vector<16xf32>
      %get3A_300 = arith.constant 16 : index
      %get3A_301 = tpu.vector_load %arg28[%get3A_300] {strides = array<i32>} : memref<40xf32, #tpu.memory_space<vmem>>, vector<16xf32>,
      %get3A_302 = vector.shape_cast %get3A_301 : vector<16xf32> to vector<16xf32>
      %sub3A_303 = arith.subf %get3A_299, %get3A_302 : vector<16xf32>
      %swap3A_304 = arith.constant 16 : index
      %swap3A_305 = tpu.vector_load %arg33[%swap3A_304] {strides = array<i32>} : memref<40xf32, #tpu.memory_space<vmem>>, vector<16xf32>,
      %swap3A_306 = vector.shape_cast %swap3A_305 : vector<16xf32> to vector<16xf32>
      %swap3A_307 = vector.shape_cast %sub3A_303 : vector<16xf32> to vector<16xf32>
      tpu.vector_store %arg33[%swap3A_304], %swap3A_307 {strides = array<i32>} : memref<40xf32, #tpu.memory_space<vmem>>, vector<16xf32>,
      %get3A_308 = arith.constant 24 : index
      %get3A_309 = tpu.vector_load %arg23[%get3A_308] {strides = array<i32>} : memref<40xf32, #tpu.memory_space<vmem>>, vector<16xf32>,
      %get3A_310 = vector.shape_cast %get3A_309 : vector<16xf32> to vector<16xf32>
      %get3A_311 = arith.constant 24 : index
      %get3A_312 = tpu.vector_load %arg28[%get3A_311] {strides = array<i32>} : memref<40xf32, #tpu.memory_space<vmem>>, vector<16xf32>,
      %get3A_313 = vector.shape_cast %get3A_312 : vector<16xf32> to vector<16xf32>
      %sub3A_314 = arith.subf %get3A_310, %get3A_313 : vector<16xf32>
      %swap3A_315 = arith.constant 24 : index
      %swap3A_316 = tpu.vector_load %arg33[%swap3A_315] {strides = array<i32>} : memref<40xf32, #tpu.memory_space<vmem>>, vector<16xf32>,
      %swap3A_317 = vector.shape_cast %swap3A_316 : vector<16xf32> to vector<16xf32>
      %swap3A_318 = vector.shape_cast %sub3A_314 : vector<16xf32> to vector<16xf32>
      tpu.vector_store %arg33[%swap3A_315], %swap3A_318 {strides = array<i32>} : memref<40xf32, #tpu.memory_space<vmem>>, vector<16xf32>,
      %dma_start3A_319 = arith.constant 0 : i32
      %dma_start3A_320 = tpu.memref_slice %arg8[%add3A_277, %dma_start3A_319] : memref<160000x128xf32, #tpu.memory_space<hbm>> -> memref<40x128xf32, #tpu.memory_space<hbm>>
      %dma_start3A_321 = arith.constant 0 : i32
      %dma_start3A_322 = tpu.memref_slice %arg8[%add3A_277, %dma_start3A_321] : memref<160000x128xf32, #tpu.memory_space<hbm>> -> memref<40x128xf32, #tpu.memory_space<hbm>>
      tpu.enqueue_dma source(%arg38 : memref<40x128xf32, #tpu.memory_space<vmem>>) target(%dma_start3A_322 : memref<40x128xf32, #tpu.memory_space<hbm>>) target_semaphore(%arg47 : memref<!tpu.dma_semaphore, #tpu.memory_space<semaphore_mem>>)
      %dma_start3A_323 = arith.constant 0 : i32
      %dma_start3A_324 = tpu.memref_slice %arg9[%add3A_277, %dma_start3A_323] : memref<160000x128xf32, #tpu.memory_space<hbm>> -> memref<40x128xf32, #tpu.memory_space<hbm>>
      %dma_start3A_325 = arith.constant 0 : i32
      %dma_start3A_326 = tpu.memref_slice %arg9[%add3A_277, %dma_start3A_325] : memref<160000x128xf32, #tpu.memory_space<hbm>> -> memref<40x128xf32, #tpu.memory_space<hbm>>
      tpu.enqueue_dma source(%arg43 : memref<40x128xf32, #tpu.memory_space<vmem>>) target(%dma_start3A_326 : memref<40x128xf32, #tpu.memory_space<hbm>>) target_semaphore(%arg47 : memref<!tpu.dma_semaphore, #tpu.memory_space<semaphore_mem>>)
      %dma_start3A_327 = tpu.memref_slice %arg7[%add3A_277] : memref<160000xf32, #tpu.memory_space<hbm>> -> memref<40xf32, #tpu.memory_space<hbm>>
      %dma_start3A_328 = tpu.memref_slice %arg7[%add3A_277] : memref<160000xf32, #tpu.memory_space<hbm>> -> memref<40xf32, #tpu.memory_space<hbm>>
      tpu.enqueue_dma source(%arg33 : memref<40xf32, #tpu.memory_space<vmem>>) target(%dma_start3A_328 : memref<40xf32, #tpu.memory_space<hbm>>) target_semaphore(%arg47 : memref<!tpu.dma_semaphore, #tpu.memory_space<semaphore_mem>>)
      %add3A_329 = arith.constant 160 : i32
      %add3A_330 = arith.addi %add3A_11, %add3A_329 : i32
      %dma_wait3A_331 = arith.constant 0 : i32
      %dma_wait3A_332 = arith.constant 0 : i32
      %dma_wait3A_333 = tpu.memref_slice %arg6[%dma_wait3A_331, %dma_wait3A_332] : memref<10000x128xf32, #tpu.memory_space<hbm>> -> memref<10000x128xf32, #tpu.memory_space<hbm>>
      tpu.wait_indirect_dma semaphore(%arg46 : memref<!tpu.dma_semaphore, #tpu.memory_space<semaphore_mem>>) src(%dma_wait3A_333 : memref<10000x128xf32, #tpu.memory_space<hbm>>) dst(%arg39 : memref<40x128xf32, #tpu.memory_space<vmem>>)
      %dma_wait3A_334 = arith.constant 0 : i32
      %dma_wait3A_335 = arith.constant 0 : i32
      %dma_wait3A_336 = tpu.memref_slice %arg6[%dma_wait3A_334, %dma_wait3A_335] : memref<10000x128xf32, #tpu.memory_space<hbm>> -> memref<10000x128xf32, #tpu.memory_space<hbm>>
      tpu.wait_indirect_dma semaphore(%arg46 : memref<!tpu.dma_semaphore, #tpu.memory_space<semaphore_mem>>) src(%dma_wait3A_336 : memref<10000x128xf32, #tpu.memory_space<hbm>>) dst(%arg44 : memref<40x128xf32, #tpu.memory_space<vmem>>)
      %dma_wait3A_337 = arith.constant 0 : i32
      %dma_wait3A_338 = tpu.memref_slice %arg5[%dma_wait3A_337] : memref<10000xf32, #tpu.memory_space<hbm>> -> memref<10000xf32, #tpu.memory_space<hbm>>
      tpu.wait_indirect_dma semaphore(%arg46 : memref<!tpu.dma_semaphore, #tpu.memory_space<semaphore_mem>>) src(%dma_wait3A_338 : memref<10000xf32, #tpu.memory_space<hbm>>) dst(%arg29 : memref<40xf32, #tpu.memory_space<vmem>>)
      %get3A_339 = arith.constant 0 : index
      %get3A_340 = tpu.vector_load %arg24[%get3A_339] {strides = array<i32>} : memref<40xf32, #tpu.memory_space<vmem>>, vector<16xf32>,
      %get3A_341 = vector.shape_cast %get3A_340 : vector<16xf32> to vector<16xf32>
      %get3A_342 = arith.constant 0 : index
      %get3A_343 = tpu.vector_load %arg29[%get3A_342] {strides = array<i32>} : memref<40xf32, #tpu.memory_space<vmem>>, vector<16xf32>,
      %get3A_344 = vector.shape_cast %get3A_343 : vector<16xf32> to vector<16xf32>
      %sub3A_345 = arith.subf %get3A_341, %get3A_344 : vector<16xf32>
      %swap3A_346 = arith.constant 0 : index
      %swap3A_347 = tpu.vector_load %arg34[%swap3A_346] {strides = array<i32>} : memref<40xf32, #tpu.memory_space<vmem>>, vector<16xf32>,
      %swap3A_348 = vector.shape_cast %swap3A_347 : vector<16xf32> to vector<16xf32>
      %swap3A_349 = vector.shape_cast %sub3A_345 : vector<16xf32> to vector<16xf32>
      tpu.vector_store %arg34[%swap3A_346], %swap3A_349 {strides = array<i32>} : memref<40xf32, #tpu.memory_space<vmem>>, vector<16xf32>,
      %get3A_350 = arith.constant 16 : index
      %get3A_351 = tpu.vector_load %arg24[%get3A_350] {strides = array<i32>} : memref<40xf32, #tpu.memory_space<vmem>>, vector<16xf32>,
      %get3A_352 = vector.shape_cast %get3A_351 : vector<16xf32> to vector<16xf32>
      %get3A_353 = arith.constant 16 : index
      %get3A_354 = tpu.vector_load %arg29[%get3A_353] {strides = array<i32>} : memref<40xf32, #tpu.memory_space<vmem>>, vector<16xf32>,
      %get3A_355 = vector.shape_cast %get3A_354 : vector<16xf32> to vector<16xf32>
      %sub3A_356 = arith.subf %get3A_352, %get3A_355 : vector<16xf32>
      %swap3A_357 = arith.constant 16 : index
      %swap3A_358 = tpu.vector_load %arg34[%swap3A_357] {strides = array<i32>} : memref<40xf32, #tpu.memory_space<vmem>>, vector<16xf32>,
      %swap3A_359 = vector.shape_cast %swap3A_358 : vector<16xf32> to vector<16xf32>
      %swap3A_360 = vector.shape_cast %sub3A_356 : vector<16xf32> to vector<16xf32>
      tpu.vector_store %arg34[%swap3A_357], %swap3A_360 {strides = array<i32>} : memref<40xf32, #tpu.memory_space<vmem>>, vector<16xf32>,
      %get3A_361 = arith.constant 24 : index
      %get3A_362 = tpu.vector_load %arg24[%get3A_361] {strides = array<i32>} : memref<40xf32, #tpu.memory_space<vmem>>, vector<16xf32>,
      %get3A_363 = vector.shape_cast %get3A_362 : vector<16xf32> to vector<16xf32>
      %get3A_364 = arith.constant 24 : index
      %get3A_365 = tpu.vector_load %arg29[%get3A_364] {strides = array<i32>} : memref<40xf32, #tpu.memory_space<vmem>>, vector<16xf32>,
      %get3A_366 = vector.shape_cast %get3A_365 : vector<16xf32> to vector<16xf32>
      %sub3A_367 = arith.subf %get3A_363, %get3A_366 : vector<16xf32>
      %swap3A_368 = arith.constant 24 : index
      %swap3A_369 = tpu.vector_load %arg34[%swap3A_368] {strides = array<i32>} : memref<40xf32, #tpu.memory_space<vmem>>, vector<16xf32>,
      %swap3A_370 = vector.shape_cast %swap3A_369 : vector<16xf32> to vector<16xf32>
      %swap3A_371 = vector.shape_cast %sub3A_367 : vector<16xf32> to vector<16xf32>
      tpu.vector_store %arg34[%swap3A_368], %swap3A_371 {strides = array<i32>} : memref<40xf32, #tpu.memory_space<vmem>>, vector<16xf32>,
      %dma_start3A_372 = arith.constant 0 : i32
      %dma_start3A_373 = tpu.memref_slice %arg8[%add3A_330, %dma_start3A_372] : memref<160000x128xf32, #tpu.memory_space<hbm>> -> memref<40x128xf32, #tpu.memory_space<hbm>>
      %dma_start3A_374 = arith.constant 0 : i32
      %dma_start3A_375 = tpu.memref_slice %arg8[%add3A_330, %dma_start3A_374] : memref<160000x128xf32, #tpu.memory_space<hbm>> -> memref<40x128xf32, #tpu.memory_space<hbm>>
      tpu.enqueue_dma source(%arg39 : memref<40x128xf32, #tpu.memory_space<vmem>>) target(%dma_start3A_375 : memref<40x128xf32, #tpu.memory_space<hbm>>) target_semaphore(%arg47 : memref<!tpu.dma_semaphore, #tpu.memory_space<semaphore_mem>>)
      %dma_start3A_376 = arith.constant 0 : i32
      %dma_start3A_377 = tpu.memref_slice %arg9[%add3A_330, %dma_start3A_376] : memref<160000x128xf32, #tpu.memory_space<hbm>> -> memref<40x128xf32, #tpu.memory_space<hbm>>
      %dma_start3A_378 = arith.constant 0 : i32
      %dma_start3A_379 = tpu.memref_slice %arg9[%add3A_330, %dma_start3A_378] : memref<160000x128xf32, #tpu.memory_space<hbm>> -> memref<40x128xf32, #tpu.memory_space<hbm>>
      tpu.enqueue_dma source(%arg44 : memref<40x128xf32, #tpu.memory_space<vmem>>) target(%dma_start3A_379 : memref<40x128xf32, #tpu.memory_space<hbm>>) target_semaphore(%arg47 : memref<!tpu.dma_semaphore, #tpu.memory_space<semaphore_mem>>)
      %dma_start3A_380 = tpu.memref_slice %arg7[%add3A_330] : memref<160000xf32, #tpu.memory_space<hbm>> -> memref<40xf32, #tpu.memory_space<hbm>>
      %dma_start3A_381 = tpu.memref_slice %arg7[%add3A_330] : memref<160000xf32, #tpu.memory_space<hbm>> -> memref<40xf32, #tpu.memory_space<hbm>>
      tpu.enqueue_dma source(%arg34 : memref<40xf32, #tpu.memory_space<vmem>>) target(%dma_start3A_381 : memref<40xf32, #tpu.memory_space<hbm>>) target_semaphore(%arg47 : memref<!tpu.dma_semaphore, #tpu.memory_space<semaphore_mem>>)
      %dma_wait3A_382 = arith.constant 0 : i32
      %dma_wait3A_383 = tpu.memref_slice %arg8[%add3A_121, %dma_wait3A_382] : memref<160000x128xf32, #tpu.memory_space<hbm>> -> memref<40x128xf32, #tpu.memory_space<hbm>>
      %dma_wait3A_384 = arith.constant 0 : i32
      %dma_wait3A_385 = tpu.memref_slice %arg8[%add3A_121, %dma_wait3A_384] : memref<160000x128xf32, #tpu.memory_space<hbm>> -> memref<40x128xf32, #tpu.memory_space<hbm>>
      tpu.wait_dma2 semaphore(%arg47 : memref<!tpu.dma_semaphore, #tpu.memory_space<semaphore_mem>>) src(%arg35 : memref<40x128xf32, #tpu.memory_space<vmem>>) dst(%dma_wait3A_385 : memref<40x128xf32, #tpu.memory_space<hbm>>)
      %dma_wait3A_386 = arith.constant 0 : i32
      %dma_wait3A_387 = tpu.memref_slice %arg9[%add3A_121, %dma_wait3A_386] : memref<160000x128xf32, #tpu.memory_space<hbm>> -> memref<40x128xf32, #tpu.memory_space<hbm>>
      %dma_wait3A_388 = arith.constant 0 : i32
      %dma_wait3A_389 = tpu.memref_slice %arg9[%add3A_121, %dma_wait3A_388] : memref<160000x128xf32, #tpu.memory_space<hbm>> -> memref<40x128xf32, #tpu.memory_space<hbm>>
      tpu.wait_dma2 semaphore(%arg47 : memref<!tpu.dma_semaphore, #tpu.memory_space<semaphore_mem>>) src(%arg40 : memref<40x128xf32, #tpu.memory_space<vmem>>) dst(%dma_wait3A_389 : memref<40x128xf32, #tpu.memory_space<hbm>>)
      %dma_wait3A_390 = tpu.memref_slice %arg7[%add3A_121] : memref<160000xf32, #tpu.memory_space<hbm>> -> memref<40xf32, #tpu.memory_space<hbm>>
      %dma_wait3A_391 = tpu.memref_slice %arg7[%add3A_121] : memref<160000xf32, #tpu.memory_space<hbm>> -> memref<40xf32, #tpu.memory_space<hbm>>
      tpu.wait_dma2 semaphore(%arg47 : memref<!tpu.dma_semaphore, #tpu.memory_space<semaphore_mem>>) src(%arg30 : memref<40xf32, #tpu.memory_space<vmem>>) dst(%dma_wait3A_391 : memref<40xf32, #tpu.memory_space<hbm>>)
      %dma_wait3A_392 = arith.constant 0 : i32
      %dma_wait3A_393 = tpu.memref_slice %arg8[%add3A_171, %dma_wait3A_392] : memref<160000x128xf32, #tpu.memory_space<hbm>> -> memref<40x128xf32, #tpu.memory_space<hbm>>
      %dma_wait3A_394 = arith.constant 0 : i32
      %dma_wait3A_395 = tpu.memref_slice %arg8[%add3A_171, %dma_wait3A_394] : memref<160000x128xf32, #tpu.memory_space<hbm>> -> memref<40x128xf32, #tpu.memory_space<hbm>>
      tpu.wait_dma2 semaphore(%arg47 : memref<!tpu.dma_semaphore, #tpu.memory_space<semaphore_mem>>) src(%arg36 : memref<40x128xf32, #tpu.memory_space<vmem>>) dst(%dma_wait3A_395 : memref<40x128xf32, #tpu.memory_space<hbm>>)
      %dma_wait3A_396 = arith.constant 0 : i32
      %dma_wait3A_397 = tpu.memref_slice %arg9[%add3A_171, %dma_wait3A_396] : memref<160000x128xf32, #tpu.memory_space<hbm>> -> memref<40x128xf32, #tpu.memory_space<hbm>>
      %dma_wait3A_398 = arith.constant 0 : i32
      %dma_wait3A_399 = tpu.memref_slice %arg9[%add3A_171, %dma_wait3A_398] : memref<160000x128xf32, #tpu.memory_space<hbm>> -> memref<40x128xf32, #tpu.memory_space<hbm>>
      tpu.wait_dma2 semaphore(%arg47 : memref<!tpu.dma_semaphore, #tpu.memory_space<semaphore_mem>>) src(%arg41 : memref<40x128xf32, #tpu.memory_space<vmem>>) dst(%dma_wait3A_399 : memref<40x128xf32, #tpu.memory_space<hbm>>)
      %dma_wait3A_400 = tpu.memref_slice %arg7[%add3A_171] : memref<160000xf32, #tpu.memory_space<hbm>> -> memref<40xf32, #tpu.memory_space<hbm>>
      %dma_wait3A_401 = tpu.memref_slice %arg7[%add3A_171] : memref<160000xf32, #tpu.memory_space<hbm>> -> memref<40xf32, #tpu.memory_space<hbm>>
      tpu.wait_dma2 semaphore(%arg47 : memref<!tpu.dma_semaphore, #tpu.memory_space<semaphore_mem>>) src(%arg31 : memref<40xf32, #tpu.memory_space<vmem>>) dst(%dma_wait3A_401 : memref<40xf32, #tpu.memory_space<hbm>>)
      %dma_wait3A_402 = arith.constant 0 : i32
      %dma_wait3A_403 = tpu.memref_slice %arg8[%add3A_224, %dma_wait3A_402] : memref<160000x128xf32, #tpu.memory_space<hbm>> -> memref<40x128xf32, #tpu.memory_space<hbm>>
      %dma_wait3A_404 = arith.constant 0 : i32
      %dma_wait3A_405 = tpu.memref_slice %arg8[%add3A_224, %dma_wait3A_404] : memref<160000x128xf32, #tpu.memory_space<hbm>> -> memref<40x128xf32, #tpu.memory_space<hbm>>
      tpu.wait_dma2 semaphore(%arg47 : memref<!tpu.dma_semaphore, #tpu.memory_space<semaphore_mem>>) src(%arg37 : memref<40x128xf32, #tpu.memory_space<vmem>>) dst(%dma_wait3A_405 : memref<40x128xf32, #tpu.memory_space<hbm>>)
      %dma_wait3A_406 = arith.constant 0 : i32
      %dma_wait3A_407 = tpu.memref_slice %arg9[%add3A_224, %dma_wait3A_406] : memref<160000x128xf32, #tpu.memory_space<hbm>> -> memref<40x128xf32, #tpu.memory_space<hbm>>
      %dma_wait3A_408 = arith.constant 0 : i32
      %dma_wait3A_409 = tpu.memref_slice %arg9[%add3A_224, %dma_wait3A_408] : memref<160000x128xf32, #tpu.memory_space<hbm>> -> memref<40x128xf32, #tpu.memory_space<hbm>>
      tpu.wait_dma2 semaphore(%arg47 : memref<!tpu.dma_semaphore, #tpu.memory_space<semaphore_mem>>) src(%arg42 : memref<40x128xf32, #tpu.memory_space<vmem>>) dst(%dma_wait3A_409 : memref<40x128xf32, #tpu.memory_space<hbm>>)
      %dma_wait3A_410 = tpu.memref_slice %arg7[%add3A_224] : memref<160000xf32, #tpu.memory_space<hbm>> -> memref<40xf32, #tpu.memory_space<hbm>>
      %dma_wait3A_411 = tpu.memref_slice %arg7[%add3A_224] : memref<160000xf32, #tpu.memory_space<hbm>> -> memref<40xf32, #tpu.memory_space<hbm>>
      tpu.wait_dma2 semaphore(%arg47 : memref<!tpu.dma_semaphore, #tpu.memory_space<semaphore_mem>>) src(%arg32 : memref<40xf32, #tpu.memory_space<vmem>>) dst(%dma_wait3A_411 : memref<40xf32, #tpu.memory_space<hbm>>)
      %dma_wait3A_412 = arith.constant 0 : i32
      %dma_wait3A_413 = tpu.memref_slice %arg8[%add3A_277, %dma_wait3A_412] : memref<160000x128xf32, #tpu.memory_space<hbm>> -> memref<40x128xf32, #tpu.memory_space<hbm>>
      %dma_wait3A_414 = arith.constant 0 : i32
      %dma_wait3A_415 = tpu.memref_slice %arg8[%add3A_277, %dma_wait3A_414] : memref<160000x128xf32, #tpu.memory_space<hbm>> -> memref<40x128xf32, #tpu.memory_space<hbm>>
      tpu.wait_dma2 semaphore(%arg47 : memref<!tpu.dma_semaphore, #tpu.memory_space<semaphore_mem>>) src(%arg38 : memref<40x128xf32, #tpu.memory_space<vmem>>) dst(%dma_wait3A_415 : memref<40x128xf32, #tpu.memory_space<hbm>>)
      %dma_wait3A_416 = arith.constant 0 : i32
      %dma_wait3A_417 = tpu.memref_slice %arg9[%add3A_277, %dma_wait3A_416] : memref<160000x128xf32, #tpu.memory_space<hbm>> -> memref<40x128xf32, #tpu.memory_space<hbm>>
      %dma_wait3A_418 = arith.constant 0 : i32
      %dma_wait3A_419 = tpu.memref_slice %arg9[%add3A_277, %dma_wait3A_418] : memref<160000x128xf32, #tpu.memory_space<hbm>> -> memref<40x128xf32, #tpu.memory_space<hbm>>
      tpu.wait_dma2 semaphore(%arg47 : memref<!tpu.dma_semaphore, #tpu.memory_space<semaphore_mem>>) src(%arg43 : memref<40x128xf32, #tpu.memory_space<vmem>>) dst(%dma_wait3A_419 : memref<40x128xf32, #tpu.memory_space<hbm>>)
      %dma_wait3A_420 = tpu.memref_slice %arg7[%add3A_277] : memref<160000xf32, #tpu.memory_space<hbm>> -> memref<40xf32, #tpu.memory_space<hbm>>
      %dma_wait3A_421 = tpu.memref_slice %arg7[%add3A_277] : memref<160000xf32, #tpu.memory_space<hbm>> -> memref<40xf32, #tpu.memory_space<hbm>>
      tpu.wait_dma2 semaphore(%arg47 : memref<!tpu.dma_semaphore, #tpu.memory_space<semaphore_mem>>) src(%arg33 : memref<40xf32, #tpu.memory_space<vmem>>) dst(%dma_wait3A_421 : memref<40xf32, #tpu.memory_space<hbm>>)
      %dma_wait3A_422 = arith.constant 0 : i32
      %dma_wait3A_423 = tpu.memref_slice %arg8[%add3A_330, %dma_wait3A_422] : memref<160000x128xf32, #tpu.memory_space<hbm>> -> memref<40x128xf32, #tpu.memory_space<hbm>>
      %dma_wait3A_424 = arith.constant 0 : i32
      %dma_wait3A_425 = tpu.memref_slice %arg8[%add3A_330, %dma_wait3A_424] : memref<160000x128xf32, #tpu.memory_space<hbm>> -> memref<40x128xf32, #tpu.memory_space<hbm>>
      tpu.wait_dma2 semaphore(%arg47 : memref<!tpu.dma_semaphore, #tpu.memory_space<semaphore_mem>>) src(%arg39 : memref<40x128xf32, #tpu.memory_space<vmem>>) dst(%dma_wait3A_425 : memref<40x128xf32, #tpu.memory_space<hbm>>)
      %dma_wait3A_426 = arith.constant 0 : i32
      %dma_wait3A_427 = tpu.memref_slice %arg9[%add3A_330, %dma_wait3A_426] : memref<160000x128xf32, #tpu.memory_space<hbm>> -> memref<40x128xf32, #tpu.memory_space<hbm>>
      %dma_wait3A_428 = arith.constant 0 : i32
      %dma_wait3A_429 = tpu.memref_slice %arg9[%add3A_330, %dma_wait3A_428] : memref<160000x128xf32, #tpu.memory_space<hbm>> -> memref<40x128xf32, #tpu.memory_space<hbm>>
      tpu.wait_dma2 semaphore(%arg47 : memref<!tpu.dma_semaphore, #tpu.memory_space<semaphore_mem>>) src(%arg44 : memref<40x128xf32, #tpu.memory_space<vmem>>) dst(%dma_wait3A_429 : memref<40x128xf32, #tpu.memory_space<hbm>>)
      %dma_wait3A_430 = tpu.memref_slice %arg7[%add3A_330] : memref<160000xf32, #tpu.memory_space<hbm>> -> memref<40xf32, #tpu.memory_space<hbm>>
      %dma_wait3A_431 = tpu.memref_slice %arg7[%add3A_330] : memref<160000xf32, #tpu.memory_space<hbm>> -> memref<40xf32, #tpu.memory_space<hbm>>
      tpu.wait_dma2 semaphore(%arg47 : memref<!tpu.dma_semaphore, #tpu.memory_space<semaphore_mem>>) src(%arg34 : memref<40xf32, #tpu.memory_space<vmem>>) dst(%dma_wait3A_431 : memref<40xf32, #tpu.memory_space<hbm>>)
    }
    %scan3A_7 = arith.constant 25 : i32
    return
  }
}

#map = affine_map<(d0, d1) -> (0, 0)>
#map1 = affine_map<(d0, d1) -> (0)>
#map2 = affine_map<(d0, d1) -> (0, 0, 0)>
module attributes {stable_mosaic.version = 14 : i64} {
  func.func @_sc_scatter_body(%arg0: i32, %arg1: i32, %arg2: memref<160000x128xf32, #tpu.memory_space<hbm>>, %arg3: memref<160000xi32, #tpu.memory_space<hbm>>, %arg4: memref<2x10000x128xf32, #tpu.memory_space<hbm>>, %arg5: memref<2x10000x128xf32, #tpu.memory_space<hbm>>, %arg6: memref<10000x128xf32, #tpu.memory_space<vmem_shared>>, %arg7: memref<40xi32, #tpu.memory_space<vmem>>, %arg8: memref<40xi32, #tpu.memory_space<vmem>>, %arg9: memref<40xi32, #tpu.memory_space<vmem>>, %arg10: memref<40xi32, #tpu.memory_space<vmem>>, %arg11: memref<40xi32, #tpu.memory_space<vmem>>, %arg12: memref<40x128xf32, #tpu.memory_space<vmem>>, %arg13: memref<40x128xf32, #tpu.memory_space<vmem>>, %arg14: memref<40x128xf32, #tpu.memory_space<vmem>>, %arg15: memref<40x128xf32, #tpu.memory_space<vmem>>, %arg16: memref<40x128xf32, #tpu.memory_space<vmem>>, %arg17: memref<!tpu.dma_semaphore, #tpu.memory_space<semaphore_mem>>, %arg18: memref<!tpu.dma_semaphore, #tpu.memory_space<semaphore_mem>>, %arg19: memref<!tpu.dma_semaphore, #tpu.memory_space<semaphore_mem>>) attributes {dimension_semantics = [#tpu.dimension_semantics<core_parallel>, #tpu.dimension_semantics<subcore_parallel>], iteration_bounds = array<i64: 2, 16>, scalar_prefetch = 0 : i64, scratch_operands = 14 : i64, tpu.core_type = #tpu.core_type<sc_vector_subcore>, window_params = [{transform_indices = #map}, {transform_indices = #map1}, {transform_indices = #map2}, {transform_indices = #map2}]} {
    %mul3A = arith.constant 625 : i32
    %mul3A_0 = arith.muli %arg1, %mul3A : i32
    "tpu.region"() ({
      %run_scoped3A = tpu.sem_alloc : memref<!tpu.dma_semaphore, #tpu.memory_space<semaphore_mem>>
      %dma_start3A = arith.constant 0 : i32
      %dma_start3A_11 = tpu.memref_slice %arg6[%mul3A_0, %dma_start3A] : memref<10000x128xf32, #tpu.memory_space<vmem_shared>> -> memref<625x128xf32, #tpu.memory_space<vmem_shared>>
      %dma_start3A_12 = arith.constant 0 : i32
      %dma_start3A_13 = tpu.memref_slice %arg4[%arg0, %mul3A_0, %dma_start3A_12] : memref<2x10000x128xf32, #tpu.memory_space<hbm>> -> memref<1x625x128xf32, #tpu.memory_space<hbm>>
      %dma_start3A_14 = tpu.memref_squeeze %dma_start3A_13 : memref<1x625x128xf32, #tpu.memory_space<hbm>> -> memref<625x128xf32, #tpu.memory_space<hbm>>
      tpu.enqueue_dma source(%dma_start3A_14 : memref<625x128xf32, #tpu.memory_space<hbm>>) target(%dma_start3A_11 : memref<625x128xf32, #tpu.memory_space<vmem_shared>>) target_semaphore(%run_scoped3A : memref<!tpu.dma_semaphore, #tpu.memory_space<semaphore_mem>>)
      %dma_wait3A = arith.constant 0 : i32
      %dma_wait3A_15 = tpu.memref_slice %arg6[%mul3A_0, %dma_wait3A] : memref<10000x128xf32, #tpu.memory_space<vmem_shared>> -> memref<625x128xf32, #tpu.memory_space<vmem_shared>>
      %dma_wait3A_16 = arith.constant 0 : i32
      %dma_wait3A_17 = tpu.memref_slice %arg4[%arg0, %mul3A_0, %dma_wait3A_16] : memref<2x10000x128xf32, #tpu.memory_space<hbm>> -> memref<1x625x128xf32, #tpu.memory_space<hbm>>
      %dma_wait3A_18 = tpu.memref_squeeze %dma_wait3A_17 : memref<1x625x128xf32, #tpu.memory_space<hbm>> -> memref<625x128xf32, #tpu.memory_space<hbm>>
      tpu.wait_dma2 semaphore(%run_scoped3A : memref<!tpu.dma_semaphore, #tpu.memory_space<semaphore_mem>>) src(%dma_wait3A_18 : memref<625x128xf32, #tpu.memory_space<hbm>>) dst(%dma_wait3A_15 : memref<625x128xf32, #tpu.memory_space<vmem_shared>>)
      tpu.yield
    }) : () -> ()
    %barrier3A = arith.constant 0 : index
    tpu.barrier barrier_id(%barrier3A)
    %mul3A_1 = arith.constant 16 : i32
    %mul3A_2 = arith.muli %arg0, %mul3A_1 : i32
    %add3A = arith.addi %mul3A_2, %arg1 : i32
    %mul3A_3 = arith.constant 5000 : i32
    %mul3A_4 = arith.muli %add3A, %mul3A_3 : i32
    %scan3A = arith.constant 0 : i32
    %scan3A_5 = arith.constant 0 : i32
    %scan3A_6 = arith.constant 25 : i32
    %scan3A_7 = arith.addi %scan3A_5, %scan3A_6 : i32
    %scan3A_8 = arith.constant 1 : i32
    scf.for %scan3A_11 = %scan3A_5 to %scan3A_7 step %scan3A_8  : i32 {
      %mul3A_12 = arith.constant 200 : i32
      %mul3A_13 = arith.muli %scan3A_11, %mul3A_12 : i32
      %add3A_14 = arith.addi %mul3A_4, %mul3A_13 : i32
      %add3A_15 = arith.constant 0 : i32
      %add3A_16 = arith.addi %add3A_14, %add3A_15 : i32
      %dma_start3A = tpu.memref_slice %arg3[%add3A_16] : memref<160000xi32, #tpu.memory_space<hbm>> -> memref<40xi32, #tpu.memory_space<hbm>>
      %dma_start3A_17 = tpu.memref_slice %arg3[%add3A_16] : memref<160000xi32, #tpu.memory_space<hbm>> -> memref<40xi32, #tpu.memory_space<hbm>>
      tpu.enqueue_dma source(%dma_start3A_17 : memref<40xi32, #tpu.memory_space<hbm>>) target(%arg7 : memref<40xi32, #tpu.memory_space<vmem>>) target_semaphore(%arg17 : memref<!tpu.dma_semaphore, #tpu.memory_space<semaphore_mem>>)
      %dma_start3A_18 = arith.constant 0 : i32
      %dma_start3A_19 = tpu.memref_slice %arg2[%add3A_16, %dma_start3A_18] : memref<160000x128xf32, #tpu.memory_space<hbm>> -> memref<40x128xf32, #tpu.memory_space<hbm>>
      %dma_start3A_20 = arith.constant 0 : i32
      %dma_start3A_21 = tpu.memref_slice %arg2[%add3A_16, %dma_start3A_20] : memref<160000x128xf32, #tpu.memory_space<hbm>> -> memref<40x128xf32, #tpu.memory_space<hbm>>
      tpu.enqueue_dma source(%dma_start3A_21 : memref<40x128xf32, #tpu.memory_space<hbm>>) target(%arg12 : memref<40x128xf32, #tpu.memory_space<vmem>>) target_semaphore(%arg18 : memref<!tpu.dma_semaphore, #tpu.memory_space<semaphore_mem>>)
      %add3A_22 = arith.constant 40 : i32
      %add3A_23 = arith.addi %add3A_14, %add3A_22 : i32
      %dma_start3A_24 = tpu.memref_slice %arg3[%add3A_23] : memref<160000xi32, #tpu.memory_space<hbm>> -> memref<40xi32, #tpu.memory_space<hbm>>
      %dma_start3A_25 = tpu.memref_slice %arg3[%add3A_23] : memref<160000xi32, #tpu.memory_space<hbm>> -> memref<40xi32, #tpu.memory_space<hbm>>
      tpu.enqueue_dma source(%dma_start3A_25 : memref<40xi32, #tpu.memory_space<hbm>>) target(%arg8 : memref<40xi32, #tpu.memory_space<vmem>>) target_semaphore(%arg17 : memref<!tpu.dma_semaphore, #tpu.memory_space<semaphore_mem>>)
      %dma_start3A_26 = arith.constant 0 : i32
      %dma_start3A_27 = tpu.memref_slice %arg2[%add3A_23, %dma_start3A_26] : memref<160000x128xf32, #tpu.memory_space<hbm>> -> memref<40x128xf32, #tpu.memory_space<hbm>>
      %dma_start3A_28 = arith.constant 0 : i32
      %dma_start3A_29 = tpu.memref_slice %arg2[%add3A_23, %dma_start3A_28] : memref<160000x128xf32, #tpu.memory_space<hbm>> -> memref<40x128xf32, #tpu.memory_space<hbm>>
      tpu.enqueue_dma source(%dma_start3A_29 : memref<40x128xf32, #tpu.memory_space<hbm>>) target(%arg13 : memref<40x128xf32, #tpu.memory_space<vmem>>) target_semaphore(%arg18 : memref<!tpu.dma_semaphore, #tpu.memory_space<semaphore_mem>>)
      %add3A_30 = arith.constant 80 : i32
      %add3A_31 = arith.addi %add3A_14, %add3A_30 : i32
      %dma_start3A_32 = tpu.memref_slice %arg3[%add3A_31] : memref<160000xi32, #tpu.memory_space<hbm>> -> memref<40xi32, #tpu.memory_space<hbm>>
      %dma_start3A_33 = tpu.memref_slice %arg3[%add3A_31] : memref<160000xi32, #tpu.memory_space<hbm>> -> memref<40xi32, #tpu.memory_space<hbm>>
      tpu.enqueue_dma source(%dma_start3A_33 : memref<40xi32, #tpu.memory_space<hbm>>) target(%arg9 : memref<40xi32, #tpu.memory_space<vmem>>) target_semaphore(%arg17 : memref<!tpu.dma_semaphore, #tpu.memory_space<semaphore_mem>>)
      %dma_start3A_34 = arith.constant 0 : i32
      %dma_start3A_35 = tpu.memref_slice %arg2[%add3A_31, %dma_start3A_34] : memref<160000x128xf32, #tpu.memory_space<hbm>> -> memref<40x128xf32, #tpu.memory_space<hbm>>
      %dma_start3A_36 = arith.constant 0 : i32
      %dma_start3A_37 = tpu.memref_slice %arg2[%add3A_31, %dma_start3A_36] : memref<160000x128xf32, #tpu.memory_space<hbm>> -> memref<40x128xf32, #tpu.memory_space<hbm>>
      tpu.enqueue_dma source(%dma_start3A_37 : memref<40x128xf32, #tpu.memory_space<hbm>>) target(%arg14 : memref<40x128xf32, #tpu.memory_space<vmem>>) target_semaphore(%arg18 : memref<!tpu.dma_semaphore, #tpu.memory_space<semaphore_mem>>)
      %add3A_38 = arith.constant 120 : i32
      %add3A_39 = arith.addi %add3A_14, %add3A_38 : i32
      %dma_start3A_40 = tpu.memref_slice %arg3[%add3A_39] : memref<160000xi32, #tpu.memory_space<hbm>> -> memref<40xi32, #tpu.memory_space<hbm>>
      %dma_start3A_41 = tpu.memref_slice %arg3[%add3A_39] : memref<160000xi32, #tpu.memory_space<hbm>> -> memref<40xi32, #tpu.memory_space<hbm>>
      tpu.enqueue_dma source(%dma_start3A_41 : memref<40xi32, #tpu.memory_space<hbm>>) target(%arg10 : memref<40xi32, #tpu.memory_space<vmem>>) target_semaphore(%arg17 : memref<!tpu.dma_semaphore, #tpu.memory_space<semaphore_mem>>)
      %dma_start3A_42 = arith.constant 0 : i32
      %dma_start3A_43 = tpu.memref_slice %arg2[%add3A_39, %dma_start3A_42] : memref<160000x128xf32, #tpu.memory_space<hbm>> -> memref<40x128xf32, #tpu.memory_space<hbm>>
      %dma_start3A_44 = arith.constant 0 : i32
      %dma_start3A_45 = tpu.memref_slice %arg2[%add3A_39, %dma_start3A_44] : memref<160000x128xf32, #tpu.memory_space<hbm>> -> memref<40x128xf32, #tpu.memory_space<hbm>>
      tpu.enqueue_dma source(%dma_start3A_45 : memref<40x128xf32, #tpu.memory_space<hbm>>) target(%arg15 : memref<40x128xf32, #tpu.memory_space<vmem>>) target_semaphore(%arg18 : memref<!tpu.dma_semaphore, #tpu.memory_space<semaphore_mem>>)
      %add3A_46 = arith.constant 160 : i32
      %add3A_47 = arith.addi %add3A_14, %add3A_46 : i32
      %dma_start3A_48 = tpu.memref_slice %arg3[%add3A_47] : memref<160000xi32, #tpu.memory_space<hbm>> -> memref<40xi32, #tpu.memory_space<hbm>>
      %dma_start3A_49 = tpu.memref_slice %arg3[%add3A_47] : memref<160000xi32, #tpu.memory_space<hbm>> -> memref<40xi32, #tpu.memory_space<hbm>>
      tpu.enqueue_dma source(%dma_start3A_49 : memref<40xi32, #tpu.memory_space<hbm>>) target(%arg11 : memref<40xi32, #tpu.memory_space<vmem>>) target_semaphore(%arg17 : memref<!tpu.dma_semaphore, #tpu.memory_space<semaphore_mem>>)
      %dma_start3A_50 = arith.constant 0 : i32
      %dma_start3A_51 = tpu.memref_slice %arg2[%add3A_47, %dma_start3A_50] : memref<160000x128xf32, #tpu.memory_space<hbm>> -> memref<40x128xf32, #tpu.memory_space<hbm>>
      %dma_start3A_52 = arith.constant 0 : i32
      %dma_start3A_53 = tpu.memref_slice %arg2[%add3A_47, %dma_start3A_52] : memref<160000x128xf32, #tpu.memory_space<hbm>> -> memref<40x128xf32, #tpu.memory_space<hbm>>
      tpu.enqueue_dma source(%dma_start3A_53 : memref<40x128xf32, #tpu.memory_space<hbm>>) target(%arg16 : memref<40x128xf32, #tpu.memory_space<vmem>>) target_semaphore(%arg18 : memref<!tpu.dma_semaphore, #tpu.memory_space<semaphore_mem>>)
      %dma_wait3A = tpu.memref_slice %arg3[%add3A_16] : memref<160000xi32, #tpu.memory_space<hbm>> -> memref<40xi32, #tpu.memory_space<hbm>>
      %dma_wait3A_54 = tpu.memref_slice %arg3[%add3A_16] : memref<160000xi32, #tpu.memory_space<hbm>> -> memref<40xi32, #tpu.memory_space<hbm>>
      tpu.wait_dma2 semaphore(%arg17 : memref<!tpu.dma_semaphore, #tpu.memory_space<semaphore_mem>>) src(%dma_wait3A_54 : memref<40xi32, #tpu.memory_space<hbm>>) dst(%arg7 : memref<40xi32, #tpu.memory_space<vmem>>)
      %dma_wait3A_55 = arith.constant 0 : i32
      %dma_wait3A_56 = tpu.memref_slice %arg2[%add3A_16, %dma_wait3A_55] : memref<160000x128xf32, #tpu.memory_space<hbm>> -> memref<40x128xf32, #tpu.memory_space<hbm>>
      %dma_wait3A_57 = arith.constant 0 : i32
      %dma_wait3A_58 = tpu.memref_slice %arg2[%add3A_16, %dma_wait3A_57] : memref<160000x128xf32, #tpu.memory_space<hbm>> -> memref<40x128xf32, #tpu.memory_space<hbm>>
      tpu.wait_dma2 semaphore(%arg18 : memref<!tpu.dma_semaphore, #tpu.memory_space<semaphore_mem>>) src(%dma_wait3A_58 : memref<40x128xf32, #tpu.memory_space<hbm>>) dst(%arg12 : memref<40x128xf32, #tpu.memory_space<vmem>>)
      %dma_start3A_59 = arith.constant 0 : i32
      %dma_start3A_60 = arith.constant 0 : i32
      %dma_start3A_61 = tpu.memref_slice %arg6[%dma_start3A_59, %dma_start3A_60] : memref<10000x128xf32, #tpu.memory_space<vmem_shared>> -> memref<10000x128xf32, #tpu.memory_space<vmem_shared>>
      tpu.enqueue_indirect_dma source(%arg12 : memref<40x128xf32, #tpu.memory_space<vmem>>) target(%dma_start3A_61 : memref<10000x128xf32, #tpu.memory_space<vmem_shared>>) offsets(%arg7 : memref<40xi32, #tpu.memory_space<vmem>>) semaphore(%arg19 : memref<!tpu.dma_semaphore, #tpu.memory_space<semaphore_mem>>) {add = true}
      %dma_wait3A_62 = tpu.memref_slice %arg3[%add3A_23] : memref<160000xi32, #tpu.memory_space<hbm>> -> memref<40xi32, #tpu.memory_space<hbm>>
      %dma_wait3A_63 = tpu.memref_slice %arg3[%add3A_23] : memref<160000xi32, #tpu.memory_space<hbm>> -> memref<40xi32, #tpu.memory_space<hbm>>
      tpu.wait_dma2 semaphore(%arg17 : memref<!tpu.dma_semaphore, #tpu.memory_space<semaphore_mem>>) src(%dma_wait3A_63 : memref<40xi32, #tpu.memory_space<hbm>>) dst(%arg8 : memref<40xi32, #tpu.memory_space<vmem>>)
      %dma_wait3A_64 = arith.constant 0 : i32
      %dma_wait3A_65 = tpu.memref_slice %arg2[%add3A_23, %dma_wait3A_64] : memref<160000x128xf32, #tpu.memory_space<hbm>> -> memref<40x128xf32, #tpu.memory_space<hbm>>
      %dma_wait3A_66 = arith.constant 0 : i32
      %dma_wait3A_67 = tpu.memref_slice %arg2[%add3A_23, %dma_wait3A_66] : memref<160000x128xf32, #tpu.memory_space<hbm>> -> memref<40x128xf32, #tpu.memory_space<hbm>>
      tpu.wait_dma2 semaphore(%arg18 : memref<!tpu.dma_semaphore, #tpu.memory_space<semaphore_mem>>) src(%dma_wait3A_67 : memref<40x128xf32, #tpu.memory_space<hbm>>) dst(%arg13 : memref<40x128xf32, #tpu.memory_space<vmem>>)
      %dma_start3A_68 = arith.constant 0 : i32
      %dma_start3A_69 = arith.constant 0 : i32
      %dma_start3A_70 = tpu.memref_slice %arg6[%dma_start3A_68, %dma_start3A_69] : memref<10000x128xf32, #tpu.memory_space<vmem_shared>> -> memref<10000x128xf32, #tpu.memory_space<vmem_shared>>
      tpu.enqueue_indirect_dma source(%arg13 : memref<40x128xf32, #tpu.memory_space<vmem>>) target(%dma_start3A_70 : memref<10000x128xf32, #tpu.memory_space<vmem_shared>>) offsets(%arg8 : memref<40xi32, #tpu.memory_space<vmem>>) semaphore(%arg19 : memref<!tpu.dma_semaphore, #tpu.memory_space<semaphore_mem>>) {add = true}
      %dma_wait3A_71 = tpu.memref_slice %arg3[%add3A_31] : memref<160000xi32, #tpu.memory_space<hbm>> -> memref<40xi32, #tpu.memory_space<hbm>>
      %dma_wait3A_72 = tpu.memref_slice %arg3[%add3A_31] : memref<160000xi32, #tpu.memory_space<hbm>> -> memref<40xi32, #tpu.memory_space<hbm>>
      tpu.wait_dma2 semaphore(%arg17 : memref<!tpu.dma_semaphore, #tpu.memory_space<semaphore_mem>>) src(%dma_wait3A_72 : memref<40xi32, #tpu.memory_space<hbm>>) dst(%arg9 : memref<40xi32, #tpu.memory_space<vmem>>)
      %dma_wait3A_73 = arith.constant 0 : i32
      %dma_wait3A_74 = tpu.memref_slice %arg2[%add3A_31, %dma_wait3A_73] : memref<160000x128xf32, #tpu.memory_space<hbm>> -> memref<40x128xf32, #tpu.memory_space<hbm>>
      %dma_wait3A_75 = arith.constant 0 : i32
      %dma_wait3A_76 = tpu.memref_slice %arg2[%add3A_31, %dma_wait3A_75] : memref<160000x128xf32, #tpu.memory_space<hbm>> -> memref<40x128xf32, #tpu.memory_space<hbm>>
      tpu.wait_dma2 semaphore(%arg18 : memref<!tpu.dma_semaphore, #tpu.memory_space<semaphore_mem>>) src(%dma_wait3A_76 : memref<40x128xf32, #tpu.memory_space<hbm>>) dst(%arg14 : memref<40x128xf32, #tpu.memory_space<vmem>>)
      %dma_start3A_77 = arith.constant 0 : i32
      %dma_start3A_78 = arith.constant 0 : i32
      %dma_start3A_79 = tpu.memref_slice %arg6[%dma_start3A_77, %dma_start3A_78] : memref<10000x128xf32, #tpu.memory_space<vmem_shared>> -> memref<10000x128xf32, #tpu.memory_space<vmem_shared>>
      tpu.enqueue_indirect_dma source(%arg14 : memref<40x128xf32, #tpu.memory_space<vmem>>) target(%dma_start3A_79 : memref<10000x128xf32, #tpu.memory_space<vmem_shared>>) offsets(%arg9 : memref<40xi32, #tpu.memory_space<vmem>>) semaphore(%arg19 : memref<!tpu.dma_semaphore, #tpu.memory_space<semaphore_mem>>) {add = true}
      %dma_wait3A_80 = tpu.memref_slice %arg3[%add3A_39] : memref<160000xi32, #tpu.memory_space<hbm>> -> memref<40xi32, #tpu.memory_space<hbm>>
      %dma_wait3A_81 = tpu.memref_slice %arg3[%add3A_39] : memref<160000xi32, #tpu.memory_space<hbm>> -> memref<40xi32, #tpu.memory_space<hbm>>
      tpu.wait_dma2 semaphore(%arg17 : memref<!tpu.dma_semaphore, #tpu.memory_space<semaphore_mem>>) src(%dma_wait3A_81 : memref<40xi32, #tpu.memory_space<hbm>>) dst(%arg10 : memref<40xi32, #tpu.memory_space<vmem>>)
      %dma_wait3A_82 = arith.constant 0 : i32
      %dma_wait3A_83 = tpu.memref_slice %arg2[%add3A_39, %dma_wait3A_82] : memref<160000x128xf32, #tpu.memory_space<hbm>> -> memref<40x128xf32, #tpu.memory_space<hbm>>
      %dma_wait3A_84 = arith.constant 0 : i32
      %dma_wait3A_85 = tpu.memref_slice %arg2[%add3A_39, %dma_wait3A_84] : memref<160000x128xf32, #tpu.memory_space<hbm>> -> memref<40x128xf32, #tpu.memory_space<hbm>>
      tpu.wait_dma2 semaphore(%arg18 : memref<!tpu.dma_semaphore, #tpu.memory_space<semaphore_mem>>) src(%dma_wait3A_85 : memref<40x128xf32, #tpu.memory_space<hbm>>) dst(%arg15 : memref<40x128xf32, #tpu.memory_space<vmem>>)
      %dma_start3A_86 = arith.constant 0 : i32
      %dma_start3A_87 = arith.constant 0 : i32
      %dma_start3A_88 = tpu.memref_slice %arg6[%dma_start3A_86, %dma_start3A_87] : memref<10000x128xf32, #tpu.memory_space<vmem_shared>> -> memref<10000x128xf32, #tpu.memory_space<vmem_shared>>
      tpu.enqueue_indirect_dma source(%arg15 : memref<40x128xf32, #tpu.memory_space<vmem>>) target(%dma_start3A_88 : memref<10000x128xf32, #tpu.memory_space<vmem_shared>>) offsets(%arg10 : memref<40xi32, #tpu.memory_space<vmem>>) semaphore(%arg19 : memref<!tpu.dma_semaphore, #tpu.memory_space<semaphore_mem>>) {add = true}
      %dma_wait3A_89 = tpu.memref_slice %arg3[%add3A_47] : memref<160000xi32, #tpu.memory_space<hbm>> -> memref<40xi32, #tpu.memory_space<hbm>>
      %dma_wait3A_90 = tpu.memref_slice %arg3[%add3A_47] : memref<160000xi32, #tpu.memory_space<hbm>> -> memref<40xi32, #tpu.memory_space<hbm>>
      tpu.wait_dma2 semaphore(%arg17 : memref<!tpu.dma_semaphore, #tpu.memory_space<semaphore_mem>>) src(%dma_wait3A_90 : memref<40xi32, #tpu.memory_space<hbm>>) dst(%arg11 : memref<40xi32, #tpu.memory_space<vmem>>)
      %dma_wait3A_91 = arith.constant 0 : i32
      %dma_wait3A_92 = tpu.memref_slice %arg2[%add3A_47, %dma_wait3A_91] : memref<160000x128xf32, #tpu.memory_space<hbm>> -> memref<40x128xf32, #tpu.memory_space<hbm>>
      %dma_wait3A_93 = arith.constant 0 : i32
      %dma_wait3A_94 = tpu.memref_slice %arg2[%add3A_47, %dma_wait3A_93] : memref<160000x128xf32, #tpu.memory_space<hbm>> -> memref<40x128xf32, #tpu.memory_space<hbm>>
      tpu.wait_dma2 semaphore(%arg18 : memref<!tpu.dma_semaphore, #tpu.memory_space<semaphore_mem>>) src(%dma_wait3A_94 : memref<40x128xf32, #tpu.memory_space<hbm>>) dst(%arg16 : memref<40x128xf32, #tpu.memory_space<vmem>>)
      %dma_start3A_95 = arith.constant 0 : i32
      %dma_start3A_96 = arith.constant 0 : i32
      %dma_start3A_97 = tpu.memref_slice %arg6[%dma_start3A_95, %dma_start3A_96] : memref<10000x128xf32, #tpu.memory_space<vmem_shared>> -> memref<10000x128xf32, #tpu.memory_space<vmem_shared>>
      tpu.enqueue_indirect_dma source(%arg16 : memref<40x128xf32, #tpu.memory_space<vmem>>) target(%dma_start3A_97 : memref<10000x128xf32, #tpu.memory_space<vmem_shared>>) offsets(%arg11 : memref<40xi32, #tpu.memory_space<vmem>>) semaphore(%arg19 : memref<!tpu.dma_semaphore, #tpu.memory_space<semaphore_mem>>) {add = true}
      %dma_wait3A_98 = arith.constant 0 : i32
      %dma_wait3A_99 = arith.constant 0 : i32
      %dma_wait3A_100 = tpu.memref_slice %arg6[%dma_wait3A_98, %dma_wait3A_99] : memref<10000x128xf32, #tpu.memory_space<vmem_shared>> -> memref<10000x128xf32, #tpu.memory_space<vmem_shared>>
      tpu.wait_indirect_dma semaphore(%arg19 : memref<!tpu.dma_semaphore, #tpu.memory_space<semaphore_mem>>) src(%arg12 : memref<40x128xf32, #tpu.memory_space<vmem>>) dst(%dma_wait3A_100 : memref<10000x128xf32, #tpu.memory_space<vmem_shared>>)
      %dma_wait3A_101 = arith.constant 0 : i32
      %dma_wait3A_102 = arith.constant 0 : i32
      %dma_wait3A_103 = tpu.memref_slice %arg6[%dma_wait3A_101, %dma_wait3A_102] : memref<10000x128xf32, #tpu.memory_space<vmem_shared>> -> memref<10000x128xf32, #tpu.memory_space<vmem_shared>>
      tpu.wait_indirect_dma semaphore(%arg19 : memref<!tpu.dma_semaphore, #tpu.memory_space<semaphore_mem>>) src(%arg13 : memref<40x128xf32, #tpu.memory_space<vmem>>) dst(%dma_wait3A_103 : memref<10000x128xf32, #tpu.memory_space<vmem_shared>>)
      %dma_wait3A_104 = arith.constant 0 : i32
      %dma_wait3A_105 = arith.constant 0 : i32
      %dma_wait3A_106 = tpu.memref_slice %arg6[%dma_wait3A_104, %dma_wait3A_105] : memref<10000x128xf32, #tpu.memory_space<vmem_shared>> -> memref<10000x128xf32, #tpu.memory_space<vmem_shared>>
      tpu.wait_indirect_dma semaphore(%arg19 : memref<!tpu.dma_semaphore, #tpu.memory_space<semaphore_mem>>) src(%arg14 : memref<40x128xf32, #tpu.memory_space<vmem>>) dst(%dma_wait3A_106 : memref<10000x128xf32, #tpu.memory_space<vmem_shared>>)
      %dma_wait3A_107 = arith.constant 0 : i32
      %dma_wait3A_108 = arith.constant 0 : i32
      %dma_wait3A_109 = tpu.memref_slice %arg6[%dma_wait3A_107, %dma_wait3A_108] : memref<10000x128xf32, #tpu.memory_space<vmem_shared>> -> memref<10000x128xf32, #tpu.memory_space<vmem_shared>>
      tpu.wait_indirect_dma semaphore(%arg19 : memref<!tpu.dma_semaphore, #tpu.memory_space<semaphore_mem>>) src(%arg15 : memref<40x128xf32, #tpu.memory_space<vmem>>) dst(%dma_wait3A_109 : memref<10000x128xf32, #tpu.memory_space<vmem_shared>>)
      %dma_wait3A_110 = arith.constant 0 : i32
      %dma_wait3A_111 = arith.constant 0 : i32
      %dma_wait3A_112 = tpu.memref_slice %arg6[%dma_wait3A_110, %dma_wait3A_111] : memref<10000x128xf32, #tpu.memory_space<vmem_shared>> -> memref<10000x128xf32, #tpu.memory_space<vmem_shared>>
      tpu.wait_indirect_dma semaphore(%arg19 : memref<!tpu.dma_semaphore, #tpu.memory_space<semaphore_mem>>) src(%arg16 : memref<40x128xf32, #tpu.memory_space<vmem>>) dst(%dma_wait3A_112 : memref<10000x128xf32, #tpu.memory_space<vmem_shared>>)
    }
    %scan3A_9 = arith.constant 25 : i32
    %barrier3A_10 = arith.constant 0 : index
    tpu.barrier barrier_id(%barrier3A_10)
    "tpu.region"() ({
      %run_scoped3A = tpu.sem_alloc : memref<!tpu.dma_semaphore, #tpu.memory_space<semaphore_mem>>
      %dma_start3A = arith.constant 0 : i32
      %dma_start3A_11 = tpu.memref_slice %arg5[%arg0, %mul3A_0, %dma_start3A] : memref<2x10000x128xf32, #tpu.memory_space<hbm>> -> memref<1x625x128xf32, #tpu.memory_space<hbm>>
      %dma_start3A_12 = tpu.memref_squeeze %dma_start3A_11 : memref<1x625x128xf32, #tpu.memory_space<hbm>> -> memref<625x128xf32, #tpu.memory_space<hbm>>
      %dma_start3A_13 = arith.constant 0 : i32
      %dma_start3A_14 = tpu.memref_slice %arg6[%mul3A_0, %dma_start3A_13] : memref<10000x128xf32, #tpu.memory_space<vmem_shared>> -> memref<625x128xf32, #tpu.memory_space<vmem_shared>>
      tpu.enqueue_dma source(%dma_start3A_14 : memref<625x128xf32, #tpu.memory_space<vmem_shared>>) target(%dma_start3A_12 : memref<625x128xf32, #tpu.memory_space<hbm>>) target_semaphore(%run_scoped3A : memref<!tpu.dma_semaphore, #tpu.memory_space<semaphore_mem>>)
      %dma_wait3A = arith.constant 0 : i32
      %dma_wait3A_15 = tpu.memref_slice %arg5[%arg0, %mul3A_0, %dma_wait3A] : memref<2x10000x128xf32, #tpu.memory_space<hbm>> -> memref<1x625x128xf32, #tpu.memory_space<hbm>>
      %dma_wait3A_16 = tpu.memref_squeeze %dma_wait3A_15 : memref<1x625x128xf32, #tpu.memory_space<hbm>> -> memref<625x128xf32, #tpu.memory_space<hbm>>
      %dma_wait3A_17 = arith.constant 0 : i32
      %dma_wait3A_18 = tpu.memref_slice %arg6[%mul3A_0, %dma_wait3A_17] : memref<10000x128xf32, #tpu.memory_space<vmem_shared>> -> memref<625x128xf32, #tpu.memory_space<vmem_shared>>
      tpu.wait_dma2 semaphore(%run_scoped3A : memref<!tpu.dma_semaphore, #tpu.memory_space<semaphore_mem>>) src(%dma_wait3A_18 : memref<625x128xf32, #tpu.memory_space<vmem_shared>>) dst(%dma_wait3A_16 : memref<625x128xf32, #tpu.memory_space<hbm>>)
      tpu.yield
    }) : () -> ()
    return
  }
}

#map = affine_map<(d0, d1) -> (0, 0)>
#map1 = affine_map<(d0, d1) -> (0)>
#map2 = affine_map<(d0, d1) -> (0, 0, 0)>
module attributes {stable_mosaic.version = 14 : i64} {
  func.func @_sc_scatter_body(%arg0: i32, %arg1: i32, %arg2: memref<160000x128xf32, #tpu.memory_space<hbm>>, %arg3: memref<160000xi32, #tpu.memory_space<hbm>>, %arg4: memref<2x10000x128xf32, #tpu.memory_space<hbm>>, %arg5: memref<2x10000x128xf32, #tpu.memory_space<hbm>>, %arg6: memref<10000x128xf32, #tpu.memory_space<vmem_shared>>, %arg7: memref<40xi32, #tpu.memory_space<vmem>>, %arg8: memref<40xi32, #tpu.memory_space<vmem>>, %arg9: memref<40xi32, #tpu.memory_space<vmem>>, %arg10: memref<40xi32, #tpu.memory_space<vmem>>, %arg11: memref<40xi32, #tpu.memory_space<vmem>>, %arg12: memref<40x128xf32, #tpu.memory_space<vmem>>, %arg13: memref<40x128xf32, #tpu.memory_space<vmem>>, %arg14: memref<40x128xf32, #tpu.memory_space<vmem>>, %arg15: memref<40x128xf32, #tpu.memory_space<vmem>>, %arg16: memref<40x128xf32, #tpu.memory_space<vmem>>, %arg17: memref<!tpu.dma_semaphore, #tpu.memory_space<semaphore_mem>>, %arg18: memref<!tpu.dma_semaphore, #tpu.memory_space<semaphore_mem>>, %arg19: memref<!tpu.dma_semaphore, #tpu.memory_space<semaphore_mem>>) attributes {dimension_semantics = [#tpu.dimension_semantics<core_parallel>, #tpu.dimension_semantics<subcore_parallel>], iteration_bounds = array<i64: 2, 16>, scalar_prefetch = 0 : i64, scratch_operands = 14 : i64, tpu.core_type = #tpu.core_type<sc_vector_subcore>, window_params = [{transform_indices = #map}, {transform_indices = #map1}, {transform_indices = #map2}, {transform_indices = #map2}]} {
    %mul3A = arith.constant 625 : i32
    %mul3A_0 = arith.muli %arg1, %mul3A : i32
    "tpu.region"() ({
      %run_scoped3A = tpu.sem_alloc : memref<!tpu.dma_semaphore, #tpu.memory_space<semaphore_mem>>
      %dma_start3A = arith.constant 0 : i32
      %dma_start3A_11 = tpu.memref_slice %arg6[%mul3A_0, %dma_start3A] : memref<10000x128xf32, #tpu.memory_space<vmem_shared>> -> memref<625x128xf32, #tpu.memory_space<vmem_shared>>
      %dma_start3A_12 = arith.constant 0 : i32
      %dma_start3A_13 = tpu.memref_slice %arg4[%arg0, %mul3A_0, %dma_start3A_12] : memref<2x10000x128xf32, #tpu.memory_space<hbm>> -> memref<1x625x128xf32, #tpu.memory_space<hbm>>
      %dma_start3A_14 = tpu.memref_squeeze %dma_start3A_13 : memref<1x625x128xf32, #tpu.memory_space<hbm>> -> memref<625x128xf32, #tpu.memory_space<hbm>>
      tpu.enqueue_dma source(%dma_start3A_14 : memref<625x128xf32, #tpu.memory_space<hbm>>) target(%dma_start3A_11 : memref<625x128xf32, #tpu.memory_space<vmem_shared>>) target_semaphore(%run_scoped3A : memref<!tpu.dma_semaphore, #tpu.memory_space<semaphore_mem>>)
      %dma_wait3A = arith.constant 0 : i32
      %dma_wait3A_15 = tpu.memref_slice %arg6[%mul3A_0, %dma_wait3A] : memref<10000x128xf32, #tpu.memory_space<vmem_shared>> -> memref<625x128xf32, #tpu.memory_space<vmem_shared>>
      %dma_wait3A_16 = arith.constant 0 : i32
      %dma_wait3A_17 = tpu.memref_slice %arg4[%arg0, %mul3A_0, %dma_wait3A_16] : memref<2x10000x128xf32, #tpu.memory_space<hbm>> -> memref<1x625x128xf32, #tpu.memory_space<hbm>>
      %dma_wait3A_18 = tpu.memref_squeeze %dma_wait3A_17 : memref<1x625x128xf32, #tpu.memory_space<hbm>> -> memref<625x128xf32, #tpu.memory_space<hbm>>
      tpu.wait_dma2 semaphore(%run_scoped3A : memref<!tpu.dma_semaphore, #tpu.memory_space<semaphore_mem>>) src(%dma_wait3A_18 : memref<625x128xf32, #tpu.memory_space<hbm>>) dst(%dma_wait3A_15 : memref<625x128xf32, #tpu.memory_space<vmem_shared>>)
      tpu.yield
    }) : () -> ()
    %barrier3A = arith.constant 0 : index
    tpu.barrier barrier_id(%barrier3A)
    %mul3A_1 = arith.constant 16 : i32
    %mul3A_2 = arith.muli %arg0, %mul3A_1 : i32
    %add3A = arith.addi %mul3A_2, %arg1 : i32
    %mul3A_3 = arith.constant 5000 : i32
    %mul3A_4 = arith.muli %add3A, %mul3A_3 : i32
    %scan3A = arith.constant 0 : i32
    %scan3A_5 = arith.constant 0 : i32
    %scan3A_6 = arith.constant 25 : i32
    %scan3A_7 = arith.addi %scan3A_5, %scan3A_6 : i32
    %scan3A_8 = arith.constant 1 : i32
    scf.for %scan3A_11 = %scan3A_5 to %scan3A_7 step %scan3A_8  : i32 {
      %mul3A_12 = arith.constant 200 : i32
      %mul3A_13 = arith.muli %scan3A_11, %mul3A_12 : i32
      %add3A_14 = arith.addi %mul3A_4, %mul3A_13 : i32
      %add3A_15 = arith.constant 0 : i32
      %add3A_16 = arith.addi %add3A_14, %add3A_15 : i32
      %dma_start3A = tpu.memref_slice %arg3[%add3A_16] : memref<160000xi32, #tpu.memory_space<hbm>> -> memref<40xi32, #tpu.memory_space<hbm>>
      %dma_start3A_17 = tpu.memref_slice %arg3[%add3A_16] : memref<160000xi32, #tpu.memory_space<hbm>> -> memref<40xi32, #tpu.memory_space<hbm>>
      tpu.enqueue_dma source(%dma_start3A_17 : memref<40xi32, #tpu.memory_space<hbm>>) target(%arg7 : memref<40xi32, #tpu.memory_space<vmem>>) target_semaphore(%arg17 : memref<!tpu.dma_semaphore, #tpu.memory_space<semaphore_mem>>)
      %dma_start3A_18 = arith.constant 0 : i32
      %dma_start3A_19 = tpu.memref_slice %arg2[%add3A_16, %dma_start3A_18] : memref<160000x128xf32, #tpu.memory_space<hbm>> -> memref<40x128xf32, #tpu.memory_space<hbm>>
      %dma_start3A_20 = arith.constant 0 : i32
      %dma_start3A_21 = tpu.memref_slice %arg2[%add3A_16, %dma_start3A_20] : memref<160000x128xf32, #tpu.memory_space<hbm>> -> memref<40x128xf32, #tpu.memory_space<hbm>>
      tpu.enqueue_dma source(%dma_start3A_21 : memref<40x128xf32, #tpu.memory_space<hbm>>) target(%arg12 : memref<40x128xf32, #tpu.memory_space<vmem>>) target_semaphore(%arg18 : memref<!tpu.dma_semaphore, #tpu.memory_space<semaphore_mem>>)
      %add3A_22 = arith.constant 40 : i32
      %add3A_23 = arith.addi %add3A_14, %add3A_22 : i32
      %dma_start3A_24 = tpu.memref_slice %arg3[%add3A_23] : memref<160000xi32, #tpu.memory_space<hbm>> -> memref<40xi32, #tpu.memory_space<hbm>>
      %dma_start3A_25 = tpu.memref_slice %arg3[%add3A_23] : memref<160000xi32, #tpu.memory_space<hbm>> -> memref<40xi32, #tpu.memory_space<hbm>>
      tpu.enqueue_dma source(%dma_start3A_25 : memref<40xi32, #tpu.memory_space<hbm>>) target(%arg8 : memref<40xi32, #tpu.memory_space<vmem>>) target_semaphore(%arg17 : memref<!tpu.dma_semaphore, #tpu.memory_space<semaphore_mem>>)
      %dma_start3A_26 = arith.constant 0 : i32
      %dma_start3A_27 = tpu.memref_slice %arg2[%add3A_23, %dma_start3A_26] : memref<160000x128xf32, #tpu.memory_space<hbm>> -> memref<40x128xf32, #tpu.memory_space<hbm>>
      %dma_start3A_28 = arith.constant 0 : i32
      %dma_start3A_29 = tpu.memref_slice %arg2[%add3A_23, %dma_start3A_28] : memref<160000x128xf32, #tpu.memory_space<hbm>> -> memref<40x128xf32, #tpu.memory_space<hbm>>
      tpu.enqueue_dma source(%dma_start3A_29 : memref<40x128xf32, #tpu.memory_space<hbm>>) target(%arg13 : memref<40x128xf32, #tpu.memory_space<vmem>>) target_semaphore(%arg18 : memref<!tpu.dma_semaphore, #tpu.memory_space<semaphore_mem>>)
      %add3A_30 = arith.constant 80 : i32
      %add3A_31 = arith.addi %add3A_14, %add3A_30 : i32
      %dma_start3A_32 = tpu.memref_slice %arg3[%add3A_31] : memref<160000xi32, #tpu.memory_space<hbm>> -> memref<40xi32, #tpu.memory_space<hbm>>
      %dma_start3A_33 = tpu.memref_slice %arg3[%add3A_31] : memref<160000xi32, #tpu.memory_space<hbm>> -> memref<40xi32, #tpu.memory_space<hbm>>
      tpu.enqueue_dma source(%dma_start3A_33 : memref<40xi32, #tpu.memory_space<hbm>>) target(%arg9 : memref<40xi32, #tpu.memory_space<vmem>>) target_semaphore(%arg17 : memref<!tpu.dma_semaphore, #tpu.memory_space<semaphore_mem>>)
      %dma_start3A_34 = arith.constant 0 : i32
      %dma_start3A_35 = tpu.memref_slice %arg2[%add3A_31, %dma_start3A_34] : memref<160000x128xf32, #tpu.memory_space<hbm>> -> memref<40x128xf32, #tpu.memory_space<hbm>>
      %dma_start3A_36 = arith.constant 0 : i32
      %dma_start3A_37 = tpu.memref_slice %arg2[%add3A_31, %dma_start3A_36] : memref<160000x128xf32, #tpu.memory_space<hbm>> -> memref<40x128xf32, #tpu.memory_space<hbm>>
      tpu.enqueue_dma source(%dma_start3A_37 : memref<40x128xf32, #tpu.memory_space<hbm>>) target(%arg14 : memref<40x128xf32, #tpu.memory_space<vmem>>) target_semaphore(%arg18 : memref<!tpu.dma_semaphore, #tpu.memory_space<semaphore_mem>>)
      %add3A_38 = arith.constant 120 : i32
      %add3A_39 = arith.addi %add3A_14, %add3A_38 : i32
      %dma_start3A_40 = tpu.memref_slice %arg3[%add3A_39] : memref<160000xi32, #tpu.memory_space<hbm>> -> memref<40xi32, #tpu.memory_space<hbm>>
      %dma_start3A_41 = tpu.memref_slice %arg3[%add3A_39] : memref<160000xi32, #tpu.memory_space<hbm>> -> memref<40xi32, #tpu.memory_space<hbm>>
      tpu.enqueue_dma source(%dma_start3A_41 : memref<40xi32, #tpu.memory_space<hbm>>) target(%arg10 : memref<40xi32, #tpu.memory_space<vmem>>) target_semaphore(%arg17 : memref<!tpu.dma_semaphore, #tpu.memory_space<semaphore_mem>>)
      %dma_start3A_42 = arith.constant 0 : i32
      %dma_start3A_43 = tpu.memref_slice %arg2[%add3A_39, %dma_start3A_42] : memref<160000x128xf32, #tpu.memory_space<hbm>> -> memref<40x128xf32, #tpu.memory_space<hbm>>
      %dma_start3A_44 = arith.constant 0 : i32
      %dma_start3A_45 = tpu.memref_slice %arg2[%add3A_39, %dma_start3A_44] : memref<160000x128xf32, #tpu.memory_space<hbm>> -> memref<40x128xf32, #tpu.memory_space<hbm>>
      tpu.enqueue_dma source(%dma_start3A_45 : memref<40x128xf32, #tpu.memory_space<hbm>>) target(%arg15 : memref<40x128xf32, #tpu.memory_space<vmem>>) target_semaphore(%arg18 : memref<!tpu.dma_semaphore, #tpu.memory_space<semaphore_mem>>)
      %add3A_46 = arith.constant 160 : i32
      %add3A_47 = arith.addi %add3A_14, %add3A_46 : i32
      %dma_start3A_48 = tpu.memref_slice %arg3[%add3A_47] : memref<160000xi32, #tpu.memory_space<hbm>> -> memref<40xi32, #tpu.memory_space<hbm>>
      %dma_start3A_49 = tpu.memref_slice %arg3[%add3A_47] : memref<160000xi32, #tpu.memory_space<hbm>> -> memref<40xi32, #tpu.memory_space<hbm>>
      tpu.enqueue_dma source(%dma_start3A_49 : memref<40xi32, #tpu.memory_space<hbm>>) target(%arg11 : memref<40xi32, #tpu.memory_space<vmem>>) target_semaphore(%arg17 : memref<!tpu.dma_semaphore, #tpu.memory_space<semaphore_mem>>)
      %dma_start3A_50 = arith.constant 0 : i32
      %dma_start3A_51 = tpu.memref_slice %arg2[%add3A_47, %dma_start3A_50] : memref<160000x128xf32, #tpu.memory_space<hbm>> -> memref<40x128xf32, #tpu.memory_space<hbm>>
      %dma_start3A_52 = arith.constant 0 : i32
      %dma_start3A_53 = tpu.memref_slice %arg2[%add3A_47, %dma_start3A_52] : memref<160000x128xf32, #tpu.memory_space<hbm>> -> memref<40x128xf32, #tpu.memory_space<hbm>>
      tpu.enqueue_dma source(%dma_start3A_53 : memref<40x128xf32, #tpu.memory_space<hbm>>) target(%arg16 : memref<40x128xf32, #tpu.memory_space<vmem>>) target_semaphore(%arg18 : memref<!tpu.dma_semaphore, #tpu.memory_space<semaphore_mem>>)
      %dma_wait3A = tpu.memref_slice %arg3[%add3A_16] : memref<160000xi32, #tpu.memory_space<hbm>> -> memref<40xi32, #tpu.memory_space<hbm>>
      %dma_wait3A_54 = tpu.memref_slice %arg3[%add3A_16] : memref<160000xi32, #tpu.memory_space<hbm>> -> memref<40xi32, #tpu.memory_space<hbm>>
      tpu.wait_dma2 semaphore(%arg17 : memref<!tpu.dma_semaphore, #tpu.memory_space<semaphore_mem>>) src(%dma_wait3A_54 : memref<40xi32, #tpu.memory_space<hbm>>) dst(%arg7 : memref<40xi32, #tpu.memory_space<vmem>>)
      %dma_wait3A_55 = arith.constant 0 : i32
      %dma_wait3A_56 = tpu.memref_slice %arg2[%add3A_16, %dma_wait3A_55] : memref<160000x128xf32, #tpu.memory_space<hbm>> -> memref<40x128xf32, #tpu.memory_space<hbm>>
      %dma_wait3A_57 = arith.constant 0 : i32
      %dma_wait3A_58 = tpu.memref_slice %arg2[%add3A_16, %dma_wait3A_57] : memref<160000x128xf32, #tpu.memory_space<hbm>> -> memref<40x128xf32, #tpu.memory_space<hbm>>
      tpu.wait_dma2 semaphore(%arg18 : memref<!tpu.dma_semaphore, #tpu.memory_space<semaphore_mem>>) src(%dma_wait3A_58 : memref<40x128xf32, #tpu.memory_space<hbm>>) dst(%arg12 : memref<40x128xf32, #tpu.memory_space<vmem>>)
      %dma_start3A_59 = arith.constant 0 : i32
      %dma_start3A_60 = arith.constant 0 : i32
      %dma_start3A_61 = tpu.memref_slice %arg6[%dma_start3A_59, %dma_start3A_60] : memref<10000x128xf32, #tpu.memory_space<vmem_shared>> -> memref<10000x128xf32, #tpu.memory_space<vmem_shared>>
      tpu.enqueue_indirect_dma source(%arg12 : memref<40x128xf32, #tpu.memory_space<vmem>>) target(%dma_start3A_61 : memref<10000x128xf32, #tpu.memory_space<vmem_shared>>) offsets(%arg7 : memref<40xi32, #tpu.memory_space<vmem>>) semaphore(%arg19 : memref<!tpu.dma_semaphore, #tpu.memory_space<semaphore_mem>>) {add = true}
      %dma_wait3A_62 = tpu.memref_slice %arg3[%add3A_23] : memref<160000xi32, #tpu.memory_space<hbm>> -> memref<40xi32, #tpu.memory_space<hbm>>
      %dma_wait3A_63 = tpu.memref_slice %arg3[%add3A_23] : memref<160000xi32, #tpu.memory_space<hbm>> -> memref<40xi32, #tpu.memory_space<hbm>>
      tpu.wait_dma2 semaphore(%arg17 : memref<!tpu.dma_semaphore, #tpu.memory_space<semaphore_mem>>) src(%dma_wait3A_63 : memref<40xi32, #tpu.memory_space<hbm>>) dst(%arg8 : memref<40xi32, #tpu.memory_space<vmem>>)
      %dma_wait3A_64 = arith.constant 0 : i32
      %dma_wait3A_65 = tpu.memref_slice %arg2[%add3A_23, %dma_wait3A_64] : memref<160000x128xf32, #tpu.memory_space<hbm>> -> memref<40x128xf32, #tpu.memory_space<hbm>>
      %dma_wait3A_66 = arith.constant 0 : i32
      %dma_wait3A_67 = tpu.memref_slice %arg2[%add3A_23, %dma_wait3A_66] : memref<160000x128xf32, #tpu.memory_space<hbm>> -> memref<40x128xf32, #tpu.memory_space<hbm>>
      tpu.wait_dma2 semaphore(%arg18 : memref<!tpu.dma_semaphore, #tpu.memory_space<semaphore_mem>>) src(%dma_wait3A_67 : memref<40x128xf32, #tpu.memory_space<hbm>>) dst(%arg13 : memref<40x128xf32, #tpu.memory_space<vmem>>)
      %dma_start3A_68 = arith.constant 0 : i32
      %dma_start3A_69 = arith.constant 0 : i32
      %dma_start3A_70 = tpu.memref_slice %arg6[%dma_start3A_68, %dma_start3A_69] : memref<10000x128xf32, #tpu.memory_space<vmem_shared>> -> memref<10000x128xf32, #tpu.memory_space<vmem_shared>>
      tpu.enqueue_indirect_dma source(%arg13 : memref<40x128xf32, #tpu.memory_space<vmem>>) target(%dma_start3A_70 : memref<10000x128xf32, #tpu.memory_space<vmem_shared>>) offsets(%arg8 : memref<40xi32, #tpu.memory_space<vmem>>) semaphore(%arg19 : memref<!tpu.dma_semaphore, #tpu.memory_space<semaphore_mem>>) {add = true}
      %dma_wait3A_71 = tpu.memref_slice %arg3[%add3A_31] : memref<160000xi32, #tpu.memory_space<hbm>> -> memref<40xi32, #tpu.memory_space<hbm>>
      %dma_wait3A_72 = tpu.memref_slice %arg3[%add3A_31] : memref<160000xi32, #tpu.memory_space<hbm>> -> memref<40xi32, #tpu.memory_space<hbm>>
      tpu.wait_dma2 semaphore(%arg17 : memref<!tpu.dma_semaphore, #tpu.memory_space<semaphore_mem>>) src(%dma_wait3A_72 : memref<40xi32, #tpu.memory_space<hbm>>) dst(%arg9 : memref<40xi32, #tpu.memory_space<vmem>>)
      %dma_wait3A_73 = arith.constant 0 : i32
      %dma_wait3A_74 = tpu.memref_slice %arg2[%add3A_31, %dma_wait3A_73] : memref<160000x128xf32, #tpu.memory_space<hbm>> -> memref<40x128xf32, #tpu.memory_space<hbm>>
      %dma_wait3A_75 = arith.constant 0 : i32
      %dma_wait3A_76 = tpu.memref_slice %arg2[%add3A_31, %dma_wait3A_75] : memref<160000x128xf32, #tpu.memory_space<hbm>> -> memref<40x128xf32, #tpu.memory_space<hbm>>
      tpu.wait_dma2 semaphore(%arg18 : memref<!tpu.dma_semaphore, #tpu.memory_space<semaphore_mem>>) src(%dma_wait3A_76 : memref<40x128xf32, #tpu.memory_space<hbm>>) dst(%arg14 : memref<40x128xf32, #tpu.memory_space<vmem>>)
      %dma_start3A_77 = arith.constant 0 : i32
      %dma_start3A_78 = arith.constant 0 : i32
      %dma_start3A_79 = tpu.memref_slice %arg6[%dma_start3A_77, %dma_start3A_78] : memref<10000x128xf32, #tpu.memory_space<vmem_shared>> -> memref<10000x128xf32, #tpu.memory_space<vmem_shared>>
      tpu.enqueue_indirect_dma source(%arg14 : memref<40x128xf32, #tpu.memory_space<vmem>>) target(%dma_start3A_79 : memref<10000x128xf32, #tpu.memory_space<vmem_shared>>) offsets(%arg9 : memref<40xi32, #tpu.memory_space<vmem>>) semaphore(%arg19 : memref<!tpu.dma_semaphore, #tpu.memory_space<semaphore_mem>>) {add = true}
      %dma_wait3A_80 = tpu.memref_slice %arg3[%add3A_39] : memref<160000xi32, #tpu.memory_space<hbm>> -> memref<40xi32, #tpu.memory_space<hbm>>
      %dma_wait3A_81 = tpu.memref_slice %arg3[%add3A_39] : memref<160000xi32, #tpu.memory_space<hbm>> -> memref<40xi32, #tpu.memory_space<hbm>>
      tpu.wait_dma2 semaphore(%arg17 : memref<!tpu.dma_semaphore, #tpu.memory_space<semaphore_mem>>) src(%dma_wait3A_81 : memref<40xi32, #tpu.memory_space<hbm>>) dst(%arg10 : memref<40xi32, #tpu.memory_space<vmem>>)
      %dma_wait3A_82 = arith.constant 0 : i32
      %dma_wait3A_83 = tpu.memref_slice %arg2[%add3A_39, %dma_wait3A_82] : memref<160000x128xf32, #tpu.memory_space<hbm>> -> memref<40x128xf32, #tpu.memory_space<hbm>>
      %dma_wait3A_84 = arith.constant 0 : i32
      %dma_wait3A_85 = tpu.memref_slice %arg2[%add3A_39, %dma_wait3A_84] : memref<160000x128xf32, #tpu.memory_space<hbm>> -> memref<40x128xf32, #tpu.memory_space<hbm>>
      tpu.wait_dma2 semaphore(%arg18 : memref<!tpu.dma_semaphore, #tpu.memory_space<semaphore_mem>>) src(%dma_wait3A_85 : memref<40x128xf32, #tpu.memory_space<hbm>>) dst(%arg15 : memref<40x128xf32, #tpu.memory_space<vmem>>)
      %dma_start3A_86 = arith.constant 0 : i32
      %dma_start3A_87 = arith.constant 0 : i32
      %dma_start3A_88 = tpu.memref_slice %arg6[%dma_start3A_86, %dma_start3A_87] : memref<10000x128xf32, #tpu.memory_space<vmem_shared>> -> memref<10000x128xf32, #tpu.memory_space<vmem_shared>>
      tpu.enqueue_indirect_dma source(%arg15 : memref<40x128xf32, #tpu.memory_space<vmem>>) target(%dma_start3A_88 : memref<10000x128xf32, #tpu.memory_space<vmem_shared>>) offsets(%arg10 : memref<40xi32, #tpu.memory_space<vmem>>) semaphore(%arg19 : memref<!tpu.dma_semaphore, #tpu.memory_space<semaphore_mem>>) {add = true}
      %dma_wait3A_89 = tpu.memref_slice %arg3[%add3A_47] : memref<160000xi32, #tpu.memory_space<hbm>> -> memref<40xi32, #tpu.memory_space<hbm>>
      %dma_wait3A_90 = tpu.memref_slice %arg3[%add3A_47] : memref<160000xi32, #tpu.memory_space<hbm>> -> memref<40xi32, #tpu.memory_space<hbm>>
      tpu.wait_dma2 semaphore(%arg17 : memref<!tpu.dma_semaphore, #tpu.memory_space<semaphore_mem>>) src(%dma_wait3A_90 : memref<40xi32, #tpu.memory_space<hbm>>) dst(%arg11 : memref<40xi32, #tpu.memory_space<vmem>>)
      %dma_wait3A_91 = arith.constant 0 : i32
      %dma_wait3A_92 = tpu.memref_slice %arg2[%add3A_47, %dma_wait3A_91] : memref<160000x128xf32, #tpu.memory_space<hbm>> -> memref<40x128xf32, #tpu.memory_space<hbm>>
      %dma_wait3A_93 = arith.constant 0 : i32
      %dma_wait3A_94 = tpu.memref_slice %arg2[%add3A_47, %dma_wait3A_93] : memref<160000x128xf32, #tpu.memory_space<hbm>> -> memref<40x128xf32, #tpu.memory_space<hbm>>
      tpu.wait_dma2 semaphore(%arg18 : memref<!tpu.dma_semaphore, #tpu.memory_space<semaphore_mem>>) src(%dma_wait3A_94 : memref<40x128xf32, #tpu.memory_space<hbm>>) dst(%arg16 : memref<40x128xf32, #tpu.memory_space<vmem>>)
      %dma_start3A_95 = arith.constant 0 : i32
      %dma_start3A_96 = arith.constant 0 : i32
      %dma_start3A_97 = tpu.memref_slice %arg6[%dma_start3A_95, %dma_start3A_96] : memref<10000x128xf32, #tpu.memory_space<vmem_shared>> -> memref<10000x128xf32, #tpu.memory_space<vmem_shared>>
      tpu.enqueue_indirect_dma source(%arg16 : memref<40x128xf32, #tpu.memory_space<vmem>>) target(%dma_start3A_97 : memref<10000x128xf32, #tpu.memory_space<vmem_shared>>) offsets(%arg11 : memref<40xi32, #tpu.memory_space<vmem>>) semaphore(%arg19 : memref<!tpu.dma_semaphore, #tpu.memory_space<semaphore_mem>>) {add = true}
      %dma_wait3A_98 = arith.constant 0 : i32
      %dma_wait3A_99 = arith.constant 0 : i32
      %dma_wait3A_100 = tpu.memref_slice %arg6[%dma_wait3A_98, %dma_wait3A_99] : memref<10000x128xf32, #tpu.memory_space<vmem_shared>> -> memref<10000x128xf32, #tpu.memory_space<vmem_shared>>
      tpu.wait_indirect_dma semaphore(%arg19 : memref<!tpu.dma_semaphore, #tpu.memory_space<semaphore_mem>>) src(%arg12 : memref<40x128xf32, #tpu.memory_space<vmem>>) dst(%dma_wait3A_100 : memref<10000x128xf32, #tpu.memory_space<vmem_shared>>)
      %dma_wait3A_101 = arith.constant 0 : i32
      %dma_wait3A_102 = arith.constant 0 : i32
      %dma_wait3A_103 = tpu.memref_slice %arg6[%dma_wait3A_101, %dma_wait3A_102] : memref<10000x128xf32, #tpu.memory_space<vmem_shared>> -> memref<10000x128xf32, #tpu.memory_space<vmem_shared>>
      tpu.wait_indirect_dma semaphore(%arg19 : memref<!tpu.dma_semaphore, #tpu.memory_space<semaphore_mem>>) src(%arg13 : memref<40x128xf32, #tpu.memory_space<vmem>>) dst(%dma_wait3A_103 : memref<10000x128xf32, #tpu.memory_space<vmem_shared>>)
      %dma_wait3A_104 = arith.constant 0 : i32
      %dma_wait3A_105 = arith.constant 0 : i32
      %dma_wait3A_106 = tpu.memref_slice %arg6[%dma_wait3A_104, %dma_wait3A_105] : memref<10000x128xf32, #tpu.memory_space<vmem_shared>> -> memref<10000x128xf32, #tpu.memory_space<vmem_shared>>
      tpu.wait_indirect_dma semaphore(%arg19 : memref<!tpu.dma_semaphore, #tpu.memory_space<semaphore_mem>>) src(%arg14 : memref<40x128xf32, #tpu.memory_space<vmem>>) dst(%dma_wait3A_106 : memref<10000x128xf32, #tpu.memory_space<vmem_shared>>)
      %dma_wait3A_107 = arith.constant 0 : i32
      %dma_wait3A_108 = arith.constant 0 : i32
      %dma_wait3A_109 = tpu.memref_slice %arg6[%dma_wait3A_107, %dma_wait3A_108] : memref<10000x128xf32, #tpu.memory_space<vmem_shared>> -> memref<10000x128xf32, #tpu.memory_space<vmem_shared>>
      tpu.wait_indirect_dma semaphore(%arg19 : memref<!tpu.dma_semaphore, #tpu.memory_space<semaphore_mem>>) src(%arg15 : memref<40x128xf32, #tpu.memory_space<vmem>>) dst(%dma_wait3A_109 : memref<10000x128xf32, #tpu.memory_space<vmem_shared>>)
      %dma_wait3A_110 = arith.constant 0 : i32
      %dma_wait3A_111 = arith.constant 0 : i32
      %dma_wait3A_112 = tpu.memref_slice %arg6[%dma_wait3A_110, %dma_wait3A_111] : memref<10000x128xf32, #tpu.memory_space<vmem_shared>> -> memref<10000x128xf32, #tpu.memory_space<vmem_shared>>
      tpu.wait_indirect_dma semaphore(%arg19 : memref<!tpu.dma_semaphore, #tpu.memory_space<semaphore_mem>>) src(%arg16 : memref<40x128xf32, #tpu.memory_space<vmem>>) dst(%dma_wait3A_112 : memref<10000x128xf32, #tpu.memory_space<vmem_shared>>)
    }
    %scan3A_9 = arith.constant 25 : i32
    %barrier3A_10 = arith.constant 0 : index
    tpu.barrier barrier_id(%barrier3A_10)
    "tpu.region"() ({
      %run_scoped3A = tpu.sem_alloc : memref<!tpu.dma_semaphore, #tpu.memory_space<semaphore_mem>>
      %dma_start3A = arith.constant 0 : i32
      %dma_start3A_11 = tpu.memref_slice %arg5[%arg0, %mul3A_0, %dma_start3A] : memref<2x10000x128xf32, #tpu.memory_space<hbm>> -> memref<1x625x128xf32, #tpu.memory_space<hbm>>
      %dma_start3A_12 = tpu.memref_squeeze %dma_start3A_11 : memref<1x625x128xf32, #tpu.memory_space<hbm>> -> memref<625x128xf32, #tpu.memory_space<hbm>>
      %dma_start3A_13 = arith.constant 0 : i32
      %dma_start3A_14 = tpu.memref_slice %arg6[%mul3A_0, %dma_start3A_13] : memref<10000x128xf32, #tpu.memory_space<vmem_shared>> -> memref<625x128xf32, #tpu.memory_space<vmem_shared>>
      tpu.enqueue_dma source(%dma_start3A_14 : memref<625x128xf32, #tpu.memory_space<vmem_shared>>) target(%dma_start3A_12 : memref<625x128xf32, #tpu.memory_space<hbm>>) target_semaphore(%run_scoped3A : memref<!tpu.dma_semaphore, #tpu.memory_space<semaphore_mem>>)
      %dma_wait3A = arith.constant 0 : i32
      %dma_wait3A_15 = tpu.memref_slice %arg5[%arg0, %mul3A_0, %dma_wait3A] : memref<2x10000x128xf32, #tpu.memory_space<hbm>> -> memref<1x625x128xf32, #tpu.memory_space<hbm>>
      %dma_wait3A_16 = tpu.memref_squeeze %dma_wait3A_15 : memref<1x625x128xf32, #tpu.memory_space<hbm>> -> memref<625x128xf32, #tpu.memory_space<hbm>>
      %dma_wait3A_17 = arith.constant 0 : i32
      %dma_wait3A_18 = tpu.memref_slice %arg6[%mul3A_0, %dma_wait3A_17] : memref<10000x128xf32, #tpu.memory_space<vmem_shared>> -> memref<625x128xf32, #tpu.memory_space<vmem_shared>>
      tpu.wait_dma2 semaphore(%run_scoped3A : memref<!tpu.dma_semaphore, #tpu.memory_space<semaphore_mem>>) src(%dma_wait3A_18 : memref<625x128xf32, #tpu.memory_space<vmem_shared>>) dst(%dma_wait3A_16 : memref<625x128xf32, #tpu.memory_space<hbm>>)
      tpu.yield
    }) : () -> ()
    return
  }
}

module attributes {stable_mosaic.version = 14 : i64} {
  func.func @_s1_body(%arg0: i32, %arg1: memref<1000x128xf32, #tpu.memory_space<vmem>>, %arg2: memref<64x228xf32, #tpu.memory_space<vmem>>, %arg3: memref<64x244xf32, #tpu.memory_space<vmem>>, %arg4: memref<1x100xf32, #tpu.memory_space<vmem>>, %arg5: memref<1000x128xf32, #tpu.memory_space<vmem>>) attributes {dimension_semantics = [#tpu.dimension_semantics<arbitrary>], iteration_bounds = array<i64: 10>, scalar_prefetch = 0 : i64, scratch_operands = 0 : i64, tpu.core_type = #tpu.core_type<tc>, window_params = [{transform_indices = @transform_0, window_bounds = array<i64: 1000, 128>}, {pipeline_mode = #tpu.pipeline_mode<synchronous>, transform_indices = @transform_1, window_bounds = array<i64: 64, 228>}, {pipeline_mode = #tpu.pipeline_mode<synchronous>, transform_indices = @transform_2, window_bounds = array<i64: 64, 244>}, {pipeline_mode = #tpu.pipeline_mode<synchronous>, transform_indices = @transform_3, window_bounds = array<i64: 1, 100>}, {transform_indices = @transform_4, window_bounds = array<i64: 1000, 128>}]} {
    %get3A = arith.constant 0 : index
    %get3A_0 = arith.constant 0 : index
    %get3A_1 = vector.load %arg1[%get3A, %get3A_0] : memref<1000x128xf32, #tpu.memory_space<vmem>>, vector<1000x128xf32>
    %get3A_2 = arith.constant 0 : index
    %get3A_3 = arith.constant 0 : index
    %get3A_4 = vector.load %arg4[%get3A_2, %get3A_3] : memref<1x100xf32, #tpu.memory_space<vmem>>, vector<1x100xf32>
    %cos3A = math.cos %get3A_4 : vector<1x100xf32>
    %get3A_5 = arith.constant 0 : index
    %get3A_6 = arith.constant 128 : index
    %get3A_7 = vector.load %arg2[%get3A_5, %get3A_6] : memref<64x228xf32, #tpu.memory_space<vmem>>, vector<64x100xf32>
    %dot_general3A = arith.constant dense<0.000000e+00> : vector<1x64xf32>
    %dot_general3A_8 = tpu.matmul %cos3A, %get3A_7, %dot_general3A {dimension_numbers = #tpu.dot_dimension_numbers<[1], [1], [0], [0], [0, 0, 1, 0], [], []>, transpose_lhs_hint = false} : vector<1x100xf32>, vector<64x100xf32>, vector<1x64xf32> -> vector<1x64xf32>
    %get3A_9 = arith.constant 0 : index
    %get3A_10 = arith.constant 0 : index
    %get3A_11 = vector.load %arg2[%get3A_9, %get3A_10] : memref<64x228xf32, #tpu.memory_space<vmem>>, vector<64x128xf32>
    %dot_general3A_12 = arith.constant dense<0.000000e+00> : vector<1000x64xf32>
    %dot_general3A_13 = tpu.matmul %get3A_1, %get3A_11, %dot_general3A_12 {dimension_numbers = #tpu.dot_dimension_numbers<[1], [1], [0], [0], [0, 0, 1, 0], [], []>, transpose_lhs_hint = false} : vector<1000x128xf32>, vector<64x128xf32>, vector<1000x64xf32> -> vector<1000x64xf32>
    %add3A = vector.broadcast %dot_general3A_8 : vector<1x64xf32> to vector<1000x64xf32>
    %add3A_14 = arith.addf %dot_general3A_13, %add3A : vector<1000x64xf32>
    %get3A_15 = arith.constant 0 : index
    %get3A_16 = arith.constant 0 : index
    %get3A_17 = vector.load %arg3[%get3A_15, %get3A_16] : memref<64x244xf32, #tpu.memory_space<vmem>>, vector<64x128xf32>
    %dot_general3A_18 = arith.constant dense<0.000000e+00> : vector<1000x64xf32>
    %dot_general3A_19 = tpu.matmul %get3A_1, %get3A_17, %dot_general3A_18 {dimension_numbers = #tpu.dot_dimension_numbers<[1], [1], [0], [0], [0, 0, 1, 0], [], []>, transpose_lhs_hint = false} : vector<1000x128xf32>, vector<64x128xf32>, vector<1000x64xf32> -> vector<1000x64xf32>
    %concatenate3A = tpu.concatenate %dot_general3A_19, %add3A_14 in 1 : vector<1000x64xf32>, vector<1000x64xf32> -> vector<1000x128xf32>
    %swap3A = arith.constant 0 : index
    %swap3A_20 = arith.constant 0 : index
    %swap3A_21 = vector.load %arg5[%swap3A, %swap3A_20] : memref<1000x128xf32, #tpu.memory_space<vmem>>, vector<1000x128xf32>
    tpu.vector_store %arg5[%swap3A, %swap3A_20], %concatenate3A {strides = array<i32>} : memref<1000x128xf32, #tpu.memory_space<vmem>>, vector<1000x128xf32>,
    return
  }
  func.func @transform_0(%arg0: i32) -> (i32, i32) {
    %c0_i32 = arith.constant 0 : i32
    %c0_i32_0 = arith.constant 0 : i32
    return %arg0, %c0_i32 : i32, i32
  }
  func.func @transform_1(%arg0: i32) -> (i32, i32) {
    %c0_i32 = arith.constant 0 : i32
    %c0_i32_0 = arith.constant 0 : i32
    %c0_i32_1 = arith.constant 0 : i32
    return %c0_i32, %c0_i32_0 : i32, i32
  }
  func.func @transform_2(%arg0: i32) -> (i32, i32) {
    %c0_i32 = arith.constant 0 : i32
    %c0_i32_0 = arith.constant 0 : i32
    %c0_i32_1 = arith.constant 0 : i32
    return %c0_i32, %c0_i32_0 : i32, i32
  }
  func.func @transform_3(%arg0: i32) -> (i32, i32) {
    %c0_i32 = arith.constant 0 : i32
    %c0_i32_0 = arith.constant 0 : i32
    %c0_i32_1 = arith.constant 0 : i32
    return %c0_i32, %c0_i32_0 : i32, i32
  }
  func.func @transform_4(%arg0: i32) -> (i32, i32) {
    %c0_i32 = arith.constant 0 : i32
    %c0_i32_0 = arith.constant 0 : i32
    return %arg0, %c0_i32 : i32, i32
  }
}

module attributes {stable_mosaic.version = 14 : i64} {
  func.func @_s3_body(%arg0: i32, %arg1: memref<1x3200xf32, #tpu.memory_space<vmem>>, %arg2: memref<3200x16xf32, #tpu.memory_space<vmem>>, %arg3: memref<3200x128xf32, #tpu.memory_space<vmem>>, %arg4: memref<3200x128xf32, #tpu.memory_space<vmem>>, %arg5: memref<128x1xf32, #tpu.memory_space<vmem>>, %arg6: memref<128x1xf32, #tpu.memory_space<vmem>>, %arg7: memref<128x64xf32, #tpu.memory_space<vmem>>, %arg8: memref<16x64xf32, #tpu.memory_space<vmem>>, %arg9: memref<3200x64xbf16, #tpu.memory_space<vmem>>, %arg10: memref<1x3200xf32, #tpu.memory_space<vmem>>, %arg11: memref<1x3200xf32, #tpu.memory_space<vmem>>, %arg12: memref<2xf32, #tpu.memory_space<smem>>, %arg13: memref<2xf32, #tpu.memory_space<smem>>) attributes {dimension_semantics = [#tpu.dimension_semantics<arbitrary>], iteration_bounds = array<i64: 50>, scalar_prefetch = 0 : i64, scratch_operands = 1 : i64, tpu.core_type = #tpu.core_type<tc>, window_params = [{transform_indices = @transform_0, window_bounds = array<i64: 1, 3200>}, {transform_indices = @transform_1, window_bounds = array<i64: 3200, 16>}, {transform_indices = @transform_2, window_bounds = array<i64: 3200, 128>}, {transform_indices = @transform_3, window_bounds = array<i64: 3200, 128>}, {pipeline_mode = #tpu.pipeline_mode<synchronous>, transform_indices = @transform_4, window_bounds = array<i64: 128, 1>}, {pipeline_mode = #tpu.pipeline_mode<synchronous>, transform_indices = @transform_5, window_bounds = array<i64: 128, 1>}, {pipeline_mode = #tpu.pipeline_mode<synchronous>, transform_indices = @transform_6, window_bounds = array<i64: 128, 64>}, {pipeline_mode = #tpu.pipeline_mode<synchronous>, transform_indices = @transform_7, window_bounds = array<i64: 16, 64>}, {transform_indices = @transform_8, window_bounds = array<i64: 3200, 64>}, {transform_indices = @transform_9, window_bounds = array<i64: 1, 3200>}, {transform_indices = @transform_10, window_bounds = array<i64: 1, 3200>}, {transform_indices = @transform_11, window_bounds = array<i64: 2>}]} {
    %get3A = arith.constant 0 : index
    %get3A_0 = arith.constant 0 : index
    %get3A_1 = vector.load %arg1[%get3A, %get3A_0] : memref<1x3200xf32, #tpu.memory_space<vmem>>, vector<1x3200xf32>
    %get3A_2 = arith.constant 0 : index
    %get3A_3 = arith.constant 0 : index
    %get3A_4 = vector.load %arg5[%get3A_2, %get3A_3] : memref<128x1xf32, #tpu.memory_space<vmem>>, vector<32x1xf32>
    %mul3A = vector.broadcast %get3A_4 : vector<32x1xf32> to vector<32x3200xf32>
    %mul3A_5 = vector.broadcast %get3A_1 : vector<1x3200xf32> to vector<32x3200xf32>
    %mul3A_6 = arith.mulf %mul3A, %mul3A_5 : vector<32x3200xf32>
    %get3A_7 = arith.constant 0 : index
    %get3A_8 = arith.constant 0 : index
    %get3A_9 = vector.load %arg6[%get3A_7, %get3A_8] : memref<128x1xf32, #tpu.memory_space<vmem>>, vector<32x1xf32>
    %add3A = vector.broadcast %get3A_9 : vector<32x1xf32> to vector<32x3200xf32>
    %add3A_10 = arith.addf %mul3A_6, %add3A : vector<32x3200xf32>
    %cos3A = math.cos %add3A_10 : vector<32x3200xf32>
    %get3A_11 = arith.constant 32 : index
    %get3A_12 = arith.constant 0 : index
    %get3A_13 = vector.load %arg5[%get3A_11, %get3A_12] : memref<128x1xf32, #tpu.memory_space<vmem>>, vector<96x1xf32>
    %mul3A_14 = vector.broadcast %get3A_13 : vector<96x1xf32> to vector<96x3200xf32>
    %mul3A_15 = vector.broadcast %get3A_1 : vector<1x3200xf32> to vector<96x3200xf32>
    %mul3A_16 = arith.mulf %mul3A_14, %mul3A_15 : vector<96x3200xf32>
    %mul3A_17 = arith.mulf %mul3A_16, %mul3A_16 : vector<96x3200xf32>
    %mul3A_18 = arith.constant 5.000000e-01 : f32
    %mul3A_19 = vector.broadcast %mul3A_18 : f32 to vector<96x3200xf32>
    %mul3A_20 = arith.mulf %mul3A_19, %mul3A_17 : vector<96x3200xf32>
    %sub3A = arith.constant 1.000000e+00 : f32
    %sub3A_21 = vector.broadcast %sub3A : f32 to vector<96x3200xf32>
    %sub3A_22 = arith.subf %sub3A_21, %mul3A_20 : vector<96x3200xf32>
    %concatenate3A = tpu.concatenate %cos3A, %sub3A_22 in 0 : vector<32x3200xf32>, vector<96x3200xf32> -> vector<128x3200xf32>
    %get3A_23 = arith.constant 0 : index
    %get3A_24 = arith.constant 0 : index
    %get3A_25 = vector.load %arg7[%get3A_23, %get3A_24] : memref<128x64xf32, #tpu.memory_space<vmem>>, vector<128x64xf32>
    %dot_general3A = arith.constant dense<0.000000e+00> : vector<3200x64xf32>
    %dot_general3A_26 = tpu.matmul %concatenate3A, %get3A_25, %dot_general3A {dimension_numbers = #tpu.dot_dimension_numbers<[0], [0], [1], [1], [0, 1, 1, 1], [], []>, transpose_lhs_hint = false} : vector<128x3200xf32>, vector<128x64xf32>, vector<3200x64xf32> -> vector<3200x64xf32>
    %get3A_27 = arith.constant 0 : index
    %get3A_28 = arith.constant 0 : index
    %get3A_29 = vector.load %arg2[%get3A_27, %get3A_28] : memref<3200x16xf32, #tpu.memory_space<vmem>>, vector<3200x16xf32>
    %get3A_30 = arith.constant 0 : index
    %get3A_31 = arith.constant 0 : index
    %get3A_32 = vector.load %arg8[%get3A_30, %get3A_31] : memref<16x64xf32, #tpu.memory_space<vmem>>, vector<16x64xf32>
    %dot_general3A_33 = arith.constant dense<0.000000e+00> : vector<3200x64xf32>
    %dot_general3A_34 = tpu.matmul %get3A_29, %get3A_32, %dot_general3A_33 {dimension_numbers = #tpu.dot_dimension_numbers<[1], [0], [0], [1], [0, 0, 1, 1], [], []>, transpose_lhs_hint = false} : vector<3200x16xf32>, vector<16x64xf32>, vector<3200x64xf32> -> vector<3200x64xf32>
    %add3A_35 = arith.addf %dot_general3A_26, %dot_general3A_34 : vector<3200x64xf32>
    %get3A_36 = arith.constant 0 : index
    %get3A_37 = arith.constant 0 : index
    %get3A_38 = vector.load %arg3[%get3A_36, %get3A_37] : memref<3200x128xf32, #tpu.memory_space<vmem>>, vector<3200x64xf32>
    %add3A_39 = arith.addf %add3A_35, %get3A_38 : vector<3200x64xf32>
    %convert_element_type3A = arith.truncf %add3A_39 : vector<3200x64xf32> to vector<3200x64xbf16>
    %swap3A = arith.constant 0 : index
    %swap3A_40 = arith.constant 0 : index
    %swap3A_41 = vector.load %arg9[%swap3A, %swap3A_40] : memref<3200x64xbf16, #tpu.memory_space<vmem>>, vector<3200x64xbf16>
    tpu.vector_store %arg9[%swap3A, %swap3A_40], %convert_element_type3A {strides = array<i32>} : memref<3200x64xbf16, #tpu.memory_space<vmem>>, vector<3200x64xbf16>,
    %get3A_42 = arith.constant 0 : index
    %get3A_43 = arith.constant 64 : index
    %get3A_44 = vector.load %arg4[%get3A_42, %get3A_43] : memref<3200x128xf32, #tpu.memory_space<vmem>>, vector<3200x64xf32>
    %mul3A_45 = arith.mulf %get3A_44, %add3A_39 : vector<3200x64xf32>
    %iota3A = tpu.iota {dimensions = array<i32: 0>} : vector<2x64xi32>
    %iota3A_46 = tpu.iota {dimensions = array<i32: 1>} : vector<2x64xi32>
    %jit3A = arith.constant 32 : i32
    %div3A = vector.broadcast %jit3A : i32 to vector<2x64xi32>
    %div3A_47 = arith.divsi %iota3A_46, %div3A : vector<2x64xi32>
    %sign3A = arith.constant 0 : i32
    %sign3A_48 = vector.broadcast %sign3A : i32 to vector<2x64xi32>
    %sign3A_49 = arith.cmpi sgt, %iota3A_46, %sign3A_48 : vector<2x64xi32>
    %sign3A_50 = arith.extui %sign3A_49 : vector<2x64xi1> to vector<2x64xi32>
    %sign3A_51 = arith.constant 0 : i32
    %sign3A_52 = vector.broadcast %sign3A_51 : i32 to vector<2x64xi32>
    %sign3A_53 = arith.cmpi slt, %iota3A_46, %sign3A_52 : vector<2x64xi32>
    %sign3A_54 = arith.extui %sign3A_53 : vector<2x64xi1> to vector<2x64xi32>
    %sign3A_55 = arith.subi %sign3A_50, %sign3A_54 : vector<2x64xi32>
    %sign3A_56 = arith.constant 0 : i32
    %sign3A_57 = arith.cmpi sgt, %jit3A, %sign3A_56 : i32
    %sign3A_58 = arith.extui %sign3A_57 : i1 to i32
    %sign3A_59 = arith.constant 0 : i32
    %sign3A_60 = arith.cmpi slt, %jit3A, %sign3A_59 : i32
    %sign3A_61 = arith.extui %sign3A_60 : i1 to i32
    %sign3A_62 = arith.subi %sign3A_58, %sign3A_61 : i32
    %ne3A = vector.broadcast %sign3A_62 : i32 to vector<2x64xi32>
    %ne3A_63 = arith.cmpi ne, %sign3A_55, %ne3A : vector<2x64xi32>
    %rem3A = vector.broadcast %jit3A : i32 to vector<2x64xi32>
    %rem3A_64 = arith.remsi %iota3A_46, %rem3A : vector<2x64xi32>
    %ne3A_65 = arith.constant 0 : i32
    %ne3A_66 = vector.broadcast %ne3A_65 : i32 to vector<2x64xi32>
    %ne3A_67 = arith.cmpi ne, %rem3A_64, %ne3A_66 : vector<2x64xi32>
    %and3A = arith.andi %ne3A_63, %ne3A_67 : vector<2x64xi1>
    %sub3A_68 = arith.constant 1 : i32
    %sub3A_69 = vector.broadcast %sub3A_68 : i32 to vector<2x64xi32>
    %sub3A_70 = arith.subi %div3A_47, %sub3A_69 : vector<2x64xi32>
    %select_n3A = arith.select %and3A, %sub3A_70, %div3A_47 : vector<2x64xi1>, vector<2x64xi32>
    %eq3A = arith.cmpi eq, %select_n3A, %iota3A : vector<2x64xi32>
    %jit3A_71 = arith.constant 1.000000e+00 : f32
    %jit3A_72 = arith.constant 0.000000e+00 : f32
    %broadcast_in_dim3A = vector.broadcast %jit3A_71 : f32 to vector<2x64xf32>
    %broadcast_in_dim3A_73 = vector.broadcast %jit3A_72 : f32 to vector<2x64xf32>
    %select_n3A_74 = arith.select %eq3A, %broadcast_in_dim3A, %broadcast_in_dim3A_73 : vector<2x64xi1>, vector<2x64xf32>
    %dot_general3A_75 = arith.constant dense<0.000000e+00> : vector<2x3200xf32>
    %dot_general3A_76 = tpu.matmul %select_n3A_74, %mul3A_45, %dot_general3A_75 {dimension_numbers = #tpu.dot_dimension_numbers<[1], [1], [0], [0], [0, 0, 1, 0], [], []>, transpose_lhs_hint = false} : vector<2x64xf32>, vector<3200x64xf32>, vector<2x3200xf32> -> vector<2x3200xf32>
    %slice3A = vector.extract_strided_slice %dot_general3A_76 {offsets = [0, 0], sizes = [1, 3200], strides = [1, 1]} : vector<2x3200xf32> to vector<1x3200xf32>
    %swap3A_77 = arith.constant 0 : index
    %swap3A_78 = arith.constant 0 : index
    %swap3A_79 = vector.load %arg10[%swap3A_77, %swap3A_78] : memref<1x3200xf32, #tpu.memory_space<vmem>>, vector<1x3200xf32>
    tpu.vector_store %arg10[%swap3A_77, %swap3A_78], %slice3A {strides = array<i32>} : memref<1x3200xf32, #tpu.memory_space<vmem>>, vector<1x3200xf32>,
    %slice3A_80 = vector.extract_strided_slice %dot_general3A_76 {offsets = [1, 0], sizes = [1, 3200], strides = [1, 1]} : vector<2x3200xf32> to vector<1x3200xf32>
    %swap3A_81 = arith.constant 0 : index
    %swap3A_82 = arith.constant 0 : index
    %swap3A_83 = vector.load %arg11[%swap3A_81, %swap3A_82] : memref<1x3200xf32, #tpu.memory_space<vmem>>, vector<1x3200xf32>
    tpu.vector_store %arg11[%swap3A_81, %swap3A_82], %slice3A_80 {strides = array<i32>} : memref<1x3200xf32, #tpu.memory_space<vmem>>, vector<1x3200xf32>,
    %slice3A_84 = vector.extract_strided_slice %dot_general3A_76 {offsets = [0, 0], sizes = [1, 3200], strides = [1, 1]} : vector<2x3200xf32> to vector<1x3200xf32>
    %reduce_max3A = vector.shape_cast %slice3A_84 : vector<1x3200xf32> to vector<1x1x3200xf32>
    %reduce_max3A_85 = arith.constant dense<0xFF800000> : vector<1xf32>
    %reduce_max3A_86 = vector.multi_reduction <maximumf>, %reduce_max3A, %reduce_max3A_85 [1, 2] : vector<1x1x3200xf32> to vector<1xf32>
    %reduce_max3A_87 = vector.shape_cast %reduce_max3A_86 : vector<1xf32> to vector<1x1x1xf32>
    %reduce_max3A_88 = vector.extract %reduce_max3A_87[0, 0, 0] : f32 from vector<1x1x1xf32>
    %slice3A_89 = vector.extract_strided_slice %dot_general3A_76 {offsets = [1, 0], sizes = [1, 3200], strides = [1, 1]} : vector<2x3200xf32> to vector<1x3200xf32>
    %reduce_max3A_90 = vector.shape_cast %slice3A_89 : vector<1x3200xf32> to vector<1x1x3200xf32>
    %reduce_max3A_91 = arith.constant dense<0xFF800000> : vector<1xf32>
    %reduce_max3A_92 = vector.multi_reduction <maximumf>, %reduce_max3A_90, %reduce_max3A_91 [1, 2] : vector<1x1x3200xf32> to vector<1xf32>
    %reduce_max3A_93 = vector.shape_cast %reduce_max3A_92 : vector<1xf32> to vector<1x1x1xf32>
    %reduce_max3A_94 = vector.extract %reduce_max3A_93[0, 0, 0] : f32 from vector<1x1x1xf32>
    %eq3A_95 = arith.constant 0 : i32
    %eq3A_96 = arith.cmpi eq, %arg0, %eq3A_95 : i32
    %convert_element_type3A_97 = arith.extui %eq3A_96 : i1 to i32
    %cond3A = arith.constant 0 : i32
    %cond3A_98 = arith.cmpi ne, %convert_element_type3A_97, %cond3A : i32
    scf.if %cond3A_98 {
      %swap3A_108 = arith.constant 0 : index
      %swap3A_109 = memref.load %arg13[%swap3A_108] : memref<2xf32, #tpu.memory_space<smem>>
      memref.store %reduce_max3A_88, %arg13[%swap3A_108] : memref<2xf32, #tpu.memory_space<smem>>
      %swap3A_110 = arith.constant 1 : index
      %swap3A_111 = memref.load %arg13[%swap3A_110] : memref<2xf32, #tpu.memory_space<smem>>
      memref.store %reduce_max3A_94, %arg13[%swap3A_110] : memref<2xf32, #tpu.memory_space<smem>>
    } else {
    }
    %gt3A = arith.constant 0 : i32
    %gt3A_99 = arith.cmpi sgt, %arg0, %gt3A : i32
    %convert_element_type3A_100 = arith.extui %gt3A_99 : i1 to i32
    %cond3A_101 = arith.constant 0 : i32
    %cond3A_102 = arith.cmpi ne, %convert_element_type3A_100, %cond3A_101 : i32
    scf.if %cond3A_102 {
      %get3A_108 = arith.constant 0 : index
      %get3A_109 = memref.load %arg13[%get3A_108] : memref<2xf32, #tpu.memory_space<smem>>
      %max3A = arith.maximumf %get3A_109, %reduce_max3A_88 : f32
      %swap3A_110 = arith.constant 0 : index
      %swap3A_111 = memref.load %arg13[%swap3A_110] : memref<2xf32, #tpu.memory_space<smem>>
      memref.store %max3A, %arg13[%swap3A_110] : memref<2xf32, #tpu.memory_space<smem>>
      %get3A_112 = arith.constant 1 : index
      %get3A_113 = memref.load %arg13[%get3A_112] : memref<2xf32, #tpu.memory_space<smem>>
      %max3A_114 = arith.maximumf %get3A_113, %reduce_max3A_94 : f32
      %swap3A_115 = arith.constant 1 : index
      %swap3A_116 = memref.load %arg13[%swap3A_115] : memref<2xf32, #tpu.memory_space<smem>>
      memref.store %max3A_114, %arg13[%swap3A_115] : memref<2xf32, #tpu.memory_space<smem>>
    } else {
    }
    %eq3A_103 = arith.constant 49 : i32
    %eq3A_104 = arith.cmpi eq, %arg0, %eq3A_103 : i32
    %convert_element_type3A_105 = arith.extui %eq3A_104 : i1 to i32
    %cond3A_106 = arith.constant 0 : i32
    %cond3A_107 = arith.cmpi ne, %convert_element_type3A_105, %cond3A_106 : i32
    scf.if %cond3A_107 {
      %get3A_108 = arith.constant 0 : index
      %get3A_109 = memref.load %arg13[%get3A_108] : memref<2xf32, #tpu.memory_space<smem>>
      %swap3A_110 = arith.constant 0 : index
      %swap3A_111 = memref.load %arg12[%swap3A_110] : memref<2xf32, #tpu.memory_space<smem>>
      memref.store %get3A_109, %arg12[%swap3A_110] : memref<2xf32, #tpu.memory_space<smem>>
      %get3A_112 = arith.constant 1 : index
      %get3A_113 = memref.load %arg13[%get3A_112] : memref<2xf32, #tpu.memory_space<smem>>
      %swap3A_114 = arith.constant 1 : index
      %swap3A_115 = memref.load %arg12[%swap3A_114] : memref<2xf32, #tpu.memory_space<smem>>
      memref.store %get3A_113, %arg12[%swap3A_114] : memref<2xf32, #tpu.memory_space<smem>>
    } else {
    }
    return
  }
  func.func @transform_0(%arg0: i32) -> (i32, i32) {
    %c0_i32 = arith.constant 0 : i32
    %c0_i32_0 = arith.constant 0 : i32
    return %c0_i32, %arg0 : i32, i32
  }
  func.func @transform_1(%arg0: i32) -> (i32, i32) {
    %add3A = arith.constant 0 : i32
    %add3A_0 = arith.addi %arg0, %add3A : i32
    %c0_i32 = arith.constant 0 : i32
    %c0_i32_1 = arith.constant 0 : i32
    return %add3A_0, %c0_i32 : i32, i32
  }
  func.func @transform_2(%arg0: i32) -> (i32, i32) {
    %c0_i32 = arith.constant 0 : i32
    %c0_i32_0 = arith.constant 0 : i32
    return %arg0, %c0_i32 : i32, i32
  }
  func.func @transform_3(%arg0: i32) -> (i32, i32) {
    %c0_i32 = arith.constant 0 : i32
    %c0_i32_0 = arith.constant 0 : i32
    return %arg0, %c0_i32 : i32, i32
  }
  func.func @transform_4(%arg0: i32) -> (i32, i32) {
    %c0_i32 = arith.constant 0 : i32
    %c0_i32_0 = arith.constant 0 : i32
    %c0_i32_1 = arith.constant 0 : i32
    return %c0_i32, %c0_i32_0 : i32, i32
  }
  func.func @transform_5(%arg0: i32) -> (i32, i32) {
    %c0_i32 = arith.constant 0 : i32
    %c0_i32_0 = arith.constant 0 : i32
    %c0_i32_1 = arith.constant 0 : i32
    return %c0_i32, %c0_i32_0 : i32, i32
  }
  func.func @transform_6(%arg0: i32) -> (i32, i32) {
    %c0_i32 = arith.constant 0 : i32
    %c0_i32_0 = arith.constant 0 : i32
    %c0_i32_1 = arith.constant 0 : i32
    return %c0_i32, %c0_i32_0 : i32, i32
  }
  func.func @transform_7(%arg0: i32) -> (i32, i32) {
    %c0_i32 = arith.constant 0 : i32
    %c0_i32_0 = arith.constant 0 : i32
    %c0_i32_1 = arith.constant 0 : i32
    return %c0_i32, %c0_i32_0 : i32, i32
  }
  func.func @transform_8(%arg0: i32) -> (i32, i32) {
    %c0_i32 = arith.constant 0 : i32
    %c0_i32_0 = arith.constant 0 : i32
    return %arg0, %c0_i32 : i32, i32
  }
  func.func @transform_9(%arg0: i32) -> (i32, i32) {
    %c0_i32 = arith.constant 0 : i32
    %c0_i32_0 = arith.constant 0 : i32
    return %c0_i32, %arg0 : i32, i32
  }
  func.func @transform_10(%arg0: i32) -> (i32, i32) {
    %c0_i32 = arith.constant 0 : i32
    %c0_i32_0 = arith.constant 0 : i32
    return %c0_i32, %arg0 : i32, i32
  }
  func.func @transform_11(%arg0: i32) -> i32 {
    %c0_i32 = arith.constant 0 : i32
    %c0_i32_0 = arith.constant 0 : i32
    return %c0_i32 : i32
  }
}

module attributes {stable_mosaic.version = 14 : i64} {
  func.func @_s3_body(%arg0: i32, %arg1: memref<1x3200xf32, #tpu.memory_space<vmem>>, %arg2: memref<3200x16xf32, #tpu.memory_space<vmem>>, %arg3: memref<3200x128xf32, #tpu.memory_space<vmem>>, %arg4: memref<3200x128xf32, #tpu.memory_space<vmem>>, %arg5: memref<128x1xf32, #tpu.memory_space<vmem>>, %arg6: memref<128x1xf32, #tpu.memory_space<vmem>>, %arg7: memref<128x64xf32, #tpu.memory_space<vmem>>, %arg8: memref<16x64xf32, #tpu.memory_space<vmem>>, %arg9: memref<3200x64xbf16, #tpu.memory_space<vmem>>, %arg10: memref<1x3200xf32, #tpu.memory_space<vmem>>, %arg11: memref<1x3200xf32, #tpu.memory_space<vmem>>, %arg12: memref<2xf32, #tpu.memory_space<smem>>, %arg13: memref<2xf32, #tpu.memory_space<smem>>) attributes {dimension_semantics = [#tpu.dimension_semantics<arbitrary>], iteration_bounds = array<i64: 50>, scalar_prefetch = 0 : i64, scratch_operands = 1 : i64, tpu.core_type = #tpu.core_type<tc>, window_params = [{transform_indices = @transform_0, window_bounds = array<i64: 1, 3200>}, {transform_indices = @transform_1, window_bounds = array<i64: 3200, 16>}, {transform_indices = @transform_2, window_bounds = array<i64: 3200, 128>}, {transform_indices = @transform_3, window_bounds = array<i64: 3200, 128>}, {pipeline_mode = #tpu.pipeline_mode<synchronous>, transform_indices = @transform_4, window_bounds = array<i64: 128, 1>}, {pipeline_mode = #tpu.pipeline_mode<synchronous>, transform_indices = @transform_5, window_bounds = array<i64: 128, 1>}, {pipeline_mode = #tpu.pipeline_mode<synchronous>, transform_indices = @transform_6, window_bounds = array<i64: 128, 64>}, {pipeline_mode = #tpu.pipeline_mode<synchronous>, transform_indices = @transform_7, window_bounds = array<i64: 16, 64>}, {transform_indices = @transform_8, window_bounds = array<i64: 3200, 64>}, {transform_indices = @transform_9, window_bounds = array<i64: 1, 3200>}, {transform_indices = @transform_10, window_bounds = array<i64: 1, 3200>}, {transform_indices = @transform_11, window_bounds = array<i64: 2>}]} {
    %get3A = arith.constant 0 : index
    %get3A_0 = arith.constant 0 : index
    %get3A_1 = vector.load %arg1[%get3A, %get3A_0] : memref<1x3200xf32, #tpu.memory_space<vmem>>, vector<1x3200xf32>
    %get3A_2 = arith.constant 0 : index
    %get3A_3 = arith.constant 0 : index
    %get3A_4 = vector.load %arg5[%get3A_2, %get3A_3] : memref<128x1xf32, #tpu.memory_space<vmem>>, vector<32x1xf32>
    %mul3A = vector.broadcast %get3A_4 : vector<32x1xf32> to vector<32x3200xf32>
    %mul3A_5 = vector.broadcast %get3A_1 : vector<1x3200xf32> to vector<32x3200xf32>
    %mul3A_6 = arith.mulf %mul3A, %mul3A_5 : vector<32x3200xf32>
    %get3A_7 = arith.constant 0 : index
    %get3A_8 = arith.constant 0 : index
    %get3A_9 = vector.load %arg6[%get3A_7, %get3A_8] : memref<128x1xf32, #tpu.memory_space<vmem>>, vector<32x1xf32>
    %add3A = vector.broadcast %get3A_9 : vector<32x1xf32> to vector<32x3200xf32>
    %add3A_10 = arith.addf %mul3A_6, %add3A : vector<32x3200xf32>
    %cos3A = math.cos %add3A_10 : vector<32x3200xf32>
    %get3A_11 = arith.constant 32 : index
    %get3A_12 = arith.constant 0 : index
    %get3A_13 = vector.load %arg5[%get3A_11, %get3A_12] : memref<128x1xf32, #tpu.memory_space<vmem>>, vector<96x1xf32>
    %mul3A_14 = vector.broadcast %get3A_13 : vector<96x1xf32> to vector<96x3200xf32>
    %mul3A_15 = vector.broadcast %get3A_1 : vector<1x3200xf32> to vector<96x3200xf32>
    %mul3A_16 = arith.mulf %mul3A_14, %mul3A_15 : vector<96x3200xf32>
    %mul3A_17 = arith.mulf %mul3A_16, %mul3A_16 : vector<96x3200xf32>
    %mul3A_18 = arith.constant 5.000000e-01 : f32
    %mul3A_19 = vector.broadcast %mul3A_18 : f32 to vector<96x3200xf32>
    %mul3A_20 = arith.mulf %mul3A_19, %mul3A_17 : vector<96x3200xf32>
    %sub3A = arith.constant 1.000000e+00 : f32
    %sub3A_21 = vector.broadcast %sub3A : f32 to vector<96x3200xf32>
    %sub3A_22 = arith.subf %sub3A_21, %mul3A_20 : vector<96x3200xf32>
    %concatenate3A = tpu.concatenate %cos3A, %sub3A_22 in 0 : vector<32x3200xf32>, vector<96x3200xf32> -> vector<128x3200xf32>
    %get3A_23 = arith.constant 0 : index
    %get3A_24 = arith.constant 0 : index
    %get3A_25 = vector.load %arg7[%get3A_23, %get3A_24] : memref<128x64xf32, #tpu.memory_space<vmem>>, vector<128x64xf32>
    %dot_general3A = arith.constant dense<0.000000e+00> : vector<3200x64xf32>
    %dot_general3A_26 = tpu.matmul %concatenate3A, %get3A_25, %dot_general3A {dimension_numbers = #tpu.dot_dimension_numbers<[0], [0], [1], [1], [0, 1, 1, 1], [], []>, transpose_lhs_hint = false} : vector<128x3200xf32>, vector<128x64xf32>, vector<3200x64xf32> -> vector<3200x64xf32>
    %get3A_27 = arith.constant 0 : index
    %get3A_28 = arith.constant 0 : index
    %get3A_29 = vector.load %arg2[%get3A_27, %get3A_28] : memref<3200x16xf32, #tpu.memory_space<vmem>>, vector<3200x16xf32>
    %get3A_30 = arith.constant 0 : index
    %get3A_31 = arith.constant 0 : index
    %get3A_32 = vector.load %arg8[%get3A_30, %get3A_31] : memref<16x64xf32, #tpu.memory_space<vmem>>, vector<16x64xf32>
    %dot_general3A_33 = arith.constant dense<0.000000e+00> : vector<3200x64xf32>
    %dot_general3A_34 = tpu.matmul %get3A_29, %get3A_32, %dot_general3A_33 {dimension_numbers = #tpu.dot_dimension_numbers<[1], [0], [0], [1], [0, 0, 1, 1], [], []>, transpose_lhs_hint = false} : vector<3200x16xf32>, vector<16x64xf32>, vector<3200x64xf32> -> vector<3200x64xf32>
    %add3A_35 = arith.addf %dot_general3A_26, %dot_general3A_34 : vector<3200x64xf32>
    %get3A_36 = arith.constant 0 : index
    %get3A_37 = arith.constant 0 : index
    %get3A_38 = vector.load %arg3[%get3A_36, %get3A_37] : memref<3200x128xf32, #tpu.memory_space<vmem>>, vector<3200x64xf32>
    %add3A_39 = arith.addf %add3A_35, %get3A_38 : vector<3200x64xf32>
    %convert_element_type3A = arith.truncf %add3A_39 : vector<3200x64xf32> to vector<3200x64xbf16>
    %swap3A = arith.constant 0 : index
    %swap3A_40 = arith.constant 0 : index
    %swap3A_41 = vector.load %arg9[%swap3A, %swap3A_40] : memref<3200x64xbf16, #tpu.memory_space<vmem>>, vector<3200x64xbf16>
    tpu.vector_store %arg9[%swap3A, %swap3A_40], %convert_element_type3A {strides = array<i32>} : memref<3200x64xbf16, #tpu.memory_space<vmem>>, vector<3200x64xbf16>,
    %get3A_42 = arith.constant 0 : index
    %get3A_43 = arith.constant 64 : index
    %get3A_44 = vector.load %arg4[%get3A_42, %get3A_43] : memref<3200x128xf32, #tpu.memory_space<vmem>>, vector<3200x64xf32>
    %mul3A_45 = arith.mulf %get3A_44, %add3A_39 : vector<3200x64xf32>
    %iota3A = tpu.iota {dimensions = array<i32: 0>} : vector<2x64xi32>
    %iota3A_46 = tpu.iota {dimensions = array<i32: 1>} : vector<2x64xi32>
    %jit3A = arith.constant 32 : i32
    %div3A = vector.broadcast %jit3A : i32 to vector<2x64xi32>
    %div3A_47 = arith.divsi %iota3A_46, %div3A : vector<2x64xi32>
    %sign3A = arith.constant 0 : i32
    %sign3A_48 = vector.broadcast %sign3A : i32 to vector<2x64xi32>
    %sign3A_49 = arith.cmpi sgt, %iota3A_46, %sign3A_48 : vector<2x64xi32>
    %sign3A_50 = arith.extui %sign3A_49 : vector<2x64xi1> to vector<2x64xi32>
    %sign3A_51 = arith.constant 0 : i32
    %sign3A_52 = vector.broadcast %sign3A_51 : i32 to vector<2x64xi32>
    %sign3A_53 = arith.cmpi slt, %iota3A_46, %sign3A_52 : vector<2x64xi32>
    %sign3A_54 = arith.extui %sign3A_53 : vector<2x64xi1> to vector<2x64xi32>
    %sign3A_55 = arith.subi %sign3A_50, %sign3A_54 : vector<2x64xi32>
    %sign3A_56 = arith.constant 0 : i32
    %sign3A_57 = arith.cmpi sgt, %jit3A, %sign3A_56 : i32
    %sign3A_58 = arith.extui %sign3A_57 : i1 to i32
    %sign3A_59 = arith.constant 0 : i32
    %sign3A_60 = arith.cmpi slt, %jit3A, %sign3A_59 : i32
    %sign3A_61 = arith.extui %sign3A_60 : i1 to i32
    %sign3A_62 = arith.subi %sign3A_58, %sign3A_61 : i32
    %ne3A = vector.broadcast %sign3A_62 : i32 to vector<2x64xi32>
    %ne3A_63 = arith.cmpi ne, %sign3A_55, %ne3A : vector<2x64xi32>
    %rem3A = vector.broadcast %jit3A : i32 to vector<2x64xi32>
    %rem3A_64 = arith.remsi %iota3A_46, %rem3A : vector<2x64xi32>
    %ne3A_65 = arith.constant 0 : i32
    %ne3A_66 = vector.broadcast %ne3A_65 : i32 to vector<2x64xi32>
    %ne3A_67 = arith.cmpi ne, %rem3A_64, %ne3A_66 : vector<2x64xi32>
    %and3A = arith.andi %ne3A_63, %ne3A_67 : vector<2x64xi1>
    %sub3A_68 = arith.constant 1 : i32
    %sub3A_69 = vector.broadcast %sub3A_68 : i32 to vector<2x64xi32>
    %sub3A_70 = arith.subi %div3A_47, %sub3A_69 : vector<2x64xi32>
    %select_n3A = arith.select %and3A, %sub3A_70, %div3A_47 : vector<2x64xi1>, vector<2x64xi32>
    %eq3A = arith.cmpi eq, %select_n3A, %iota3A : vector<2x64xi32>
    %jit3A_71 = arith.constant 1.000000e+00 : f32
    %jit3A_72 = arith.constant 0.000000e+00 : f32
    %broadcast_in_dim3A = vector.broadcast %jit3A_71 : f32 to vector<2x64xf32>
    %broadcast_in_dim3A_73 = vector.broadcast %jit3A_72 : f32 to vector<2x64xf32>
    %select_n3A_74 = arith.select %eq3A, %broadcast_in_dim3A, %broadcast_in_dim3A_73 : vector<2x64xi1>, vector<2x64xf32>
    %dot_general3A_75 = arith.constant dense<0.000000e+00> : vector<2x3200xf32>
    %dot_general3A_76 = tpu.matmul %select_n3A_74, %mul3A_45, %dot_general3A_75 {dimension_numbers = #tpu.dot_dimension_numbers<[1], [1], [0], [0], [0, 0, 1, 0], [], []>, transpose_lhs_hint = false} : vector<2x64xf32>, vector<3200x64xf32>, vector<2x3200xf32> -> vector<2x3200xf32>
    %slice3A = vector.extract_strided_slice %dot_general3A_76 {offsets = [0, 0], sizes = [1, 3200], strides = [1, 1]} : vector<2x3200xf32> to vector<1x3200xf32>
    %swap3A_77 = arith.constant 0 : index
    %swap3A_78 = arith.constant 0 : index
    %swap3A_79 = vector.load %arg10[%swap3A_77, %swap3A_78] : memref<1x3200xf32, #tpu.memory_space<vmem>>, vector<1x3200xf32>
    tpu.vector_store %arg10[%swap3A_77, %swap3A_78], %slice3A {strides = array<i32>} : memref<1x3200xf32, #tpu.memory_space<vmem>>, vector<1x3200xf32>,
    %slice3A_80 = vector.extract_strided_slice %dot_general3A_76 {offsets = [1, 0], sizes = [1, 3200], strides = [1, 1]} : vector<2x3200xf32> to vector<1x3200xf32>
    %swap3A_81 = arith.constant 0 : index
    %swap3A_82 = arith.constant 0 : index
    %swap3A_83 = vector.load %arg11[%swap3A_81, %swap3A_82] : memref<1x3200xf32, #tpu.memory_space<vmem>>, vector<1x3200xf32>
    tpu.vector_store %arg11[%swap3A_81, %swap3A_82], %slice3A_80 {strides = array<i32>} : memref<1x3200xf32, #tpu.memory_space<vmem>>, vector<1x3200xf32>,
    %slice3A_84 = vector.extract_strided_slice %dot_general3A_76 {offsets = [0, 0], sizes = [1, 3200], strides = [1, 1]} : vector<2x3200xf32> to vector<1x3200xf32>
    %reduce_max3A = vector.shape_cast %slice3A_84 : vector<1x3200xf32> to vector<1x1x3200xf32>
    %reduce_max3A_85 = arith.constant dense<0xFF800000> : vector<1xf32>
    %reduce_max3A_86 = vector.multi_reduction <maximumf>, %reduce_max3A, %reduce_max3A_85 [1, 2] : vector<1x1x3200xf32> to vector<1xf32>
    %reduce_max3A_87 = vector.shape_cast %reduce_max3A_86 : vector<1xf32> to vector<1x1x1xf32>
    %reduce_max3A_88 = vector.extract %reduce_max3A_87[0, 0, 0] : f32 from vector<1x1x1xf32>
    %slice3A_89 = vector.extract_strided_slice %dot_general3A_76 {offsets = [1, 0], sizes = [1, 3200], strides = [1, 1]} : vector<2x3200xf32> to vector<1x3200xf32>
    %reduce_max3A_90 = vector.shape_cast %slice3A_89 : vector<1x3200xf32> to vector<1x1x3200xf32>
    %reduce_max3A_91 = arith.constant dense<0xFF800000> : vector<1xf32>
    %reduce_max3A_92 = vector.multi_reduction <maximumf>, %reduce_max3A_90, %reduce_max3A_91 [1, 2] : vector<1x1x3200xf32> to vector<1xf32>
    %reduce_max3A_93 = vector.shape_cast %reduce_max3A_92 : vector<1xf32> to vector<1x1x1xf32>
    %reduce_max3A_94 = vector.extract %reduce_max3A_93[0, 0, 0] : f32 from vector<1x1x1xf32>
    %eq3A_95 = arith.constant 0 : i32
    %eq3A_96 = arith.cmpi eq, %arg0, %eq3A_95 : i32
    %convert_element_type3A_97 = arith.extui %eq3A_96 : i1 to i32
    %cond3A = arith.constant 0 : i32
    %cond3A_98 = arith.cmpi ne, %convert_element_type3A_97, %cond3A : i32
    scf.if %cond3A_98 {
      %swap3A_108 = arith.constant 0 : index
      %swap3A_109 = memref.load %arg13[%swap3A_108] : memref<2xf32, #tpu.memory_space<smem>>
      memref.store %reduce_max3A_88, %arg13[%swap3A_108] : memref<2xf32, #tpu.memory_space<smem>>
      %swap3A_110 = arith.constant 1 : index
      %swap3A_111 = memref.load %arg13[%swap3A_110] : memref<2xf32, #tpu.memory_space<smem>>
      memref.store %reduce_max3A_94, %arg13[%swap3A_110] : memref<2xf32, #tpu.memory_space<smem>>
    } else {
    }
    %gt3A = arith.constant 0 : i32
    %gt3A_99 = arith.cmpi sgt, %arg0, %gt3A : i32
    %convert_element_type3A_100 = arith.extui %gt3A_99 : i1 to i32
    %cond3A_101 = arith.constant 0 : i32
    %cond3A_102 = arith.cmpi ne, %convert_element_type3A_100, %cond3A_101 : i32
    scf.if %cond3A_102 {
      %get3A_108 = arith.constant 0 : index
      %get3A_109 = memref.load %arg13[%get3A_108] : memref<2xf32, #tpu.memory_space<smem>>
      %max3A = arith.maximumf %get3A_109, %reduce_max3A_88 : f32
      %swap3A_110 = arith.constant 0 : index
      %swap3A_111 = memref.load %arg13[%swap3A_110] : memref<2xf32, #tpu.memory_space<smem>>
      memref.store %max3A, %arg13[%swap3A_110] : memref<2xf32, #tpu.memory_space<smem>>
      %get3A_112 = arith.constant 1 : index
      %get3A_113 = memref.load %arg13[%get3A_112] : memref<2xf32, #tpu.memory_space<smem>>
      %max3A_114 = arith.maximumf %get3A_113, %reduce_max3A_94 : f32
      %swap3A_115 = arith.constant 1 : index
      %swap3A_116 = memref.load %arg13[%swap3A_115] : memref<2xf32, #tpu.memory_space<smem>>
      memref.store %max3A_114, %arg13[%swap3A_115] : memref<2xf32, #tpu.memory_space<smem>>
    } else {
    }
    %eq3A_103 = arith.constant 49 : i32
    %eq3A_104 = arith.cmpi eq, %arg0, %eq3A_103 : i32
    %convert_element_type3A_105 = arith.extui %eq3A_104 : i1 to i32
    %cond3A_106 = arith.constant 0 : i32
    %cond3A_107 = arith.cmpi ne, %convert_element_type3A_105, %cond3A_106 : i32
    scf.if %cond3A_107 {
      %get3A_108 = arith.constant 0 : index
      %get3A_109 = memref.load %arg13[%get3A_108] : memref<2xf32, #tpu.memory_space<smem>>
      %swap3A_110 = arith.constant 0 : index
      %swap3A_111 = memref.load %arg12[%swap3A_110] : memref<2xf32, #tpu.memory_space<smem>>
      memref.store %get3A_109, %arg12[%swap3A_110] : memref<2xf32, #tpu.memory_space<smem>>
      %get3A_112 = arith.constant 1 : index
      %get3A_113 = memref.load %arg13[%get3A_112] : memref<2xf32, #tpu.memory_space<smem>>
      %swap3A_114 = arith.constant 1 : index
      %swap3A_115 = memref.load %arg12[%swap3A_114] : memref<2xf32, #tpu.memory_space<smem>>
      memref.store %get3A_113, %arg12[%swap3A_114] : memref<2xf32, #tpu.memory_space<smem>>
    } else {
    }
    return
  }
  func.func @transform_0(%arg0: i32) -> (i32, i32) {
    %c0_i32 = arith.constant 0 : i32
    %c0_i32_0 = arith.constant 0 : i32
    return %c0_i32, %arg0 : i32, i32
  }
  func.func @transform_1(%arg0: i32) -> (i32, i32) {
    %add3A = arith.constant 50 : i32
    %add3A_0 = arith.addi %arg0, %add3A : i32
    %c0_i32 = arith.constant 0 : i32
    %c0_i32_1 = arith.constant 0 : i32
    return %add3A_0, %c0_i32 : i32, i32
  }
  func.func @transform_2(%arg0: i32) -> (i32, i32) {
    %c0_i32 = arith.constant 0 : i32
    %c0_i32_0 = arith.constant 0 : i32
    return %arg0, %c0_i32 : i32, i32
  }
  func.func @transform_3(%arg0: i32) -> (i32, i32) {
    %c0_i32 = arith.constant 0 : i32
    %c0_i32_0 = arith.constant 0 : i32
    return %arg0, %c0_i32 : i32, i32
  }
  func.func @transform_4(%arg0: i32) -> (i32, i32) {
    %c0_i32 = arith.constant 0 : i32
    %c0_i32_0 = arith.constant 0 : i32
    %c0_i32_1 = arith.constant 0 : i32
    return %c0_i32, %c0_i32_0 : i32, i32
  }
  func.func @transform_5(%arg0: i32) -> (i32, i32) {
    %c0_i32 = arith.constant 0 : i32
    %c0_i32_0 = arith.constant 0 : i32
    %c0_i32_1 = arith.constant 0 : i32
    return %c0_i32, %c0_i32_0 : i32, i32
  }
  func.func @transform_6(%arg0: i32) -> (i32, i32) {
    %c0_i32 = arith.constant 0 : i32
    %c0_i32_0 = arith.constant 0 : i32
    %c0_i32_1 = arith.constant 0 : i32
    return %c0_i32, %c0_i32_0 : i32, i32
  }
  func.func @transform_7(%arg0: i32) -> (i32, i32) {
    %c0_i32 = arith.constant 0 : i32
    %c0_i32_0 = arith.constant 0 : i32
    %c0_i32_1 = arith.constant 0 : i32
    return %c0_i32, %c0_i32_0 : i32, i32
  }
  func.func @transform_8(%arg0: i32) -> (i32, i32) {
    %c0_i32 = arith.constant 0 : i32
    %c0_i32_0 = arith.constant 0 : i32
    return %arg0, %c0_i32 : i32, i32
  }
  func.func @transform_9(%arg0: i32) -> (i32, i32) {
    %c0_i32 = arith.constant 0 : i32
    %c0_i32_0 = arith.constant 0 : i32
    return %c0_i32, %arg0 : i32, i32
  }
  func.func @transform_10(%arg0: i32) -> (i32, i32) {
    %c0_i32 = arith.constant 0 : i32
    %c0_i32_0 = arith.constant 0 : i32
    return %c0_i32, %arg0 : i32, i32
  }
  func.func @transform_11(%arg0: i32) -> i32 {
    %c0_i32 = arith.constant 0 : i32
    %c0_i32_0 = arith.constant 0 : i32
    return %c0_i32 : i32
  }
}

module attributes {stable_mosaic.version = 14 : i64} {
  func.func @_s4_body(%arg0: i32, %arg1: memref<3200x64xbf16, #tpu.memory_space<vmem>>, %arg2: memref<1x3200xf32, #tpu.memory_space<vmem>>, %arg3: memref<1x3200xf32, #tpu.memory_space<vmem>>, %arg4: memref<2xf32, #tpu.memory_space<smem>>, %arg5: memref<3200x128xf32, #tpu.memory_space<vmem>>) attributes {dimension_semantics = [#tpu.dimension_semantics<arbitrary>], iteration_bounds = array<i64: 50>, scalar_prefetch = 0 : i64, scratch_operands = 0 : i64, tpu.core_type = #tpu.core_type<tc>, window_params = [{transform_indices = @transform_0, window_bounds = array<i64: 3200, 64>}, {transform_indices = @transform_1, window_bounds = array<i64: 1, 3200>}, {transform_indices = @transform_2, window_bounds = array<i64: 1, 3200>}, {transform_indices = @transform_3, window_bounds = array<i64: 2>}, {transform_indices = @transform_4, window_bounds = array<i64: 3200, 128>}]} {
    %get3A = arith.constant 0 : index
    %get3A_0 = arith.constant 0 : index
    %get3A_1 = vector.load %arg2[%get3A, %get3A_0] : memref<1x3200xf32, #tpu.memory_space<vmem>>, vector<1x3200xf32>
    %get3A_2 = arith.constant 0 : index
    %get3A_3 = memref.load %arg4[%get3A_2] : memref<2xf32, #tpu.memory_space<smem>>
    %sub3A = vector.broadcast %get3A_3 : f32 to vector<1x3200xf32>
    %sub3A_4 = arith.subf %get3A_1, %sub3A : vector<1x3200xf32>
    %exp3A = math.exp %sub3A_4 : vector<1x3200xf32>
    %reshape3A = vector.shape_cast %exp3A : vector<1x3200xf32> to vector<3200x1xf32>
    %get3A_5 = arith.constant 0 : index
    %get3A_6 = arith.constant 0 : index
    %get3A_7 = vector.load %arg3[%get3A_5, %get3A_6] : memref<1x3200xf32, #tpu.memory_space<vmem>>, vector<1x3200xf32>
    %get3A_8 = arith.constant 1 : index
    %get3A_9 = memref.load %arg4[%get3A_8] : memref<2xf32, #tpu.memory_space<smem>>
    %sub3A_10 = vector.broadcast %get3A_9 : f32 to vector<1x3200xf32>
    %sub3A_11 = arith.subf %get3A_7, %sub3A_10 : vector<1x3200xf32>
    %exp3A_12 = math.exp %sub3A_11 : vector<1x3200xf32>
    %reshape3A_13 = vector.shape_cast %exp3A_12 : vector<1x3200xf32> to vector<3200x1xf32>
    %get3A_14 = arith.constant 0 : index
    %get3A_15 = arith.constant 0 : index
    %get3A_16 = vector.load %arg1[%get3A_14, %get3A_15] : memref<3200x64xbf16, #tpu.memory_space<vmem>>, vector<3200x64xbf16>
    %convert_element_type3A = arith.extf %get3A_16 : vector<3200x64xbf16> to vector<3200x64xf32>
    %broadcast_in_dim3A = arith.constant 0.000000e+00 : f32
    %broadcast_in_dim3A_17 = vector.broadcast %broadcast_in_dim3A : f32 to vector<3200x62xf32>
    %slice3A = vector.extract_strided_slice %convert_element_type3A {offsets = [0, 0], sizes = [3200, 32], strides = [1, 1]} : vector<3200x64xf32> to vector<3200x32xf32>
    %mul3A = vector.broadcast %reshape3A : vector<3200x1xf32> to vector<3200x32xf32>
    %mul3A_18 = arith.mulf %slice3A, %mul3A : vector<3200x32xf32>
    %slice3A_19 = vector.extract_strided_slice %convert_element_type3A {offsets = [0, 32], sizes = [3200, 32], strides = [1, 1]} : vector<3200x64xf32> to vector<3200x32xf32>
    %mul3A_20 = vector.broadcast %reshape3A_13 : vector<3200x1xf32> to vector<3200x32xf32>
    %mul3A_21 = arith.mulf %slice3A_19, %mul3A_20 : vector<3200x32xf32>
    %concatenate3A = tpu.concatenate %mul3A_18, %mul3A_21, %reshape3A, %reshape3A_13, %broadcast_in_dim3A_17 in 1 : vector<3200x32xf32>, vector<3200x32xf32>, vector<3200x1xf32>, vector<3200x1xf32>, vector<3200x62xf32> -> vector<3200x128xf32>
    %swap3A = arith.constant 0 : index
    %swap3A_22 = arith.constant 0 : index
    %swap3A_23 = vector.load %arg5[%swap3A, %swap3A_22] : memref<3200x128xf32, #tpu.memory_space<vmem>>, vector<3200x128xf32>
    tpu.vector_store %arg5[%swap3A, %swap3A_22], %concatenate3A {strides = array<i32>} : memref<3200x128xf32, #tpu.memory_space<vmem>>, vector<3200x128xf32>,
    return
  }
  func.func @transform_0(%arg0: i32) -> (i32, i32) {
    %c0_i32 = arith.constant 0 : i32
    %c0_i32_0 = arith.constant 0 : i32
    return %arg0, %c0_i32 : i32, i32
  }
  func.func @transform_1(%arg0: i32) -> (i32, i32) {
    %c0_i32 = arith.constant 0 : i32
    %c0_i32_0 = arith.constant 0 : i32
    return %c0_i32, %arg0 : i32, i32
  }
  func.func @transform_2(%arg0: i32) -> (i32, i32) {
    %c0_i32 = arith.constant 0 : i32
    %c0_i32_0 = arith.constant 0 : i32
    return %c0_i32, %arg0 : i32, i32
  }
  func.func @transform_3(%arg0: i32) -> i32 {
    %c0_i32 = arith.constant 0 : i32
    %c0_i32_0 = arith.constant 0 : i32
    return %c0_i32 : i32
  }
  func.func @transform_4(%arg0: i32) -> (i32, i32) {
    %c0_i32 = arith.constant 0 : i32
    %c0_i32_0 = arith.constant 0 : i32
    return %arg0, %c0_i32 : i32, i32
  }
}

module attributes {stable_mosaic.version = 14 : i64} {
  func.func @_s6_body(%arg0: i32, %arg1: memref<2x1000x128xf32, #tpu.memory_space<vmem>>, %arg2: memref<1000x128xf32, #tpu.memory_space<vmem>>, %arg3: memref<512x192xf32, #tpu.memory_space<vmem>>, %arg4: memref<1x512xf32, #tpu.memory_space<vmem>>, %arg5: memref<32x512xf32, #tpu.memory_space<vmem>>, %arg6: memref<1x32xf32, #tpu.memory_space<vmem>>, %arg7: memref<1000x32xf32, #tpu.memory_space<vmem>>) attributes {dimension_semantics = [#tpu.dimension_semantics<arbitrary>], iteration_bounds = array<i64: 10>, scalar_prefetch = 0 : i64, scratch_operands = 0 : i64, tpu.core_type = #tpu.core_type<tc>, window_params = [{transform_indices = @transform_0, window_bounds = array<i64: 2, 1000, 128>}, {transform_indices = @transform_1, window_bounds = array<i64: 1000, 128>}, {pipeline_mode = #tpu.pipeline_mode<synchronous>, transform_indices = @transform_2, window_bounds = array<i64: 512, 192>}, {pipeline_mode = #tpu.pipeline_mode<synchronous>, transform_indices = @transform_3, window_bounds = array<i64: 1, 512>}, {pipeline_mode = #tpu.pipeline_mode<synchronous>, transform_indices = @transform_4, window_bounds = array<i64: 32, 512>}, {pipeline_mode = #tpu.pipeline_mode<synchronous>, transform_indices = @transform_5, window_bounds = array<i64: 1, 32>}, {transform_indices = @transform_6, window_bounds = array<i64: 1000, 32>}]} {
    %get3A = arith.constant 0 : index
    %get3A_0 = arith.constant 0 : index
    %get3A_1 = arith.constant 0 : index
    %get3A_2 = vector.load %arg1[%get3A, %get3A_0, %get3A_1] : memref<2x1000x128xf32, #tpu.memory_space<vmem>>, vector<1x1000x128xf32>
    %get3A_3 = vector.shape_cast %get3A_2 : vector<1x1000x128xf32> to vector<1000x128xf32>
    %get3A_4 = arith.constant 1 : index
    %get3A_5 = arith.constant 0 : index
    %get3A_6 = arith.constant 0 : index
    %get3A_7 = vector.load %arg1[%get3A_4, %get3A_5, %get3A_6] : memref<2x1000x128xf32, #tpu.memory_space<vmem>>, vector<1x1000x128xf32>
    %get3A_8 = vector.shape_cast %get3A_7 : vector<1x1000x128xf32> to vector<1000x128xf32>
    %add3A = arith.addf %get3A_3, %get3A_8 : vector<1000x128xf32>
    %slice3A = vector.extract_strided_slice %add3A {offsets = [0, 64], sizes = [1000, 1], strides = [1, 1]} : vector<1000x128xf32> to vector<1000x1xf32>
    %slice3A_9 = vector.extract_strided_slice %add3A {offsets = [0, 65], sizes = [1000, 1], strides = [1, 1]} : vector<1000x128xf32> to vector<1000x1xf32>
    %gt3A = arith.constant 0.000000e+00 : f32
    %gt3A_10 = vector.broadcast %gt3A : f32 to vector<1000x1xf32>
    %gt3A_11 = arith.cmpf ogt, %slice3A, %gt3A_10 : vector<1000x1xf32>
    %div3A = arith.constant 0.176776692 : f32
    %div3A_12 = vector.broadcast %div3A : f32 to vector<1000x1xf32>
    %div3A_13 = arith.divf %div3A_12, %slice3A : vector<1000x1xf32>
    %jit3A = arith.constant 0.000000e+00 : f32
    %broadcast_in_dim3A = vector.broadcast %jit3A : f32 to vector<1000x1xf32>
    %select_n3A = arith.select %gt3A_11, %div3A_13, %broadcast_in_dim3A : vector<1000x1xi1>, vector<1000x1xf32>
    %gt3A_14 = arith.constant 0.000000e+00 : f32
    %gt3A_15 = vector.broadcast %gt3A_14 : f32 to vector<1000x1xf32>
    %gt3A_16 = arith.cmpf ogt, %slice3A_9, %gt3A_15 : vector<1000x1xf32>
    %div3A_17 = arith.constant 0.176776692 : f32
    %div3A_18 = vector.broadcast %div3A_17 : f32 to vector<1000x1xf32>
    %div3A_19 = arith.divf %div3A_18, %slice3A_9 : vector<1000x1xf32>
    %jit3A_20 = arith.constant 0.000000e+00 : f32
    %broadcast_in_dim3A_21 = vector.broadcast %jit3A_20 : f32 to vector<1000x1xf32>
    %select_n3A_22 = arith.select %gt3A_16, %div3A_19, %broadcast_in_dim3A_21 : vector<1000x1xi1>, vector<1000x1xf32>
    %slice3A_23 = vector.extract_strided_slice %add3A {offsets = [0, 0], sizes = [1000, 32], strides = [1, 1]} : vector<1000x128xf32> to vector<1000x32xf32>
    %mul3A = vector.broadcast %select_n3A : vector<1000x1xf32> to vector<1000x32xf32>
    %mul3A_24 = arith.mulf %slice3A_23, %mul3A : vector<1000x32xf32>
    %slice3A_25 = vector.extract_strided_slice %add3A {offsets = [0, 32], sizes = [1000, 32], strides = [1, 1]} : vector<1000x128xf32> to vector<1000x32xf32>
    %mul3A_26 = vector.broadcast %select_n3A_22 : vector<1000x1xf32> to vector<1000x32xf32>
    %mul3A_27 = arith.mulf %slice3A_25, %mul3A_26 : vector<1000x32xf32>
    %get3A_28 = arith.constant 0 : index
    %get3A_29 = arith.constant 0 : index
    %get3A_30 = vector.load %arg2[%get3A_28, %get3A_29] : memref<1000x128xf32, #tpu.memory_space<vmem>>, vector<1000x128xf32>
    %concatenate3A = tpu.concatenate %mul3A_24, %mul3A_27, %get3A_30 in 1 : vector<1000x32xf32>, vector<1000x32xf32>, vector<1000x128xf32> -> vector<1000x192xf32>
    %get3A_31 = arith.constant 0 : index
    %get3A_32 = arith.constant 0 : index
    %get3A_33 = vector.load %arg3[%get3A_31, %get3A_32] : memref<512x192xf32, #tpu.memory_space<vmem>>, vector<512x192xf32>
    %dot_general3A = arith.constant dense<0.000000e+00> : vector<1000x512xf32>
    %dot_general3A_34 = tpu.matmul %concatenate3A, %get3A_33, %dot_general3A {dimension_numbers = #tpu.dot_dimension_numbers<[1], [1], [0], [0], [0, 0, 1, 0], [], []>, transpose_lhs_hint = false} : vector<1000x192xf32>, vector<512x192xf32>, vector<1000x512xf32> -> vector<1000x512xf32>
    %get3A_35 = arith.constant 0 : index
    %get3A_36 = arith.constant 0 : index
    %get3A_37 = vector.load %arg4[%get3A_35, %get3A_36] : memref<1x512xf32, #tpu.memory_space<vmem>>, vector<1x512xf32>
    %add3A_38 = vector.broadcast %get3A_37 : vector<1x512xf32> to vector<1000x512xf32>
    %add3A_39 = arith.addf %dot_general3A_34, %add3A_38 : vector<1000x512xf32>
    %max3A = arith.constant 0.000000e+00 : f32
    %max3A_40 = vector.broadcast %max3A : f32 to vector<1000x512xf32>
    %max3A_41 = arith.maximumf %add3A_39, %max3A_40 : vector<1000x512xf32>
    %get3A_42 = arith.constant 0 : index
    %get3A_43 = arith.constant 0 : index
    %get3A_44 = vector.load %arg5[%get3A_42, %get3A_43] : memref<32x512xf32, #tpu.memory_space<vmem>>, vector<32x512xf32>
    %dot_general3A_45 = arith.constant dense<0.000000e+00> : vector<1000x32xf32>
    %dot_general3A_46 = tpu.matmul %max3A_41, %get3A_44, %dot_general3A_45 {dimension_numbers = #tpu.dot_dimension_numbers<[1], [1], [0], [0], [0, 0, 1, 0], [], []>, transpose_lhs_hint = false} : vector<1000x512xf32>, vector<32x512xf32>, vector<1000x32xf32> -> vector<1000x32xf32>
    %get3A_47 = arith.constant 0 : index
    %get3A_48 = arith.constant 0 : index
    %get3A_49 = vector.load %arg6[%get3A_47, %get3A_48] : memref<1x32xf32, #tpu.memory_space<vmem>>, vector<1x32xf32>
    %add3A_50 = vector.broadcast %get3A_49 : vector<1x32xf32> to vector<1000x32xf32>
    %add3A_51 = arith.addf %dot_general3A_46, %add3A_50 : vector<1000x32xf32>
    %swap3A = arith.constant 0 : index
    %swap3A_52 = arith.constant 0 : index
    %swap3A_53 = vector.load %arg7[%swap3A, %swap3A_52] : memref<1000x32xf32, #tpu.memory_space<vmem>>, vector<1000x32xf32>
    tpu.vector_store %arg7[%swap3A, %swap3A_52], %add3A_51 {strides = array<i32>} : memref<1000x32xf32, #tpu.memory_space<vmem>>, vector<1000x32xf32>,
    return
  }
  func.func @transform_0(%arg0: i32) -> (i32, i32, i32) {
    %c0_i32 = arith.constant 0 : i32
    %c0_i32_0 = arith.constant 0 : i32
    %c0_i32_1 = arith.constant 0 : i32
    return %c0_i32, %arg0, %c0_i32_0 : i32, i32, i32
  }
  func.func @transform_1(%arg0: i32) -> (i32, i32) {
    %c0_i32 = arith.constant 0 : i32
    %c0_i32_0 = arith.constant 0 : i32
    return %arg0, %c0_i32 : i32, i32
  }
  func.func @transform_2(%arg0: i32) -> (i32, i32) {
    %c0_i32 = arith.constant 0 : i32
    %c0_i32_0 = arith.constant 0 : i32
    %c0_i32_1 = arith.constant 0 : i32
    return %c0_i32, %c0_i32_0 : i32, i32
  }
  func.func @transform_3(%arg0: i32) -> (i32, i32) {
    %c0_i32 = arith.constant 0 : i32
    %c0_i32_0 = arith.constant 0 : i32
    %c0_i32_1 = arith.constant 0 : i32
    return %c0_i32, %c0_i32_0 : i32, i32
  }
  func.func @transform_4(%arg0: i32) -> (i32, i32) {
    %c0_i32 = arith.constant 0 : i32
    %c0_i32_0 = arith.constant 0 : i32
    %c0_i32_1 = arith.constant 0 : i32
    return %c0_i32, %c0_i32_0 : i32, i32
  }
  func.func @transform_5(%arg0: i32) -> (i32, i32) {
    %c0_i32 = arith.constant 0 : i32
    %c0_i32_0 = arith.constant 0 : i32
    %c0_i32_1 = arith.constant 0 : i32
    return %c0_i32, %c0_i32_0 : i32, i32
  }
  func.func @transform_6(%arg0: i32) -> (i32, i32) {
    %c0_i32 = arith.constant 0 : i32
    %c0_i32_0 = arith.constant 0 : i32
    return %arg0, %c0_i32 : i32, i32
  }
}

</mosaic_0001>

<sc_bundles>
// kernel: kernel.12.cloned.1.call-start
scs
__scs_entry_jumppad:
0x0: {  	(pc) =	sbr.rel $0x88, $3  }
0x1: {  	(tag) =	ssettag $0x0;
	lr =	simm.s32 $0x1  }
0x2: {  	[smem:$0x3F94] =	sst lr;
	_ =	strace $0xD0000000  }
0x3: {  	_ = 	snop  }
0x4: {  	_ = 	snop  }
0x5: {  	_ = 	snop  }
0x6: {  	_ = 	snop  }
0x7: {  	_ = 	snop  }
__scs_overlays_trampoline_lowered:
0x8: {  	[smem:$0x3FA3] =	sst s0  }
0x9: {  	[smem:$0x3FA4] =	sst s1  }
0xa: {  	[smem:$0x3FA5] =	sst s2  }
0xb: {  	[smem:$0x3FA6] =	sst s3  }
0xc: {  	[smem:$0x3FA7] =	sst s4  }
0xd: {  	[smem:$0x3FA8] =	sst s5  }
0xe: {  	[smem:$0x3FA9] =	sst s6  }
0xf: {  	[smem:$0x3FAA] =	sst s7  }
0x10: {  	[smem:$0x3FAB] =	sst s8  }
0x11: {  	[smem:$0x3FAC] =	sst s9;
	s0 =	simm.s32 @!p0 $0x0  }
0x12: {  	s1 =	sld [smem:$0x3F92];
	s0 =	simm.s32 @p0 $0x1  }
0x13: {  	[smem:$0x3FAD] =	sst s0;
	s0 =	simm.s32 @!p1 $0x0  }
0x14: {  	s2 =	sld [smem:$0x3F91];
	s0 =	simm.s32 @p1 $0x1  }
0x15: {  	[smem:$0x3FAE] =	sst s0;
	s0 =	simm.s32 @!p2 $0x0  }
0x16: {  	s3 =	sld [smem:$0x3FDB];
	s0 =	simm.s32 @p2 $0x1  }
0x17: {  	s4 =	simm.s32 $0x1BF5;
	[smem:$0x3FB0] =	sst s0  }
0x18: {  	s0 =	sld [smem:$0x3F93];
	_ =	swait.ge [sflag:s4], $0x0  }
0x19: {  	s7 =	sld [smem:$0x3F94]  }
0x1a: {  	s8 =	sadd.s32 $0xFFFFE003, lr  }
0x1b: {  	s9 =	sadd.s32 $0xFFFFFEF7, lr;
	s5 =	simm.s32 $0xFFFFFFFF;
	p2 =	slt.u32 s8, $0xFFFFF086  }
0x1c: {  	p1 =	slt.u32 s9, $0xF7A;
	s5 =	simm.s32 @!p2 $0x0  }
0x1d: {  	s5 =	simm.s32 @p1 $0x1;
	p0 =	seq.s32 s7, s2  }
0x1e: {  	s7 =	smul.u32 @!p0 $0xF7A, s2;
	p2 =	seq.s32 @!p0 s5, $0x0  }
0x1f: {  	s9 =	smul.u32 $0xF7A, s1;
	s8 =	simm.s32 @!p0 $0x1BF5;
	p2 =	por !p2, p0  }
0x20: {  	[sflag:s8] =	ssyncset.s32 @!p0 $0xFFFFF086;
	s6 =	sadd.s32 @!p0 s3, s7;
	s7 =	simm.s32 @!p0 $0x108  }
0x21: {  	s3 =	sadd.s32 s3, s9;
	s6 =	sadd.s32 @!p0 $0x88, s6;
	s7 =	simm.s32 @p2 $0x1082  }
0x22: {  	[simem:s7], [sflag:s8] =	dma.local @!p0 [hbm:s6], $0xF7A  }
0x23: {  	s9 =	sor.u32 $0xD0000000, s2;
	s6 =	simm.s32 $0x108;
	_ =	swait.ge @!p0 [sflag:s8], $0x0  }
0x24: {  	s3 =	sadd.s32 $0x88, s3;
	s6 =	simm.s32 @!p1 $0x1082;
	[sflag:s4] =	ssyncset.s32 $0xFFFFF086  }
0x25: {  	[simem:s6], [sflag:s4] =	dma.local [hbm:s3], $0xF7A  }
0x26: {  	[smem:$0x3F94] =	sst s1;
	(tag) =	ssettag s2;
	_ =	strace s9  }
0x27: {  	s1 =	sld [smem:$0x3FA4]  }
0x28: {  	s2 =	sld [smem:$0x3FA5]  }
0x29: {  	s4 =	sld [smem:$0x3FA7]  }
0x2a: {  	p0 =	seq.s32 s5, $0x0;
	s5 =	sld [smem:$0x3FA8]  }
0x2b: {  	s6 =	sld [smem:$0x3FA9]  }
0x2c: {  	s7 =	sld [smem:$0x3FAA]  }
0x2d: {  	s3 =	simm.s32 $0x108;
	s8 =	sld [smem:$0x3FAB]  }
0x2e: {  	s3 =	simm.s32 @!p0 $0x1082;
	s9 =	sld [smem:$0x3FAC]  }
0x2f: {  	lr =	sadd.s32 s0, s3;
	s0 =	sld [smem:$0x3FA3]  }
0x30: {  	s3 =	sld [smem:$0x3FA6]  }
0x31: {  	[smem:$0x3FAF] =	sst s10  }
0x32: {  	s10 =	sld [smem:$0x3FAD];
	_ =	sdelay $0x3  }
0x33: {  	p0 =	seq.s32 s10, $0x1;
	s10 =	sld [smem:$0x3FAF];
	_ =	sdelay $0x3  }
0x34: {  	[smem:$0x3FAF] =	sst s10  }
0x35: {  	s10 =	sld [smem:$0x3FAE];
	_ =	sdelay $0x3  }
0x36: {  	p1 =	seq.s32 s10, $0x1;
	s10 =	sld [smem:$0x3FAF];
	_ =	sdelay $0x3  }
0x37: {  	[smem:$0x3FAF] =	sst s10  }
0x38: {  	s10 =	sld [smem:$0x3FB0]  }
0x39: {  	_ = 	snop;
	(pc) =	sbr.ind lr, $3  }
0x3a: {  	_ = 	snop  }
0x3b: {  	_ = 	snop  }
0x3c: {  	p2 =	seq.s32 s10, $0x1;
	s10 =	sld [smem:$0x3FAF]  }
0x3d: {  	_ =	shalt  }
0x3e: {  	_ =	shalt  }
0x3f: {  	_ =	shalt  }
0x40: {  	_ =	shalt  }
0x41: {  	_ =	shalt  }
0x42: {  	_ =	shalt  }
0x43: {  	_ =	shalt  }
0x44: {  	_ =	shalt  }
0x45: {  	_ =	shalt  }
0x46: {  	_ =	shalt  }
0x47: {  	_ =	shalt  }
0x48: {  	_ =	shalt  }
0x49: {  	_ =	shalt  }
0x4a: {  	_ =	shalt  }
0x4b: {  	_ =	shalt  }
0x4c: {  	_ =	shalt  }
0x4d: {  	_ =	shalt  }
0x4e: {  	_ =	shalt  }
0x4f: {  	_ =	shalt  }
0x50: {  	_ =	shalt  }
0x51: {  	_ =	shalt  }
0x52: {  	_ =	shalt  }
0x53: {  	_ =	shalt  }
0x54: {  	_ =	shalt  }
0x55: {  	_ =	shalt  }
0x56: {  	_ =	shalt  }
0x57: {  	_ =	shalt  }
0x58: {  	_ =	shalt  }
0x59: {  	_ =	shalt  }
0x5a: {  	_ =	shalt  }
0x5b: {  	_ =	shalt  }
0x5c: {  	_ =	shalt  }
0x5d: {  	_ =	shalt  }
0x5e: {  	_ =	shalt  }
0x5f: {  	_ =	shalt  }
0x60: {  	_ =	shalt  }
0x61: {  	_ =	shalt  }
0x62: {  	_ =	shalt  }
0x63: {  	_ =	shalt  }
0x64: {  	_ =	shalt  }
0x65: {  	_ =	shalt  }
0x66: {  	_ =	shalt  }
0x67: {  	_ =	shalt  }
0x68: {  	_ =	shalt  }
0x69: {  	_ =	shalt  }
0x6a: {  	_ =	shalt  }
0x6b: {  	_ =	shalt  }
0x6c: {  	_ =	shalt  }
0x6d: {  	_ =	shalt  }
0x6e: {  	_ =	shalt  }
0x6f: {  	_ =	shalt  }
0x70: {  	_ =	shalt  }
0x71: {  	_ =	shalt  }
0x72: {  	_ =	shalt  }
0x73: {  	_ =	shalt  }
0x74: {  	_ =	shalt  }
0x75: {  	_ =	shalt  }
0x76: {  	_ =	shalt  }
0x77: {  	_ =	shalt  }
0x78: {  	_ =	shalt  }
0x79: {  	_ =	shalt  }
0x7a: {  	_ =	shalt  }
0x7b: {  	_ =	shalt  }
0x7c: {  	_ =	shalt  }
0x7d: {  	_ =	shalt  }
0x7e: {  	_ =	shalt  }
0x7f: {  	_ =	shalt  }
0x80: {  	_ =	shalt  }
0x81: {  	_ =	shalt  }
0x82: {  	_ =	shalt  }
0x83: {  	_ =	shalt  }
0x84: {  	_ =	shalt  }
0x85: {  	_ =	shalt  }
0x86: {  	_ =	shalt  }
0x87: {  	_ =	shalt  }
.Lfunc_end0:
.L_simem_size_0:
called_computation_lowered:
.L_overlay_start_0:
0x88: {  	s2 =	sld [smem:$0x3FD9]  }
0x89: {  	s3 =	sld [smem:$0x3FFE];
	_ =	sdelay $0x1  }
0x8a: {  	s1 =	srdreg.scid  }
0x8b: {  	s0 =	sand.u32 $0x1, s1  }
0x8c: {  	s17 =	sshll.u32 s0, $0xA;
	s2 =	sadd.s32 s3, s2  }
0x8d: {  	s2 =	sadd.s32 s2, s17  }
0x8e: {  	[smem:$0x3FBB] =	sst s2  }
0x8f: {  	_ = 	snop  }
0x90: {  	s2 =	sld [smem:$0x3FC8];
	(tm) =	ssettm $0x1  }
0x91: {  	s18 =	sld [smem:$0x3FFB];
	_ =	sdelay $0x3  }
0x92: {  	_ =	strace s18  }
0x93: {  	s3 =	sld [smem:$0x3FFC];
	_ =	sdelay $0x3  }
0x94: {  	_ =	strace s3  }
0x95: {  	s3 =	sld [smem:$0x3FFD];
	_ =	sdelay $0x3  }
0x96: {  	_ =	strace s3  }
0x97: {  	_ =	strace $0x8FFFFFFF  }
0x98: {  	s19 =	sld [smem:$0x3FDB];
	_ =	sdelay $0x1  }
0x99: {  	s4 =	simm.s32 $_scs_section_size  }
0x9a: {  	s5 =	simm.s32 $_size__tile_overlayer_lowered;
	s6 =	simm.s32 $_tile_overlayer_lowered  }
0x9b: {  	s22 =	simm.s32 $0x1BFF;
	s21 =	sshll.u32 s6, $0x1;
	s3 =	sadd.s32 s4, s19  }
0x9c: {  	s7 =	simm.s32 $0x0;
	s20 =	sshll.u32 s5, $0x1;
	s5 =	sadd.s32 s21, s3  }
0x9d: {  	[timem:s7], [sflag:s22] =	dma.local [hbm:s5], s20  }
0x9e: {  	_ =	swait.ge [sflag:s22], s20  }
0x9f: {  	s4 =	ssub.s32 $0x0, s20;
	[sflag:s22] =	ssyncset.done $0x0  }
0xa0: {  	[sflag:s22] =	ssyncadd.s32 s4;
	_ =	sdelay $0x1  }
0xa1: {  	s23 =	simm.s32 $0x1B8B  }
0xa2: {  	_ =	swait.ge [sflag:s23], $0x1  }
0xa3: {  	[sflag:s23] =	ssyncset.done $0x0  }
0xa4: {  	s25 =	simm.s32 $0x1B8E;
	s24 =	sld [smem:$0x3FFE];
	[sflag:s23] =	ssyncadd.s32 $0xFFFFFFFF  }
0xa5: {  	s26 =	simm.s32 $execute0_lowered;
	[smem:$0x3FD2] =	sst s25  }
0xa6: {  	s5 =	sshll.u32 s26, $0x1;
	_ =	strace $0x80000046;
	[dreg:$0x1] =	wrdreg $0xFFFFFFFF  }
0xa7: {  	s28 =	simm.s32 $_size_execute0_lowered;
	s3 =	sadd.s32 s3, s5;
	[dreg:$0x0] =	wrdreg $0x0  }
0xa8: {  	s5 =	sshll.u32 s28, $0x1;
	[dreg:$0x2] =	wrdreg s3  }
0xa9: {  	[dreg:$0x3] =	wrdreg s5  }
0xaa: {  	[dreg:$0x4] =	wrdreg $0xC0  }
0xab: {  	_ =	task [dreg:s7], $0x5FFFF  }
0xac: {  	[dreg:$0x1] =	wrdreg $0xFFFFFFFF  }
0xad: {  	[dreg:$0x0] =	wrdreg $0x60  }
0xae: {  	[dreg:$0x2] =	wrdreg s24  }
0xaf: {  	[dreg:$0x3] =	wrdreg s2  }
0xb0: {  	[dreg:$0x4] =	wrdreg $0x9  }
0xb1: {  	_ =	task.clear_ibuf [dreg:s7], $0x5FFFF;
	_ =	strace $0x90000046  }
0xb2: {  	s29 =	simm.s32 $0x9;
	_ =	strace $0x80000048  }
0xb3: {  	_ =	swait.ge [sflag:s29], $0x1  }
0xb4: {  	[sflag:s29] =	ssyncadd.s32 $0xFFFFFFFF  }
0xb5: {  	_ =	strace $0x90000048  }
0xb6: {  	_ =	sfence  }
0xb7: {  	s30 =	sld [smem:$0x0];
	_ =	sdelay $0x2  }
0xb8: {  	s31 =	sshll.u32 s1, $0xD;
	s1 =	sshrl.u32 s1, $0x2  }
0xb9: {  	s3 =	sand.u32 $0x4000, s31;
	s1 =	sadd.s32 s1, s30  }
0xba: {  	s0 =	sor.u32 s3, s0;
	s1 =	sshll.u32 s1, $0x11  }
0xbb: {  	s0 =	sor.u32 s1, s0  }
0xbc: {  	s0 =	sadd.s32 $0x8F2B, s0  }
0xbd: {  	[sflag:s0] =	ssyncadd.remote.s32 $0x1  }
0xbe: {  	_ =	sfence.sel $0xFFFF  }
0xbf: {  	[dreg:$0x0] =	wrdreg $0xFFFFFFFF;
	(pc) =	sbr.abs _section_cstart, $3  }
0xc0: {  	[dreg:$0x1] =	wrdreg $0xFFFFFFFF  }
0xc1: {  	_ =	task.clear_ibuf [dreg:s7], $0x2FFFF;
	_ =	strace $0x9FFFFFFF  }
0xc2: {  	(tm) =	ssettm $0x7FFFFFFF  }
0xc3: {  	_ =	shalt  }
tec
execute0_lowered:
.L_overlay_start_1:
0x0: {  	(tag) =	ssettag $0x1  }
0x1: {  	s4 =	rddreg [dreg:$0x0]  }
0x2: {  	s1 =	rddreg [dreg:$0x1];
	s2 =	stileid.u32  }
0x3: {  	s0 =	srdreg.scid;
	s11 =	smul.u32 $0x13880, s2  }
0x4: {  	s3 =	simm.s32 $0x0;
	s5 =	sand.u32 $0x1, s0;
	s13 =	smul.u32 $0x1388, s2  }
0x5: {  	[smem:$0x7FF] =	sst s3;
	s0 =	sadd.s32 $0xE600, s4;
	s9 =	smul.u32 $0x138800, s5  }
0x6: {  	s8 =	sadd.s32 $0x2B5800, s4;
	s7 =	sadd.s32 $0x3F800, s4;
	s12 =	smul.u32 $0x13880, s5  }
0x7: {  	s10 =	sadd.s32 $0x44800, s4;
	_ =	strace $0x80000047;
	s14 =	sadd.s32 s9, s8  }
0x8: {  	s9 =	sadd.s32 s9, s10;
	s12 =	sadd.s32 s13, s12;
	s14 =	sadd.s32 s11, s14  }
0x9: {  	s11 =	sadd.s32 s11, s9;
	s13 =	sshrl.u32 s12, $0x3;
	[dreg:$0x3] =	wrdreg s14  }
0xa: {  	s9 =	sadd.s32 $0x4600, s4;
	[dreg:$0x4] =	wrdreg s11;
	s16 =	sadd.s32 s13, s7  }
0xb: {  	s6 =	sadd.s32 $0x13600, s4;
	s17 =	sadd.s32 s13, s9;
	[dreg:$0x5] =	wrdreg s16  }
0xc: {  	s18 =	sadd.s32 $0xA0, s12;
	s19 =	sadd.s32 s13, s6;
	[dreg:$0x6] =	wrdreg s17  }
0xd: {  	s14 =	sshrl.u32 s18, $0x3;
	s20 =	sadd.s32 s13, s0;
	[dreg:$0x7] =	wrdreg s19  }
0xe: {  	[dreg:$0x8] =	wrdreg s20;
	s24 =	sadd.s32 s14, s7  }
0xf: {  	s25 =	sadd.s32 s14, s9;
	[dreg:$0xb] =	wrdreg s24  }
0x10: {  	s26 =	sadd.s32 $0x78, s12;
	s30 =	sadd.s32 s14, s6;
	[dreg:$0xc] =	wrdreg s25  }
0x11: {  	s13 =	sshrl.u32 s26, $0x3;
	s31 =	sadd.s32 s14, s0;
	[dreg:$0xd] =	wrdreg s30  }
0x12: {  	s17 =	sadd.s32 s13, s7;
	[dreg:$0xe] =	wrdreg s31  }
0x13: {  	s18 =	sadd.s32 s13, s9;
	[dreg:$0x11] =	wrdreg s17  }
0x14: {  	s21 =	sshll.u32 s14, $0x7;
	s20 =	sadd.s32 s13, s6;
	[dreg:$0x12] =	wrdreg s18  }
0x15: {  	s22 =	sadd.s32 s21, s10;
	[dreg:$0x13] =	wrdreg s20  }
0x16: {  	s2 =	sshll.u32 s13, $0x7;
	s23 =	sadd.s32 s21, s8;
	[dreg:$0x9] =	wrdreg s22  }
0x17: {  	s15 =	sadd.s32 s2, s10;
	[dreg:$0xa] =	wrdreg s23  }
0x18: {  	s16 =	sadd.s32 s2, s8;
	[dreg:$0xf] =	wrdreg s15  }
0x19: {  	s29 =	simm.s32 $0xF0;
	s21 =	sadd.s32 s13, s0;
	[dreg:$0x10] =	wrdreg s16  }
0x1a: {  	s28 =	simm.s32 $0x3;
	s17 =	simm.s32 $0x208;
	[dreg:$0x14] =	wrdreg s21  }
0x1b: {  	s19 =	sadd.s32 $0x50, s12;
	s18 =	simm.s32 $0x230;
	[smem:$0x7F2] =	sst s17  }
0x1c: {  	s14 =	sshrl.u32 s19, $0x3;
	s19 =	simm.s32 $0x258;
	[smem:$0x7F3] =	sst s18  }
0x1d: {  	s5 =	ssub.s32 $0x2, s5;
	s20 =	simm.s32 $0x280;
	[smem:$0x7F4] =	sst s19  }
0x1e: {  	s4 =	sadd.s32 $0x18600, s4;
	s25 =	sadd.s32 s14, s7;
	[smem:$0x7F5] =	sst s20  }
0x1f: {  	s12 =	sadd.s32 $0x28, s12;
	s26 =	sadd.s32 s14, s9;
	[dreg:$0x17] =	wrdreg s25  }
0x20: {  	s12 =	sshrl.u32 s12, $0x3;
	s30 =	sadd.s32 s14, s6;
	[dreg:$0x18] =	wrdreg s26  }
0x21: {  	s22 =	sshll.u32 s14, $0x7;
	s31 =	sadd.s32 s14, s0;
	[dreg:$0x19] =	wrdreg s30  }
0x22: {  	s2 =	sshll.u32 s12, $0x7;
	s7 =	sadd.s32 s12, s7;
	[dreg:$0x1a] =	wrdreg s31  }
0x23: {  	s11 =	sadd.s32 s12, s9;
	s6 =	sadd.s32 s12, s6;
	[dreg:$0x1d] =	wrdreg s7  }
0x24: {  	s0 =	sadd.s32 s12, s0;
	s14 =	simm.s32 $0x190;
	[dreg:$0x1e] =	wrdreg s11  }
0x25: {  	s15 =	simm.s32 $0x1B8;
	s16 =	simm.s32 $0x1E0;
	[dreg:$0x1f] =	wrdreg s6  }
0x26: {  	s9 =	simm.s32 $0x50;
	s12 =	simm.s32 $0x118;
	[smem:$0x7EE] =	sst s0  }
0x27: {  	s21 =	simm.s32 $0x2A8;
	s17 =	simm.s32 $0x67E8;
	[smem:$0x7EF] =	sst s14  }
0x28: {  	s18 =	simm.s32 $0x17E8;
	s19 =	simm.s32 $0x7BE8;
	[smem:$0x7F0] =	sst s15  }
0x29: {  	s20 =	simm.s32 $0x2BE8;
	s23 =	sadd.s32 s22, s10;
	[smem:$0x7F1] =	sst s16  }
0x2a: {  	s24 =	sadd.s32 s22, s8;
	s10 =	sadd.s32 s2, s10;
	[smem:$0x7F6] =	sst s21  }
0x2b: {  	s8 =	sadd.s32 s2, s8;
	s2 =	simm.s32 $0xC8;
	[dreg:$0x15] =	wrdreg s23  }
0x2c: {  	s7 =	simm.s32 $0x28;
	s11 =	simm.s32 $0x78;
	[dreg:$0x16] =	wrdreg s24  }
0x2d: {  	s15 =	simm.s32 $0x1;
	s16 =	simm.s32 $0x3E8;
	[dreg:$0x1b] =	wrdreg s10  }
0x2e: {  	s22 =	simm.s32 $0x2D0;
	s25 =	simm.s32 $0x348;
	[dreg:$0x1c] =	wrdreg s8  }
0x2f: {  	s21 =	simm.s32 $0x8FE8;
	s26 =	simm.s32 $0x370;
	[smem:$0x7F7] =	sst s22  }
0x30: {  	s30 =	simm.s32 $0x398;
	s31 =	simm.s32 $0x3C0;
	[smem:$0x7FA] =	sst s25  }
0x31: {  	s14 =	simm.s32 $0xC8;
	s10 =	sshrl.u32 s5, $0x1;
	[smem:$0x7FB] =	sst s26  }
0x32: {  	s8 =	simm.s32 $0x168;
	s23 =	simm.s32 $0x2F8;
	[smem:$0x7FC] =	sst s30  }
0x33: {  	s24 =	simm.s32 $0x320;
	s22 =	simm.s32 $0x3FE8;
	[smem:$0x7FD] =	sst s31  }
0x34: {  	s25 =	simm.s32 $0xB7E8;
	s26 =	simm.s32 $0x2;
	[smem:$0x7F8] =	sst s23  }
0x35: {  	s5 =	ssub.s32 s5, s10;
	s10 =	simm.s32 $0x140;
	[smem:$0x7F9] =	sst s24  }
0x36: {  	s23 =	simm.s32 $0xA3E8;
	s24 =	simm.s32 $0x53E8;
	s13 =	smax.u32 s5, $0x1  }
0x37: {  	s5 =	simm.s32 $0x0;
	[smem:$0x7ED] =	sst s13;
	s13 =	simm.s32 $0xA0  }
.LBB2_1:
0x38: {  	[smem:$0x7EC] =	sst s5  }
0x39: {  	s0 =	rddreg [dreg:$0x8]  }
0x3a: {  	s30 =	rddreg [dreg:$0x7]  }
0x3b: {  	s31 =	rddreg [dreg:$0x6];
	s0 =	sadd.s32 $0x0, s0  }
0x3c: {  	[tilespmem:s3], [sflag:$0x1] =	stream.linear.gather [hbm4b:s0+s3], $0x28, $0x38;
	[tilespmem:$0xCBE8] =	vst v63  }
0x3d: {  	s6 =	sadd.s32 $0x0, s30;
	s30 =	sld [smem:$0x7EF]  }
0x3e: {  	[tilespmem:s2], [sflag:$0x1] =	stream.linear.gather [hbm4b:s6+s3], $0x28, $0x38;
	[tilespmem:$0xCBE8] =	vst v63  }
0x3f: {  	s5 =	sld [smem:$0x7EE];
	s31 =	sadd.s32 $0x0, s31  }
0x40: {  	[tilespmem:s30], [sflag:$0x1] =	stream.linear.gather [hbm4b:s31+s3], $0x28, $0x38;
	[tilespmem:$0xCBE8] =	vst v63  }
0x41: {  	s30 =	rddreg [dreg:$0x1f]  }
0x42: {  	s0 =	sadd.s32 $0x0, s5;
	s31 =	rddreg [dreg:$0x1e]  }
0x43: {  	[tilespmem:s7], [sflag:$0x1] =	stream.linear.gather [hbm4b:s0+s3], $0x28, $0x38;
	[tilespmem:$0xCBE8] =	vst v63  }
0x44: {  	s6 =	sadd.s32 $0x0, s30;
	s30 =	sld [smem:$0x7F0]  }
0x45: {  	[tilespmem:s29], [sflag:$0x1] =	stream.linear.gather [hbm4b:s6+s3], $0x28, $0x38;
	[tilespmem:$0xCBE8] =	vst v63  }
0x46: {  	s5 =	rddreg [dreg:$0x1a];
	s31 =	sadd.s32 $0x0, s31  }
0x47: {  	[tilespmem:s30], [sflag:$0x1] =	stream.linear.gather [hbm4b:s31+s3], $0x28, $0x38;
	[tilespmem:$0xCBE8] =	vst v63  }
0x48: {  	s30 =	rddreg [dreg:$0x19]  }
0x49: {  	s0 =	sadd.s32 $0x0, s5;
	s31 =	rddreg [dreg:$0x18]  }
0x4a: {  	[tilespmem:s9], [sflag:$0x1] =	stream.linear.gather [hbm4b:s0+s3], $0x28, $0x38;
	[tilespmem:$0xCBE8] =	vst v63  }
0x4b: {  	s6 =	sadd.s32 $0x0, s30;
	s30 =	sld [smem:$0x7F1]  }
0x4c: {  	[tilespmem:s12], [sflag:$0x1] =	stream.linear.gather [hbm4b:s6+s3], $0x28, $0x38;
	[tilespmem:$0xCBE8] =	vst v63  }
0x4d: {  	s5 =	rddreg [dreg:$0x14];
	s31 =	sadd.s32 $0x0, s31  }
0x4e: {  	[tilespmem:s30], [sflag:$0x1] =	stream.linear.gather [hbm4b:s31+s3], $0x28, $0x38;
	[tilespmem:$0xCBE8] =	vst v63  }
0x4f: {  	s30 =	rddreg [dreg:$0x13]  }
0x50: {  	s31 =	rddreg [dreg:$0x12]  }
0x51: {  	s0 =	sadd.s32 $0x0, s5;
	s6 =	sadd.s32 $0x0, s30;
	s30 =	sld [smem:$0x7F2]  }
0x52: {  	[tilespmem:s11], [sflag:$0x1] =	stream.linear.gather [hbm4b:s0+s3], $0x28, $0x38;
	[tilespmem:$0xCBE8] =	vst v63  }
0x53: {  	s5 =	sadd.s32 $0x0, s31;
	s31 =	rddreg [dreg:$0xe]  }
0x54: {  	[tilespmem:s10], [sflag:$0x1] =	stream.linear.gather [hbm4b:s6+s3], $0x28, $0x38;
	[tilespmem:$0xCBE8] =	vst v63  }
0x55: {  	s6 =	rddreg [dreg:$0xd]  }
0x56: {  	[tilespmem:s30], [sflag:$0x1] =	stream.linear.gather [hbm4b:s5+s3], $0x28, $0x38;
	[tilespmem:$0xCBE8] =	vst v63  }
0x57: {  	s30 =	sadd.s32 $0x0, s31;
	s31 =	rddreg [dreg:$0xc]  }
0x58: {  	[tilespmem:s13], [sflag:$0x1] =	stream.linear.gather [hbm4b:s30+s3], $0x28, $0x38;
	[tilespmem:$0xCBE8] =	vst v63  }
0x59: {  	s0 =	sadd.s32 $0x0, s6;
	s30 =	sld [smem:$0x7F3]  }
0x5a: {  	[tilespmem:s8], [sflag:$0x1] =	stream.linear.gather [hbm4b:s0+s3], $0x28, $0x38;
	[tilespmem:$0xCBE8] =	vst v63  }
0x5b: {  	s5 =	sadd.s32 $0x0, s31  }
0x5c: {  	[tilespmem:s30], [sflag:$0x1] =	stream.linear.gather [hbm4b:s5+s3], $0x28, $0x38;
	[tilespmem:$0xCBE8] =	vst v63  }
0x5d: {  	_ =	swait.ge [sflag:s15], $0x28  }
0x5e: {  	[sflag:s15] =	ssyncset.done $0x0  }
0x5f: {  	[sflag:s15] =	ssyncadd.s32 $0xFFFFFFD8  }
0x60: {  	_ =	swait.ge [sflag:s15], $0x28  }
0x61: {  	[sflag:s15] =	ssyncset.done $0x0  }
0x62: {  	[sflag:s15] =	ssyncadd.s32 $0xFFFFFFD8  }
0x63: {  	_ =	swait.ge [sflag:s15], $0x28  }
0x64: {  	[sflag:s15] =	ssyncset.done $0x0  }
0x65: {  	[sflag:s15] =	ssyncadd.s32 $0xFFFFFFD8  }
0x66: {  	[tilespmem:s16], [sflag:$0x2] =	stream.indirect.gather [hbm4b:s4+s7], $0x80, s3, s7, $0xb8;
	[tilespmem:$0xCBE8] =	vst v63  }
0x67: {  	s6 =	sld [smem:$0x7F4]  }
0x68: {  	[tilespmem:s17], [sflag:$0x2] =	stream.indirect.gather [hbm4b:s4+s7], $0x80, s2, s7, $0xb8;
	[tilespmem:$0xCBE8] =	vst v63  }
0x69: {  	_ = 	snop  }
0x6a: {  	[tilespmem:s6], [sflag:$0x2] =	stream.indirect.gather [hbm4b:s1+s7], $0x1, s3, s7, $0xb8;
	[tilespmem:$0xCBE8] =	vst v63  }
0x6b: {  	_ =	swait.ge [sflag:s15], $0x28  }
0x6c: {  	[sflag:s15] =	ssyncset.done $0x0  }
0x6d: {  	[sflag:s15] =	ssyncadd.s32 $0xFFFFFFD8  }
0x6e: {  	_ =	swait.ge [sflag:s15], $0x28  }
0x6f: {  	[sflag:s15] =	ssyncset.done $0x0  }
0x70: {  	[sflag:s15] =	ssyncadd.s32 $0xFFFFFFD8  }
0x71: {  	_ =	swait.ge [sflag:s15], $0x28  }
0x72: {  	[sflag:s15] =	ssyncset.done $0x0  }
0x73: {  	[sflag:s15] =	ssyncadd.s32 $0xFFFFFFD8  }
0x74: {  	[tilespmem:s18], [sflag:$0x2] =	stream.indirect.gather [hbm4b:s4+s7], $0x80, s7, s7, $0xb8;
	[tilespmem:$0xCBE8] =	vst v63  }
0x75: {  	s2 =	sld [smem:$0x7F5]  }
0x76: {  	[tilespmem:s19], [sflag:$0x2] =	stream.indirect.gather [hbm4b:s4+s7], $0x80, s29, s7, $0xb8;
	[tilespmem:$0xCBE8] =	vst v63  }
0x77: {  	_ = 	snop  }
0x78: {  	[tilespmem:s2], [sflag:$0x2] =	stream.indirect.gather [hbm4b:s1+s7], $0x1, s7, s7, $0xb8;
	[tilespmem:$0xCBE8] =	vst v63  }
0x79: {  	_ =	swait.ge [sflag:s15], $0x28  }
0x7a: {  	[sflag:s15] =	ssyncset.done $0x0  }
0x7b: {  	[sflag:s15] =	ssyncadd.s32 $0xFFFFFFD8  }
0x7c: {  	_ =	swait.ge [sflag:s15], $0x28  }
0x7d: {  	[sflag:s15] =	ssyncset.done $0x0  }
0x7e: {  	[sflag:s15] =	ssyncadd.s32 $0xFFFFFFD8  }
0x7f: {  	_ =	swait.ge [sflag:s15], $0x28  }
0x80: {  	[sflag:s15] =	ssyncset.done $0x0  }
0x81: {  	[sflag:s15] =	ssyncadd.s32 $0xFFFFFFD8  }
0x82: {  	[tilespmem:s20], [sflag:$0x2] =	stream.indirect.gather [hbm4b:s4+s7], $0x80, s9, s7, $0xb8;
	[tilespmem:$0xCBE8] =	vst v63  }
0x83: {  	s5 =	sld [smem:$0x7F6]  }
0x84: {  	[tilespmem:s21], [sflag:$0x2] =	stream.indirect.gather [hbm4b:s4+s7], $0x80, s12, s7, $0xb8;
	[tilespmem:$0xCBE8] =	vst v63  }
0x85: {  	_ = 	snop  }
0x86: {  	[tilespmem:s5], [sflag:$0x2] =	stream.indirect.gather [hbm4b:s1+s7], $0x1, s9, s7, $0xb8;
	[tilespmem:$0xCBE8] =	vst v63  }
0x87: {  	_ =	swait.ge [sflag:s15], $0x28  }
0x88: {  	[sflag:s15] =	ssyncset.done $0x0  }
0x89: {  	[sflag:s15] =	ssyncadd.s32 $0xFFFFFFD8  }
0x8a: {  	_ =	swait.ge [sflag:s15], $0x28  }
0x8b: {  	[sflag:s15] =	ssyncset.done $0x0  }
0x8c: {  	[sflag:s15] =	ssyncadd.s32 $0xFFFFFFD8  }
0x8d: {  	_ =	swait.ge [sflag:s15], $0x28  }
0x8e: {  	[sflag:s15] =	ssyncset.done $0x0  }
0x8f: {  	[sflag:s15] =	ssyncadd.s32 $0xFFFFFFD8  }
0x90: {  	[tilespmem:s22], [sflag:$0x2] =	stream.indirect.gather [hbm4b:s4+s7], $0x80, s11, s7, $0xb8;
	[tilespmem:$0xCBE8] =	vst v63  }
0x91: {  	s6 =	sld [smem:$0x7F7]  }
0x92: {  	[tilespmem:s23], [sflag:$0x2] =	stream.indirect.gather [hbm4b:s4+s7], $0x80, s10, s7, $0xb8;
	[tilespmem:$0xCBE8] =	vst v63  }
0x93: {  	_ = 	snop  }
0x94: {  	[tilespmem:s6], [sflag:$0x2] =	stream.indirect.gather [hbm4b:s1+s7], $0x1, s11, s7, $0xb8;
	[tilespmem:$0xCBE8] =	vst v63  }
0x95: {  	_ =	swait.ge [sflag:s15], $0x28  }
0x96: {  	[sflag:s15] =	ssyncset.done $0x0  }
0x97: {  	[sflag:s15] =	ssyncadd.s32 $0xFFFFFFD8  }
0x98: {  	_ =	swait.ge [sflag:s15], $0x28  }
0x99: {  	[sflag:s15] =	ssyncset.done $0x0  }
0x9a: {  	[sflag:s15] =	ssyncadd.s32 $0xFFFFFFD8  }
0x9b: {  	_ =	swait.ge [sflag:s15], $0x28  }
0x9c: {  	[sflag:s15] =	ssyncset.done $0x0  }
0x9d: {  	[sflag:s15] =	ssyncadd.s32 $0xFFFFFFD8  }
0x9e: {  	[tilespmem:s24], [sflag:$0x2] =	stream.indirect.gather [hbm4b:s4+s7], $0x80, s13, s7, $0xb8;
	[tilespmem:$0xCBE8] =	vst v63  }
0x9f: {  	s12 =	sld [smem:$0x7F8]  }
0xa0: {  	[tilespmem:s25], [sflag:$0x2] =	stream.indirect.gather [hbm4b:s4+s7], $0x80, s8, s7, $0xb8;
	[tilespmem:$0xCBE8] =	vst v63  }
0xa1: {  	_ = 	snop  }
0xa2: {  	[tilespmem:s12], [sflag:$0x2] =	stream.indirect.gather [hbm4b:s1+s7], $0x1, s13, s7, $0xb8;
	[tilespmem:$0xCBE8] =	vst v63  }
0xa3: {  	_ =	swait.ge [sflag:s26], $0x1400  }
0xa4: {  	[sflag:s26] =	ssyncset.done $0x0  }
0xa5: {  	[sflag:s26] =	ssyncadd.s32 $0xFFFFEC00  }
0xa6: {  	_ =	swait.ge [sflag:s26], $0x1400  }
0xa7: {  	[sflag:s26] =	ssyncset.done $0x0  }
0xa8: {  	[sflag:s26] =	ssyncadd.s32 $0xFFFFEC00  }
0xa9: {  	_ =	swait.ge [sflag:s26], $0x28  }
0xaa: {  	[sflag:s26] =	ssyncset.done $0x0  }
0xab: {  	[sflag:s26] =	ssyncadd.s32 $0xFFFFFFD8  }
0xac: {  	v0 =	vld [tilespmem:$0x190]  }
0xad: {  	v1 =	vld [tilespmem:$0x258]  }
0xae: {  	v2 =	vld [tilespmem:$0x1A0]  }
0xaf: {  	v3 =	vld [tilespmem:$0x268]  }
0xb0: {  	v4 =	vld [tilespmem:$0x1A8]  }
0xb1: {  	v5 =	vld [tilespmem:$0x270];
	_ =	sdelay $0x2  }
0xb2: {  	v0 =	vsub.f32 v0, v1  }
0xb3: {  	v34 =	vsub.f32 v2, v3  }
0xb4: {  	s29 =	rddreg [dreg:$0x4];
	v35 =	vsub.f32 v4, v5;
	[tilespmem:$0x320] =	vst v0  }
0xb5: {  	s30 =	rddreg [dreg:$0x3];
	[tilespmem:$0x330] =	vst v34  }
0xb6: {  	s31 =	rddreg [dreg:$0x5];
	s0 =	sadd.s32 $0x0, s29;
	[tilespmem:$0x338] =	vst v35  }
0xb7: {  	[hbm4b:s0+s3] =	stream.linear.scatter [tilespmem:s16], [sflag:$0x3], $0x1400, $0x38;
	[tilespmem:$0xCBE8] =	vst v63  }
0xb8: {  	s2 =	sadd.s32 $0x0, s30;
	s30 =	sld [smem:$0x7F9]  }
0xb9: {  	[hbm4b:s2+s3] =	stream.linear.scatter [tilespmem:s17], [sflag:$0x3], $0x1400, $0x38;
	[tilespmem:$0xCBE8] =	vst v63  }
0xba: {  	s5 =	sadd.s32 $0x0, s31  }
0xbb: {  	[hbm4b:s5+s3] =	stream.linear.scatter [tilespmem:s30], [sflag:$0x3], $0x28, $0x38;
	[tilespmem:$0xCBE8] =	vst v63  }
0xbc: {  	_ =	swait.ge [sflag:s26], $0x1400  }
0xbd: {  	[sflag:s26] =	ssyncset.done $0x0  }
0xbe: {  	[sflag:s26] =	ssyncadd.s32 $0xFFFFEC00  }
0xbf: {  	_ =	swait.ge [sflag:s26], $0x1400  }
0xc0: {  	[sflag:s26] =	ssyncset.done $0x0  }
0xc1: {  	[sflag:s26] =	ssyncadd.s32 $0xFFFFEC00  }
0xc2: {  	_ =	swait.ge [sflag:s26], $0x28  }
0xc3: {  	[sflag:s26] =	ssyncset.done $0x0  }
0xc4: {  	[sflag:s26] =	ssyncadd.s32 $0xFFFFFFD8  }
0xc5: {  	v36 =	vld [tilespmem:$0x298]  }
0xc6: {  	v37 =	vld [tilespmem:$0x290]  }
0xc7: {  	v39 =	vld [tilespmem:$0x1C8]  }
0xc8: {  	v40 =	vld [tilespmem:$0x1B8]  }
0xc9: {  	v41 =	vld [tilespmem:$0x280]  }
0xca: {  	v38 =	vld [tilespmem:$0x1D0];
	_ =	sdelay $0x2  }
0xcb: {  	v1 =	vsub.f32 v39, v37  }
0xcc: {  	v42 =	vsub.f32 v40, v41  }
0xcd: {  	s6 =	rddreg [dreg:$0x1b];
	v0 =	vsub.f32 v38, v36;
	[tilespmem:$0x358] =	vst v1  }
0xce: {  	s30 =	rddreg [dreg:$0x1c];
	[tilespmem:$0x348] =	vst v42  }
0xcf: {  	s31 =	rddreg [dreg:$0x1d];
	s0 =	sadd.s32 $0x0, s6;
	[tilespmem:$0x360] =	vst v0  }
0xd0: {  	[hbm4b:s0+s3] =	stream.linear.scatter [tilespmem:s18], [sflag:$0x3], $0x1400, $0x38;
	[tilespmem:$0xCBE8] =	vst v63  }
0xd1: {  	s8 =	sadd.s32 $0x0, s30;
	s30 =	sld [smem:$0x7FA]  }
0xd2: {  	[hbm4b:s8+s3] =	stream.linear.scatter [tilespmem:s19], [sflag:$0x3], $0x1400, $0x38;
	[tilespmem:$0xCBE8] =	vst v63  }
0xd3: {  	s10 =	sadd.s32 $0x0, s31  }
0xd4: {  	[hbm4b:s10+s3] =	stream.linear.scatter [tilespmem:s30], [sflag:$0x3], $0x28, $0x38;
	[tilespmem:$0xCBE8] =	vst v63  }
0xd5: {  	_ =	swait.ge [sflag:s26], $0x1400  }
0xd6: {  	[sflag:s26] =	ssyncset.done $0x0  }
0xd7: {  	[sflag:s26] =	ssyncadd.s32 $0xFFFFEC00  }
0xd8: {  	_ =	swait.ge [sflag:s26], $0x1400  }
0xd9: {  	[sflag:s26] =	ssyncset.done $0x0  }
0xda: {  	[sflag:s26] =	ssyncadd.s32 $0xFFFFEC00  }
0xdb: {  	_ =	swait.ge [sflag:s26], $0x28  }
0xdc: {  	[sflag:s26] =	ssyncset.done $0x0  }
0xdd: {  	[sflag:s26] =	ssyncadd.s32 $0xFFFFFFD8  }
0xde: {  	v43 =	vld [tilespmem:$0x2C0]  }
0xdf: {  	v44 =	vld [tilespmem:$0x2B8]  }
0xe0: {  	v46 =	vld [tilespmem:$0x1F0]  }
0xe1: {  	v47 =	vld [tilespmem:$0x2A8]  }
0xe2: {  	v48 =	vld [tilespmem:$0x1E0]  }
0xe3: {  	v45 =	vld [tilespmem:$0x1F8];
	_ =	sdelay $0x2  }
0xe4: {  	v1 =	vsub.f32 v46, v44  }
0xe5: {  	v49 =	vsub.f32 v48, v47  }
0xe6: {  	s12 =	rddreg [dreg:$0x15];
	v0 =	vsub.f32 v45, v43;
	[tilespmem:$0x380] =	vst v1  }
0xe7: {  	s30 =	rddreg [dreg:$0x16];
	[tilespmem:$0x370] =	vst v49  }
0xe8: {  	s31 =	rddreg [dreg:$0x17];
	s0 =	sadd.s32 $0x0, s12;
	[tilespmem:$0x388] =	vst v0  }
0xe9: {  	[hbm4b:s0+s3] =	stream.linear.scatter [tilespmem:s20], [sflag:$0x3], $0x1400, $0x38;
	[tilespmem:$0xCBE8] =	vst v63  }
0xea: {  	s29 =	sadd.s32 $0x0, s30;
	s30 =	sld [smem:$0x7FB]  }
0xeb: {  	[hbm4b:s29+s3] =	stream.linear.scatter [tilespmem:s21], [sflag:$0x3], $0x1400, $0x38;
	[tilespmem:$0xCBE8] =	vst v63  }
0xec: {  	s2 =	sadd.s32 $0x0, s31  }
0xed: {  	[hbm4b:s2+s3] =	stream.linear.scatter [tilespmem:s30], [sflag:$0x3], $0x28, $0x38;
	[tilespmem:$0xCBE8] =	vst v63  }
0xee: {  	_ =	swait.ge [sflag:s26], $0x1400  }
0xef: {  	[sflag:s26] =	ssyncset.done $0x0  }
0xf0: {  	[sflag:s26] =	ssyncadd.s32 $0xFFFFEC00  }
0xf1: {  	_ =	swait.ge [sflag:s26], $0x1400  }
0xf2: {  	[sflag:s26] =	ssyncset.done $0x0  }
0xf3: {  	[sflag:s26] =	ssyncadd.s32 $0xFFFFEC00  }
0xf4: {  	_ =	swait.ge [sflag:s26], $0x28  }
0xf5: {  	[sflag:s26] =	ssyncset.done $0x0  }
0xf6: {  	[sflag:s26] =	ssyncadd.s32 $0xFFFFFFD8  }
0xf7: {  	v50 =	vld [tilespmem:$0x2E8]  }
0xf8: {  	v51 =	vld [tilespmem:$0x2E0]  }
0xf9: {  	v52 =	vld [tilespmem:$0x208]  }
0xfa: {  	v53 =	vld [tilespmem:$0x218]  }
0xfb: {  	v55 =	vld [tilespmem:$0x2D0]  }
0xfc: {  	v54 =	vld [tilespmem:$0x220];
	_ =	sdelay $0x2  }
0xfd: {  	v1 =	vsub.f32 v53, v51  }
0xfe: {  	v2 =	vsub.f32 v52, v55  }
0xff: {  	s5 =	rddreg [dreg:$0xf];
	v0 =	vsub.f32 v54, v50;
	[tilespmem:$0x3A8] =	vst v1  }
0x100: {  	s30 =	rddreg [dreg:$0x10];
	[tilespmem:$0x398] =	vst v2  }
0x101: {  	s31 =	rddreg [dreg:$0x11];
	s0 =	sadd.s32 $0x0, s5;
	[tilespmem:$0x3B0] =	vst v0  }
0x102: {  	[hbm4b:s0+s3] =	stream.linear.scatter [tilespmem:s22], [sflag:$0x3], $0x1400, $0x38;
	[tilespmem:$0xCBE8] =	vst v63  }
0x103: {  	s6 =	sadd.s32 $0x0, s30;
	s30 =	sld [smem:$0x7FC]  }
0x104: {  	[hbm4b:s6+s3] =	stream.linear.scatter [tilespmem:s23], [sflag:$0x3], $0x1400, $0x38;
	[tilespmem:$0xCBE8] =	vst v63  }
0x105: {  	s8 =	sadd.s32 $0x0, s31  }
0x106: {  	[hbm4b:s8+s3] =	stream.linear.scatter [tilespmem:s30], [sflag:$0x3], $0x28, $0x38;
	[tilespmem:$0xCBE8] =	vst v63  }
0x107: {  	_ =	swait.ge [sflag:s26], $0x1400  }
0x108: {  	[sflag:s26] =	ssyncset.done $0x0  }
0x109: {  	[sflag:s26] =	ssyncadd.s32 $0xFFFFEC00  }
0x10a: {  	_ =	swait.ge [sflag:s26], $0x1400  }
0x10b: {  	[sflag:s26] =	ssyncset.done $0x0  }
0x10c: {  	[sflag:s26] =	ssyncadd.s32 $0xFFFFEC00  }
0x10d: {  	_ =	swait.ge [sflag:s26], $0x28  }
0x10e: {  	[sflag:s26] =	ssyncset.done $0x0  }
0x10f: {  	[sflag:s26] =	ssyncadd.s32 $0xFFFFFFD8  }
0x110: {  	v56 =	vld [tilespmem:$0x240]  }
0x111: {  	v57 =	vld [tilespmem:$0x308]  }
0x112: {  	v58 =	vld [tilespmem:$0x248]  }
0x113: {  	v60 =	vld [tilespmem:$0x230]  }
0x114: {  	v61 =	vld [tilespmem:$0x2F8]  }
0x115: {  	v59 =	vld [tilespmem:$0x310];
	_ =	sdelay $0x2  }
0x116: {  	v0 =	vsub.f32 v56, v57  }
0x117: {  	v63 =	vsub.f32 v60, v61  }
0x118: {  	s10 =	rddreg [dreg:$0x9];
	v62 =	vsub.f32 v58, v59;
	[tilespmem:$0x3D0] =	vst v0  }
0x119: {  	s30 =	rddreg [dreg:$0xa];
	[tilespmem:$0x3C0] =	vst v63  }
0x11a: {  	s31 =	rddreg [dreg:$0xb];
	s0 =	sadd.s32 $0x0, s10;
	[tilespmem:$0x3D8] =	vst v62  }
0x11b: {  	[hbm4b:s0+s3] =	stream.linear.scatter [tilespmem:s24], [sflag:$0x3], $0x1400, $0x38;
	[tilespmem:$0xCBE8] =	vst v63  }
0x11c: {  	s12 =	sadd.s32 $0x0, s30;
	s30 =	sld [smem:$0x7FD]  }
0x11d: {  	[hbm4b:s12+s3] =	stream.linear.scatter [tilespmem:s25], [sflag:$0x3], $0x1400, $0x38;
	[tilespmem:$0xCBE8] =	vst v63  }
0x11e: {  	s29 =	sadd.s32 $0x0, s31  }
0x11f: {  	[hbm4b:s29+s3] =	stream.linear.scatter [tilespmem:s30], [sflag:$0x3], $0x28, $0x38;
	[tilespmem:$0xCBE8] =	vst v63  }
0x120: {  	_ =	swait.ge [sflag:s28], $0x1400  }
0x121: {  	[sflag:s28] =	ssyncset.done $0x0  }
0x122: {  	[sflag:s28] =	ssyncadd.s32 $0xFFFFEC00  }
0x123: {  	_ =	swait.ge [sflag:s28], $0x1400  }
0x124: {  	[sflag:s28] =	ssyncset.done $0x0  }
0x125: {  	[sflag:s28] =	ssyncadd.s32 $0xFFFFEC00  }
0x126: {  	_ =	swait.ge [sflag:s28], $0x28  }
0x127: {  	[sflag:s28] =	ssyncset.done $0x0  }
0x128: {  	[sflag:s28] =	ssyncadd.s32 $0xFFFFFFD8  }
0x129: {  	_ =	swait.ge [sflag:s28], $0x1400  }
0x12a: {  	[sflag:s28] =	ssyncset.done $0x0  }
0x12b: {  	[sflag:s28] =	ssyncadd.s32 $0xFFFFEC00  }
0x12c: {  	_ =	swait.ge [sflag:s28], $0x1400  }
0x12d: {  	[sflag:s28] =	ssyncset.done $0x0  }
0x12e: {  	[sflag:s28] =	ssyncadd.s32 $0xFFFFEC00  }
0x12f: {  	_ =	swait.ge [sflag:s28], $0x28  }
0x130: {  	[sflag:s28] =	ssyncset.done $0x0  }
0x131: {  	[sflag:s28] =	ssyncadd.s32 $0xFFFFFFD8  }
0x132: {  	s31 =	simm.s32 $0x0;
	s30 =	simm.s32 $0x19;
	_ =	swait.ge [sflag:s28], $0x1400  }
.LBB2_2:
0x133: {  	[sflag:s28] =	ssyncset.done $0x0  }
0x134: {  	[sflag:s28] =	ssyncadd.s32 $0xFFFFEC00  }
0x135: {  	_ =	swait.ge [sflag:s28], $0x1400  }
0x136: {  	[sflag:s28] =	ssyncset.done $0x0  }
0x137: {  	[sflag:s28] =	ssyncadd.s32 $0xFFFFEC00  }
0x138: {  	_ =	swait.ge [sflag:s28], $0x28  }
0x139: {  	[sflag:s28] =	ssyncset.done $0x0  }
0x13a: {  	[sflag:s28] =	ssyncadd.s32 $0xFFFFFFD8  }
0x13b: {  	_ =	swait.ge [sflag:s28], $0x1400  }
0x13c: {  	[sflag:s28] =	ssyncset.done $0x0  }
0x13d: {  	[sflag:s28] =	ssyncadd.s32 $0xFFFFEC00  }
0x13e: {  	_ =	swait.ge [sflag:s28], $0x1400  }
0x13f: {  	[sflag:s28] =	ssyncset.done $0x0  }
0x140: {  	[sflag:s28] =	ssyncadd.s32 $0xFFFFEC00  }
0x141: {  	_ =	swait.ge [sflag:s28], $0x28  }
0x142: {  	[sflag:s28] =	ssyncset.done $0x0  }
0x143: {  	[sflag:s28] =	ssyncadd.s32 $0xFFFFFFD8  }
0x144: {  	_ =	swait.ge [sflag:s28], $0x1400  }
0x145: {  	[sflag:s28] =	ssyncset.done $0x0  }
0x146: {  	[sflag:s28] =	ssyncadd.s32 $0xFFFFEC00  }
0x147: {  	_ =	swait.ge [sflag:s28], $0x1400  }
0x148: {  	[sflag:s28] =	ssyncset.done $0x0  }
0x149: {  	[sflag:s28] =	ssyncadd.s32 $0xFFFFEC00  }
0x14a: {  	_ =	swait.ge [sflag:s28], $0x28  }
0x14b: {  	s2 =	rddreg [dreg:$0x7]  }
0x14c: {  	s5 =	sld [smem:$0x7EE]  }
0x14d: {  	s29 =	rddreg [dreg:$0x8]  }
0x14e: {  	s6 =	rddreg [dreg:$0x1a]  }
0x14f: {  	s8 =	rddreg [dreg:$0x14]  }
0x150: {  	s0 =	smov.u32 s30;
	[sflag:s28] =	ssyncset.done $0x0;
	s10 =	rddreg [dreg:$0x6]  }
0x151: {  	s12 =	sld [smem:$0x7EF];
	[sflag:s28] =	ssyncadd.s32 $0xFFFFFFD8;
	s29 =	sadd.s32 s0, s29  }
0x152: {  	[tilespmem:s3], [sflag:$0x1] =	stream.linear.gather [hbm4b:s29+s3], $0x28, $0x38;
	[tilespmem:$0xCBE8] =	vst v63  }
0x153: {  	s2 =	sadd.s32 s0, s2;
	s29 =	rddreg [dreg:$0x1f]  }
0x154: {  	[tilespmem:s14], [sflag:$0x1] =	stream.linear.gather [hbm4b:s2+s3], $0x28, $0x38;
	[tilespmem:$0xCBE8] =	vst v63  }
0x155: {  	s10 =	sadd.s32 s0, s10;
	s2 =	sadd.s32 s0, s5;
	s5 =	rddreg [dreg:$0x1e]  }
0x156: {  	[tilespmem:s12], [sflag:$0x1] =	stream.linear.gather [hbm4b:s10+s3], $0x28, $0x38;
	[tilespmem:$0xCBE8] =	vst v63  }
0x157: {  	s10 =	sadd.s32 s0, s29;
	s12 =	sld [smem:$0x7F0]  }
0x158: {  	[tilespmem:s7], [sflag:$0x1] =	stream.linear.gather [hbm4b:s2+s3], $0x28, $0x38;
	[tilespmem:$0xCBE8] =	vst v63  }
0x159: {  	s29 =	simm.s32 $0xF0;
	s2 =	sadd.s32 s0, s5;
	s5 =	rddreg [dreg:$0x19]  }
0x15a: {  	[tilespmem:s29], [sflag:$0x1] =	stream.linear.gather [hbm4b:s10+s3], $0x28, $0x38;
	[tilespmem:$0xCBE8] =	vst v63  }
0x15b: {  	s10 =	rddreg [dreg:$0x18]  }
0x15c: {  	[tilespmem:s12], [sflag:$0x1] =	stream.linear.gather [hbm4b:s2+s3], $0x28, $0x38;
	[tilespmem:$0xCBE8] =	vst v63  }
0x15d: {  	s6 =	sadd.s32 s0, s6;
	s2 =	sadd.s32 s0, s5;
	s5 =	sld [smem:$0x7F1]  }
0x15e: {  	[tilespmem:s9], [sflag:$0x1] =	stream.linear.gather [hbm4b:s6+s3], $0x28, $0x38;
	[tilespmem:$0xCBE8] =	vst v63  }
0x15f: {  	s12 =	simm.s32 $0x118;
	s6 =	sadd.s32 s0, s10;
	s10 =	rddreg [dreg:$0x13]  }
0x160: {  	[tilespmem:s12], [sflag:$0x1] =	stream.linear.gather [hbm4b:s2+s3], $0x28, $0x38;
	[tilespmem:$0xCBE8] =	vst v63  }
0x161: {  	s2 =	sadd.s32 s0, s8;
	s8 =	rddreg [dreg:$0x12]  }
0x162: {  	[tilespmem:s5], [sflag:$0x1] =	stream.linear.gather [hbm4b:s6+s3], $0x28, $0x38;
	[tilespmem:$0xCBE8] =	vst v63  }
0x163: {  	s5 =	sadd.s32 s0, s10;
	s6 =	sld [smem:$0x7F2]  }
0x164: {  	[tilespmem:s11], [sflag:$0x1] =	stream.linear.gather [hbm4b:s2+s3], $0x28, $0x38;
	[tilespmem:$0xCBE8] =	vst v63  }
0x165: {  	s10 =	simm.s32 $0x140;
	s2 =	sadd.s32 s0, s8;
	s8 =	rddreg [dreg:$0xe]  }
0x166: {  	[tilespmem:s10], [sflag:$0x1] =	stream.linear.gather [hbm4b:s5+s3], $0x28, $0x38;
	[tilespmem:$0xCBE8] =	vst v63  }
0x167: {  	s5 =	rddreg [dreg:$0xd]  }
0x168: {  	[tilespmem:s6], [sflag:$0x1] =	stream.linear.gather [hbm4b:s2+s3], $0x28, $0x38;
	[tilespmem:$0xCBE8] =	vst v63  }
0x169: {  	s2 =	sadd.s32 s0, s8;
	s6 =	rddreg [dreg:$0xc]  }
0x16a: {  	[tilespmem:s13], [sflag:$0x1] =	stream.linear.gather [hbm4b:s2+s3], $0x28, $0x38;
	[tilespmem:$0xCBE8] =	vst v63  }
0x16b: {  	s8 =	simm.s32 $0x168;
	s2 =	sadd.s32 s0, s5;
	s5 =	sld [smem:$0x7F3]  }
0x16c: {  	[tilespmem:s8], [sflag:$0x1] =	stream.linear.gather [hbm4b:s2+s3], $0x28, $0x38;
	[tilespmem:$0xCBE8] =	vst v63  }
0x16d: {  	s6 =	sadd.s32 s0, s6  }
0x16e: {  	[tilespmem:s5], [sflag:$0x1] =	stream.linear.gather [hbm4b:s6+s3], $0x28, $0x38;
	[tilespmem:$0xCBE8] =	vst v63  }
0x16f: {  	_ =	swait.ge [sflag:s15], $0x28  }
0x170: {  	[sflag:s15] =	ssyncset.done $0x0  }
0x171: {  	[sflag:s15] =	ssyncadd.s32 $0xFFFFFFD8  }
0x172: {  	_ =	swait.ge [sflag:s15], $0x28  }
0x173: {  	[sflag:s15] =	ssyncset.done $0x0  }
0x174: {  	[sflag:s15] =	ssyncadd.s32 $0xFFFFFFD8  }
0x175: {  	_ =	swait.ge [sflag:s15], $0x28  }
0x176: {  	[sflag:s15] =	ssyncset.done $0x0  }
0x177: {  	[sflag:s15] =	ssyncadd.s32 $0xFFFFFFD8  }
0x178: {  	[tilespmem:s16], [sflag:$0x2] =	stream.indirect.gather [hbm4b:s4+s7], $0x80, s3, s7, $0xb8;
	[tilespmem:$0xCBE8] =	vst v63  }
0x179: {  	s5 =	sld [smem:$0x7F4]  }
0x17a: {  	[tilespmem:s17], [sflag:$0x2] =	stream.indirect.gather [hbm4b:s4+s7], $0x80, s14, s7, $0xb8;
	[tilespmem:$0xCBE8] =	vst v63  }
0x17b: {  	_ = 	snop  }
0x17c: {  	[tilespmem:s5], [sflag:$0x2] =	stream.indirect.gather [hbm4b:s1+s7], $0x1, s3, s7, $0xb8;
	[tilespmem:$0xCBE8] =	vst v63  }
0x17d: {  	_ =	swait.ge [sflag:s15], $0x28  }
0x17e: {  	[sflag:s15] =	ssyncset.done $0x0  }
0x17f: {  	[sflag:s15] =	ssyncadd.s32 $0xFFFFFFD8  }
0x180: {  	_ =	swait.ge [sflag:s15], $0x28  }
0x181: {  	[sflag:s15] =	ssyncset.done $0x0  }
0x182: {  	[sflag:s15] =	ssyncadd.s32 $0xFFFFFFD8  }
0x183: {  	_ =	swait.ge [sflag:s15], $0x28  }
0x184: {  	[sflag:s15] =	ssyncset.done $0x0  }
0x185: {  	[sflag:s15] =	ssyncadd.s32 $0xFFFFFFD8  }
0x186: {  	[tilespmem:s18], [sflag:$0x2] =	stream.indirect.gather [hbm4b:s4+s7], $0x80, s7, s7, $0xb8;
	[tilespmem:$0xCBE8] =	vst v63  }
0x187: {  	s6 =	sld [smem:$0x7F5]  }
0x188: {  	[tilespmem:s19], [sflag:$0x2] =	stream.indirect.gather [hbm4b:s4+s7], $0x80, s29, s7, $0xb8;
	[tilespmem:$0xCBE8] =	vst v63  }
0x189: {  	_ = 	snop  }
0x18a: {  	[tilespmem:s6], [sflag:$0x2] =	stream.indirect.gather [hbm4b:s1+s7], $0x1, s7, s7, $0xb8;
	[tilespmem:$0xCBE8] =	vst v63  }
0x18b: {  	_ =	swait.ge [sflag:s15], $0x28  }
0x18c: {  	[sflag:s15] =	ssyncset.done $0x0  }
0x18d: {  	[sflag:s15] =	ssyncadd.s32 $0xFFFFFFD8  }
0x18e: {  	_ =	swait.ge [sflag:s15], $0x28  }
0x18f: {  	[sflag:s15] =	ssyncset.done $0x0  }
0x190: {  	[sflag:s15] =	ssyncadd.s32 $0xFFFFFFD8  }
0x191: {  	_ =	swait.ge [sflag:s15], $0x28  }
0x192: {  	[sflag:s15] =	ssyncset.done $0x0  }
0x193: {  	[sflag:s15] =	ssyncadd.s32 $0xFFFFFFD8  }
0x194: {  	[tilespmem:s20], [sflag:$0x2] =	stream.indirect.gather [hbm4b:s4+s7], $0x80, s9, s7, $0xb8;
	[tilespmem:$0xCBE8] =	vst v63  }
0x195: {  	s5 =	sld [smem:$0x7F6]  }
0x196: {  	[tilespmem:s21], [sflag:$0x2] =	stream.indirect.gather [hbm4b:s4+s7], $0x80, s12, s7, $0xb8;
	[tilespmem:$0xCBE8] =	vst v63  }
0x197: {  	_ = 	snop  }
0x198: {  	[tilespmem:s5], [sflag:$0x2] =	stream.indirect.gather [hbm4b:s1+s7], $0x1, s9, s7, $0xb8;
	[tilespmem:$0xCBE8] =	vst v63  }
0x199: {  	_ =	swait.ge [sflag:s15], $0x28  }
0x19a: {  	[sflag:s15] =	ssyncset.done $0x0  }
0x19b: {  	[sflag:s15] =	ssyncadd.s32 $0xFFFFFFD8  }
0x19c: {  	_ =	swait.ge [sflag:s15], $0x28  }
0x19d: {  	[sflag:s15] =	ssyncset.done $0x0  }
0x19e: {  	[sflag:s15] =	ssyncadd.s32 $0xFFFFFFD8  }
0x19f: {  	_ =	swait.ge [sflag:s15], $0x28  }
0x1a0: {  	[sflag:s15] =	ssyncset.done $0x0  }
0x1a1: {  	[sflag:s15] =	ssyncadd.s32 $0xFFFFFFD8  }
0x1a2: {  	[tilespmem:s22], [sflag:$0x2] =	stream.indirect.gather [hbm4b:s4+s7], $0x80, s11, s7, $0xb8;
	[tilespmem:$0xCBE8] =	vst v63  }
0x1a3: {  	s6 =	sld [smem:$0x7F7]  }
0x1a4: {  	[tilespmem:s23], [sflag:$0x2] =	stream.indirect.gather [hbm4b:s4+s7], $0x80, s10, s7, $0xb8;
	[tilespmem:$0xCBE8] =	vst v63  }
0x1a5: {  	_ = 	snop  }
0x1a6: {  	[tilespmem:s6], [sflag:$0x2] =	stream.indirect.gather [hbm4b:s1+s7], $0x1, s11, s7, $0xb8;
	[tilespmem:$0xCBE8] =	vst v63  }
0x1a7: {  	_ =	swait.ge [sflag:s15], $0x28  }
0x1a8: {  	[sflag:s15] =	ssyncset.done $0x0  }
0x1a9: {  	[sflag:s15] =	ssyncadd.s32 $0xFFFFFFD8  }
0x1aa: {  	_ =	swait.ge [sflag:s15], $0x28  }
0x1ab: {  	[sflag:s15] =	ssyncset.done $0x0  }
0x1ac: {  	[sflag:s15] =	ssyncadd.s32 $0xFFFFFFD8  }
0x1ad: {  	_ =	swait.ge [sflag:s15], $0x28  }
0x1ae: {  	[sflag:s15] =	ssyncset.done $0x0  }
0x1af: {  	[sflag:s15] =	ssyncadd.s32 $0xFFFFFFD8  }
0x1b0: {  	[tilespmem:s24], [sflag:$0x2] =	stream.indirect.gather [hbm4b:s4+s7], $0x80, s13, s7, $0xb8;
	[tilespmem:$0xCBE8] =	vst v63  }
0x1b1: {  	s5 =	sld [smem:$0x7F8]  }
0x1b2: {  	[tilespmem:s25], [sflag:$0x2] =	stream.indirect.gather [hbm4b:s4+s7], $0x80, s8, s7, $0xb8;
	[tilespmem:$0xCBE8] =	vst v63  }
0x1b3: {  	_ = 	snop  }
0x1b4: {  	[tilespmem:s5], [sflag:$0x2] =	stream.indirect.gather [hbm4b:s1+s7], $0x1, s13, s7, $0xb8;
	[tilespmem:$0xCBE8] =	vst v63  }
0x1b5: {  	_ =	swait.ge [sflag:s26], $0x1400  }
0x1b6: {  	[sflag:s26] =	ssyncset.done $0x0  }
0x1b7: {  	[sflag:s26] =	ssyncadd.s32 $0xFFFFEC00  }
0x1b8: {  	_ =	swait.ge [sflag:s26], $0x1400  }
0x1b9: {  	[sflag:s26] =	ssyncset.done $0x0  }
0x1ba: {  	[sflag:s26] =	ssyncadd.s32 $0xFFFFEC00  }
0x1bb: {  	_ =	swait.ge [sflag:s26], $0x28  }
0x1bc: {  	[sflag:s26] =	ssyncset.done $0x0  }
0x1bd: {  	[sflag:s26] =	ssyncadd.s32 $0xFFFFFFD8  }
0x1be: {  	v0 =	vld [tilespmem:$0x190]  }
0x1bf: {  	v1 =	vld [tilespmem:$0x258]  }
0x1c0: {  	v2 =	vld [tilespmem:$0x1A0]  }
0x1c1: {  	v3 =	vld [tilespmem:$0x268]  }
0x1c2: {  	v4 =	vld [tilespmem:$0x1A8]  }
0x1c3: {  	v5 =	vld [tilespmem:$0x270];
	_ =	sdelay $0x2  }
0x1c4: {  	v0 =	vsub.f32 v0, v1  }
0x1c5: {  	v34 =	vsub.f32 v2, v3  }
0x1c6: {  	s6 =	rddreg [dreg:$0x4];
	v35 =	vsub.f32 v4, v5;
	[tilespmem:$0x320] =	vst v0  }
0x1c7: {  	s31 =	sadd.s32 $0xC80, s31;
	s5 =	rddreg [dreg:$0x3];
	[tilespmem:$0x330] =	vst v34  }
0x1c8: {  	s2 =	sadd.s32 s31, s6;
	s6 =	rddreg [dreg:$0x5];
	[tilespmem:$0x338] =	vst v35  }
0x1c9: {  	[hbm4b:s2+s3] =	stream.linear.scatter [tilespmem:s16], [sflag:$0x3], $0x1400, $0x38;
	[tilespmem:$0xCBE8] =	vst v63  }
0x1ca: {  	s2 =	sadd.s32 s31, s5;
	s5 =	sld [smem:$0x7F9]  }
0x1cb: {  	[hbm4b:s2+s3] =	stream.linear.scatter [tilespmem:s17], [sflag:$0x3], $0x1400, $0x38;
	[tilespmem:$0xCBE8] =	vst v63  }
0x1cc: {  	s6 =	sadd.s32 s0, s6  }
0x1cd: {  	[hbm4b:s6+s3] =	stream.linear.scatter [tilespmem:s5], [sflag:$0x3], $0x28, $0x38;
	[tilespmem:$0xCBE8] =	vst v63  }
0x1ce: {  	_ =	swait.ge [sflag:s26], $0x1400  }
0x1cf: {  	[sflag:s26] =	ssyncset.done $0x0  }
0x1d0: {  	[sflag:s26] =	ssyncadd.s32 $0xFFFFEC00  }
0x1d1: {  	_ =	swait.ge [sflag:s26], $0x1400  }
0x1d2: {  	[sflag:s26] =	ssyncset.done $0x0  }
0x1d3: {  	[sflag:s26] =	ssyncadd.s32 $0xFFFFEC00  }
0x1d4: {  	_ =	swait.ge [sflag:s26], $0x28  }
0x1d5: {  	[sflag:s26] =	ssyncset.done $0x0  }
0x1d6: {  	[sflag:s26] =	ssyncadd.s32 $0xFFFFFFD8  }
0x1d7: {  	v36 =	vld [tilespmem:$0x298]  }
0x1d8: {  	v37 =	vld [tilespmem:$0x290]  }
0x1d9: {  	v39 =	vld [tilespmem:$0x1B8]  }
0x1da: {  	v40 =	vld [tilespmem:$0x1C8]  }
0x1db: {  	v41 =	vld [tilespmem:$0x280]  }
0x1dc: {  	v38 =	vld [tilespmem:$0x1D0];
	_ =	sdelay $0x2  }
0x1dd: {  	v1 =	vsub.f32 v40, v37  }
0x1de: {  	v42 =	vsub.f32 v39, v41  }
0x1df: {  	s5 =	rddreg [dreg:$0x1b];
	v0 =	vsub.f32 v38, v36;
	[tilespmem:$0x358] =	vst v1  }
0x1e0: {  	s6 =	rddreg [dreg:$0x1c];
	[tilespmem:$0x348] =	vst v42  }
0x1e1: {  	s2 =	sadd.s32 s31, s5;
	s5 =	rddreg [dreg:$0x1d];
	[tilespmem:$0x360] =	vst v0  }
0x1e2: {  	[hbm4b:s2+s3] =	stream.linear.scatter [tilespmem:s18], [sflag:$0x3], $0x1400, $0x38;
	[tilespmem:$0xCBE8] =	vst v63  }
0x1e3: {  	s6 =	sadd.s32 s31, s6;
	s2 =	sld [smem:$0x7FA]  }
0x1e4: {  	[hbm4b:s6+s3] =	stream.linear.scatter [tilespmem:s19], [sflag:$0x3], $0x1400, $0x38;
	[tilespmem:$0xCBE8] =	vst v63  }
0x1e5: {  	s5 =	sadd.s32 s0, s5  }
0x1e6: {  	[hbm4b:s5+s3] =	stream.linear.scatter [tilespmem:s2], [sflag:$0x3], $0x28, $0x38;
	[tilespmem:$0xCBE8] =	vst v63  }
0x1e7: {  	_ =	swait.ge [sflag:s26], $0x1400  }
0x1e8: {  	[sflag:s26] =	ssyncset.done $0x0  }
0x1e9: {  	[sflag:s26] =	ssyncadd.s32 $0xFFFFEC00  }
0x1ea: {  	_ =	swait.ge [sflag:s26], $0x1400  }
0x1eb: {  	[sflag:s26] =	ssyncset.done $0x0  }
0x1ec: {  	[sflag:s26] =	ssyncadd.s32 $0xFFFFEC00  }
0x1ed: {  	_ =	swait.ge [sflag:s26], $0x28  }
0x1ee: {  	[sflag:s26] =	ssyncset.done $0x0  }
0x1ef: {  	[sflag:s26] =	ssyncadd.s32 $0xFFFFFFD8  }
0x1f0: {  	v43 =	vld [tilespmem:$0x2C0]  }
0x1f1: {  	v44 =	vld [tilespmem:$0x2B8]  }
0x1f2: {  	v46 =	vld [tilespmem:$0x1F0]  }
0x1f3: {  	v47 =	vld [tilespmem:$0x2A8]  }
0x1f4: {  	v48 =	vld [tilespmem:$0x1E0]  }
0x1f5: {  	v45 =	vld [tilespmem:$0x1F8];
	_ =	sdelay $0x2  }
0x1f6: {  	v1 =	vsub.f32 v46, v44  }
0x1f7: {  	v49 =	vsub.f32 v48, v47  }
0x1f8: {  	s6 =	rddreg [dreg:$0x15];
	v0 =	vsub.f32 v45, v43;
	[tilespmem:$0x380] =	vst v1  }
0x1f9: {  	s5 =	rddreg [dreg:$0x16];
	[tilespmem:$0x370] =	vst v49  }
0x1fa: {  	s2 =	sadd.s32 s31, s6;
	s6 =	rddreg [dreg:$0x17];
	[tilespmem:$0x388] =	vst v0  }
0x1fb: {  	[hbm4b:s2+s3] =	stream.linear.scatter [tilespmem:s20], [sflag:$0x3], $0x1400, $0x38;
	[tilespmem:$0xCBE8] =	vst v63  }
0x1fc: {  	s2 =	sadd.s32 s31, s5;
	s5 =	sld [smem:$0x7FB]  }
0x1fd: {  	[hbm4b:s2+s3] =	stream.linear.scatter [tilespmem:s21], [sflag:$0x3], $0x1400, $0x38;
	[tilespmem:$0xCBE8] =	vst v63  }
0x1fe: {  	s6 =	sadd.s32 s0, s6  }
0x1ff: {  	[hbm4b:s6+s3] =	stream.linear.scatter [tilespmem:s5], [sflag:$0x3], $0x28, $0x38;
	[tilespmem:$0xCBE8] =	vst v63  }
0x200: {  	_ =	swait.ge [sflag:s26], $0x1400  }
0x201: {  	[sflag:s26] =	ssyncset.done $0x0  }
0x202: {  	[sflag:s26] =	ssyncadd.s32 $0xFFFFEC00  }
0x203: {  	_ =	swait.ge [sflag:s26], $0x1400  }
0x204: {  	[sflag:s26] =	ssyncset.done $0x0  }
0x205: {  	[sflag:s26] =	ssyncadd.s32 $0xFFFFEC00  }
0x206: {  	_ =	swait.ge [sflag:s26], $0x28  }
0x207: {  	[sflag:s26] =	ssyncset.done $0x0  }
0x208: {  	[sflag:s26] =	ssyncadd.s32 $0xFFFFFFD8  }
0x209: {  	v50 =	vld [tilespmem:$0x2E8]  }
0x20a: {  	v51 =	vld [tilespmem:$0x2E0]  }
0x20b: {  	v52 =	vld [tilespmem:$0x208]  }
0x20c: {  	v53 =	vld [tilespmem:$0x218]  }
0x20d: {  	v55 =	vld [tilespmem:$0x2D0]  }
0x20e: {  	v54 =	vld [tilespmem:$0x220];
	_ =	sdelay $0x2  }
0x20f: {  	v1 =	vsub.f32 v53, v51  }
0x210: {  	v2 =	vsub.f32 v52, v55  }
0x211: {  	s6 =	rddreg [dreg:$0xf];
	v0 =	vsub.f32 v54, v50;
	[tilespmem:$0x3A8] =	vst v1  }
0x212: {  	s5 =	rddreg [dreg:$0x10];
	[tilespmem:$0x398] =	vst v2  }
0x213: {  	s2 =	sadd.s32 s31, s6;
	s6 =	rddreg [dreg:$0x11];
	[tilespmem:$0x3B0] =	vst v0  }
0x214: {  	[hbm4b:s2+s3] =	stream.linear.scatter [tilespmem:s22], [sflag:$0x3], $0x1400, $0x38;
	[tilespmem:$0xCBE8] =	vst v63  }
0x215: {  	s2 =	sadd.s32 s31, s5;
	s5 =	sld [smem:$0x7FC]  }
0x216: {  	[hbm4b:s2+s3] =	stream.linear.scatter [tilespmem:s23], [sflag:$0x3], $0x1400, $0x38;
	[tilespmem:$0xCBE8] =	vst v63  }
0x217: {  	s6 =	sadd.s32 s0, s6  }
0x218: {  	[hbm4b:s6+s3] =	stream.linear.scatter [tilespmem:s5], [sflag:$0x3], $0x28, $0x38;
	[tilespmem:$0xCBE8] =	vst v63  }
0x219: {  	_ =	swait.ge [sflag:s26], $0x1400  }
0x21a: {  	[sflag:s26] =	ssyncset.done $0x0  }
0x21b: {  	[sflag:s26] =	ssyncadd.s32 $0xFFFFEC00  }
0x21c: {  	_ =	swait.ge [sflag:s26], $0x1400  }
0x21d: {  	[sflag:s26] =	ssyncset.done $0x0  }
0x21e: {  	[sflag:s26] =	ssyncadd.s32 $0xFFFFEC00  }
0x21f: {  	_ =	swait.ge [sflag:s26], $0x28  }
0x220: {  	[sflag:s26] =	ssyncset.done $0x0  }
0x221: {  	[sflag:s26] =	ssyncadd.s32 $0xFFFFFFD8  }
0x222: {  	v56 =	vld [tilespmem:$0x240]  }
0x223: {  	v57 =	vld [tilespmem:$0x308]  }
0x224: {  	v58 =	vld [tilespmem:$0x248]  }
0x225: {  	v60 =	vld [tilespmem:$0x230]  }
0x226: {  	v61 =	vld [tilespmem:$0x2F8]  }
0x227: {  	v59 =	vld [tilespmem:$0x310];
	_ =	sdelay $0x2  }
0x228: {  	v0 =	vsub.f32 v56, v57  }
0x229: {  	v63 =	vsub.f32 v60, v61  }
0x22a: {  	s6 =	rddreg [dreg:$0x9];
	v62 =	vsub.f32 v58, v59;
	[tilespmem:$0x3D0] =	vst v0  }
0x22b: {  	s5 =	rddreg [dreg:$0xa];
	[tilespmem:$0x3C0] =	vst v63  }
0x22c: {  	s2 =	sadd.s32 s31, s6;
	s6 =	rddreg [dreg:$0xb];
	[tilespmem:$0x3D8] =	vst v62  }
0x22d: {  	[hbm4b:s2+s3] =	stream.linear.scatter [tilespmem:s24], [sflag:$0x3], $0x1400, $0x38;
	[tilespmem:$0xCBE8] =	vst v63  }
0x22e: {  	s2 =	sadd.s32 s31, s5;
	s5 =	sld [smem:$0x7FD]  }
0x22f: {  	[hbm4b:s2+s3] =	stream.linear.scatter [tilespmem:s25], [sflag:$0x3], $0x1400, $0x38;
	[tilespmem:$0xCBE8] =	vst v63  }
0x230: {  	s0 =	sadd.s32 s0, s6  }
0x231: {  	[hbm4b:s0+s3] =	stream.linear.scatter [tilespmem:s5], [sflag:$0x3], $0x28, $0x38;
	[tilespmem:$0xCBE8] =	vst v63  }
0x232: {  	_ =	swait.ge [sflag:s28], $0x1400  }
0x233: {  	[sflag:s28] =	ssyncset.done $0x0  }
0x234: {  	[sflag:s28] =	ssyncadd.s32 $0xFFFFEC00  }
0x235: {  	_ =	swait.ge [sflag:s28], $0x1400  }
0x236: {  	[sflag:s28] =	ssyncset.done $0x0  }
0x237: {  	[sflag:s28] =	ssyncadd.s32 $0xFFFFEC00  }
0x238: {  	_ =	swait.ge [sflag:s28], $0x28  }
0x239: {  	[sflag:s28] =	ssyncset.done $0x0  }
0x23a: {  	[sflag:s28] =	ssyncadd.s32 $0xFFFFFFD8  }
0x23b: {  	_ =	swait.ge [sflag:s28], $0x1400  }
0x23c: {  	[sflag:s28] =	ssyncset.done $0x0  }
0x23d: {  	[sflag:s28] =	ssyncadd.s32 $0xFFFFEC00  }
0x23e: {  	_ =	swait.ge [sflag:s28], $0x1400  }
0x23f: {  	p0 =	sne.s32 s30, $0x258;
	[sflag:s28] =	ssyncset.done $0x0  }
.Ltmp0:
0x240: {  	[sflag:s28] =	ssyncadd.s32 $0xFFFFEC00;
	(pc) =	sbr.rel @p0 .LBB2_2-.Ltmp0, $4  }
0x241: {  	_ =	swait.ge [sflag:s28], $0x28  }
0x242: {  	[sflag:s28] =	ssyncset.done $0x0  }
0x243: {  	[sflag:s28] =	ssyncadd.s32 $0xFFFFFFD8  }
0x244: {  	s30 =	sadd.s32 $0x19, s30;
	_ =	swait.ge [sflag:s28], $0x1400  }
0x245: {  	[sflag:s28] =	ssyncset.done $0x0  }
0x246: {  	[sflag:s28] =	ssyncadd.s32 $0xFFFFEC00  }
0x247: {  	_ =	swait.ge [sflag:s28], $0x1400  }
0x248: {  	[sflag:s28] =	ssyncset.done $0x0  }
0x249: {  	[sflag:s28] =	ssyncadd.s32 $0xFFFFEC00  }
0x24a: {  	_ =	swait.ge [sflag:s28], $0x28  }
0x24b: {  	[sflag:s28] =	ssyncset.done $0x0  }
0x24c: {  	[sflag:s28] =	ssyncadd.s32 $0xFFFFFFD8  }
0x24d: {  	_ =	swait.ge [sflag:s28], $0x1400  }
0x24e: {  	[sflag:s28] =	ssyncset.done $0x0  }
0x24f: {  	[sflag:s28] =	ssyncadd.s32 $0xFFFFEC00  }
0x250: {  	_ =	swait.ge [sflag:s28], $0x1400  }
0x251: {  	[sflag:s28] =	ssyncset.done $0x0  }
0x252: {  	[sflag:s28] =	ssyncadd.s32 $0xFFFFEC00  }
0x253: {  	_ =	swait.ge [sflag:s28], $0x28  }
0x254: {  	[sflag:s28] =	ssyncset.done $0x0  }
0x255: {  	[sflag:s28] =	ssyncadd.s32 $0xFFFFFFD8  }
0x256: {  	_ =	swait.ge [sflag:s28], $0x1400  }
0x257: {  	[sflag:s28] =	ssyncset.done $0x0  }
0x258: {  	[sflag:s28] =	ssyncadd.s32 $0xFFFFEC00  }
0x259: {  	_ =	swait.ge [sflag:s28], $0x1400  }
0x25a: {  	[sflag:s28] =	ssyncset.done $0x0  }
0x25b: {  	[sflag:s28] =	ssyncadd.s32 $0xFFFFEC00  }
0x25c: {  	_ =	swait.ge [sflag:s28], $0x28  }
0x25d: {  	s5 =	sld [smem:$0x7EC]  }
0x25e: {  	s0 =	sld [smem:$0x7ED];
	_ =	sdelay $0x1  }
0x25f: {  	s5 =	sadd.s32 $0x1, s5  }
0x260: {  	p0 =	sne.s32 s5, s0  }
.Ltmp1:
0x261: {  	_ = 	snop;
	(pc) =	sbr.rel @p0 .LBB2_1-.Ltmp1, $3  }
0x262: {  	_ =	sdelay $0x1  }
0x263: {  	[sflag:s28] =	ssyncset.done $0x0  }
0x264: {  	s2 =	simm.s32 $0xC8;
	[sflag:s28] =	ssyncadd.s32 $0xFFFFFFD8  }
0x265: {  	_ =	sfence.sel $0x180000  }
0x266: {  	[bflag:$0x0] =	sbarrier.arrive $0xFFFF  }
0x267: {  	_ =	strace $0x90000047  }
0x268: {  	s0 =	stileid.u32;
	[bflag:$0x2] =	sbarrier.arrive $0xFFFF  }
0x269: {  	p0 =	sne.s32 s0, $0x0;
	s0 =	rddreg [dreg:$0x2]  }
0x26a: {  	s0 =	sadd.s32 @!p0 $0x100000, s0  }
0x26b: {  	[sflag:s0] =	ssyncadd.tile.s32 @!p0 $0x1;
	_ =	shalt  }
.Lfunc_end2:
_tile_overlayer_lowered:
.L_overlay_start_2:
0x26c: {  	(tag) =	ssettag $0x2  }
0x26d: {  	s0 =	rddreg [dreg:$0x0];
	s2 =	stileid.u32  }
0x26e: {  	s1 =	rddreg [dreg:$0x1];
	p0 =	sne.s32 s2, $0x0  }
0x26f: {  	s3 =	rddreg [dreg:$0x2];
	[bflag:$0x3] =	sbarrier.arrive $0xFFFF;
	s2 =	simm.s32 @!p0 $0x1C04  }
0x270: {  	[timem:s3], [sflag:s2] =	dma.local @!p0 [hbm:s0], s1  }
0x271: {  	s0 =	simm.s32 @!p0 $0x4  }
0x272: {  	_ =	swait.ge @!p0 [sflag:s0], s1  }
0x273: {  	s1 =	ssub.s32 @!p0 $0x0, s1;
	[sflag:s0] =	ssyncset.done @!p0 $0x0  }
0x274: {  	[sflag:s0] =	ssyncadd.s32 @!p0 s1  }
0x275: {  	[bflag:$0x3] =	sbarrier.arrive $0xFFFF  }
0x276: {  	_ =	shalt  }

// kernel: kernel.15.cloned.1.call-start
scs
__scs_entry_jumppad:
0x0: {  	(pc) =	sbr.rel $0x88, $3  }
0x1: {  	(tag) =	ssettag $0x0;
	lr =	simm.s32 $0x1  }
0x2: {  	[smem:$0x3F94] =	sst lr;
	_ =	strace $0xD0000000  }
0x3: {  	_ = 	snop  }
0x4: {  	_ = 	snop  }
0x5: {  	_ = 	snop  }
0x6: {  	_ = 	snop  }
0x7: {  	_ = 	snop  }
__scs_overlays_trampoline_lowered:
0x8: {  	[smem:$0x3FA3] =	sst s0  }
0x9: {  	[smem:$0x3FA4] =	sst s1  }
0xa: {  	[smem:$0x3FA5] =	sst s2  }
0xb: {  	[smem:$0x3FA6] =	sst s3  }
0xc: {  	[smem:$0x3FA7] =	sst s4  }
0xd: {  	[smem:$0x3FA8] =	sst s5  }
0xe: {  	[smem:$0x3FA9] =	sst s6  }
0xf: {  	[smem:$0x3FAA] =	sst s7  }
0x10: {  	[smem:$0x3FAB] =	sst s8  }
0x11: {  	[smem:$0x3FAC] =	sst s9;
	s0 =	simm.s32 @!p0 $0x0  }
0x12: {  	s1 =	sld [smem:$0x3F92];
	s0 =	simm.s32 @p0 $0x1  }
0x13: {  	[smem:$0x3FAD] =	sst s0;
	s0 =	simm.s32 @!p1 $0x0  }
0x14: {  	s2 =	sld [smem:$0x3F91];
	s0 =	simm.s32 @p1 $0x1  }
0x15: {  	[smem:$0x3FAE] =	sst s0;
	s0 =	simm.s32 @!p2 $0x0  }
0x16: {  	s3 =	sld [smem:$0x3FDB];
	s0 =	simm.s32 @p2 $0x1  }
0x17: {  	s4 =	simm.s32 $0x1BF5;
	[smem:$0x3FB0] =	sst s0  }
0x18: {  	s0 =	sld [smem:$0x3F93];
	_ =	swait.ge [sflag:s4], $0x0  }
0x19: {  	s7 =	sld [smem:$0x3F94]  }
0x1a: {  	s8 =	sadd.s32 $0xFFFFE003, lr  }
0x1b: {  	s9 =	sadd.s32 $0xFFFFFEF7, lr;
	s5 =	simm.s32 $0xFFFFFFFF;
	p2 =	slt.u32 s8, $0xFFFFF086  }
0x1c: {  	p1 =	slt.u32 s9, $0xF7A;
	s5 =	simm.s32 @!p2 $0x0  }
0x1d: {  	s5 =	simm.s32 @p1 $0x1;
	p0 =	seq.s32 s7, s2  }
0x1e: {  	s7 =	smul.u32 @!p0 $0xF7A, s2;
	p2 =	seq.s32 @!p0 s5, $0x0  }
0x1f: {  	s9 =	smul.u32 $0xF7A, s1;
	s8 =	simm.s32 @!p0 $0x1BF5;
	p2 =	por !p2, p0  }
0x20: {  	[sflag:s8] =	ssyncset.s32 @!p0 $0xFFFFF086;
	s6 =	sadd.s32 @!p0 s3, s7;
	s7 =	simm.s32 @!p0 $0x108  }
0x21: {  	s3 =	sadd.s32 s3, s9;
	s6 =	sadd.s32 @!p0 $0x88, s6;
	s7 =	simm.s32 @p2 $0x1082  }
0x22: {  	[simem:s7], [sflag:s8] =	dma.local @!p0 [hbm:s6], $0xF7A  }
0x23: {  	s9 =	sor.u32 $0xD0000000, s2;
	s6 =	simm.s32 $0x108;
	_ =	swait.ge @!p0 [sflag:s8], $0x0  }
0x24: {  	s3 =	sadd.s32 $0x88, s3;
	s6 =	simm.s32 @!p1 $0x1082;
	[sflag:s4] =	ssyncset.s32 $0xFFFFF086  }
0x25: {  	[simem:s6], [sflag:s4] =	dma.local [hbm:s3], $0xF7A  }
0x26: {  	[smem:$0x3F94] =	sst s1;
	(tag) =	ssettag s2;
	_ =	strace s9  }
0x27: {  	s1 =	sld [smem:$0x3FA4]  }
0x28: {  	s2 =	sld [smem:$0x3FA5]  }
0x29: {  	s4 =	sld [smem:$0x3FA7]  }
0x2a: {  	p0 =	seq.s32 s5, $0x0;
	s5 =	sld [smem:$0x3FA8]  }
0x2b: {  	s6 =	sld [smem:$0x3FA9]  }
0x2c: {  	s7 =	sld [smem:$0x3FAA]  }
0x2d: {  	s3 =	simm.s32 $0x108;
	s8 =	sld [smem:$0x3FAB]  }
0x2e: {  	s3 =	simm.s32 @!p0 $0x1082;
	s9 =	sld [smem:$0x3FAC]  }
0x2f: {  	lr =	sadd.s32 s0, s3;
	s0 =	sld [smem:$0x3FA3]  }
0x30: {  	s3 =	sld [smem:$0x3FA6]  }
0x31: {  	[smem:$0x3FAF] =	sst s10  }
0x32: {  	s10 =	sld [smem:$0x3FAD];
	_ =	sdelay $0x3  }
0x33: {  	p0 =	seq.s32 s10, $0x1;
	s10 =	sld [smem:$0x3FAF];
	_ =	sdelay $0x3  }
0x34: {  	[smem:$0x3FAF] =	sst s10  }
0x35: {  	s10 =	sld [smem:$0x3FAE];
	_ =	sdelay $0x3  }
0x36: {  	p1 =	seq.s32 s10, $0x1;
	s10 =	sld [smem:$0x3FAF];
	_ =	sdelay $0x3  }
0x37: {  	[smem:$0x3FAF] =	sst s10  }
0x38: {  	s10 =	sld [smem:$0x3FB0]  }
0x39: {  	_ = 	snop;
	(pc) =	sbr.ind lr, $3  }
0x3a: {  	_ = 	snop  }
0x3b: {  	_ = 	snop  }
0x3c: {  	p2 =	seq.s32 s10, $0x1;
	s10 =	sld [smem:$0x3FAF]  }
0x3d: {  	_ =	shalt  }
0x3e: {  	_ =	shalt  }
0x3f: {  	_ =	shalt  }
0x40: {  	_ =	shalt  }
0x41: {  	_ =	shalt  }
0x42: {  	_ =	shalt  }
0x43: {  	_ =	shalt  }
0x44: {  	_ =	shalt  }
0x45: {  	_ =	shalt  }
0x46: {  	_ =	shalt  }
0x47: {  	_ =	shalt  }
0x48: {  	_ =	shalt  }
0x49: {  	_ =	shalt  }
0x4a: {  	_ =	shalt  }
0x4b: {  	_ =	shalt  }
0x4c: {  	_ =	shalt  }
0x4d: {  	_ =	shalt  }
0x4e: {  	_ =	shalt  }
0x4f: {  	_ =	shalt  }
0x50: {  	_ =	shalt  }
0x51: {  	_ =	shalt  }
0x52: {  	_ =	shalt  }
0x53: {  	_ =	shalt  }
0x54: {  	_ =	shalt  }
0x55: {  	_ =	shalt  }
0x56: {  	_ =	shalt  }
0x57: {  	_ =	shalt  }
0x58: {  	_ =	shalt  }
0x59: {  	_ =	shalt  }
0x5a: {  	_ =	shalt  }
0x5b: {  	_ =	shalt  }
0x5c: {  	_ =	shalt  }
0x5d: {  	_ =	shalt  }
0x5e: {  	_ =	shalt  }
0x5f: {  	_ =	shalt  }
0x60: {  	_ =	shalt  }
0x61: {  	_ =	shalt  }
0x62: {  	_ =	shalt  }
0x63: {  	_ =	shalt  }
0x64: {  	_ =	shalt  }
0x65: {  	_ =	shalt  }
0x66: {  	_ =	shalt  }
0x67: {  	_ =	shalt  }
0x68: {  	_ =	shalt  }
0x69: {  	_ =	shalt  }
0x6a: {  	_ =	shalt  }
0x6b: {  	_ =	shalt  }
0x6c: {  	_ =	shalt  }
0x6d: {  	_ =	shalt  }
0x6e: {  	_ =	shalt  }
0x6f: {  	_ =	shalt  }
0x70: {  	_ =	shalt  }
0x71: {  	_ =	shalt  }
0x72: {  	_ =	shalt  }
0x73: {  	_ =	shalt  }
0x74: {  	_ =	shalt  }
0x75: {  	_ =	shalt  }
0x76: {  	_ =	shalt  }
0x77: {  	_ =	shalt  }
0x78: {  	_ =	shalt  }
0x79: {  	_ =	shalt  }
0x7a: {  	_ =	shalt  }
0x7b: {  	_ =	shalt  }
0x7c: {  	_ =	shalt  }
0x7d: {  	_ =	shalt  }
0x7e: {  	_ =	shalt  }
0x7f: {  	_ =	shalt  }
0x80: {  	_ =	shalt  }
0x81: {  	_ =	shalt  }
0x82: {  	_ =	shalt  }
0x83: {  	_ =	shalt  }
0x84: {  	_ =	shalt  }
0x85: {  	_ =	shalt  }
0x86: {  	_ =	shalt  }
0x87: {  	_ =	shalt  }
.Lfunc_end0:
.L_simem_size_0:
called_computation.1_lowered:
.L_overlay_start_0:
0x88: {  	s2 =	sld [smem:$0x3FD9]  }
0x89: {  	s3 =	sld [smem:$0x3FFE];
	_ =	sdelay $0x1  }
0x8a: {  	s1 =	srdreg.scid  }
0x8b: {  	s0 =	sand.u32 $0x1, s1  }
0x8c: {  	s17 =	sshll.u32 s0, $0xA;
	s2 =	sadd.s32 s3, s2  }
0x8d: {  	s2 =	sadd.s32 s2, s17  }
0x8e: {  	[smem:$0x3FBB] =	sst s2  }
0x8f: {  	_ = 	snop  }
0x90: {  	s2 =	sld [smem:$0x3FC8]  }
0x91: {  	s18 =	sld [smem:$0x3FD0];
	(tm) =	ssettm $0x1  }
0x92: {  	s4 =	sld [smem:$0x3FFB];
	_ =	sdelay $0x3  }
0x93: {  	_ =	strace s4  }
0x94: {  	s4 =	sld [smem:$0x3FFC];
	_ =	sdelay $0x3  }
0x95: {  	_ =	strace s4  }
0x96: {  	s4 =	sld [smem:$0x3FFD];
	_ =	sdelay $0x3  }
0x97: {  	_ =	strace s4  }
0x98: {  	_ =	strace $0x8FFFFFFF  }
0x99: {  	s19 =	sld [smem:$0x3FDB];
	_ =	sdelay $0x1  }
0x9a: {  	s5 =	simm.s32 $_scs_section_size  }
0x9b: {  	s6 =	simm.s32 $_size__tile_overlayer_lowered;
	s7 =	simm.s32 $_tile_overlayer_lowered  }
0x9c: {  	s22 =	simm.s32 $0x1BFF;
	s21 =	sshll.u32 s7, $0x1;
	s4 =	sadd.s32 s5, s19  }
0x9d: {  	s8 =	simm.s32 $0x0;
	s20 =	sshll.u32 s6, $0x1;
	s6 =	sadd.s32 s21, s4  }
0x9e: {  	[timem:s8], [sflag:s22] =	dma.local [hbm:s6], s20  }
0x9f: {  	_ =	swait.ge [sflag:s22], s20  }
0xa0: {  	s5 =	ssub.s32 $0x0, s20;
	[sflag:s22] =	ssyncset.done $0x0  }
0xa1: {  	[sflag:s22] =	ssyncadd.s32 s5;
	_ =	sdelay $0x1  }
0xa2: {  	s23 =	simm.s32 $0x1B8B  }
0xa3: {  	_ =	swait.ge [sflag:s23], $0x1  }
0xa4: {  	[sflag:s23] =	ssyncset.done $0x0  }
0xa5: {  	s25 =	simm.s32 $0x1B8E;
	s24 =	sld [smem:$0x3FFE];
	[sflag:s23] =	ssyncadd.s32 $0xFFFFFFFF  }
0xa6: {  	s26 =	simm.s32 $execute0_lowered;
	[smem:$0x3FD2] =	sst s25  }
0xa7: {  	s6 =	sshll.u32 s26, $0x1;
	_ =	strace $0x80000049;
	[dreg:$0x1] =	wrdreg $0xFFFFFFFF  }
0xa8: {  	s28 =	simm.s32 $_size_execute0_lowered;
	s4 =	sadd.s32 s4, s6;
	[dreg:$0x0] =	wrdreg $0x0  }
0xa9: {  	s6 =	sshll.u32 s28, $0x1;
	[dreg:$0x2] =	wrdreg s4  }
0xaa: {  	[dreg:$0x3] =	wrdreg s6  }
0xab: {  	[dreg:$0x4] =	wrdreg $0xC0  }
0xac: {  	_ =	task [dreg:s8], $0x5FFFF  }
0xad: {  	[dreg:$0x1] =	wrdreg $0xFFFFFFFF  }
0xae: {  	[dreg:$0x0] =	wrdreg $0x60  }
0xaf: {  	[dreg:$0x2] =	wrdreg s18  }
0xb0: {  	[dreg:$0x3] =	wrdreg s24  }
0xb1: {  	[dreg:$0x4] =	wrdreg s2  }
0xb2: {  	[dreg:$0x5] =	wrdreg $0x9  }
0xb3: {  	_ =	task.clear_ibuf [dreg:s8], $0x6FFFF;
	_ =	strace $0x90000049  }
0xb4: {  	s29 =	simm.s32 $0x9;
	_ =	strace $0x8000004B  }
0xb5: {  	_ =	swait.ge [sflag:s29], $0x1  }
0xb6: {  	[sflag:s29] =	ssyncadd.s32 $0xFFFFFFFF  }
0xb7: {  	_ =	strace $0x9000004B  }
0xb8: {  	_ =	sfence  }
0xb9: {  	s30 =	sld [smem:$0x0];
	_ =	sdelay $0x2  }
0xba: {  	s31 =	sshll.u32 s1, $0xD;
	s1 =	sshrl.u32 s1, $0x2  }
0xbb: {  	s3 =	sand.u32 $0x4000, s31;
	s1 =	sadd.s32 s1, s30  }
0xbc: {  	s0 =	sor.u32 s3, s0;
	s1 =	sshll.u32 s1, $0x11  }
0xbd: {  	s0 =	sor.u32 s1, s0  }
0xbe: {  	s0 =	sadd.s32 $0x8F2B, s0  }
0xbf: {  	[sflag:s0] =	ssyncadd.remote.s32 $0x1  }
0xc0: {  	_ =	sfence.sel $0xFFFF  }
0xc1: {  	[dreg:$0x0] =	wrdreg $0xFFFFFFFF;
	(pc) =	sbr.abs _section_cstart, $3  }
0xc2: {  	[dreg:$0x1] =	wrdreg $0xFFFFFFFF  }
0xc3: {  	_ =	task.clear_ibuf [dreg:s8], $0x2FFFF;
	_ =	strace $0x9FFFFFFF  }
0xc4: {  	(tm) =	ssettm $0x7FFFFFFF  }
0xc5: {  	_ =	shalt  }
tec
execute0_lowered:
.L_overlay_start_1:
0x0: {  	(tag) =	ssettag $0x1  }
0x1: {  	s0 =	rddreg [dreg:$0x0]  }
0x2: {  	s4 =	rddreg [dreg:$0x1]  }
0x3: {  	s1 =	rddreg [dreg:$0x2];
	s14 =	stileid.u32  }
0x4: {  	s2 =	srdreg.scid;
	s11 =	smul.u32 $0x13880, s14  }
0x5: {  	s3 =	simm.s32 $0x0;
	s6 =	sand.u32 $0x1, s2;
	s13 =	smul.u32 $0x1388, s14  }
0x6: {  	[smem:$0x7FF] =	sst s3;
	s9 =	smul.u32 $0x138800, s6  }
0x7: {  	s8 =	sadd.s32 $0x79C800, s4;
	s7 =	sadd.s32 $0x4600, s4;
	s12 =	smul.u32 $0x13880, s6  }
0x8: {  	s10 =	sadd.s32 $0x52B800, s4;
	_ =	strace $0x8000004A;
	s14 =	sadd.s32 s9, s8  }
0x9: {  	s9 =	sadd.s32 s9, s10;
	s12 =	sadd.s32 s13, s12;
	s14 =	sadd.s32 s11, s14  }
0xa: {  	s11 =	sadd.s32 s11, s9;
	s13 =	sshrl.u32 s12, $0x3;
	[dreg:$0x4] =	wrdreg s14  }
0xb: {  	s9 =	sadd.s32 $0x9600, s4;
	[dreg:$0x5] =	wrdreg s11;
	s15 =	sadd.s32 s13, s7  }
0xc: {  	s5 =	sadd.s32 $0x526800, s4;
	s16 =	sadd.s32 s13, s9;
	[dreg:$0x6] =	wrdreg s15  }
0xd: {  	s17 =	sadd.s32 $0xA0, s12;
	s18 =	sadd.s32 s13, s5;
	[dreg:$0x7] =	wrdreg s16  }
0xe: {  	s14 =	sshrl.u32 s17, $0x3;
	s19 =	sadd.s32 s13, s0;
	[dreg:$0x8] =	wrdreg s18  }
0xf: {  	[dreg:$0x9] =	wrdreg s19;
	s23 =	sadd.s32 s14, s7  }
0x10: {  	s24 =	sadd.s32 s14, s9;
	[dreg:$0xc] =	wrdreg s23  }
0x11: {  	s25 =	sadd.s32 $0x78, s12;
	s26 =	sadd.s32 s14, s5;
	[dreg:$0xd] =	wrdreg s24  }
0x12: {  	s13 =	sshrl.u32 s25, $0x3;
	s30 =	sadd.s32 s14, s0;
	[dreg:$0xe] =	wrdreg s26  }
0x13: {  	s16 =	sadd.s32 s13, s7;
	[dreg:$0xf] =	wrdreg s30  }
0x14: {  	s17 =	sadd.s32 s13, s9;
	[dreg:$0x12] =	wrdreg s16  }
0x15: {  	s20 =	sshll.u32 s14, $0x7;
	s19 =	sadd.s32 s13, s5;
	[dreg:$0x13] =	wrdreg s17  }
0x16: {  	s29 =	simm.s32 $0xF0;
	s21 =	sadd.s32 s20, s10;
	[dreg:$0x14] =	wrdreg s19  }
0x17: {  	s31 =	sshll.u32 s13, $0x7;
	s22 =	sadd.s32 s20, s8;
	[dreg:$0xa] =	wrdreg s21  }
0x18: {  	s28 =	simm.s32 $0x3;
	s2 =	sadd.s32 s31, s10;
	[dreg:$0xb] =	wrdreg s22  }
0x19: {  	s6 =	ssub.s32 $0x2, s6;
	s15 =	sadd.s32 s31, s8;
	[dreg:$0x10] =	wrdreg s2  }
0x1a: {  	s4 =	sadd.s32 $0x18600, s4;
	s20 =	sadd.s32 s13, s0;
	[dreg:$0x11] =	wrdreg s15  }
0x1b: {  	s18 =	sadd.s32 $0x50, s12;
	s16 =	simm.s32 $0x1E0;
	[dreg:$0x15] =	wrdreg s20  }
0x1c: {  	s12 =	sadd.s32 $0x28, s12;
	s17 =	simm.s32 $0x208;
	[smem:$0x7F1] =	sst s16  }
0x1d: {  	s14 =	sshrl.u32 s18, $0x3;
	s18 =	simm.s32 $0x230;
	[smem:$0x7F2] =	sst s17  }
0x1e: {  	s12 =	sshrl.u32 s12, $0x3;
	s19 =	simm.s32 $0x258;
	[smem:$0x7F3] =	sst s18  }
0x1f: {  	s21 =	sshll.u32 s14, $0x7;
	s24 =	sadd.s32 s14, s7;
	[smem:$0x7F4] =	sst s19  }
0x20: {  	s25 =	sadd.s32 s14, s9;
	s26 =	sadd.s32 s14, s5;
	[dreg:$0x18] =	wrdreg s24  }
0x21: {  	s30 =	sadd.s32 s14, s0;
	s31 =	sshll.u32 s12, $0x7;
	[dreg:$0x19] =	wrdreg s25  }
0x22: {  	s7 =	sadd.s32 s12, s7;
	s2 =	sshrl.u32 s6, $0x1;
	[dreg:$0x1a] =	wrdreg s26  }
0x23: {  	s11 =	sadd.s32 s12, s5;
	s0 =	sadd.s32 s12, s0;
	[dreg:$0x1b] =	wrdreg s30  }
0x24: {  	s14 =	simm.s32 $0x190;
	s15 =	simm.s32 $0x1B8;
	[dreg:$0x1e] =	wrdreg s7  }
0x25: {  	s20 =	simm.s32 $0x280;
	s16 =	simm.s32 $0x3E8;
	[smem:$0x7ED] =	sst s11  }
0x26: {  	s17 =	simm.s32 $0x67E8;
	s18 =	simm.s32 $0x17E8;
	[smem:$0x7EE] =	sst s0  }
0x27: {  	s19 =	simm.s32 $0x7BE8;
	s5 =	simm.s32 $0x0;
	[smem:$0x7EF] =	sst s14  }
0x28: {  	s22 =	sadd.s32 s21, s10;
	s23 =	sadd.s32 s21, s8;
	[smem:$0x7F0] =	sst s15  }
0x29: {  	s10 =	sadd.s32 s31, s10;
	s8 =	sadd.s32 s31, s8;
	[smem:$0x7F5] =	sst s20  }
0x2a: {  	s6 =	ssub.s32 s6, s2;
	s2 =	simm.s32 $0xC8;
	[dreg:$0x16] =	wrdreg s22  }
0x2b: {  	s7 =	simm.s32 $0x28;
	s11 =	simm.s32 $0x78;
	[dreg:$0x17] =	wrdreg s23  }
0x2c: {  	s15 =	simm.s32 $0x1;
	s21 =	simm.s32 $0x2A8;
	[dreg:$0x1c] =	wrdreg s10  }
0x2d: {  	s24 =	simm.s32 $0x320;
	s20 =	simm.s32 $0x2BE8;
	[dreg:$0x1d] =	wrdreg s8  }
0x2e: {  	s25 =	simm.s32 $0x348;
	s26 =	simm.s32 $0x370;
	[smem:$0x7F6] =	sst s21  }
0x2f: {  	s30 =	simm.s32 $0x398;
	s31 =	simm.s32 $0x3C0;
	[smem:$0x7F9] =	sst s24  }
0x30: {  	s14 =	simm.s32 $0xC8;
	s10 =	sadd.s32 s12, s9;
	[smem:$0x7FA] =	sst s25  }
0x31: {  	s13 =	smax.u32 s6, $0x1;
	s9 =	simm.s32 $0x50;
	[smem:$0x7FB] =	sst s26  }
0x32: {  	s12 =	simm.s32 $0x118;
	s8 =	simm.s32 $0x168;
	[smem:$0x7FC] =	sst s30  }
0x33: {  	s22 =	simm.s32 $0x2D0;
	s23 =	simm.s32 $0x2F8;
	[smem:$0x7FD] =	sst s31  }
0x34: {  	s21 =	simm.s32 $0x8FE8;
	s24 =	simm.s32 $0x53E8;
	[dreg:$0x1f] =	wrdreg s10  }
0x35: {  	s25 =	simm.s32 $0xB7E8;
	s26 =	simm.s32 $0x2;
	[smem:$0x7EC] =	sst s13  }
0x36: {  	s10 =	simm.s32 $0x140;
	s13 =	simm.s32 $0xA0;
	[smem:$0x7F7] =	sst s22  }
0x37: {  	[smem:$0x7F8] =	sst s23;
	s22 =	simm.s32 $0x3FE8;
	s23 =	simm.s32 $0xA3E8  }
.LBB2_1:
0x38: {  	[smem:$0x7EB] =	sst s5  }
0x39: {  	s0 =	rddreg [dreg:$0x9]  }
0x3a: {  	s30 =	rddreg [dreg:$0x8]  }
0x3b: {  	s31 =	rddreg [dreg:$0x7];
	s0 =	sadd.s32 $0x0, s0  }
0x3c: {  	[tilespmem:s3], [sflag:$0x1] =	stream.linear.gather [hbm4b:s0+s3], $0x28, $0x38;
	[tilespmem:$0xCBE8] =	vst v63  }
0x3d: {  	s6 =	sadd.s32 $0x0, s30;
	s30 =	sld [smem:$0x7EF]  }
0x3e: {  	[tilespmem:s2], [sflag:$0x1] =	stream.linear.gather [hbm4b:s6+s3], $0x28, $0x38;
	[tilespmem:$0xCBE8] =	vst v63  }
0x3f: {  	s5 =	sld [smem:$0x7EE];
	s31 =	sadd.s32 $0x0, s31  }
0x40: {  	[tilespmem:s30], [sflag:$0x1] =	stream.linear.gather [hbm4b:s31+s3], $0x28, $0x38;
	[tilespmem:$0xCBE8] =	vst v63  }
0x41: {  	s30 =	sld [smem:$0x7ED]  }
0x42: {  	s0 =	sadd.s32 $0x0, s5;
	s31 =	rddreg [dreg:$0x1f]  }
0x43: {  	[tilespmem:s7], [sflag:$0x1] =	stream.linear.gather [hbm4b:s0+s3], $0x28, $0x38;
	[tilespmem:$0xCBE8] =	vst v63  }
0x44: {  	s6 =	sadd.s32 $0x0, s30;
	s30 =	sld [smem:$0x7F0]  }
0x45: {  	[tilespmem:s29], [sflag:$0x1] =	stream.linear.gather [hbm4b:s6+s3], $0x28, $0x38;
	[tilespmem:$0xCBE8] =	vst v63  }
0x46: {  	s5 =	rddreg [dreg:$0x1b];
	s31 =	sadd.s32 $0x0, s31  }
0x47: {  	[tilespmem:s30], [sflag:$0x1] =	stream.linear.gather [hbm4b:s31+s3], $0x28, $0x38;
	[tilespmem:$0xCBE8] =	vst v63  }
0x48: {  	s30 =	rddreg [dreg:$0x1a]  }
0x49: {  	s0 =	sadd.s32 $0x0, s5;
	s31 =	rddreg [dreg:$0x19]  }
0x4a: {  	[tilespmem:s9], [sflag:$0x1] =	stream.linear.gather [hbm4b:s0+s3], $0x28, $0x38;
	[tilespmem:$0xCBE8] =	vst v63  }
0x4b: {  	s6 =	sadd.s32 $0x0, s30;
	s30 =	sld [smem:$0x7F1]  }
0x4c: {  	[tilespmem:s12], [sflag:$0x1] =	stream.linear.gather [hbm4b:s6+s3], $0x28, $0x38;
	[tilespmem:$0xCBE8] =	vst v63  }
0x4d: {  	s5 =	rddreg [dreg:$0x15];
	s31 =	sadd.s32 $0x0, s31  }
0x4e: {  	[tilespmem:s30], [sflag:$0x1] =	stream.linear.gather [hbm4b:s31+s3], $0x28, $0x38;
	[tilespmem:$0xCBE8] =	vst v63  }
0x4f: {  	s30 =	rddreg [dreg:$0x14]  }
0x50: {  	s31 =	rddreg [dreg:$0x13]  }
0x51: {  	s0 =	sadd.s32 $0x0, s5;
	s6 =	sadd.s32 $0x0, s30;
	s30 =	sld [smem:$0x7F2]  }
0x52: {  	[tilespmem:s11], [sflag:$0x1] =	stream.linear.gather [hbm4b:s0+s3], $0x28, $0x38;
	[tilespmem:$0xCBE8] =	vst v63  }
0x53: {  	s5 =	sadd.s32 $0x0, s31;
	s31 =	rddreg [dreg:$0xf]  }
0x54: {  	[tilespmem:s10], [sflag:$0x1] =	stream.linear.gather [hbm4b:s6+s3], $0x28, $0x38;
	[tilespmem:$0xCBE8] =	vst v63  }
0x55: {  	s6 =	rddreg [dreg:$0xe]  }
0x56: {  	[tilespmem:s30], [sflag:$0x1] =	stream.linear.gather [hbm4b:s5+s3], $0x28, $0x38;
	[tilespmem:$0xCBE8] =	vst v63  }
0x57: {  	s30 =	sadd.s32 $0x0, s31;
	s31 =	rddreg [dreg:$0xd]  }
0x58: {  	[tilespmem:s13], [sflag:$0x1] =	stream.linear.gather [hbm4b:s30+s3], $0x28, $0x38;
	[tilespmem:$0xCBE8] =	vst v63  }
0x59: {  	s0 =	sadd.s32 $0x0, s6;
	s30 =	sld [smem:$0x7F3]  }
0x5a: {  	[tilespmem:s8], [sflag:$0x1] =	stream.linear.gather [hbm4b:s0+s3], $0x28, $0x38;
	[tilespmem:$0xCBE8] =	vst v63  }
0x5b: {  	s5 =	sadd.s32 $0x0, s31  }
0x5c: {  	[tilespmem:s30], [sflag:$0x1] =	stream.linear.gather [hbm4b:s5+s3], $0x28, $0x38;
	[tilespmem:$0xCBE8] =	vst v63  }
0x5d: {  	_ =	swait.ge [sflag:s15], $0x28  }
0x5e: {  	[sflag:s15] =	ssyncset.done $0x0  }
0x5f: {  	[sflag:s15] =	ssyncadd.s32 $0xFFFFFFD8  }
0x60: {  	_ =	swait.ge [sflag:s15], $0x28  }
0x61: {  	[sflag:s15] =	ssyncset.done $0x0  }
0x62: {  	[sflag:s15] =	ssyncadd.s32 $0xFFFFFFD8  }
0x63: {  	_ =	swait.ge [sflag:s15], $0x28  }
0x64: {  	[sflag:s15] =	ssyncset.done $0x0  }
0x65: {  	[sflag:s15] =	ssyncadd.s32 $0xFFFFFFD8  }
0x66: {  	[tilespmem:s16], [sflag:$0x2] =	stream.indirect.gather [hbm4b:s4+s7], $0x80, s3, s7, $0xb8;
	[tilespmem:$0xCBE8] =	vst v63  }
0x67: {  	s6 =	sld [smem:$0x7F4]  }
0x68: {  	[tilespmem:s17], [sflag:$0x2] =	stream.indirect.gather [hbm4b:s4+s7], $0x80, s2, s7, $0xb8;
	[tilespmem:$0xCBE8] =	vst v63  }
0x69: {  	_ = 	snop  }
0x6a: {  	[tilespmem:s6], [sflag:$0x2] =	stream.indirect.gather [hbm4b:s1+s7], $0x1, s3, s7, $0xb8;
	[tilespmem:$0xCBE8] =	vst v63  }
0x6b: {  	_ =	swait.ge [sflag:s15], $0x28  }
0x6c: {  	[sflag:s15] =	ssyncset.done $0x0  }
0x6d: {  	[sflag:s15] =	ssyncadd.s32 $0xFFFFFFD8  }
0x6e: {  	_ =	swait.ge [sflag:s15], $0x28  }
0x6f: {  	[sflag:s15] =	ssyncset.done $0x0  }
0x70: {  	[sflag:s15] =	ssyncadd.s32 $0xFFFFFFD8  }
0x71: {  	_ =	swait.ge [sflag:s15], $0x28  }
0x72: {  	[sflag:s15] =	ssyncset.done $0x0  }
0x73: {  	[sflag:s15] =	ssyncadd.s32 $0xFFFFFFD8  }
0x74: {  	[tilespmem:s18], [sflag:$0x2] =	stream.indirect.gather [hbm4b:s4+s7], $0x80, s7, s7, $0xb8;
	[tilespmem:$0xCBE8] =	vst v63  }
0x75: {  	s2 =	sld [smem:$0x7F5]  }
0x76: {  	[tilespmem:s19], [sflag:$0x2] =	stream.indirect.gather [hbm4b:s4+s7], $0x80, s29, s7, $0xb8;
	[tilespmem:$0xCBE8] =	vst v63  }
0x77: {  	_ = 	snop  }
0x78: {  	[tilespmem:s2], [sflag:$0x2] =	stream.indirect.gather [hbm4b:s1+s7], $0x1, s7, s7, $0xb8;
	[tilespmem:$0xCBE8] =	vst v63  }
0x79: {  	_ =	swait.ge [sflag:s15], $0x28  }
0x7a: {  	[sflag:s15] =	ssyncset.done $0x0  }
0x7b: {  	[sflag:s15] =	ssyncadd.s32 $0xFFFFFFD8  }
0x7c: {  	_ =	swait.ge [sflag:s15], $0x28  }
0x7d: {  	[sflag:s15] =	ssyncset.done $0x0  }
0x7e: {  	[sflag:s15] =	ssyncadd.s32 $0xFFFFFFD8  }
0x7f: {  	_ =	swait.ge [sflag:s15], $0x28  }
0x80: {  	[sflag:s15] =	ssyncset.done $0x0  }
0x81: {  	[sflag:s15] =	ssyncadd.s32 $0xFFFFFFD8  }
0x82: {  	[tilespmem:s20], [sflag:$0x2] =	stream.indirect.gather [hbm4b:s4+s7], $0x80, s9, s7, $0xb8;
	[tilespmem:$0xCBE8] =	vst v63  }
0x83: {  	s5 =	sld [smem:$0x7F6]  }
0x84: {  	[tilespmem:s21], [sflag:$0x2] =	stream.indirect.gather [hbm4b:s4+s7], $0x80, s12, s7, $0xb8;
	[tilespmem:$0xCBE8] =	vst v63  }
0x85: {  	_ = 	snop  }
0x86: {  	[tilespmem:s5], [sflag:$0x2] =	stream.indirect.gather [hbm4b:s1+s7], $0x1, s9, s7, $0xb8;
	[tilespmem:$0xCBE8] =	vst v63  }
0x87: {  	_ =	swait.ge [sflag:s15], $0x28  }
0x88: {  	[sflag:s15] =	ssyncset.done $0x0  }
0x89: {  	[sflag:s15] =	ssyncadd.s32 $0xFFFFFFD8  }
0x8a: {  	_ =	swait.ge [sflag:s15], $0x28  }
0x8b: {  	[sflag:s15] =	ssyncset.done $0x0  }
0x8c: {  	[sflag:s15] =	ssyncadd.s32 $0xFFFFFFD8  }
0x8d: {  	_ =	swait.ge [sflag:s15], $0x28  }
0x8e: {  	[sflag:s15] =	ssyncset.done $0x0  }
0x8f: {  	[sflag:s15] =	ssyncadd.s32 $0xFFFFFFD8  }
0x90: {  	[tilespmem:s22], [sflag:$0x2] =	stream.indirect.gather [hbm4b:s4+s7], $0x80, s11, s7, $0xb8;
	[tilespmem:$0xCBE8] =	vst v63  }
0x91: {  	s6 =	sld [smem:$0x7F7]  }
0x92: {  	[tilespmem:s23], [sflag:$0x2] =	stream.indirect.gather [hbm4b:s4+s7], $0x80, s10, s7, $0xb8;
	[tilespmem:$0xCBE8] =	vst v63  }
0x93: {  	_ = 	snop  }
0x94: {  	[tilespmem:s6], [sflag:$0x2] =	stream.indirect.gather [hbm4b:s1+s7], $0x1, s11, s7, $0xb8;
	[tilespmem:$0xCBE8] =	vst v63  }
0x95: {  	_ =	swait.ge [sflag:s15], $0x28  }
0x96: {  	[sflag:s15] =	ssyncset.done $0x0  }
0x97: {  	[sflag:s15] =	ssyncadd.s32 $0xFFFFFFD8  }
0x98: {  	_ =	swait.ge [sflag:s15], $0x28  }
0x99: {  	[sflag:s15] =	ssyncset.done $0x0  }
0x9a: {  	[sflag:s15] =	ssyncadd.s32 $0xFFFFFFD8  }
0x9b: {  	_ =	swait.ge [sflag:s15], $0x28  }
0x9c: {  	[sflag:s15] =	ssyncset.done $0x0  }
0x9d: {  	[sflag:s15] =	ssyncadd.s32 $0xFFFFFFD8  }
0x9e: {  	[tilespmem:s24], [sflag:$0x2] =	stream.indirect.gather [hbm4b:s4+s7], $0x80, s13, s7, $0xb8;
	[tilespmem:$0xCBE8] =	vst v63  }
0x9f: {  	s12 =	sld [smem:$0x7F8]  }
0xa0: {  	[tilespmem:s25], [sflag:$0x2] =	stream.indirect.gather [hbm4b:s4+s7], $0x80, s8, s7, $0xb8;
	[tilespmem:$0xCBE8] =	vst v63  }
0xa1: {  	_ = 	snop  }
0xa2: {  	[tilespmem:s12], [sflag:$0x2] =	stream.indirect.gather [hbm4b:s1+s7], $0x1, s13, s7, $0xb8;
	[tilespmem:$0xCBE8] =	vst v63  }
0xa3: {  	_ =	swait.ge [sflag:s26], $0x1400  }
0xa4: {  	[sflag:s26] =	ssyncset.done $0x0  }
0xa5: {  	[sflag:s26] =	ssyncadd.s32 $0xFFFFEC00  }
0xa6: {  	_ =	swait.ge [sflag:s26], $0x1400  }
0xa7: {  	[sflag:s26] =	ssyncset.done $0x0  }
0xa8: {  	[sflag:s26] =	ssyncadd.s32 $0xFFFFEC00  }
0xa9: {  	_ =	swait.ge [sflag:s26], $0x28  }
0xaa: {  	[sflag:s26] =	ssyncset.done $0x0  }
0xab: {  	[sflag:s26] =	ssyncadd.s32 $0xFFFFFFD8  }
0xac: {  	v0 =	vld [tilespmem:$0x190]  }
0xad: {  	v1 =	vld [tilespmem:$0x258]  }
0xae: {  	v2 =	vld [tilespmem:$0x1A0]  }
0xaf: {  	v3 =	vld [tilespmem:$0x268]  }
0xb0: {  	v4 =	vld [tilespmem:$0x1A8]  }
0xb1: {  	v5 =	vld [tilespmem:$0x270];
	_ =	sdelay $0x2  }
0xb2: {  	v0 =	vsub.f32 v0, v1  }
0xb3: {  	v34 =	vsub.f32 v2, v3  }
0xb4: {  	s29 =	rddreg [dreg:$0x5];
	v35 =	vsub.f32 v4, v5;
	[tilespmem:$0x320] =	vst v0  }
0xb5: {  	s30 =	rddreg [dreg:$0x4];
	[tilespmem:$0x330] =	vst v34  }
0xb6: {  	s31 =	rddreg [dreg:$0x6];
	s0 =	sadd.s32 $0x0, s29;
	[tilespmem:$0x338] =	vst v35  }
0xb7: {  	[hbm4b:s0+s3] =	stream.linear.scatter [tilespmem:s16], [sflag:$0x3], $0x1400, $0x38;
	[tilespmem:$0xCBE8] =	vst v63  }
0xb8: {  	s2 =	sadd.s32 $0x0, s30;
	s30 =	sld [smem:$0x7F9]  }
0xb9: {  	[hbm4b:s2+s3] =	stream.linear.scatter [tilespmem:s17], [sflag:$0x3], $0x1400, $0x38;
	[tilespmem:$0xCBE8] =	vst v63  }
0xba: {  	s5 =	sadd.s32 $0x0, s31  }
0xbb: {  	[hbm4b:s5+s3] =	stream.linear.scatter [tilespmem:s30], [sflag:$0x3], $0x28, $0x38;
	[tilespmem:$0xCBE8] =	vst v63  }
0xbc: {  	_ =	swait.ge [sflag:s26], $0x1400  }
0xbd: {  	[sflag:s26] =	ssyncset.done $0x0  }
0xbe: {  	[sflag:s26] =	ssyncadd.s32 $0xFFFFEC00  }
0xbf: {  	_ =	swait.ge [sflag:s26], $0x1400  }
0xc0: {  	[sflag:s26] =	ssyncset.done $0x0  }
0xc1: {  	[sflag:s26] =	ssyncadd.s32 $0xFFFFEC00  }
0xc2: {  	_ =	swait.ge [sflag:s26], $0x28  }
0xc3: {  	[sflag:s26] =	ssyncset.done $0x0  }
0xc4: {  	[sflag:s26] =	ssyncadd.s32 $0xFFFFFFD8  }
0xc5: {  	v36 =	vld [tilespmem:$0x298]  }
0xc6: {  	v37 =	vld [tilespmem:$0x290]  }
0xc7: {  	v39 =	vld [tilespmem:$0x1C8]  }
0xc8: {  	v40 =	vld [tilespmem:$0x1B8]  }
0xc9: {  	v41 =	vld [tilespmem:$0x280]  }
0xca: {  	v38 =	vld [tilespmem:$0x1D0];
	_ =	sdelay $0x2  }
0xcb: {  	v1 =	vsub.f32 v39, v37  }
0xcc: {  	v42 =	vsub.f32 v40, v41  }
0xcd: {  	s6 =	rddreg [dreg:$0x1c];
	v0 =	vsub.f32 v38, v36;
	[tilespmem:$0x358] =	vst v1  }
0xce: {  	s30 =	rddreg [dreg:$0x1d];
	[tilespmem:$0x348] =	vst v42  }
0xcf: {  	s31 =	rddreg [dreg:$0x1e];
	s0 =	sadd.s32 $0x0, s6;
	[tilespmem:$0x360] =	vst v0  }
0xd0: {  	[hbm4b:s0+s3] =	stream.linear.scatter [tilespmem:s18], [sflag:$0x3], $0x1400, $0x38;
	[tilespmem:$0xCBE8] =	vst v63  }
0xd1: {  	s8 =	sadd.s32 $0x0, s30;
	s30 =	sld [smem:$0x7FA]  }
0xd2: {  	[hbm4b:s8+s3] =	stream.linear.scatter [tilespmem:s19], [sflag:$0x3], $0x1400, $0x38;
	[tilespmem:$0xCBE8] =	vst v63  }
0xd3: {  	s10 =	sadd.s32 $0x0, s31  }
0xd4: {  	[hbm4b:s10+s3] =	stream.linear.scatter [tilespmem:s30], [sflag:$0x3], $0x28, $0x38;
	[tilespmem:$0xCBE8] =	vst v63  }
0xd5: {  	_ =	swait.ge [sflag:s26], $0x1400  }
0xd6: {  	[sflag:s26] =	ssyncset.done $0x0  }
0xd7: {  	[sflag:s26] =	ssyncadd.s32 $0xFFFFEC00  }
0xd8: {  	_ =	swait.ge [sflag:s26], $0x1400  }
0xd9: {  	[sflag:s26] =	ssyncset.done $0x0  }
0xda: {  	[sflag:s26] =	ssyncadd.s32 $0xFFFFEC00  }
0xdb: {  	_ =	swait.ge [sflag:s26], $0x28  }
0xdc: {  	[sflag:s26] =	ssyncset.done $0x0  }
0xdd: {  	[sflag:s26] =	ssyncadd.s32 $0xFFFFFFD8  }
0xde: {  	v43 =	vld [tilespmem:$0x2C0]  }
0xdf: {  	v44 =	vld [tilespmem:$0x2B8]  }
0xe0: {  	v46 =	vld [tilespmem:$0x1F0]  }
0xe1: {  	v47 =	vld [tilespmem:$0x2A8]  }
0xe2: {  	v48 =	vld [tilespmem:$0x1E0]  }
0xe3: {  	v45 =	vld [tilespmem:$0x1F8];
	_ =	sdelay $0x2  }
0xe4: {  	v1 =	vsub.f32 v46, v44  }
0xe5: {  	v49 =	vsub.f32 v48, v47  }
0xe6: {  	s12 =	rddreg [dreg:$0x16];
	v0 =	vsub.f32 v45, v43;
	[tilespmem:$0x380] =	vst v1  }
0xe7: {  	s30 =	rddreg [dreg:$0x17];
	[tilespmem:$0x370] =	vst v49  }
0xe8: {  	s31 =	rddreg [dreg:$0x18];
	s0 =	sadd.s32 $0x0, s12;
	[tilespmem:$0x388] =	vst v0  }
0xe9: {  	[hbm4b:s0+s3] =	stream.linear.scatter [tilespmem:s20], [sflag:$0x3], $0x1400, $0x38;
	[tilespmem:$0xCBE8] =	vst v63  }
0xea: {  	s29 =	sadd.s32 $0x0, s30;
	s30 =	sld [smem:$0x7FB]  }
0xeb: {  	[hbm4b:s29+s3] =	stream.linear.scatter [tilespmem:s21], [sflag:$0x3], $0x1400, $0x38;
	[tilespmem:$0xCBE8] =	vst v63  }
0xec: {  	s2 =	sadd.s32 $0x0, s31  }
0xed: {  	[hbm4b:s2+s3] =	stream.linear.scatter [tilespmem:s30], [sflag:$0x3], $0x28, $0x38;
	[tilespmem:$0xCBE8] =	vst v63  }
0xee: {  	_ =	swait.ge [sflag:s26], $0x1400  }
0xef: {  	[sflag:s26] =	ssyncset.done $0x0  }
0xf0: {  	[sflag:s26] =	ssyncadd.s32 $0xFFFFEC00  }
0xf1: {  	_ =	swait.ge [sflag:s26], $0x1400  }
0xf2: {  	[sflag:s26] =	ssyncset.done $0x0  }
0xf3: {  	[sflag:s26] =	ssyncadd.s32 $0xFFFFEC00  }
0xf4: {  	_ =	swait.ge [sflag:s26], $0x28  }
0xf5: {  	[sflag:s26] =	ssyncset.done $0x0  }
0xf6: {  	[sflag:s26] =	ssyncadd.s32 $0xFFFFFFD8  }
0xf7: {  	v50 =	vld [tilespmem:$0x2E8]  }
0xf8: {  	v51 =	vld [tilespmem:$0x2E0]  }
0xf9: {  	v52 =	vld [tilespmem:$0x208]  }
0xfa: {  	v53 =	vld [tilespmem:$0x218]  }
0xfb: {  	v55 =	vld [tilespmem:$0x2D0]  }
0xfc: {  	v54 =	vld [tilespmem:$0x220];
	_ =	sdelay $0x2  }
0xfd: {  	v1 =	vsub.f32 v53, v51  }
0xfe: {  	v2 =	vsub.f32 v52, v55  }
0xff: {  	s5 =	rddreg [dreg:$0x10];
	v0 =	vsub.f32 v54, v50;
	[tilespmem:$0x3A8] =	vst v1  }
0x100: {  	s30 =	rddreg [dreg:$0x11];
	[tilespmem:$0x398] =	vst v2  }
0x101: {  	s31 =	rddreg [dreg:$0x12];
	s0 =	sadd.s32 $0x0, s5;
	[tilespmem:$0x3B0] =	vst v0  }
0x102: {  	[hbm4b:s0+s3] =	stream.linear.scatter [tilespmem:s22], [sflag:$0x3], $0x1400, $0x38;
	[tilespmem:$0xCBE8] =	vst v63  }
0x103: {  	s6 =	sadd.s32 $0x0, s30;
	s30 =	sld [smem:$0x7FC]  }
0x104: {  	[hbm4b:s6+s3] =	stream.linear.scatter [tilespmem:s23], [sflag:$0x3], $0x1400, $0x38;
	[tilespmem:$0xCBE8] =	vst v63  }
0x105: {  	s8 =	sadd.s32 $0x0, s31  }
0x106: {  	[hbm4b:s8+s3] =	stream.linear.scatter [tilespmem:s30], [sflag:$0x3], $0x28, $0x38;
	[tilespmem:$0xCBE8] =	vst v63  }
0x107: {  	_ =	swait.ge [sflag:s26], $0x1400  }
0x108: {  	[sflag:s26] =	ssyncset.done $0x0  }
0x109: {  	[sflag:s26] =	ssyncadd.s32 $0xFFFFEC00  }
0x10a: {  	_ =	swait.ge [sflag:s26], $0x1400  }
0x10b: {  	[sflag:s26] =	ssyncset.done $0x0  }
0x10c: {  	[sflag:s26] =	ssyncadd.s32 $0xFFFFEC00  }
0x10d: {  	_ =	swait.ge [sflag:s26], $0x28  }
0x10e: {  	[sflag:s26] =	ssyncset.done $0x0  }
0x10f: {  	[sflag:s26] =	ssyncadd.s32 $0xFFFFFFD8  }
0x110: {  	v56 =	vld [tilespmem:$0x240]  }
0x111: {  	v57 =	vld [tilespmem:$0x308]  }
0x112: {  	v58 =	vld [tilespmem:$0x248]  }
0x113: {  	v60 =	vld [tilespmem:$0x230]  }
0x114: {  	v61 =	vld [tilespmem:$0x2F8]  }
0x115: {  	v59 =	vld [tilespmem:$0x310];
	_ =	sdelay $0x2  }
0x116: {  	v0 =	vsub.f32 v56, v57  }
0x117: {  	v63 =	vsub.f32 v60, v61  }
0x118: {  	s10 =	rddreg [dreg:$0xa];
	v62 =	vsub.f32 v58, v59;
	[tilespmem:$0x3D0] =	vst v0  }
0x119: {  	s30 =	rddreg [dreg:$0xb];
	[tilespmem:$0x3C0] =	vst v63  }
0x11a: {  	s31 =	rddreg [dreg:$0xc];
	s0 =	sadd.s32 $0x0, s10;
	[tilespmem:$0x3D8] =	vst v62  }
0x11b: {  	[hbm4b:s0+s3] =	stream.linear.scatter [tilespmem:s24], [sflag:$0x3], $0x1400, $0x38;
	[tilespmem:$0xCBE8] =	vst v63  }
0x11c: {  	s12 =	sadd.s32 $0x0, s30;
	s30 =	sld [smem:$0x7FD]  }
0x11d: {  	[hbm4b:s12+s3] =	stream.linear.scatter [tilespmem:s25], [sflag:$0x3], $0x1400, $0x38;
	[tilespmem:$0xCBE8] =	vst v63  }
0x11e: {  	s29 =	sadd.s32 $0x0, s31  }
0x11f: {  	[hbm4b:s29+s3] =	stream.linear.scatter [tilespmem:s30], [sflag:$0x3], $0x28, $0x38;
	[tilespmem:$0xCBE8] =	vst v63  }
0x120: {  	_ =	swait.ge [sflag:s28], $0x1400  }
0x121: {  	[sflag:s28] =	ssyncset.done $0x0  }
0x122: {  	[sflag:s28] =	ssyncadd.s32 $0xFFFFEC00  }
0x123: {  	_ =	swait.ge [sflag:s28], $0x1400  }
0x124: {  	[sflag:s28] =	ssyncset.done $0x0  }
0x125: {  	[sflag:s28] =	ssyncadd.s32 $0xFFFFEC00  }
0x126: {  	_ =	swait.ge [sflag:s28], $0x28  }
0x127: {  	[sflag:s28] =	ssyncset.done $0x0  }
0x128: {  	[sflag:s28] =	ssyncadd.s32 $0xFFFFFFD8  }
0x129: {  	_ =	swait.ge [sflag:s28], $0x1400  }
0x12a: {  	[sflag:s28] =	ssyncset.done $0x0  }
0x12b: {  	[sflag:s28] =	ssyncadd.s32 $0xFFFFEC00  }
0x12c: {  	_ =	swait.ge [sflag:s28], $0x1400  }
0x12d: {  	[sflag:s28] =	ssyncset.done $0x0  }
0x12e: {  	[sflag:s28] =	ssyncadd.s32 $0xFFFFEC00  }
0x12f: {  	_ =	swait.ge [sflag:s28], $0x28  }
0x130: {  	[sflag:s28] =	ssyncset.done $0x0  }
0x131: {  	[sflag:s28] =	ssyncadd.s32 $0xFFFFFFD8  }
0x132: {  	s31 =	simm.s32 $0x0;
	s30 =	simm.s32 $0x19;
	_ =	swait.ge [sflag:s28], $0x1400  }
.LBB2_2:
0x133: {  	[sflag:s28] =	ssyncset.done $0x0  }
0x134: {  	[sflag:s28] =	ssyncadd.s32 $0xFFFFEC00  }
0x135: {  	_ =	swait.ge [sflag:s28], $0x1400  }
0x136: {  	[sflag:s28] =	ssyncset.done $0x0  }
0x137: {  	[sflag:s28] =	ssyncadd.s32 $0xFFFFEC00  }
0x138: {  	_ =	swait.ge [sflag:s28], $0x28  }
0x139: {  	[sflag:s28] =	ssyncset.done $0x0  }
0x13a: {  	[sflag:s28] =	ssyncadd.s32 $0xFFFFFFD8  }
0x13b: {  	_ =	swait.ge [sflag:s28], $0x1400  }
0x13c: {  	[sflag:s28] =	ssyncset.done $0x0  }
0x13d: {  	[sflag:s28] =	ssyncadd.s32 $0xFFFFEC00  }
0x13e: {  	_ =	swait.ge [sflag:s28], $0x1400  }
0x13f: {  	[sflag:s28] =	ssyncset.done $0x0  }
0x140: {  	[sflag:s28] =	ssyncadd.s32 $0xFFFFEC00  }
0x141: {  	_ =	swait.ge [sflag:s28], $0x28  }
0x142: {  	[sflag:s28] =	ssyncset.done $0x0  }
0x143: {  	[sflag:s28] =	ssyncadd.s32 $0xFFFFFFD8  }
0x144: {  	_ =	swait.ge [sflag:s28], $0x1400  }
0x145: {  	[sflag:s28] =	ssyncset.done $0x0  }
0x146: {  	[sflag:s28] =	ssyncadd.s32 $0xFFFFEC00  }
0x147: {  	_ =	swait.ge [sflag:s28], $0x1400  }
0x148: {  	[sflag:s28] =	ssyncset.done $0x0  }
0x149: {  	[sflag:s28] =	ssyncadd.s32 $0xFFFFEC00  }
0x14a: {  	_ =	swait.ge [sflag:s28], $0x28  }
0x14b: {  	s2 =	rddreg [dreg:$0x8]  }
0x14c: {  	s5 =	sld [smem:$0x7EE]  }
0x14d: {  	s29 =	rddreg [dreg:$0x9]  }
0x14e: {  	s6 =	rddreg [dreg:$0x1b]  }
0x14f: {  	s8 =	rddreg [dreg:$0x15]  }
0x150: {  	s0 =	smov.u32 s30;
	[sflag:s28] =	ssyncset.done $0x0;
	s10 =	rddreg [dreg:$0x7]  }
0x151: {  	s12 =	sld [smem:$0x7EF];
	[sflag:s28] =	ssyncadd.s32 $0xFFFFFFD8;
	s29 =	sadd.s32 s0, s29  }
0x152: {  	[tilespmem:s3], [sflag:$0x1] =	stream.linear.gather [hbm4b:s29+s3], $0x28, $0x38;
	[tilespmem:$0xCBE8] =	vst v63  }
0x153: {  	s2 =	sadd.s32 s0, s2;
	s29 =	sld [smem:$0x7ED]  }
0x154: {  	[tilespmem:s14], [sflag:$0x1] =	stream.linear.gather [hbm4b:s2+s3], $0x28, $0x38;
	[tilespmem:$0xCBE8] =	vst v63  }
0x155: {  	s10 =	sadd.s32 s0, s10;
	s2 =	sadd.s32 s0, s5;
	s5 =	rddreg [dreg:$0x1f]  }
0x156: {  	[tilespmem:s12], [sflag:$0x1] =	stream.linear.gather [hbm4b:s10+s3], $0x28, $0x38;
	[tilespmem:$0xCBE8] =	vst v63  }
0x157: {  	s10 =	sadd.s32 s0, s29;
	s12 =	sld [smem:$0x7F0]  }
0x158: {  	[tilespmem:s7], [sflag:$0x1] =	stream.linear.gather [hbm4b:s2+s3], $0x28, $0x38;
	[tilespmem:$0xCBE8] =	vst v63  }
0x159: {  	s29 =	simm.s32 $0xF0;
	s2 =	sadd.s32 s0, s5;
	s5 =	rddreg [dreg:$0x1a]  }
0x15a: {  	[tilespmem:s29], [sflag:$0x1] =	stream.linear.gather [hbm4b:s10+s3], $0x28, $0x38;
	[tilespmem:$0xCBE8] =	vst v63  }
0x15b: {  	s10 =	rddreg [dreg:$0x19]  }
0x15c: {  	[tilespmem:s12], [sflag:$0x1] =	stream.linear.gather [hbm4b:s2+s3], $0x28, $0x38;
	[tilespmem:$0xCBE8] =	vst v63  }
0x15d: {  	s6 =	sadd.s32 s0, s6;
	s2 =	sadd.s32 s0, s5;
	s5 =	sld [smem:$0x7F1]  }
0x15e: {  	[tilespmem:s9], [sflag:$0x1] =	stream.linear.gather [hbm4b:s6+s3], $0x28, $0x38;
	[tilespmem:$0xCBE8] =	vst v63  }
0x15f: {  	s12 =	simm.s32 $0x118;
	s6 =	sadd.s32 s0, s10;
	s10 =	rddreg [dreg:$0x14]  }
0x160: {  	[tilespmem:s12], [sflag:$0x1] =	stream.linear.gather [hbm4b:s2+s3], $0x28, $0x38;
	[tilespmem:$0xCBE8] =	vst v63  }
0x161: {  	s2 =	sadd.s32 s0, s8;
	s8 =	rddreg [dreg:$0x13]  }
0x162: {  	[tilespmem:s5], [sflag:$0x1] =	stream.linear.gather [hbm4b:s6+s3], $0x28, $0x38;
	[tilespmem:$0xCBE8] =	vst v63  }
0x163: {  	s5 =	sadd.s32 s0, s10;
	s6 =	sld [smem:$0x7F2]  }
0x164: {  	[tilespmem:s11], [sflag:$0x1] =	stream.linear.gather [hbm4b:s2+s3], $0x28, $0x38;
	[tilespmem:$0xCBE8] =	vst v63  }
0x165: {  	s10 =	simm.s32 $0x140;
	s2 =	sadd.s32 s0, s8;
	s8 =	rddreg [dreg:$0xf]  }
0x166: {  	[tilespmem:s10], [sflag:$0x1] =	stream.linear.gather [hbm4b:s5+s3], $0x28, $0x38;
	[tilespmem:$0xCBE8] =	vst v63  }
0x167: {  	s5 =	rddreg [dreg:$0xe]  }
0x168: {  	[tilespmem:s6], [sflag:$0x1] =	stream.linear.gather [hbm4b:s2+s3], $0x28, $0x38;
	[tilespmem:$0xCBE8] =	vst v63  }
0x169: {  	s2 =	sadd.s32 s0, s8;
	s6 =	rddreg [dreg:$0xd]  }
0x16a: {  	[tilespmem:s13], [sflag:$0x1] =	stream.linear.gather [hbm4b:s2+s3], $0x28, $0x38;
	[tilespmem:$0xCBE8] =	vst v63  }
0x16b: {  	s8 =	simm.s32 $0x168;
	s2 =	sadd.s32 s0, s5;
	s5 =	sld [smem:$0x7F3]  }
0x16c: {  	[tilespmem:s8], [sflag:$0x1] =	stream.linear.gather [hbm4b:s2+s3], $0x28, $0x38;
	[tilespmem:$0xCBE8] =	vst v63  }
0x16d: {  	s6 =	sadd.s32 s0, s6  }
0x16e: {  	[tilespmem:s5], [sflag:$0x1] =	stream.linear.gather [hbm4b:s6+s3], $0x28, $0x38;
	[tilespmem:$0xCBE8] =	vst v63  }
0x16f: {  	_ =	swait.ge [sflag:s15], $0x28  }
0x170: {  	[sflag:s15] =	ssyncset.done $0x0  }
0x171: {  	[sflag:s15] =	ssyncadd.s32 $0xFFFFFFD8  }
0x172: {  	_ =	swait.ge [sflag:s15], $0x28  }
0x173: {  	[sflag:s15] =	ssyncset.done $0x0  }
0x174: {  	[sflag:s15] =	ssyncadd.s32 $0xFFFFFFD8  }
0x175: {  	_ =	swait.ge [sflag:s15], $0x28  }
0x176: {  	[sflag:s15] =	ssyncset.done $0x0  }
0x177: {  	[sflag:s15] =	ssyncadd.s32 $0xFFFFFFD8  }
0x178: {  	[tilespmem:s16], [sflag:$0x2] =	stream.indirect.gather [hbm4b:s4+s7], $0x80, s3, s7, $0xb8;
	[tilespmem:$0xCBE8] =	vst v63  }
0x179: {  	s5 =	sld [smem:$0x7F4]  }
0x17a: {  	[tilespmem:s17], [sflag:$0x2] =	stream.indirect.gather [hbm4b:s4+s7], $0x80, s14, s7, $0xb8;
	[tilespmem:$0xCBE8] =	vst v63  }
0x17b: {  	_ = 	snop  }
0x17c: {  	[tilespmem:s5], [sflag:$0x2] =	stream.indirect.gather [hbm4b:s1+s7], $0x1, s3, s7, $0xb8;
	[tilespmem:$0xCBE8] =	vst v63  }
0x17d: {  	_ =	swait.ge [sflag:s15], $0x28  }
0x17e: {  	[sflag:s15] =	ssyncset.done $0x0  }
0x17f: {  	[sflag:s15] =	ssyncadd.s32 $0xFFFFFFD8  }
0x180: {  	_ =	swait.ge [sflag:s15], $0x28  }
0x181: {  	[sflag:s15] =	ssyncset.done $0x0  }
0x182: {  	[sflag:s15] =	ssyncadd.s32 $0xFFFFFFD8  }
0x183: {  	_ =	swait.ge [sflag:s15], $0x28  }
0x184: {  	[sflag:s15] =	ssyncset.done $0x0  }
0x185: {  	[sflag:s15] =	ssyncadd.s32 $0xFFFFFFD8  }
0x186: {  	[tilespmem:s18], [sflag:$0x2] =	stream.indirect.gather [hbm4b:s4+s7], $0x80, s7, s7, $0xb8;
	[tilespmem:$0xCBE8] =	vst v63  }
0x187: {  	s6 =	sld [smem:$0x7F5]  }
0x188: {  	[tilespmem:s19], [sflag:$0x2] =	stream.indirect.gather [hbm4b:s4+s7], $0x80, s29, s7, $0xb8;
	[tilespmem:$0xCBE8] =	vst v63  }
0x189: {  	_ = 	snop  }
0x18a: {  	[tilespmem:s6], [sflag:$0x2] =	stream.indirect.gather [hbm4b:s1+s7], $0x1, s7, s7, $0xb8;
	[tilespmem:$0xCBE8] =	vst v63  }
0x18b: {  	_ =	swait.ge [sflag:s15], $0x28  }
0x18c: {  	[sflag:s15] =	ssyncset.done $0x0  }
0x18d: {  	[sflag:s15] =	ssyncadd.s32 $0xFFFFFFD8  }
0x18e: {  	_ =	swait.ge [sflag:s15], $0x28  }
0x18f: {  	[sflag:s15] =	ssyncset.done $0x0  }
0x190: {  	[sflag:s15] =	ssyncadd.s32 $0xFFFFFFD8  }
0x191: {  	_ =	swait.ge [sflag:s15], $0x28  }
0x192: {  	[sflag:s15] =	ssyncset.done $0x0  }
0x193: {  	[sflag:s15] =	ssyncadd.s32 $0xFFFFFFD8  }
0x194: {  	[tilespmem:s20], [sflag:$0x2] =	stream.indirect.gather [hbm4b:s4+s7], $0x80, s9, s7, $0xb8;
	[tilespmem:$0xCBE8] =	vst v63  }
0x195: {  	s5 =	sld [smem:$0x7F6]  }
0x196: {  	[tilespmem:s21], [sflag:$0x2] =	stream.indirect.gather [hbm4b:s4+s7], $0x80, s12, s7, $0xb8;
	[tilespmem:$0xCBE8] =	vst v63  }
0x197: {  	_ = 	snop  }
0x198: {  	[tilespmem:s5], [sflag:$0x2] =	stream.indirect.gather [hbm4b:s1+s7], $0x1, s9, s7, $0xb8;
	[tilespmem:$0xCBE8] =	vst v63  }
0x199: {  	_ =	swait.ge [sflag:s15], $0x28  }
0x19a: {  	[sflag:s15] =	ssyncset.done $0x0  }
0x19b: {  	[sflag:s15] =	ssyncadd.s32 $0xFFFFFFD8  }
0x19c: {  	_ =	swait.ge [sflag:s15], $0x28  }
0x19d: {  	[sflag:s15] =	ssyncset.done $0x0  }
0x19e: {  	[sflag:s15] =	ssyncadd.s32 $0xFFFFFFD8  }
0x19f: {  	_ =	swait.ge [sflag:s15], $0x28  }
0x1a0: {  	[sflag:s15] =	ssyncset.done $0x0  }
0x1a1: {  	[sflag:s15] =	ssyncadd.s32 $0xFFFFFFD8  }
0x1a2: {  	[tilespmem:s22], [sflag:$0x2] =	stream.indirect.gather [hbm4b:s4+s7], $0x80, s11, s7, $0xb8;
	[tilespmem:$0xCBE8] =	vst v63  }
0x1a3: {  	s6 =	sld [smem:$0x7F7]  }
0x1a4: {  	[tilespmem:s23], [sflag:$0x2] =	stream.indirect.gather [hbm4b:s4+s7], $0x80, s10, s7, $0xb8;
	[tilespmem:$0xCBE8] =	vst v63  }
0x1a5: {  	_ = 	snop  }
0x1a6: {  	[tilespmem:s6], [sflag:$0x2] =	stream.indirect.gather [hbm4b:s1+s7], $0x1, s11, s7, $0xb8;
	[tilespmem:$0xCBE8] =	vst v63  }
0x1a7: {  	_ =	swait.ge [sflag:s15], $0x28  }
0x1a8: {  	[sflag:s15] =	ssyncset.done $0x0  }
0x1a9: {  	[sflag:s15] =	ssyncadd.s32 $0xFFFFFFD8  }
0x1aa: {  	_ =	swait.ge [sflag:s15], $0x28  }
0x1ab: {  	[sflag:s15] =	ssyncset.done $0x0  }
0x1ac: {  	[sflag:s15] =	ssyncadd.s32 $0xFFFFFFD8  }
0x1ad: {  	_ =	swait.ge [sflag:s15], $0x28  }
0x1ae: {  	[sflag:s15] =	ssyncset.done $0x0  }
0x1af: {  	[sflag:s15] =	ssyncadd.s32 $0xFFFFFFD8  }
0x1b0: {  	[tilespmem:s24], [sflag:$0x2] =	stream.indirect.gather [hbm4b:s4+s7], $0x80, s13, s7, $0xb8;
	[tilespmem:$0xCBE8] =	vst v63  }
0x1b1: {  	s5 =	sld [smem:$0x7F8]  }
0x1b2: {  	[tilespmem:s25], [sflag:$0x2] =	stream.indirect.gather [hbm4b:s4+s7], $0x80, s8, s7, $0xb8;
	[tilespmem:$0xCBE8] =	vst v63  }
0x1b3: {  	_ = 	snop  }
0x1b4: {  	[tilespmem:s5], [sflag:$0x2] =	stream.indirect.gather [hbm4b:s1+s7], $0x1, s13, s7, $0xb8;
	[tilespmem:$0xCBE8] =	vst v63  }
0x1b5: {  	_ =	swait.ge [sflag:s26], $0x1400  }
0x1b6: {  	[sflag:s26] =	ssyncset.done $0x0  }
0x1b7: {  	[sflag:s26] =	ssyncadd.s32 $0xFFFFEC00  }
0x1b8: {  	_ =	swait.ge [sflag:s26], $0x1400  }
0x1b9: {  	[sflag:s26] =	ssyncset.done $0x0  }
0x1ba: {  	[sflag:s26] =	ssyncadd.s32 $0xFFFFEC00  }
0x1bb: {  	_ =	swait.ge [sflag:s26], $0x28  }
0x1bc: {  	[sflag:s26] =	ssyncset.done $0x0  }
0x1bd: {  	[sflag:s26] =	ssyncadd.s32 $0xFFFFFFD8  }
0x1be: {  	v0 =	vld [tilespmem:$0x190]  }
0x1bf: {  	v1 =	vld [tilespmem:$0x258]  }
0x1c0: {  	v2 =	vld [tilespmem:$0x1A0]  }
0x1c1: {  	v3 =	vld [tilespmem:$0x268]  }
0x1c2: {  	v4 =	vld [tilespmem:$0x1A8]  }
0x1c3: {  	v5 =	vld [tilespmem:$0x270];
	_ =	sdelay $0x2  }
0x1c4: {  	v0 =	vsub.f32 v0, v1  }
0x1c5: {  	v34 =	vsub.f32 v2, v3  }
0x1c6: {  	s6 =	rddreg [dreg:$0x5];
	v35 =	vsub.f32 v4, v5;
	[tilespmem:$0x320] =	vst v0  }
0x1c7: {  	s31 =	sadd.s32 $0xC80, s31;
	s5 =	rddreg [dreg:$0x4];
	[tilespmem:$0x330] =	vst v34  }
0x1c8: {  	s2 =	sadd.s32 s31, s6;
	s6 =	rddreg [dreg:$0x6];
	[tilespmem:$0x338] =	vst v35  }
0x1c9: {  	[hbm4b:s2+s3] =	stream.linear.scatter [tilespmem:s16], [sflag:$0x3], $0x1400, $0x38;
	[tilespmem:$0xCBE8] =	vst v63  }
0x1ca: {  	s2 =	sadd.s32 s31, s5;
	s5 =	sld [smem:$0x7F9]  }
0x1cb: {  	[hbm4b:s2+s3] =	stream.linear.scatter [tilespmem:s17], [sflag:$0x3], $0x1400, $0x38;
	[tilespmem:$0xCBE8] =	vst v63  }
0x1cc: {  	s6 =	sadd.s32 s0, s6  }
0x1cd: {  	[hbm4b:s6+s3] =	stream.linear.scatter [tilespmem:s5], [sflag:$0x3], $0x28, $0x38;
	[tilespmem:$0xCBE8] =	vst v63  }
0x1ce: {  	_ =	swait.ge [sflag:s26], $0x1400  }
0x1cf: {  	[sflag:s26] =	ssyncset.done $0x0  }
0x1d0: {  	[sflag:s26] =	ssyncadd.s32 $0xFFFFEC00  }
0x1d1: {  	_ =	swait.ge [sflag:s26], $0x1400  }
0x1d2: {  	[sflag:s26] =	ssyncset.done $0x0  }
0x1d3: {  	[sflag:s26] =	ssyncadd.s32 $0xFFFFEC00  }
0x1d4: {  	_ =	swait.ge [sflag:s26], $0x28  }
0x1d5: {  	[sflag:s26] =	ssyncset.done $0x0  }
0x1d6: {  	[sflag:s26] =	ssyncadd.s32 $0xFFFFFFD8  }
0x1d7: {  	v36 =	vld [tilespmem:$0x298]  }
0x1d8: {  	v37 =	vld [tilespmem:$0x290]  }
0x1d9: {  	v39 =	vld [tilespmem:$0x1B8]  }
0x1da: {  	v40 =	vld [tilespmem:$0x1C8]  }
0x1db: {  	v41 =	vld [tilespmem:$0x280]  }
0x1dc: {  	v38 =	vld [tilespmem:$0x1D0];
	_ =	sdelay $0x2  }
0x1dd: {  	v1 =	vsub.f32 v40, v37  }
0x1de: {  	v42 =	vsub.f32 v39, v41  }
0x1df: {  	s5 =	rddreg [dreg:$0x1c];
	v0 =	vsub.f32 v38, v36;
	[tilespmem:$0x358] =	vst v1  }
0x1e0: {  	s6 =	rddreg [dreg:$0x1d];
	[tilespmem:$0x348] =	vst v42  }
0x1e1: {  	s2 =	sadd.s32 s31, s5;
	s5 =	rddreg [dreg:$0x1e];
	[tilespmem:$0x360] =	vst v0  }
0x1e2: {  	[hbm4b:s2+s3] =	stream.linear.scatter [tilespmem:s18], [sflag:$0x3], $0x1400, $0x38;
	[tilespmem:$0xCBE8] =	vst v63  }
0x1e3: {  	s6 =	sadd.s32 s31, s6;
	s2 =	sld [smem:$0x7FA]  }
0x1e4: {  	[hbm4b:s6+s3] =	stream.linear.scatter [tilespmem:s19], [sflag:$0x3], $0x1400, $0x38;
	[tilespmem:$0xCBE8] =	vst v63  }
0x1e5: {  	s5 =	sadd.s32 s0, s5  }
0x1e6: {  	[hbm4b:s5+s3] =	stream.linear.scatter [tilespmem:s2], [sflag:$0x3], $0x28, $0x38;
	[tilespmem:$0xCBE8] =	vst v63  }
0x1e7: {  	_ =	swait.ge [sflag:s26], $0x1400  }
0x1e8: {  	[sflag:s26] =	ssyncset.done $0x0  }
0x1e9: {  	[sflag:s26] =	ssyncadd.s32 $0xFFFFEC00  }
0x1ea: {  	_ =	swait.ge [sflag:s26], $0x1400  }
0x1eb: {  	[sflag:s26] =	ssyncset.done $0x0  }
0x1ec: {  	[sflag:s26] =	ssyncadd.s32 $0xFFFFEC00  }
0x1ed: {  	_ =	swait.ge [sflag:s26], $0x28  }
0x1ee: {  	[sflag:s26] =	ssyncset.done $0x0  }
0x1ef: {  	[sflag:s26] =	ssyncadd.s32 $0xFFFFFFD8  }
0x1f0: {  	v43 =	vld [tilespmem:$0x2C0]  }
0x1f1: {  	v44 =	vld [tilespmem:$0x2B8]  }
0x1f2: {  	v46 =	vld [tilespmem:$0x1F0]  }
0x1f3: {  	v47 =	vld [tilespmem:$0x2A8]  }
0x1f4: {  	v48 =	vld [tilespmem:$0x1E0]  }
0x1f5: {  	v45 =	vld [tilespmem:$0x1F8];
	_ =	sdelay $0x2  }
0x1f6: {  	v1 =	vsub.f32 v46, v44  }
0x1f7: {  	v49 =	vsub.f32 v48, v47  }
0x1f8: {  	s6 =	rddreg [dreg:$0x16];
	v0 =	vsub.f32 v45, v43;
	[tilespmem:$0x380] =	vst v1  }
0x1f9: {  	s5 =	rddreg [dreg:$0x17];
	[tilespmem:$0x370] =	vst v49  }
0x1fa: {  	s2 =	sadd.s32 s31, s6;
	s6 =	rddreg [dreg:$0x18];
	[tilespmem:$0x388] =	vst v0  }
0x1fb: {  	[hbm4b:s2+s3] =	stream.linear.scatter [tilespmem:s20], [sflag:$0x3], $0x1400, $0x38;
	[tilespmem:$0xCBE8] =	vst v63  }
0x1fc: {  	s2 =	sadd.s32 s31, s5;
	s5 =	sld [smem:$0x7FB]  }
0x1fd: {  	[hbm4b:s2+s3] =	stream.linear.scatter [tilespmem:s21], [sflag:$0x3], $0x1400, $0x38;
	[tilespmem:$0xCBE8] =	vst v63  }
0x1fe: {  	s6 =	sadd.s32 s0, s6  }
0x1ff: {  	[hbm4b:s6+s3] =	stream.linear.scatter [tilespmem:s5], [sflag:$0x3], $0x28, $0x38;
	[tilespmem:$0xCBE8] =	vst v63  }
0x200: {  	_ =	swait.ge [sflag:s26], $0x1400  }
0x201: {  	[sflag:s26] =	ssyncset.done $0x0  }
0x202: {  	[sflag:s26] =	ssyncadd.s32 $0xFFFFEC00  }
0x203: {  	_ =	swait.ge [sflag:s26], $0x1400  }
0x204: {  	[sflag:s26] =	ssyncset.done $0x0  }
0x205: {  	[sflag:s26] =	ssyncadd.s32 $0xFFFFEC00  }
0x206: {  	_ =	swait.ge [sflag:s26], $0x28  }
0x207: {  	[sflag:s26] =	ssyncset.done $0x0  }
0x208: {  	[sflag:s26] =	ssyncadd.s32 $0xFFFFFFD8  }
0x209: {  	v50 =	vld [tilespmem:$0x2E8]  }
0x20a: {  	v51 =	vld [tilespmem:$0x2E0]  }
0x20b: {  	v52 =	vld [tilespmem:$0x208]  }
0x20c: {  	v53 =	vld [tilespmem:$0x218]  }
0x20d: {  	v55 =	vld [tilespmem:$0x2D0]  }
0x20e: {  	v54 =	vld [tilespmem:$0x220];
	_ =	sdelay $0x2  }
0x20f: {  	v1 =	vsub.f32 v53, v51  }
0x210: {  	v2 =	vsub.f32 v52, v55  }
0x211: {  	s6 =	rddreg [dreg:$0x10];
	v0 =	vsub.f32 v54, v50;
	[tilespmem:$0x3A8] =	vst v1  }
0x212: {  	s5 =	rddreg [dreg:$0x11];
	[tilespmem:$0x398] =	vst v2  }
0x213: {  	s2 =	sadd.s32 s31, s6;
	s6 =	rddreg [dreg:$0x12];
	[tilespmem:$0x3B0] =	vst v0  }
0x214: {  	[hbm4b:s2+s3] =	stream.linear.scatter [tilespmem:s22], [sflag:$0x3], $0x1400, $0x38;
	[tilespmem:$0xCBE8] =	vst v63  }
0x215: {  	s2 =	sadd.s32 s31, s5;
	s5 =	sld [smem:$0x7FC]  }
0x216: {  	[hbm4b:s2+s3] =	stream.linear.scatter [tilespmem:s23], [sflag:$0x3], $0x1400, $0x38;
	[tilespmem:$0xCBE8] =	vst v63  }
0x217: {  	s6 =	sadd.s32 s0, s6  }
0x218: {  	[hbm4b:s6+s3] =	stream.linear.scatter [tilespmem:s5], [sflag:$0x3], $0x28, $0x38;
	[tilespmem:$0xCBE8] =	vst v63  }
0x219: {  	_ =	swait.ge [sflag:s26], $0x1400  }
0x21a: {  	[sflag:s26] =	ssyncset.done $0x0  }
0x21b: {  	[sflag:s26] =	ssyncadd.s32 $0xFFFFEC00  }
0x21c: {  	_ =	swait.ge [sflag:s26], $0x1400  }
0x21d: {  	[sflag:s26] =	ssyncset.done $0x0  }
0x21e: {  	[sflag:s26] =	ssyncadd.s32 $0xFFFFEC00  }
0x21f: {  	_ =	swait.ge [sflag:s26], $0x28  }
0x220: {  	[sflag:s26] =	ssyncset.done $0x0  }
0x221: {  	[sflag:s26] =	ssyncadd.s32 $0xFFFFFFD8  }
0x222: {  	v56 =	vld [tilespmem:$0x240]  }
0x223: {  	v57 =	vld [tilespmem:$0x308]  }
0x224: {  	v58 =	vld [tilespmem:$0x248]  }
0x225: {  	v60 =	vld [tilespmem:$0x230]  }
0x226: {  	v61 =	vld [tilespmem:$0x2F8]  }
0x227: {  	v59 =	vld [tilespmem:$0x310];
	_ =	sdelay $0x2  }
0x228: {  	v0 =	vsub.f32 v56, v57  }
0x229: {  	v63 =	vsub.f32 v60, v61  }
0x22a: {  	s6 =	rddreg [dreg:$0xa];
	v62 =	vsub.f32 v58, v59;
	[tilespmem:$0x3D0] =	vst v0  }
0x22b: {  	s5 =	rddreg [dreg:$0xb];
	[tilespmem:$0x3C0] =	vst v63  }
0x22c: {  	s2 =	sadd.s32 s31, s6;
	s6 =	rddreg [dreg:$0xc];
	[tilespmem:$0x3D8] =	vst v62  }
0x22d: {  	[hbm4b:s2+s3] =	stream.linear.scatter [tilespmem:s24], [sflag:$0x3], $0x1400, $0x38;
	[tilespmem:$0xCBE8] =	vst v63  }
0x22e: {  	s2 =	sadd.s32 s31, s5;
	s5 =	sld [smem:$0x7FD]  }
0x22f: {  	[hbm4b:s2+s3] =	stream.linear.scatter [tilespmem:s25], [sflag:$0x3], $0x1400, $0x38;
	[tilespmem:$0xCBE8] =	vst v63  }
0x230: {  	s0 =	sadd.s32 s0, s6  }
0x231: {  	[hbm4b:s0+s3] =	stream.linear.scatter [tilespmem:s5], [sflag:$0x3], $0x28, $0x38;
	[tilespmem:$0xCBE8] =	vst v63  }
0x232: {  	_ =	swait.ge [sflag:s28], $0x1400  }
0x233: {  	[sflag:s28] =	ssyncset.done $0x0  }
0x234: {  	[sflag:s28] =	ssyncadd.s32 $0xFFFFEC00  }
0x235: {  	_ =	swait.ge [sflag:s28], $0x1400  }
0x236: {  	[sflag:s28] =	ssyncset.done $0x0  }
0x237: {  	[sflag:s28] =	ssyncadd.s32 $0xFFFFEC00  }
0x238: {  	_ =	swait.ge [sflag:s28], $0x28  }
0x239: {  	[sflag:s28] =	ssyncset.done $0x0  }
0x23a: {  	[sflag:s28] =	ssyncadd.s32 $0xFFFFFFD8  }
0x23b: {  	_ =	swait.ge [sflag:s28], $0x1400  }
0x23c: {  	[sflag:s28] =	ssyncset.done $0x0  }
0x23d: {  	[sflag:s28] =	ssyncadd.s32 $0xFFFFEC00  }
0x23e: {  	_ =	swait.ge [sflag:s28], $0x1400  }
0x23f: {  	p0 =	sne.s32 s30, $0x258;
	[sflag:s28] =	ssyncset.done $0x0  }
.Ltmp0:
0x240: {  	[sflag:s28] =	ssyncadd.s32 $0xFFFFEC00;
	(pc) =	sbr.rel @p0 .LBB2_2-.Ltmp0, $4  }
0x241: {  	_ =	swait.ge [sflag:s28], $0x28  }
0x242: {  	[sflag:s28] =	ssyncset.done $0x0  }
0x243: {  	[sflag:s28] =	ssyncadd.s32 $0xFFFFFFD8  }
0x244: {  	s30 =	sadd.s32 $0x19, s30;
	_ =	swait.ge [sflag:s28], $0x1400  }
0x245: {  	[sflag:s28] =	ssyncset.done $0x0  }
0x246: {  	[sflag:s28] =	ssyncadd.s32 $0xFFFFEC00  }
0x247: {  	_ =	swait.ge [sflag:s28], $0x1400  }
0x248: {  	[sflag:s28] =	ssyncset.done $0x0  }
0x249: {  	[sflag:s28] =	ssyncadd.s32 $0xFFFFEC00  }
0x24a: {  	_ =	swait.ge [sflag:s28], $0x28  }
0x24b: {  	[sflag:s28] =	ssyncset.done $0x0  }
0x24c: {  	[sflag:s28] =	ssyncadd.s32 $0xFFFFFFD8  }
0x24d: {  	_ =	swait.ge [sflag:s28], $0x1400  }
0x24e: {  	[sflag:s28] =	ssyncset.done $0x0  }
0x24f: {  	[sflag:s28] =	ssyncadd.s32 $0xFFFFEC00  }
0x250: {  	_ =	swait.ge [sflag:s28], $0x1400  }
0x251: {  	[sflag:s28] =	ssyncset.done $0x0  }
0x252: {  	[sflag:s28] =	ssyncadd.s32 $0xFFFFEC00  }
0x253: {  	_ =	swait.ge [sflag:s28], $0x28  }
0x254: {  	[sflag:s28] =	ssyncset.done $0x0  }
0x255: {  	[sflag:s28] =	ssyncadd.s32 $0xFFFFFFD8  }
0x256: {  	_ =	swait.ge [sflag:s28], $0x1400  }
0x257: {  	[sflag:s28] =	ssyncset.done $0x0  }
0x258: {  	[sflag:s28] =	ssyncadd.s32 $0xFFFFEC00  }
0x259: {  	_ =	swait.ge [sflag:s28], $0x1400  }
0x25a: {  	[sflag:s28] =	ssyncset.done $0x0  }
0x25b: {  	[sflag:s28] =	ssyncadd.s32 $0xFFFFEC00  }
0x25c: {  	_ =	swait.ge [sflag:s28], $0x28  }
0x25d: {  	s5 =	sld [smem:$0x7EB]  }
0x25e: {  	s0 =	sld [smem:$0x7EC];
	_ =	sdelay $0x1  }
0x25f: {  	s5 =	sadd.s32 $0x1, s5  }
0x260: {  	p0 =	sne.s32 s5, s0  }
.Ltmp1:
0x261: {  	_ = 	snop;
	(pc) =	sbr.rel @p0 .LBB2_1-.Ltmp1, $3  }
0x262: {  	_ =	sdelay $0x1  }
0x263: {  	[sflag:s28] =	ssyncset.done $0x0  }
0x264: {  	s2 =	simm.s32 $0xC8;
	[sflag:s28] =	ssyncadd.s32 $0xFFFFFFD8  }
0x265: {  	_ =	sfence.sel $0x180000  }
0x266: {  	[bflag:$0x0] =	sbarrier.arrive $0xFFFF  }
0x267: {  	_ =	strace $0x9000004A  }
0x268: {  	s0 =	stileid.u32;
	[bflag:$0x2] =	sbarrier.arrive $0xFFFF  }
0x269: {  	p0 =	sne.s32 s0, $0x0;
	s0 =	rddreg [dreg:$0x3]  }
0x26a: {  	s0 =	sadd.s32 @!p0 $0x100000, s0  }
0x26b: {  	[sflag:s0] =	ssyncadd.tile.s32 @!p0 $0x1;
	_ =	shalt  }
.Lfunc_end2:
_tile_overlayer_lowered:
.L_overlay_start_2:
0x26c: {  	(tag) =	ssettag $0x2  }
0x26d: {  	s0 =	rddreg [dreg:$0x0];
	s2 =	stileid.u32  }
0x26e: {  	s1 =	rddreg [dreg:$0x1];
	p0 =	sne.s32 s2, $0x0  }
0x26f: {  	s3 =	rddreg [dreg:$0x2];
	[bflag:$0x3] =	sbarrier.arrive $0xFFFF;
	s2 =	simm.s32 @!p0 $0x1C04  }
0x270: {  	[timem:s3], [sflag:s2] =	dma.local @!p0 [hbm:s0], s1  }
0x271: {  	s0 =	simm.s32 @!p0 $0x4  }
0x272: {  	_ =	swait.ge @!p0 [sflag:s0], s1  }
0x273: {  	s1 =	ssub.s32 @!p0 $0x0, s1;
	[sflag:s0] =	ssyncset.done @!p0 $0x0  }
0x274: {  	[sflag:s0] =	ssyncadd.s32 @!p0 s1  }
0x275: {  	[bflag:$0x3] =	sbarrier.arrive $0xFFFF  }
0x276: {  	_ =	shalt  }

// kernel: kernel.18.cloned.1.call-start
scs
__scs_entry_jumppad:
0x0: {  	(pc) =	sbr.rel $0x88, $3  }
0x1: {  	(tag) =	ssettag $0x0;
	lr =	simm.s32 $0x1  }
0x2: {  	[smem:$0x3F94] =	sst lr;
	_ =	strace $0xD0000000  }
0x3: {  	_ = 	snop  }
0x4: {  	_ = 	snop  }
0x5: {  	_ = 	snop  }
0x6: {  	_ = 	snop  }
0x7: {  	_ = 	snop  }
__scs_overlays_trampoline_lowered:
0x8: {  	[smem:$0x3FA3] =	sst s0  }
0x9: {  	[smem:$0x3FA4] =	sst s1  }
0xa: {  	[smem:$0x3FA5] =	sst s2  }
0xb: {  	[smem:$0x3FA6] =	sst s3  }
0xc: {  	[smem:$0x3FA7] =	sst s4  }
0xd: {  	[smem:$0x3FA8] =	sst s5  }
0xe: {  	[smem:$0x3FA9] =	sst s6  }
0xf: {  	[smem:$0x3FAA] =	sst s7  }
0x10: {  	[smem:$0x3FAB] =	sst s8  }
0x11: {  	[smem:$0x3FAC] =	sst s9;
	s0 =	simm.s32 @!p0 $0x0  }
0x12: {  	s1 =	sld [smem:$0x3F92];
	s0 =	simm.s32 @p0 $0x1  }
0x13: {  	[smem:$0x3FAD] =	sst s0;
	s0 =	simm.s32 @!p1 $0x0  }
0x14: {  	s2 =	sld [smem:$0x3F91];
	s0 =	simm.s32 @p1 $0x1  }
0x15: {  	[smem:$0x3FAE] =	sst s0;
	s0 =	simm.s32 @!p2 $0x0  }
0x16: {  	s3 =	sld [smem:$0x3FDB];
	s0 =	simm.s32 @p2 $0x1  }
0x17: {  	s4 =	simm.s32 $0x1BF5;
	[smem:$0x3FB0] =	sst s0  }
0x18: {  	s0 =	sld [smem:$0x3F93];
	_ =	swait.ge [sflag:s4], $0x0  }
0x19: {  	s7 =	sld [smem:$0x3F94]  }
0x1a: {  	s8 =	sadd.s32 $0xFFFFE003, lr  }
0x1b: {  	s9 =	sadd.s32 $0xFFFFFEF7, lr;
	s5 =	simm.s32 $0xFFFFFFFF;
	p2 =	slt.u32 s8, $0xFFFFF086  }
0x1c: {  	p1 =	slt.u32 s9, $0xF7A;
	s5 =	simm.s32 @!p2 $0x0  }
0x1d: {  	s5 =	simm.s32 @p1 $0x1;
	p0 =	seq.s32 s7, s2  }
0x1e: {  	s7 =	smul.u32 @!p0 $0xF7A, s2;
	p2 =	seq.s32 @!p0 s5, $0x0  }
0x1f: {  	s9 =	smul.u32 $0xF7A, s1;
	s8 =	simm.s32 @!p0 $0x1BF5;
	p2 =	por !p2, p0  }
0x20: {  	[sflag:s8] =	ssyncset.s32 @!p0 $0xFFFFF086;
	s6 =	sadd.s32 @!p0 s3, s7;
	s7 =	simm.s32 @!p0 $0x108  }
0x21: {  	s3 =	sadd.s32 s3, s9;
	s6 =	sadd.s32 @!p0 $0x88, s6;
	s7 =	simm.s32 @p2 $0x1082  }
0x22: {  	[simem:s7], [sflag:s8] =	dma.local @!p0 [hbm:s6], $0xF7A  }
0x23: {  	s9 =	sor.u32 $0xD0000000, s2;
	s6 =	simm.s32 $0x108;
	_ =	swait.ge @!p0 [sflag:s8], $0x0  }
0x24: {  	s3 =	sadd.s32 $0x88, s3;
	s6 =	simm.s32 @!p1 $0x1082;
	[sflag:s4] =	ssyncset.s32 $0xFFFFF086  }
0x25: {  	[simem:s6], [sflag:s4] =	dma.local [hbm:s3], $0xF7A  }
0x26: {  	[smem:$0x3F94] =	sst s1;
	(tag) =	ssettag s2;
	_ =	strace s9  }
0x27: {  	s1 =	sld [smem:$0x3FA4]  }
0x28: {  	s2 =	sld [smem:$0x3FA5]  }
0x29: {  	s4 =	sld [smem:$0x3FA7]  }
0x2a: {  	p0 =	seq.s32 s5, $0x0;
	s5 =	sld [smem:$0x3FA8]  }
0x2b: {  	s6 =	sld [smem:$0x3FA9]  }
0x2c: {  	s7 =	sld [smem:$0x3FAA]  }
0x2d: {  	s3 =	simm.s32 $0x108;
	s8 =	sld [smem:$0x3FAB]  }
0x2e: {  	s3 =	simm.s32 @!p0 $0x1082;
	s9 =	sld [smem:$0x3FAC]  }
0x2f: {  	lr =	sadd.s32 s0, s3;
	s0 =	sld [smem:$0x3FA3]  }
0x30: {  	s3 =	sld [smem:$0x3FA6]  }
0x31: {  	[smem:$0x3FAF] =	sst s10  }
0x32: {  	s10 =	sld [smem:$0x3FAD];
	_ =	sdelay $0x3  }
0x33: {  	p0 =	seq.s32 s10, $0x1;
	s10 =	sld [smem:$0x3FAF];
	_ =	sdelay $0x3  }
0x34: {  	[smem:$0x3FAF] =	sst s10  }
0x35: {  	s10 =	sld [smem:$0x3FAE];
	_ =	sdelay $0x3  }
0x36: {  	p1 =	seq.s32 s10, $0x1;
	s10 =	sld [smem:$0x3FAF];
	_ =	sdelay $0x3  }
0x37: {  	[smem:$0x3FAF] =	sst s10  }
0x38: {  	s10 =	sld [smem:$0x3FB0]  }
0x39: {  	_ = 	snop;
	(pc) =	sbr.ind lr, $3  }
0x3a: {  	_ = 	snop  }
0x3b: {  	_ = 	snop  }
0x3c: {  	p2 =	seq.s32 s10, $0x1;
	s10 =	sld [smem:$0x3FAF]  }
0x3d: {  	_ =	shalt  }
0x3e: {  	_ =	shalt  }
0x3f: {  	_ =	shalt  }
0x40: {  	_ =	shalt  }
0x41: {  	_ =	shalt  }
0x42: {  	_ =	shalt  }
0x43: {  	_ =	shalt  }
0x44: {  	_ =	shalt  }
0x45: {  	_ =	shalt  }
0x46: {  	_ =	shalt  }
0x47: {  	_ =	shalt  }
0x48: {  	_ =	shalt  }
0x49: {  	_ =	shalt  }
0x4a: {  	_ =	shalt  }
0x4b: {  	_ =	shalt  }
0x4c: {  	_ =	shalt  }
0x4d: {  	_ =	shalt  }
0x4e: {  	_ =	shalt  }
0x4f: {  	_ =	shalt  }
0x50: {  	_ =	shalt  }
0x51: {  	_ =	shalt  }
0x52: {  	_ =	shalt  }
0x53: {  	_ =	shalt  }
0x54: {  	_ =	shalt  }
0x55: {  	_ =	shalt  }
0x56: {  	_ =	shalt  }
0x57: {  	_ =	shalt  }
0x58: {  	_ =	shalt  }
0x59: {  	_ =	shalt  }
0x5a: {  	_ =	shalt  }
0x5b: {  	_ =	shalt  }
0x5c: {  	_ =	shalt  }
0x5d: {  	_ =	shalt  }
0x5e: {  	_ =	shalt  }
0x5f: {  	_ =	shalt  }
0x60: {  	_ =	shalt  }
0x61: {  	_ =	shalt  }
0x62: {  	_ =	shalt  }
0x63: {  	_ =	shalt  }
0x64: {  	_ =	shalt  }
0x65: {  	_ =	shalt  }
0x66: {  	_ =	shalt  }
0x67: {  	_ =	shalt  }
0x68: {  	_ =	shalt  }
0x69: {  	_ =	shalt  }
0x6a: {  	_ =	shalt  }
0x6b: {  	_ =	shalt  }
0x6c: {  	_ =	shalt  }
0x6d: {  	_ =	shalt  }
0x6e: {  	_ =	shalt  }
0x6f: {  	_ =	shalt  }
0x70: {  	_ =	shalt  }
0x71: {  	_ =	shalt  }
0x72: {  	_ =	shalt  }
0x73: {  	_ =	shalt  }
0x74: {  	_ =	shalt  }
0x75: {  	_ =	shalt  }
0x76: {  	_ =	shalt  }
0x77: {  	_ =	shalt  }
0x78: {  	_ =	shalt  }
0x79: {  	_ =	shalt  }
0x7a: {  	_ =	shalt  }
0x7b: {  	_ =	shalt  }
0x7c: {  	_ =	shalt  }
0x7d: {  	_ =	shalt  }
0x7e: {  	_ =	shalt  }
0x7f: {  	_ =	shalt  }
0x80: {  	_ =	shalt  }
0x81: {  	_ =	shalt  }
0x82: {  	_ =	shalt  }
0x83: {  	_ =	shalt  }
0x84: {  	_ =	shalt  }
0x85: {  	_ =	shalt  }
0x86: {  	_ =	shalt  }
0x87: {  	_ =	shalt  }
.Lfunc_end0:
.L_simem_size_0:
called_computation.2_lowered:
.L_overlay_start_0:
0x88: {  	s2 =	sld [smem:$0x3FD9]  }
0x89: {  	s3 =	sld [smem:$0x3FFE];
	_ =	sdelay $0x1  }
0x8a: {  	s1 =	srdreg.scid  }
0x8b: {  	s0 =	sand.u32 $0x1, s1  }
0x8c: {  	s16 =	sshll.u32 s0, $0xA;
	s2 =	sadd.s32 s3, s2  }
0x8d: {  	s2 =	sadd.s32 s2, s16  }
0x8e: {  	[smem:$0x3FBB] =	sst s2  }
0x8f: {  	_ = 	snop  }
0x90: {  	(tm) =	ssettm $0x1  }
0x91: {  	s17 =	sld [smem:$0x3FFB];
	_ =	sdelay $0x3  }
0x92: {  	_ =	strace s17  }
0x93: {  	s2 =	sld [smem:$0x3FFC];
	_ =	sdelay $0x3  }
0x94: {  	_ =	strace s2  }
0x95: {  	s2 =	sld [smem:$0x3FFD];
	_ =	sdelay $0x3  }
0x96: {  	_ =	strace s2  }
0x97: {  	_ =	strace $0x8FFFFFFF  }
0x98: {  	s18 =	sld [smem:$0x3FDB];
	_ =	sdelay $0x1  }
0x99: {  	s19 =	simm.s32 $_scs_section_size  }
0x9a: {  	s4 =	simm.s32 $_size__tile_overlayer_lowered;
	s5 =	simm.s32 $_tile_overlayer_lowered  }
0x9b: {  	s22 =	simm.s32 $0x1BFF;
	s21 =	sshll.u32 s5, $0x1;
	s2 =	sadd.s32 s19, s18  }
0x9c: {  	s6 =	simm.s32 $0x0;
	s20 =	sshll.u32 s4, $0x1;
	s4 =	sadd.s32 s21, s2  }
0x9d: {  	[timem:s6], [sflag:s22] =	dma.local [hbm:s4], s20  }
0x9e: {  	_ =	swait.ge [sflag:s22], s20  }
0x9f: {  	s3 =	ssub.s32 $0x0, s20;
	[sflag:s22] =	ssyncset.done $0x0  }
0xa0: {  	[sflag:s22] =	ssyncadd.s32 s3;
	_ =	sdelay $0x1  }
0xa1: {  	s23 =	simm.s32 $0x1B8B  }
0xa2: {  	_ =	swait.ge [sflag:s23], $0x1  }
0xa3: {  	[sflag:s23] =	ssyncset.done $0x0  }
0xa4: {  	s25 =	simm.s32 $0x1B8E;
	s24 =	sld [smem:$0x3FFE];
	[sflag:s23] =	ssyncadd.s32 $0xFFFFFFFF  }
0xa5: {  	s26 =	simm.s32 $execute0_lowered;
	[smem:$0x3FD2] =	sst s25  }
0xa6: {  	s4 =	sshll.u32 s26, $0x1;
	_ =	strace $0x8000004C;
	[dreg:$0x1] =	wrdreg $0xFFFFFFFF  }
0xa7: {  	s28 =	simm.s32 $_size_execute0_lowered;
	s2 =	sadd.s32 s2, s4;
	[dreg:$0x0] =	wrdreg $0x0  }
0xa8: {  	s4 =	sshll.u32 s28, $0x1;
	[dreg:$0x2] =	wrdreg s2  }
0xa9: {  	[dreg:$0x3] =	wrdreg s4  }
0xaa: {  	[dreg:$0x4] =	wrdreg $0xC0  }
0xab: {  	_ =	task [dreg:s6], $0x5FFFF  }
0xac: {  	[dreg:$0x1] =	wrdreg $0xFFFFFFFF  }
0xad: {  	[dreg:$0x0] =	wrdreg $0x60  }
0xae: {  	[dreg:$0x2] =	wrdreg s24  }
0xaf: {  	[dreg:$0x3] =	wrdreg $0x0  }
0xb0: {  	[dreg:$0x4] =	wrdreg $0x9  }
0xb1: {  	_ =	task.clear_ibuf [dreg:s6], $0x5FFFF;
	_ =	strace $0x9000004C  }
0xb2: {  	s29 =	simm.s32 $0x9;
	_ =	strace $0x8000004E  }
0xb3: {  	_ =	swait.ge [sflag:s29], $0x1  }
0xb4: {  	[sflag:s29] =	ssyncadd.s32 $0xFFFFFFFF  }
0xb5: {  	_ =	strace $0x9000004E  }
0xb6: {  	_ =	sfence  }
0xb7: {  	s30 =	sld [smem:$0x0];
	_ =	sdelay $0x2  }
0xb8: {  	s31 =	sshll.u32 s1, $0xD;
	s1 =	sshrl.u32 s1, $0x2  }
0xb9: {  	s3 =	sand.u32 $0x4000, s31;
	s1 =	sadd.s32 s1, s30  }
0xba: {  	s0 =	sor.u32 s3, s0;
	s1 =	sshll.u32 s1, $0x11  }
0xbb: {  	s0 =	sor.u32 s1, s0  }
0xbc: {  	s0 =	sadd.s32 $0x8F2B, s0  }
0xbd: {  	[sflag:s0] =	ssyncadd.remote.s32 $0x1  }
0xbe: {  	_ =	sfence.sel $0xFFFF  }
0xbf: {  	[dreg:$0x0] =	wrdreg $0xFFFFFFFF;
	(pc) =	sbr.abs _section_cstart, $3  }
0xc0: {  	[dreg:$0x1] =	wrdreg $0xFFFFFFFF  }
0xc1: {  	_ =	task.clear_ibuf [dreg:s6], $0x2FFFF;
	_ =	strace $0x9FFFFFFF  }
0xc2: {  	(tm) =	ssettm $0x7FFFFFFF  }
0xc3: {  	_ =	shalt  }
tec
execute0_lowered:
.L_overlay_start_1:
0x0: {  	(tag) =	ssettag $0x1  }
0x1: {  	s0 =	rddreg [dreg:$0x0]  }
0x2: {  	s2 =	rddreg [dreg:$0x1]  }
0x3: {  	s1 =	srdreg.scid;
	s11 =	stileid.u32  }
0x4: {  	s3 =	simm.s32 $0x0;
	s28 =	simm.s32 $0x28;
	s29 =	simm.s32 $0x3  }
0x5: {  	s30 =	simm.s32 $0x0;
	s1 =	sand.u32 $0x1, s1;
	s4 =	smul.u32 $0x13880, s11  }
0x6: {  	[smem:$0x7FF] =	sst s3;
	s6 =	sadd.s32 $0x150E00, s0;
	s10 =	smul.u32 $0x1388, s11  }
0x7: {  	s13 =	sadd.s32 $0x13600, s0;
	s5 =	smul.u32 $0x138800, s1;
	s7 =	ssub.s32 $0x2, s1  }
0x8: {  	_ =	strace $0x8000004D;
	s1 =	smul.u32 $0x13880, s1;
	s9 =	sshrl.u32 s7, $0x1  }
0x9: {  	s5 =	sadd.s32 s4, s5;
	s7 =	ssub.s32 s7, s9;
	s4 =	sadd.s32 s4, s2  }
0xa: {  	s9 =	sshll.u32 s11, $0x6;
	s10 =	sadd.s32 s10, s1;
	s8 =	sshrl.u32 s5, $0x3  }
0xb: {  	[dreg:$0x8] =	wrdreg s4;
	s9 =	sor.u32 $0x1C04, s9;
	s12 =	sadd.s32 $0xA0, s10  }
0xc: {  	s14 =	sadd.s32 s6, s5;
	s15 =	smax.u32 s7, $0x1;
	s17 =	sshrl.u32 s10, $0x3  }
0xd: {  	s18 =	sadd.s32 $0x78, s10;
	s21 =	sadd.s32 $0x50, s10;
	s22 =	sadd.s32 $0x28, s10  }
0xe: {  	s0 =	sadd.s32 s8, s0;
	s1 =	sshrl.u32 s12, $0x3;
	[dreg:$0xb] =	wrdreg s15  }
0xf: {  	[dreg:$0x3] =	wrdreg s14;
	s4 =	sadd.s32 s17, s13;
	s19 =	sshrl.u32 s18, $0x3  }
0x10: {  	s5 =	sshrl.u32 s21, $0x3;
	s7 =	sshrl.u32 s22, $0x3;
	s14 =	simm.s32 $0x4  }
0x11: {  	s15 =	simm.s32 $0x13880;
	s17 =	simm.s32 $0x138A8;
	s18 =	simm.s32 $0x14D48  }
0x12: {  	s21 =	simm.s32 $0x138F8;
	s22 =	simm.s32 $0x17548;
	s11 =	sadd.s32 $0x3C1E00, s0  }
0x13: {  	s0 =	sadd.s32 $0x410000, s0;
	s16 =	sshll.u32 s1, $0x7;
	[dreg:$0xc] =	wrdreg s4  }
0x14: {  	s1 =	sadd.s32 s1, s13;
	s20 =	sshll.u32 s19, $0x7;
	[dreg:$0x9] =	wrdreg s11  }
0x15: {  	s23 =	sshll.u32 s5, $0x7;
	s25 =	sshll.u32 s7, $0x7;
	[dreg:$0xa] =	wrdreg s0  }
0x16: {  	s26 =	sadd.s32 s5, s13;
	s0 =	sadd.s32 s16, s6;
	[dreg:$0xd] =	wrdreg s1  }
0x17: {  	s4 =	sadd.s32 s20, s6;
	s24 =	sadd.s32 s23, s6;
	[dreg:$0xf] =	wrdreg s26  }
0x18: {  	s31 =	sadd.s32 s25, s6;
	s16 =	simm.s32 $0x13948;
	[dreg:$0x4] =	wrdreg s0  }
0x19: {  	s20 =	simm.s32 $0x16148;
	s23 =	simm.s32 $0x13920;
	[dreg:$0x5] =	wrdreg s4  }
0x1a: {  	s25 =	simm.s32 $0x1;
	s26 =	simm.s32 $0x2;
	[dreg:$0x6] =	wrdreg s24  }
0x1b: {  	s0 =	sadd.s32 s19, s13;
	[dreg:$0x7] =	wrdreg s31;
	s13 =	sadd.s32 s7, s13  }
0x1c: {  	s19 =	simm.s32 $0x138D0;
	s24 =	simm.s32 $0x18948;
	[dreg:$0xe] =	wrdreg s0  }
.LBB2_1:
0x1d: {  	s0 =	rddreg [dreg:$0x8]  }
0x1e: {  	s8 =	rddreg [dreg:$0x9];
	s31 =	sshrl.u32 s0, $0x3  }
0x1f: {  	[spmem:s31], [sflag:s9] =	dma.local [hbm:s8], $0x2710  }
0x20: {  	_ =	swait.ge [sflag:s14], $0x2710  }
0x21: {  	[sflag:s14] =	ssyncset.done $0x0  }
0x22: {  	[sflag:s14] =	ssyncadd.s32 $0xFFFFD8F0  }
0x23: {  	[bflag:$0x0] =	sbarrier.arrive $0xFFFF  }
0x24: {  	s10 =	rddreg [dreg:$0x3]  }
0x25: {  	s12 =	smov.u32 s9;
	s9 =	rddreg [dreg:$0xc]  }
0x26: {  	[tilespmem:s15], [sflag:$0x1] =	stream.linear.gather [hbm4b:s9+s3], $0x28, $0x38;
	[tilespmem:$0x19D48] =	vst v63  }
0x27: {  	s0 =	sadd.s32 $0x0, s10  }
0x28: {  	[tilespmem:s16], [sflag:$0x2] =	stream.linear.gather [hbm4b:s0+s3], $0x1400, $0x38;
	[tilespmem:$0x19D48] =	vst v63  }
0x29: {  	s4 =	rddreg [dreg:$0x7]  }
0x2a: {  	[tilespmem:s17], [sflag:$0x1] =	stream.linear.gather [hbm4b:s13+s3], $0x28, $0x38;
	[tilespmem:$0x19D48] =	vst v63  }
0x2b: {  	s1 =	rddreg [dreg:$0x6];
	s11 =	sadd.s32 $0x0, s4  }
0x2c: {  	[tilespmem:s18], [sflag:$0x2] =	stream.linear.gather [hbm4b:s11+s3], $0x1400, $0x38;
	[tilespmem:$0x19D48] =	vst v63  }
0x2d: {  	s5 =	rddreg [dreg:$0xf]  }
0x2e: {  	[tilespmem:s19], [sflag:$0x1] =	stream.linear.gather [hbm4b:s5+s3], $0x28, $0x38;
	[tilespmem:$0x19D48] =	vst v63  }
0x2f: {  	s6 =	rddreg [dreg:$0x5];
	s4 =	sadd.s32 $0x0, s1  }
0x30: {  	[tilespmem:s20], [sflag:$0x2] =	stream.linear.gather [hbm4b:s4+s3], $0x1400, $0x38;
	[tilespmem:$0x19D48] =	vst v63  }
0x31: {  	s1 =	rddreg [dreg:$0xe]  }
0x32: {  	[tilespmem:s21], [sflag:$0x1] =	stream.linear.gather [hbm4b:s1+s3], $0x28, $0x38;
	[tilespmem:$0x19D48] =	vst v63  }
0x33: {  	s8 =	rddreg [dreg:$0x4];
	s7 =	sadd.s32 $0x0, s6  }
0x34: {  	[tilespmem:s22], [sflag:$0x2] =	stream.linear.gather [hbm4b:s7+s3], $0x1400, $0x38;
	[tilespmem:$0x19D48] =	vst v63  }
0x35: {  	s10 =	rddreg [dreg:$0xd]  }
0x36: {  	[tilespmem:s23], [sflag:$0x1] =	stream.linear.gather [hbm4b:s10+s3], $0x28, $0x38;
	[tilespmem:$0x19D48] =	vst v63  }
0x37: {  	s11 =	sadd.s32 $0x0, s8  }
0x38: {  	[tilespmem:s24], [sflag:$0x2] =	stream.linear.gather [hbm4b:s11+s3], $0x1400, $0x38;
	[tilespmem:$0x19D48] =	vst v63  }
0x39: {  	_ =	swait.ge [sflag:s25], $0x28  }
0x3a: {  	[sflag:s25] =	ssyncset.done $0x0  }
0x3b: {  	[sflag:s25] =	ssyncadd.s32 $0xFFFFFFD8  }
0x3c: {  	_ =	swait.ge [sflag:s26], $0x1400  }
0x3d: {  	[sflag:s26] =	ssyncset.done $0x0  }
0x3e: {  	[sflag:s26] =	ssyncadd.s32 $0xFFFFEC00  }
0x3f: {  	[spmem:s2] =	stream.indirect.scatter.add.f32 [tilespmem:s16], [sflag:$0x3], $0x80, s15, s28, $0xb8;
	[tilespmem:$0x19D48] =	vst v63  }
0x40: {  	_ =	swait.ge [sflag:s25], $0x28  }
0x41: {  	[sflag:s25] =	ssyncset.done $0x0  }
0x42: {  	[sflag:s25] =	ssyncadd.s32 $0xFFFFFFD8  }
0x43: {  	_ =	swait.ge [sflag:s26], $0x1400  }
0x44: {  	[sflag:s26] =	ssyncset.done $0x0  }
0x45: {  	[sflag:s26] =	ssyncadd.s32 $0xFFFFEC00  }
0x46: {  	[spmem:s2] =	stream.indirect.scatter.add.f32 [tilespmem:s18], [sflag:$0x3], $0x80, s17, s28, $0xb8;
	[tilespmem:$0x19D48] =	vst v63  }
0x47: {  	_ =	swait.ge [sflag:s25], $0x28  }
0x48: {  	[sflag:s25] =	ssyncset.done $0x0  }
0x49: {  	[sflag:s25] =	ssyncadd.s32 $0xFFFFFFD8  }
0x4a: {  	_ =	swait.ge [sflag:s26], $0x1400  }
0x4b: {  	[sflag:s26] =	ssyncset.done $0x0  }
0x4c: {  	[sflag:s26] =	ssyncadd.s32 $0xFFFFEC00  }
0x4d: {  	[spmem:s2] =	stream.indirect.scatter.add.f32 [tilespmem:s20], [sflag:$0x3], $0x80, s19, s28, $0xb8;
	[tilespmem:$0x19D48] =	vst v63  }
0x4e: {  	_ =	swait.ge [sflag:s25], $0x28  }
0x4f: {  	[sflag:s25] =	ssyncset.done $0x0  }
0x50: {  	[sflag:s25] =	ssyncadd.s32 $0xFFFFFFD8  }
0x51: {  	_ =	swait.ge [sflag:s26], $0x1400  }
0x52: {  	[sflag:s26] =	ssyncset.done $0x0  }
0x53: {  	[sflag:s26] =	ssyncadd.s32 $0xFFFFEC00  }
0x54: {  	[spmem:s2] =	stream.indirect.scatter.add.f32 [tilespmem:s22], [sflag:$0x3], $0x80, s21, s28, $0xb8;
	[tilespmem:$0x19D48] =	vst v63  }
0x55: {  	_ =	swait.ge [sflag:s25], $0x28  }
0x56: {  	[sflag:s25] =	ssyncset.done $0x0  }
0x57: {  	[sflag:s25] =	ssyncadd.s32 $0xFFFFFFD8  }
0x58: {  	_ =	swait.ge [sflag:s26], $0x1400  }
0x59: {  	[sflag:s26] =	ssyncset.done $0x0  }
0x5a: {  	[sflag:s26] =	ssyncadd.s32 $0xFFFFEC00  }
0x5b: {  	[spmem:s2] =	stream.indirect.scatter.add.f32 [tilespmem:s24], [sflag:$0x3], $0x80, s23, s28, $0xb8;
	[tilespmem:$0x19D48] =	vst v63  }
0x5c: {  	_ =	swait.ge [sflag:s29], $0x1400  }
0x5d: {  	[sflag:s29] =	ssyncset.done $0x0  }
0x5e: {  	[sflag:s29] =	ssyncadd.s32 $0xFFFFEC00  }
0x5f: {  	_ =	swait.ge [sflag:s29], $0x1400  }
0x60: {  	[sflag:s29] =	ssyncset.done $0x0  }
0x61: {  	[sflag:s29] =	ssyncadd.s32 $0xFFFFEC00  }
0x62: {  	_ =	swait.ge [sflag:s29], $0x1400  }
0x63: {  	[sflag:s29] =	ssyncset.done $0x0  }
0x64: {  	[sflag:s29] =	ssyncadd.s32 $0xFFFFEC00  }
0x65: {  	_ =	swait.ge [sflag:s29], $0x1400  }
0x66: {  	[sflag:s29] =	ssyncset.done $0x0  }
0x67: {  	s0 =	simm.s32 $0xC80;
	s8 =	simm.s32 $0x1900;
	[sflag:s29] =	ssyncadd.s32 $0xFFFFEC00  }
0x68: {  	s4 =	sadd.s32 $0x19, s5;
	s5 =	sadd.s32 $0x19, s1;
	_ =	swait.ge [sflag:s29], $0x1400  }
0x69: {  	s7 =	sadd.s32 $0x19, s13;
	s6 =	rddreg [dreg:$0x3];
	[sflag:s29] =	ssyncset.done $0x0  }
.LBB2_2:
0x6a: {  	[sflag:s29] =	ssyncadd.s32 $0xFFFFEC00;
	s9 =	sadd.s32 $0x19, s9  }
0x6b: {  	[tilespmem:s15], [sflag:$0x1] =	stream.linear.gather [hbm4b:s9+s3], $0x28, $0x38;
	[tilespmem:$0x19D48] =	vst v63  }
0x6c: {  	s6 =	sadd.s32 s0, s6  }
0x6d: {  	[tilespmem:s16], [sflag:$0x2] =	stream.linear.gather [hbm4b:s6+s3], $0x1400, $0x38;
	[tilespmem:$0x19D48] =	vst v63  }
0x6e: {  	s1 =	rddreg [dreg:$0x7]  }
0x6f: {  	[tilespmem:s17], [sflag:$0x1] =	stream.linear.gather [hbm4b:s7+s3], $0x28, $0x38;
	[tilespmem:$0x19D48] =	vst v63  }
0x70: {  	s1 =	sadd.s32 s0, s1  }
0x71: {  	[tilespmem:s18], [sflag:$0x2] =	stream.linear.gather [hbm4b:s1+s3], $0x1400, $0x38;
	[tilespmem:$0x19D48] =	vst v63  }
0x72: {  	s11 =	rddreg [dreg:$0x6]  }
0x73: {  	[tilespmem:s19], [sflag:$0x1] =	stream.linear.gather [hbm4b:s4+s3], $0x28, $0x38;
	[tilespmem:$0x19D48] =	vst v63  }
0x74: {  	s1 =	sadd.s32 s0, s11  }
0x75: {  	[tilespmem:s20], [sflag:$0x2] =	stream.linear.gather [hbm4b:s1+s3], $0x1400, $0x38;
	[tilespmem:$0x19D48] =	vst v63  }
0x76: {  	s11 =	rddreg [dreg:$0x5]  }
0x77: {  	[tilespmem:s21], [sflag:$0x1] =	stream.linear.gather [hbm4b:s5+s3], $0x28, $0x38;
	[tilespmem:$0x19D48] =	vst v63  }
0x78: {  	s1 =	sadd.s32 s0, s11  }
0x79: {  	[tilespmem:s22], [sflag:$0x2] =	stream.linear.gather [hbm4b:s1+s3], $0x1400, $0x38;
	[tilespmem:$0x19D48] =	vst v63  }
0x7a: {  	s10 =	sadd.s32 $0x19, s10;
	s11 =	rddreg [dreg:$0x4]  }
0x7b: {  	[tilespmem:s23], [sflag:$0x1] =	stream.linear.gather [hbm4b:s10+s3], $0x28, $0x38;
	[tilespmem:$0x19D48] =	vst v63  }
0x7c: {  	s11 =	sadd.s32 s0, s11  }
0x7d: {  	[tilespmem:s24], [sflag:$0x2] =	stream.linear.gather [hbm4b:s11+s3], $0x1400, $0x38;
	[tilespmem:$0x19D48] =	vst v63  }
0x7e: {  	_ =	swait.ge [sflag:s25], $0x28  }
0x7f: {  	[sflag:s25] =	ssyncset.done $0x0  }
0x80: {  	[sflag:s25] =	ssyncadd.s32 $0xFFFFFFD8  }
0x81: {  	_ =	swait.ge [sflag:s26], $0x1400  }
0x82: {  	[sflag:s26] =	ssyncset.done $0x0  }
0x83: {  	[sflag:s26] =	ssyncadd.s32 $0xFFFFEC00  }
0x84: {  	[spmem:s2] =	stream.indirect.scatter.add.f32 [tilespmem:s16], [sflag:$0x3], $0x80, s15, s28, $0xb8;
	[tilespmem:$0x19D48] =	vst v63  }
0x85: {  	_ =	swait.ge [sflag:s25], $0x28  }
0x86: {  	[sflag:s25] =	ssyncset.done $0x0  }
0x87: {  	[sflag:s25] =	ssyncadd.s32 $0xFFFFFFD8  }
0x88: {  	_ =	swait.ge [sflag:s26], $0x1400  }
0x89: {  	[sflag:s26] =	ssyncset.done $0x0  }
0x8a: {  	[sflag:s26] =	ssyncadd.s32 $0xFFFFEC00  }
0x8b: {  	[spmem:s2] =	stream.indirect.scatter.add.f32 [tilespmem:s18], [sflag:$0x3], $0x80, s17, s28, $0xb8;
	[tilespmem:$0x19D48] =	vst v63  }
0x8c: {  	_ =	swait.ge [sflag:s25], $0x28  }
0x8d: {  	[sflag:s25] =	ssyncset.done $0x0  }
0x8e: {  	[sflag:s25] =	ssyncadd.s32 $0xFFFFFFD8  }
0x8f: {  	_ =	swait.ge [sflag:s26], $0x1400  }
0x90: {  	[sflag:s26] =	ssyncset.done $0x0  }
0x91: {  	[sflag:s26] =	ssyncadd.s32 $0xFFFFEC00  }
0x92: {  	[spmem:s2] =	stream.indirect.scatter.add.f32 [tilespmem:s20], [sflag:$0x3], $0x80, s19, s28, $0xb8;
	[tilespmem:$0x19D48] =	vst v63  }
0x93: {  	_ =	swait.ge [sflag:s25], $0x28  }
0x94: {  	[sflag:s25] =	ssyncset.done $0x0  }
0x95: {  	[sflag:s25] =	ssyncadd.s32 $0xFFFFFFD8  }
0x96: {  	_ =	swait.ge [sflag:s26], $0x1400  }
0x97: {  	[sflag:s26] =	ssyncset.done $0x0  }
0x98: {  	[sflag:s26] =	ssyncadd.s32 $0xFFFFEC00  }
0x99: {  	[spmem:s2] =	stream.indirect.scatter.add.f32 [tilespmem:s22], [sflag:$0x3], $0x80, s21, s28, $0xb8;
	[tilespmem:$0x19D48] =	vst v63  }
0x9a: {  	_ =	swait.ge [sflag:s25], $0x28  }
0x9b: {  	[sflag:s25] =	ssyncset.done $0x0  }
0x9c: {  	[sflag:s25] =	ssyncadd.s32 $0xFFFFFFD8  }
0x9d: {  	_ =	swait.ge [sflag:s26], $0x1400  }
0x9e: {  	[sflag:s26] =	ssyncset.done $0x0  }
0x9f: {  	[sflag:s26] =	ssyncadd.s32 $0xFFFFEC00  }
0xa0: {  	[spmem:s2] =	stream.indirect.scatter.add.f32 [tilespmem:s24], [sflag:$0x3], $0x80, s23, s28, $0xb8;
	[tilespmem:$0x19D48] =	vst v63  }
0xa1: {  	_ =	swait.ge [sflag:s29], $0x1400  }
0xa2: {  	[sflag:s29] =	ssyncset.done $0x0  }
0xa3: {  	[sflag:s29] =	ssyncadd.s32 $0xFFFFEC00  }
0xa4: {  	_ =	swait.ge [sflag:s29], $0x1400  }
0xa5: {  	[sflag:s29] =	ssyncset.done $0x0  }
0xa6: {  	[sflag:s29] =	ssyncadd.s32 $0xFFFFEC00  }
0xa7: {  	_ =	swait.ge [sflag:s29], $0x1400  }
0xa8: {  	[sflag:s29] =	ssyncset.done $0x0  }
0xa9: {  	p0 =	sne.s32 s8, $0x12C00;
	[sflag:s29] =	ssyncadd.s32 $0xFFFFEC00  }
.Ltmp0:
0xaa: {  	_ =	swait.ge [sflag:s29], $0x1400;
	(pc) =	sbr.rel @p0 .LBB2_2-.Ltmp0, $4  }
0xab: {  	s6 =	smov.u32 s8;
	[sflag:s29] =	ssyncset.done $0x0  }
0xac: {  	s8 =	sadd.s32 $0xC80, s8;
	s7 =	sadd.s32 $0x19, s7;
	[sflag:s29] =	ssyncadd.s32 $0xFFFFEC00  }
0xad: {  	s4 =	sadd.s32 $0x19, s4;
	s0 =	smov.u32 s6;
	_ =	swait.ge [sflag:s29], $0x1400  }
0xae: {  	s5 =	sadd.s32 $0x19, s5;
	s6 =	rddreg [dreg:$0x3];
	[sflag:s29] =	ssyncset.done $0x0  }
0xaf: {  	[sflag:s29] =	ssyncadd.s32 $0xFFFFEC00;
	s1 =	sadd.s32 $0x19, s9  }
0xb0: {  	[tilespmem:s15], [sflag:$0x1] =	stream.linear.gather [hbm4b:s1+s3], $0x28, $0x38;
	[tilespmem:$0x19D48] =	vst v63  }
0xb1: {  	s9 =	sadd.s32 s0, s6  }
0xb2: {  	[tilespmem:s16], [sflag:$0x2] =	stream.linear.gather [hbm4b:s9+s3], $0x1400, $0x38;
	[tilespmem:$0x19D48] =	vst v63  }
0xb3: {  	s11 =	rddreg [dreg:$0x7]  }
0xb4: {  	[tilespmem:s17], [sflag:$0x1] =	stream.linear.gather [hbm4b:s7+s3], $0x28, $0x38;
	[tilespmem:$0x19D48] =	vst v63  }
0xb5: {  	s1 =	sadd.s32 s0, s11  }
0xb6: {  	[tilespmem:s18], [sflag:$0x2] =	stream.linear.gather [hbm4b:s1+s3], $0x1400, $0x38;
	[tilespmem:$0x19D48] =	vst v63  }
0xb7: {  	s6 =	rddreg [dreg:$0x6]  }
0xb8: {  	[tilespmem:s19], [sflag:$0x1] =	stream.linear.gather [hbm4b:s4+s3], $0x28, $0x38;
	[tilespmem:$0x19D48] =	vst v63  }
0xb9: {  	s1 =	sadd.s32 s0, s6  }
0xba: {  	[tilespmem:s20], [sflag:$0x2] =	stream.linear.gather [hbm4b:s1+s3], $0x1400, $0x38;
	[tilespmem:$0x19D48] =	vst v63  }
0xbb: {  	s7 =	rddreg [dreg:$0x5]  }
0xbc: {  	[tilespmem:s21], [sflag:$0x1] =	stream.linear.gather [hbm4b:s5+s3], $0x28, $0x38;
	[tilespmem:$0x19D48] =	vst v63  }
0xbd: {  	s1 =	sadd.s32 s0, s7  }
0xbe: {  	[tilespmem:s22], [sflag:$0x2] =	stream.linear.gather [hbm4b:s1+s3], $0x1400, $0x38;
	[tilespmem:$0x19D48] =	vst v63  }
0xbf: {  	s8 =	rddreg [dreg:$0x4];
	s9 =	sadd.s32 $0x19, s10  }
0xc0: {  	[tilespmem:s23], [sflag:$0x1] =	stream.linear.gather [hbm4b:s9+s3], $0x28, $0x38;
	[tilespmem:$0x19D48] =	vst v63  }
0xc1: {  	s10 =	sadd.s32 s0, s8  }
0xc2: {  	[tilespmem:s24], [sflag:$0x2] =	stream.linear.gather [hbm4b:s10+s3], $0x1400, $0x38;
	[tilespmem:$0x19D48] =	vst v63  }
0xc3: {  	_ =	swait.ge [sflag:s25], $0x28  }
0xc4: {  	[sflag:s25] =	ssyncset.done $0x0  }
0xc5: {  	[sflag:s25] =	ssyncadd.s32 $0xFFFFFFD8  }
0xc6: {  	_ =	swait.ge [sflag:s26], $0x1400  }
0xc7: {  	[sflag:s26] =	ssyncset.done $0x0  }
0xc8: {  	[sflag:s26] =	ssyncadd.s32 $0xFFFFEC00  }
0xc9: {  	[spmem:s2] =	stream.indirect.scatter.add.f32 [tilespmem:s16], [sflag:$0x3], $0x80, s15, s28, $0xb8;
	[tilespmem:$0x19D48] =	vst v63  }
0xca: {  	_ =	swait.ge [sflag:s25], $0x28  }
0xcb: {  	[sflag:s25] =	ssyncset.done $0x0  }
0xcc: {  	[sflag:s25] =	ssyncadd.s32 $0xFFFFFFD8  }
0xcd: {  	_ =	swait.ge [sflag:s26], $0x1400  }
0xce: {  	[sflag:s26] =	ssyncset.done $0x0  }
0xcf: {  	[sflag:s26] =	ssyncadd.s32 $0xFFFFEC00  }
0xd0: {  	[spmem:s2] =	stream.indirect.scatter.add.f32 [tilespmem:s18], [sflag:$0x3], $0x80, s17, s28, $0xb8;
	[tilespmem:$0x19D48] =	vst v63  }
0xd1: {  	_ =	swait.ge [sflag:s25], $0x28  }
0xd2: {  	[sflag:s25] =	ssyncset.done $0x0  }
0xd3: {  	[sflag:s25] =	ssyncadd.s32 $0xFFFFFFD8  }
0xd4: {  	_ =	swait.ge [sflag:s26], $0x1400  }
0xd5: {  	[sflag:s26] =	ssyncset.done $0x0  }
0xd6: {  	[sflag:s26] =	ssyncadd.s32 $0xFFFFEC00  }
0xd7: {  	[spmem:s2] =	stream.indirect.scatter.add.f32 [tilespmem:s20], [sflag:$0x3], $0x80, s19, s28, $0xb8;
	[tilespmem:$0x19D48] =	vst v63  }
0xd8: {  	_ =	swait.ge [sflag:s25], $0x28  }
0xd9: {  	[sflag:s25] =	ssyncset.done $0x0  }
0xda: {  	[sflag:s25] =	ssyncadd.s32 $0xFFFFFFD8  }
0xdb: {  	_ =	swait.ge [sflag:s26], $0x1400  }
0xdc: {  	[sflag:s26] =	ssyncset.done $0x0  }
0xdd: {  	[sflag:s26] =	ssyncadd.s32 $0xFFFFEC00  }
0xde: {  	[spmem:s2] =	stream.indirect.scatter.add.f32 [tilespmem:s22], [sflag:$0x3], $0x80, s21, s28, $0xb8;
	[tilespmem:$0x19D48] =	vst v63  }
0xdf: {  	_ =	swait.ge [sflag:s25], $0x28  }
0xe0: {  	[sflag:s25] =	ssyncset.done $0x0  }
0xe1: {  	[sflag:s25] =	ssyncadd.s32 $0xFFFFFFD8  }
0xe2: {  	_ =	swait.ge [sflag:s26], $0x1400  }
0xe3: {  	[sflag:s26] =	ssyncset.done $0x0  }
0xe4: {  	[sflag:s26] =	ssyncadd.s32 $0xFFFFEC00  }
0xe5: {  	[spmem:s2] =	stream.indirect.scatter.add.f32 [tilespmem:s24], [sflag:$0x3], $0x80, s23, s28, $0xb8;
	[tilespmem:$0x19D48] =	vst v63  }
0xe6: {  	_ =	swait.ge [sflag:s29], $0x1400  }
0xe7: {  	[sflag:s29] =	ssyncset.done $0x0  }
0xe8: {  	[sflag:s29] =	ssyncadd.s32 $0xFFFFEC00  }
0xe9: {  	_ =	swait.ge [sflag:s29], $0x1400  }
0xea: {  	[sflag:s29] =	ssyncset.done $0x0  }
0xeb: {  	[sflag:s29] =	ssyncadd.s32 $0xFFFFEC00  }
0xec: {  	_ =	swait.ge [sflag:s29], $0x1400  }
0xed: {  	[sflag:s29] =	ssyncset.done $0x0  }
0xee: {  	[sflag:s29] =	ssyncadd.s32 $0xFFFFEC00  }
0xef: {  	_ =	swait.ge [sflag:s29], $0x1400  }
0xf0: {  	[sflag:s29] =	ssyncset.done $0x0  }
0xf1: {  	[sflag:s29] =	ssyncadd.s32 $0xFFFFEC00  }
0xf2: {  	_ =	swait.ge [sflag:s29], $0x1400  }
0xf3: {  	[sflag:s29] =	ssyncset.done $0x0  }
0xf4: {  	[sflag:s29] =	ssyncadd.s32 $0xFFFFEC00  }
0xf5: {  	[bflag:$0x0] =	sbarrier.arrive $0xFFFF  }
0xf6: {  	s11 =	rddreg [dreg:$0xa]  }
0xf7: {  	[hbm:s11], [sflag:s12] =	dma.local [spmem:s31], $0x2710  }
0xf8: {  	_ =	swait.ge [sflag:s14], $0x2710  }
0xf9: {  	s30 =	sadd.s32 $0x1, s30;
	s31 =	rddreg [dreg:$0xb]  }
0xfa: {  	p0 =	sne.s32 s30, s31  }
.Ltmp1:
0xfb: {  	_ = 	snop;
	(pc) =	sbr.rel @p0 .LBB2_1-.Ltmp1, $3  }
0xfc: {  	_ =	sdelay $0x1  }
0xfd: {  	[sflag:s14] =	ssyncset.done $0x0  }
0xfe: {  	s9 =	smov.u32 s12;
	[sflag:s14] =	ssyncadd.s32 $0xFFFFD8F0  }
0xff: {  	_ =	sfence.sel $0x180000  }
0x100: {  	[bflag:$0x0] =	sbarrier.arrive $0xFFFF  }
0x101: {  	_ =	strace $0x9000004D  }
0x102: {  	s0 =	stileid.u32;
	[bflag:$0x2] =	sbarrier.arrive $0xFFFF  }
0x103: {  	p0 =	sne.s32 s0, $0x0;
	s0 =	rddreg [dreg:$0x2]  }
0x104: {  	s0 =	sadd.s32 @!p0 $0x100000, s0  }
0x105: {  	[sflag:s0] =	ssyncadd.tile.s32 @!p0 $0x1;
	_ =	shalt  }
.Lfunc_end2:
_tile_overlayer_lowered:
.L_overlay_start_2:
0x106: {  	(tag) =	ssettag $0x2  }
0x107: {  	s0 =	rddreg [dreg:$0x0];
	s2 =	stileid.u32  }
0x108: {  	s1 =	rddreg [dreg:$0x1];
	p0 =	sne.s32 s2, $0x0  }
0x109: {  	s3 =	rddreg [dreg:$0x2];
	[bflag:$0x3] =	sbarrier.arrive $0xFFFF;
	s2 =	simm.s32 @!p0 $0x1C04  }
0x10a: {  	[timem:s3], [sflag:s2] =	dma.local @!p0 [hbm:s0], s1  }
0x10b: {  	s0 =	simm.s32 @!p0 $0x4  }
0x10c: {  	_ =	swait.ge @!p0 [sflag:s0], s1  }
0x10d: {  	s1 =	ssub.s32 @!p0 $0x0, s1;
	[sflag:s0] =	ssyncset.done @!p0 $0x0  }
0x10e: {  	[sflag:s0] =	ssyncadd.s32 @!p0 s1  }
0x10f: {  	[bflag:$0x3] =	sbarrier.arrive $0xFFFF  }
0x110: {  	_ =	shalt  }

// kernel: kernel.21.cloned.1.call-start
scs
__scs_entry_jumppad:
0x0: {  	(pc) =	sbr.rel $0x88, $3  }
0x1: {  	(tag) =	ssettag $0x0;
	lr =	simm.s32 $0x1  }
0x2: {  	[smem:$0x3F94] =	sst lr;
	_ =	strace $0xD0000000  }
0x3: {  	_ = 	snop  }
0x4: {  	_ = 	snop  }
0x5: {  	_ = 	snop  }
0x6: {  	_ = 	snop  }
0x7: {  	_ = 	snop  }
__scs_overlays_trampoline_lowered:
0x8: {  	[smem:$0x3FA3] =	sst s0  }
0x9: {  	[smem:$0x3FA4] =	sst s1  }
0xa: {  	[smem:$0x3FA5] =	sst s2  }
0xb: {  	[smem:$0x3FA6] =	sst s3  }
0xc: {  	[smem:$0x3FA7] =	sst s4  }
0xd: {  	[smem:$0x3FA8] =	sst s5  }
0xe: {  	[smem:$0x3FA9] =	sst s6  }
0xf: {  	[smem:$0x3FAA] =	sst s7  }
0x10: {  	[smem:$0x3FAB] =	sst s8  }
0x11: {  	[smem:$0x3FAC] =	sst s9;
	s0 =	simm.s32 @!p0 $0x0  }
0x12: {  	s1 =	sld [smem:$0x3F92];
	s0 =	simm.s32 @p0 $0x1  }
0x13: {  	[smem:$0x3FAD] =	sst s0;
	s0 =	simm.s32 @!p1 $0x0  }
0x14: {  	s2 =	sld [smem:$0x3F91];
	s0 =	simm.s32 @p1 $0x1  }
0x15: {  	[smem:$0x3FAE] =	sst s0;
	s0 =	simm.s32 @!p2 $0x0  }
0x16: {  	s3 =	sld [smem:$0x3FDB];
	s0 =	simm.s32 @p2 $0x1  }
0x17: {  	s4 =	simm.s32 $0x1BF5;
	[smem:$0x3FB0] =	sst s0  }
0x18: {  	s0 =	sld [smem:$0x3F93];
	_ =	swait.ge [sflag:s4], $0x0  }
0x19: {  	s7 =	sld [smem:$0x3F94]  }
0x1a: {  	s8 =	sadd.s32 $0xFFFFE003, lr  }
0x1b: {  	s9 =	sadd.s32 $0xFFFFFEF7, lr;
	s5 =	simm.s32 $0xFFFFFFFF;
	p2 =	slt.u32 s8, $0xFFFFF086  }
0x1c: {  	p1 =	slt.u32 s9, $0xF7A;
	s5 =	simm.s32 @!p2 $0x0  }
0x1d: {  	s5 =	simm.s32 @p1 $0x1;
	p0 =	seq.s32 s7, s2  }
0x1e: {  	s7 =	smul.u32 @!p0 $0xF7A, s2;
	p2 =	seq.s32 @!p0 s5, $0x0  }
0x1f: {  	s9 =	smul.u32 $0xF7A, s1;
	s8 =	simm.s32 @!p0 $0x1BF5;
	p2 =	por !p2, p0  }
0x20: {  	[sflag:s8] =	ssyncset.s32 @!p0 $0xFFFFF086;
	s6 =	sadd.s32 @!p0 s3, s7;
	s7 =	simm.s32 @!p0 $0x108  }
0x21: {  	s3 =	sadd.s32 s3, s9;
	s6 =	sadd.s32 @!p0 $0x88, s6;
	s7 =	simm.s32 @p2 $0x1082  }
0x22: {  	[simem:s7], [sflag:s8] =	dma.local @!p0 [hbm:s6], $0xF7A  }
0x23: {  	s9 =	sor.u32 $0xD0000000, s2;
	s6 =	simm.s32 $0x108;
	_ =	swait.ge @!p0 [sflag:s8], $0x0  }
0x24: {  	s3 =	sadd.s32 $0x88, s3;
	s6 =	simm.s32 @!p1 $0x1082;
	[sflag:s4] =	ssyncset.s32 $0xFFFFF086  }
0x25: {  	[simem:s6], [sflag:s4] =	dma.local [hbm:s3], $0xF7A  }
0x26: {  	[smem:$0x3F94] =	sst s1;
	(tag) =	ssettag s2;
	_ =	strace s9  }
0x27: {  	s1 =	sld [smem:$0x3FA4]  }
0x28: {  	s2 =	sld [smem:$0x3FA5]  }
0x29: {  	s4 =	sld [smem:$0x3FA7]  }
0x2a: {  	p0 =	seq.s32 s5, $0x0;
	s5 =	sld [smem:$0x3FA8]  }
0x2b: {  	s6 =	sld [smem:$0x3FA9]  }
0x2c: {  	s7 =	sld [smem:$0x3FAA]  }
0x2d: {  	s3 =	simm.s32 $0x108;
	s8 =	sld [smem:$0x3FAB]  }
0x2e: {  	s3 =	simm.s32 @!p0 $0x1082;
	s9 =	sld [smem:$0x3FAC]  }
0x2f: {  	lr =	sadd.s32 s0, s3;
	s0 =	sld [smem:$0x3FA3]  }
0x30: {  	s3 =	sld [smem:$0x3FA6]  }
0x31: {  	[smem:$0x3FAF] =	sst s10  }
0x32: {  	s10 =	sld [smem:$0x3FAD];
	_ =	sdelay $0x3  }
0x33: {  	p0 =	seq.s32 s10, $0x1;
	s10 =	sld [smem:$0x3FAF];
	_ =	sdelay $0x3  }
0x34: {  	[smem:$0x3FAF] =	sst s10  }
0x35: {  	s10 =	sld [smem:$0x3FAE];
	_ =	sdelay $0x3  }
0x36: {  	p1 =	seq.s32 s10, $0x1;
	s10 =	sld [smem:$0x3FAF];
	_ =	sdelay $0x3  }
0x37: {  	[smem:$0x3FAF] =	sst s10  }
0x38: {  	s10 =	sld [smem:$0x3FB0]  }
0x39: {  	_ = 	snop;
	(pc) =	sbr.ind lr, $3  }
0x3a: {  	_ = 	snop  }
0x3b: {  	_ = 	snop  }
0x3c: {  	p2 =	seq.s32 s10, $0x1;
	s10 =	sld [smem:$0x3FAF]  }
0x3d: {  	_ =	shalt  }
0x3e: {  	_ =	shalt  }
0x3f: {  	_ =	shalt  }
0x40: {  	_ =	shalt  }
0x41: {  	_ =	shalt  }
0x42: {  	_ =	shalt  }
0x43: {  	_ =	shalt  }
0x44: {  	_ =	shalt  }
0x45: {  	_ =	shalt  }
0x46: {  	_ =	shalt  }
0x47: {  	_ =	shalt  }
0x48: {  	_ =	shalt  }
0x49: {  	_ =	shalt  }
0x4a: {  	_ =	shalt  }
0x4b: {  	_ =	shalt  }
0x4c: {  	_ =	shalt  }
0x4d: {  	_ =	shalt  }
0x4e: {  	_ =	shalt  }
0x4f: {  	_ =	shalt  }
0x50: {  	_ =	shalt  }
0x51: {  	_ =	shalt  }
0x52: {  	_ =	shalt  }
0x53: {  	_ =	shalt  }
0x54: {  	_ =	shalt  }
0x55: {  	_ =	shalt  }
0x56: {  	_ =	shalt  }
0x57: {  	_ =	shalt  }
0x58: {  	_ =	shalt  }
0x59: {  	_ =	shalt  }
0x5a: {  	_ =	shalt  }
0x5b: {  	_ =	shalt  }
0x5c: {  	_ =	shalt  }
0x5d: {  	_ =	shalt  }
0x5e: {  	_ =	shalt  }
0x5f: {  	_ =	shalt  }
0x60: {  	_ =	shalt  }
0x61: {  	_ =	shalt  }
0x62: {  	_ =	shalt  }
0x63: {  	_ =	shalt  }
0x64: {  	_ =	shalt  }
0x65: {  	_ =	shalt  }
0x66: {  	_ =	shalt  }
0x67: {  	_ =	shalt  }
0x68: {  	_ =	shalt  }
0x69: {  	_ =	shalt  }
0x6a: {  	_ =	shalt  }
0x6b: {  	_ =	shalt  }
0x6c: {  	_ =	shalt  }
0x6d: {  	_ =	shalt  }
0x6e: {  	_ =	shalt  }
0x6f: {  	_ =	shalt  }
0x70: {  	_ =	shalt  }
0x71: {  	_ =	shalt  }
0x72: {  	_ =	shalt  }
0x73: {  	_ =	shalt  }
0x74: {  	_ =	shalt  }
0x75: {  	_ =	shalt  }
0x76: {  	_ =	shalt  }
0x77: {  	_ =	shalt  }
0x78: {  	_ =	shalt  }
0x79: {  	_ =	shalt  }
0x7a: {  	_ =	shalt  }
0x7b: {  	_ =	shalt  }
0x7c: {  	_ =	shalt  }
0x7d: {  	_ =	shalt  }
0x7e: {  	_ =	shalt  }
0x7f: {  	_ =	shalt  }
0x80: {  	_ =	shalt  }
0x81: {  	_ =	shalt  }
0x82: {  	_ =	shalt  }
0x83: {  	_ =	shalt  }
0x84: {  	_ =	shalt  }
0x85: {  	_ =	shalt  }
0x86: {  	_ =	shalt  }
0x87: {  	_ =	shalt  }
.Lfunc_end0:
.L_simem_size_0:
called_computation.3_lowered:
.L_overlay_start_0:
0x88: {  	s2 =	sld [smem:$0x3FD9]  }
0x89: {  	s3 =	sld [smem:$0x3FFE];
	_ =	sdelay $0x1  }
0x8a: {  	s1 =	srdreg.scid  }
0x8b: {  	s0 =	sand.u32 $0x1, s1  }
0x8c: {  	s16 =	sshll.u32 s0, $0xA;
	s2 =	sadd.s32 s3, s2  }
0x8d: {  	s2 =	sadd.s32 s2, s16  }
0x8e: {  	[smem:$0x3FBB] =	sst s2  }
0x8f: {  	_ = 	snop  }
0x90: {  	(tm) =	ssettm $0x1  }
0x91: {  	s17 =	sld [smem:$0x3FFB];
	_ =	sdelay $0x3  }
0x92: {  	_ =	strace s17  }
0x93: {  	s2 =	sld [smem:$0x3FFC];
	_ =	sdelay $0x3  }
0x94: {  	_ =	strace s2  }
0x95: {  	s2 =	sld [smem:$0x3FFD];
	_ =	sdelay $0x3  }
0x96: {  	_ =	strace s2  }
0x97: {  	_ =	strace $0x8FFFFFFF  }
0x98: {  	s18 =	sld [smem:$0x3FDB];
	_ =	sdelay $0x1  }
0x99: {  	s19 =	simm.s32 $_scs_section_size  }
0x9a: {  	s4 =	simm.s32 $_size__tile_overlayer_lowered;
	s5 =	simm.s32 $_tile_overlayer_lowered  }
0x9b: {  	s22 =	simm.s32 $0x1BFF;
	s21 =	sshll.u32 s5, $0x1;
	s2 =	sadd.s32 s19, s18  }
0x9c: {  	s6 =	simm.s32 $0x0;
	s20 =	sshll.u32 s4, $0x1;
	s4 =	sadd.s32 s21, s2  }
0x9d: {  	[timem:s6], [sflag:s22] =	dma.local [hbm:s4], s20  }
0x9e: {  	_ =	swait.ge [sflag:s22], s20  }
0x9f: {  	s3 =	ssub.s32 $0x0, s20;
	[sflag:s22] =	ssyncset.done $0x0  }
0xa0: {  	[sflag:s22] =	ssyncadd.s32 s3;
	_ =	sdelay $0x1  }
0xa1: {  	s23 =	simm.s32 $0x1B8B  }
0xa2: {  	_ =	swait.ge [sflag:s23], $0x1  }
0xa3: {  	[sflag:s23] =	ssyncset.done $0x0  }
0xa4: {  	s25 =	simm.s32 $0x1B8E;
	s24 =	sld [smem:$0x3FFE];
	[sflag:s23] =	ssyncadd.s32 $0xFFFFFFFF  }
0xa5: {  	s26 =	simm.s32 $execute0_lowered;
	[smem:$0x3FD2] =	sst s25  }
0xa6: {  	s4 =	sshll.u32 s26, $0x1;
	_ =	strace $0x8000004F;
	[dreg:$0x1] =	wrdreg $0xFFFFFFFF  }
0xa7: {  	s28 =	simm.s32 $_size_execute0_lowered;
	s2 =	sadd.s32 s2, s4;
	[dreg:$0x0] =	wrdreg $0x0  }
0xa8: {  	s4 =	sshll.u32 s28, $0x1;
	[dreg:$0x2] =	wrdreg s2  }
0xa9: {  	[dreg:$0x3] =	wrdreg s4  }
0xaa: {  	[dreg:$0x4] =	wrdreg $0xC0  }
0xab: {  	_ =	task [dreg:s6], $0x5FFFF  }
0xac: {  	[dreg:$0x1] =	wrdreg $0xFFFFFFFF  }
0xad: {  	[dreg:$0x0] =	wrdreg $0x60  }
0xae: {  	[dreg:$0x2] =	wrdreg s24  }
0xaf: {  	[dreg:$0x3] =	wrdreg $0x0  }
0xb0: {  	[dreg:$0x4] =	wrdreg $0x9  }
0xb1: {  	_ =	task.clear_ibuf [dreg:s6], $0x5FFFF;
	_ =	strace $0x9000004F  }
0xb2: {  	s29 =	simm.s32 $0x9;
	_ =	strace $0x80000051  }
0xb3: {  	_ =	swait.ge [sflag:s29], $0x1  }
0xb4: {  	[sflag:s29] =	ssyncadd.s32 $0xFFFFFFFF  }
0xb5: {  	_ =	strace $0x90000051  }
0xb6: {  	_ =	sfence  }
0xb7: {  	s30 =	sld [smem:$0x0];
	_ =	sdelay $0x2  }
0xb8: {  	s31 =	sshll.u32 s1, $0xD;
	s1 =	sshrl.u32 s1, $0x2  }
0xb9: {  	s3 =	sand.u32 $0x4000, s31;
	s1 =	sadd.s32 s1, s30  }
0xba: {  	s0 =	sor.u32 s3, s0;
	s1 =	sshll.u32 s1, $0x11  }
0xbb: {  	s0 =	sor.u32 s1, s0  }
0xbc: {  	s0 =	sadd.s32 $0x8F2B, s0  }
0xbd: {  	[sflag:s0] =	ssyncadd.remote.s32 $0x1  }
0xbe: {  	_ =	sfence.sel $0xFFFF  }
0xbf: {  	[dreg:$0x0] =	wrdreg $0xFFFFFFFF;
	(pc) =	sbr.abs _section_cstart, $3  }
0xc0: {  	[dreg:$0x1] =	wrdreg $0xFFFFFFFF  }
0xc1: {  	_ =	task.clear_ibuf [dreg:s6], $0x2FFFF;
	_ =	strace $0x9FFFFFFF  }
0xc2: {  	(tm) =	ssettm $0x7FFFFFFF  }
0xc3: {  	_ =	shalt  }
tec
execute0_lowered:
.L_overlay_start_1:
0x0: {  	(tag) =	ssettag $0x1  }
0x1: {  	s0 =	rddreg [dreg:$0x0]  }
0x2: {  	s2 =	rddreg [dreg:$0x1]  }
0x3: {  	s1 =	srdreg.scid;
	s11 =	stileid.u32  }
0x4: {  	s3 =	simm.s32 $0x0;
	s28 =	simm.s32 $0x28;
	s29 =	simm.s32 $0x3  }
0x5: {  	s30 =	simm.s32 $0x0;
	s1 =	sand.u32 $0x1, s1;
	s4 =	smul.u32 $0x13880, s11  }
0x6: {  	[smem:$0x7FF] =	sst s3;
	s6 =	sadd.s32 $0x52B800, s0;
	s10 =	smul.u32 $0x1388, s11  }
0x7: {  	s13 =	sadd.s32 $0x526800, s0;
	s5 =	smul.u32 $0x138800, s1;
	s7 =	ssub.s32 $0x2, s1  }
0x8: {  	_ =	strace $0x80000050;
	s1 =	smul.u32 $0x13880, s1;
	s9 =	sshrl.u32 s7, $0x1  }
0x9: {  	s5 =	sadd.s32 s4, s5;
	s7 =	ssub.s32 s7, s9;
	s4 =	sadd.s32 s4, s2  }
0xa: {  	s9 =	sshll.u32 s11, $0x6;
	s10 =	sadd.s32 s10, s1;
	s8 =	sshrl.u32 s5, $0x3  }
0xb: {  	[dreg:$0x8] =	wrdreg s4;
	s9 =	sor.u32 $0x1C04, s9;
	s12 =	sadd.s32 $0xA0, s10  }
0xc: {  	s14 =	sadd.s32 s6, s5;
	s15 =	smax.u32 s7, $0x1;
	s17 =	sshrl.u32 s10, $0x3  }
0xd: {  	s18 =	sadd.s32 $0x78, s10;
	s21 =	sadd.s32 $0x50, s10;
	s22 =	sadd.s32 $0x28, s10  }
0xe: {  	s0 =	sadd.s32 s8, s0;
	s1 =	sshrl.u32 s12, $0x3;
	[dreg:$0xb] =	wrdreg s15  }
0xf: {  	[dreg:$0x3] =	wrdreg s14;
	s4 =	sadd.s32 s17, s13;
	s19 =	sshrl.u32 s18, $0x3  }
0x10: {  	s5 =	sshrl.u32 s21, $0x3;
	s7 =	sshrl.u32 s22, $0x3;
	s14 =	simm.s32 $0x4  }
0x11: {  	s15 =	simm.s32 $0x13880;
	s17 =	simm.s32 $0x138A8;
	s18 =	simm.s32 $0x14D48  }
0x12: {  	s21 =	simm.s32 $0x138F8;
	s22 =	simm.s32 $0x17548;
	s11 =	sadd.s32 $0x410000, s0  }
0x13: {  	s0 =	sadd.s32 $0x45E200, s0;
	s16 =	sshll.u32 s1, $0x7;
	[dreg:$0xc] =	wrdreg s4  }
0x14: {  	s1 =	sadd.s32 s1, s13;
	s20 =	sshll.u32 s19, $0x7;
	[dreg:$0x9] =	wrdreg s11  }
0x15: {  	s23 =	sshll.u32 s5, $0x7;
	s25 =	sshll.u32 s7, $0x7;
	[dreg:$0xa] =	wrdreg s0  }
0x16: {  	s26 =	sadd.s32 s5, s13;
	s0 =	sadd.s32 s16, s6;
	[dreg:$0xd] =	wrdreg s1  }
0x17: {  	s4 =	sadd.s32 s20, s6;
	s24 =	sadd.s32 s23, s6;
	[dreg:$0xf] =	wrdreg s26  }
0x18: {  	s31 =	sadd.s32 s25, s6;
	s16 =	simm.s32 $0x13948;
	[dreg:$0x4] =	wrdreg s0  }
0x19: {  	s20 =	simm.s32 $0x16148;
	s23 =	simm.s32 $0x13920;
	[dreg:$0x5] =	wrdreg s4  }
0x1a: {  	s25 =	simm.s32 $0x1;
	s26 =	simm.s32 $0x2;
	[dreg:$0x6] =	wrdreg s24  }
0x1b: {  	s0 =	sadd.s32 s19, s13;
	[dreg:$0x7] =	wrdreg s31;
	s13 =	sadd.s32 s7, s13  }
0x1c: {  	s19 =	simm.s32 $0x138D0;
	s24 =	simm.s32 $0x18948;
	[dreg:$0xe] =	wrdreg s0  }
.LBB2_1:
0x1d: {  	s0 =	rddreg [dreg:$0x8]  }
0x1e: {  	s8 =	rddreg [dreg:$0x9];
	s31 =	sshrl.u32 s0, $0x3  }
0x1f: {  	[spmem:s31], [sflag:s9] =	dma.local [hbm:s8], $0x2710  }
0x20: {  	_ =	swait.ge [sflag:s14], $0x2710  }
0x21: {  	[sflag:s14] =	ssyncset.done $0x0  }
0x22: {  	[sflag:s14] =	ssyncadd.s32 $0xFFFFD8F0  }
0x23: {  	[bflag:$0x0] =	sbarrier.arrive $0xFFFF  }
0x24: {  	s10 =	rddreg [dreg:$0x3]  }
0x25: {  	s12 =	smov.u32 s9;
	s9 =	rddreg [dreg:$0xc]  }
0x26: {  	[tilespmem:s15], [sflag:$0x1] =	stream.linear.gather [hbm4b:s9+s3], $0x28, $0x38;
	[tilespmem:$0x19D48] =	vst v63  }
0x27: {  	s0 =	sadd.s32 $0x0, s10  }
0x28: {  	[tilespmem:s16], [sflag:$0x2] =	stream.linear.gather [hbm4b:s0+s3], $0x1400, $0x38;
	[tilespmem:$0x19D48] =	vst v63  }
0x29: {  	s4 =	rddreg [dreg:$0x7]  }
0x2a: {  	[tilespmem:s17], [sflag:$0x1] =	stream.linear.gather [hbm4b:s13+s3], $0x28, $0x38;
	[tilespmem:$0x19D48] =	vst v63  }
0x2b: {  	s1 =	rddreg [dreg:$0x6];
	s11 =	sadd.s32 $0x0, s4  }
0x2c: {  	[tilespmem:s18], [sflag:$0x2] =	stream.linear.gather [hbm4b:s11+s3], $0x1400, $0x38;
	[tilespmem:$0x19D48] =	vst v63  }
0x2d: {  	s5 =	rddreg [dreg:$0xf]  }
0x2e: {  	[tilespmem:s19], [sflag:$0x1] =	stream.linear.gather [hbm4b:s5+s3], $0x28, $0x38;
	[tilespmem:$0x19D48] =	vst v63  }
0x2f: {  	s6 =	rddreg [dreg:$0x5];
	s4 =	sadd.s32 $0x0, s1  }
0x30: {  	[tilespmem:s20], [sflag:$0x2] =	stream.linear.gather [hbm4b:s4+s3], $0x1400, $0x38;
	[tilespmem:$0x19D48] =	vst v63  }
0x31: {  	s1 =	rddreg [dreg:$0xe]  }
0x32: {  	[tilespmem:s21], [sflag:$0x1] =	stream.linear.gather [hbm4b:s1+s3], $0x28, $0x38;
	[tilespmem:$0x19D48] =	vst v63  }
0x33: {  	s8 =	rddreg [dreg:$0x4];
	s7 =	sadd.s32 $0x0, s6  }
0x34: {  	[tilespmem:s22], [sflag:$0x2] =	stream.linear.gather [hbm4b:s7+s3], $0x1400, $0x38;
	[tilespmem:$0x19D48] =	vst v63  }
0x35: {  	s10 =	rddreg [dreg:$0xd]  }
0x36: {  	[tilespmem:s23], [sflag:$0x1] =	stream.linear.gather [hbm4b:s10+s3], $0x28, $0x38;
	[tilespmem:$0x19D48] =	vst v63  }
0x37: {  	s11 =	sadd.s32 $0x0, s8  }
0x38: {  	[tilespmem:s24], [sflag:$0x2] =	stream.linear.gather [hbm4b:s11+s3], $0x1400, $0x38;
	[tilespmem:$0x19D48] =	vst v63  }
0x39: {  	_ =	swait.ge [sflag:s25], $0x28  }
0x3a: {  	[sflag:s25] =	ssyncset.done $0x0  }
0x3b: {  	[sflag:s25] =	ssyncadd.s32 $0xFFFFFFD8  }
0x3c: {  	_ =	swait.ge [sflag:s26], $0x1400  }
0x3d: {  	[sflag:s26] =	ssyncset.done $0x0  }
0x3e: {  	[sflag:s26] =	ssyncadd.s32 $0xFFFFEC00  }
0x3f: {  	[spmem:s2] =	stream.indirect.scatter.add.f32 [tilespmem:s16], [sflag:$0x3], $0x80, s15, s28, $0xb8;
	[tilespmem:$0x19D48] =	vst v63  }
0x40: {  	_ =	swait.ge [sflag:s25], $0x28  }
0x41: {  	[sflag:s25] =	ssyncset.done $0x0  }
0x42: {  	[sflag:s25] =	ssyncadd.s32 $0xFFFFFFD8  }
0x43: {  	_ =	swait.ge [sflag:s26], $0x1400  }
0x44: {  	[sflag:s26] =	ssyncset.done $0x0  }
0x45: {  	[sflag:s26] =	ssyncadd.s32 $0xFFFFEC00  }
0x46: {  	[spmem:s2] =	stream.indirect.scatter.add.f32 [tilespmem:s18], [sflag:$0x3], $0x80, s17, s28, $0xb8;
	[tilespmem:$0x19D48] =	vst v63  }
0x47: {  	_ =	swait.ge [sflag:s25], $0x28  }
0x48: {  	[sflag:s25] =	ssyncset.done $0x0  }
0x49: {  	[sflag:s25] =	ssyncadd.s32 $0xFFFFFFD8  }
0x4a: {  	_ =	swait.ge [sflag:s26], $0x1400  }
0x4b: {  	[sflag:s26] =	ssyncset.done $0x0  }
0x4c: {  	[sflag:s26] =	ssyncadd.s32 $0xFFFFEC00  }
0x4d: {  	[spmem:s2] =	stream.indirect.scatter.add.f32 [tilespmem:s20], [sflag:$0x3], $0x80, s19, s28, $0xb8;
	[tilespmem:$0x19D48] =	vst v63  }
0x4e: {  	_ =	swait.ge [sflag:s25], $0x28  }
0x4f: {  	[sflag:s25] =	ssyncset.done $0x0  }
0x50: {  	[sflag:s25] =	ssyncadd.s32 $0xFFFFFFD8  }
0x51: {  	_ =	swait.ge [sflag:s26], $0x1400  }
0x52: {  	[sflag:s26] =	ssyncset.done $0x0  }
0x53: {  	[sflag:s26] =	ssyncadd.s32 $0xFFFFEC00  }
0x54: {  	[spmem:s2] =	stream.indirect.scatter.add.f32 [tilespmem:s22], [sflag:$0x3], $0x80, s21, s28, $0xb8;
	[tilespmem:$0x19D48] =	vst v63  }
0x55: {  	_ =	swait.ge [sflag:s25], $0x28  }
0x56: {  	[sflag:s25] =	ssyncset.done $0x0  }
0x57: {  	[sflag:s25] =	ssyncadd.s32 $0xFFFFFFD8  }
0x58: {  	_ =	swait.ge [sflag:s26], $0x1400  }
0x59: {  	[sflag:s26] =	ssyncset.done $0x0  }
0x5a: {  	[sflag:s26] =	ssyncadd.s32 $0xFFFFEC00  }
0x5b: {  	[spmem:s2] =	stream.indirect.scatter.add.f32 [tilespmem:s24], [sflag:$0x3], $0x80, s23, s28, $0xb8;
	[tilespmem:$0x19D48] =	vst v63  }
0x5c: {  	_ =	swait.ge [sflag:s29], $0x1400  }
0x5d: {  	[sflag:s29] =	ssyncset.done $0x0  }
0x5e: {  	[sflag:s29] =	ssyncadd.s32 $0xFFFFEC00  }
0x5f: {  	_ =	swait.ge [sflag:s29], $0x1400  }
0x60: {  	[sflag:s29] =	ssyncset.done $0x0  }
0x61: {  	[sflag:s29] =	ssyncadd.s32 $0xFFFFEC00  }
0x62: {  	_ =	swait.ge [sflag:s29], $0x1400  }
0x63: {  	[sflag:s29] =	ssyncset.done $0x0  }
0x64: {  	[sflag:s29] =	ssyncadd.s32 $0xFFFFEC00  }
0x65: {  	_ =	swait.ge [sflag:s29], $0x1400  }
0x66: {  	[sflag:s29] =	ssyncset.done $0x0  }
0x67: {  	s0 =	simm.s32 $0xC80;
	s8 =	simm.s32 $0x1900;
	[sflag:s29] =	ssyncadd.s32 $0xFFFFEC00  }
0x68: {  	s4 =	sadd.s32 $0x19, s5;
	s5 =	sadd.s32 $0x19, s1;
	_ =	swait.ge [sflag:s29], $0x1400  }
0x69: {  	s7 =	sadd.s32 $0x19, s13;
	s6 =	rddreg [dreg:$0x3];
	[sflag:s29] =	ssyncset.done $0x0  }
.LBB2_2:
0x6a: {  	[sflag:s29] =	ssyncadd.s32 $0xFFFFEC00;
	s9 =	sadd.s32 $0x19, s9  }
0x6b: {  	[tilespmem:s15], [sflag:$0x1] =	stream.linear.gather [hbm4b:s9+s3], $0x28, $0x38;
	[tilespmem:$0x19D48] =	vst v63  }
0x6c: {  	s6 =	sadd.s32 s0, s6  }
0x6d: {  	[tilespmem:s16], [sflag:$0x2] =	stream.linear.gather [hbm4b:s6+s3], $0x1400, $0x38;
	[tilespmem:$0x19D48] =	vst v63  }
0x6e: {  	s1 =	rddreg [dreg:$0x7]  }
0x6f: {  	[tilespmem:s17], [sflag:$0x1] =	stream.linear.gather [hbm4b:s7+s3], $0x28, $0x38;
	[tilespmem:$0x19D48] =	vst v63  }
0x70: {  	s1 =	sadd.s32 s0, s1  }
0x71: {  	[tilespmem:s18], [sflag:$0x2] =	stream.linear.gather [hbm4b:s1+s3], $0x1400, $0x38;
	[tilespmem:$0x19D48] =	vst v63  }
0x72: {  	s11 =	rddreg [dreg:$0x6]  }
0x73: {  	[tilespmem:s19], [sflag:$0x1] =	stream.linear.gather [hbm4b:s4+s3], $0x28, $0x38;
	[tilespmem:$0x19D48] =	vst v63  }
0x74: {  	s1 =	sadd.s32 s0, s11  }
0x75: {  	[tilespmem:s20], [sflag:$0x2] =	stream.linear.gather [hbm4b:s1+s3], $0x1400, $0x38;
	[tilespmem:$0x19D48] =	vst v63  }
0x76: {  	s11 =	rddreg [dreg:$0x5]  }
0x77: {  	[tilespmem:s21], [sflag:$0x1] =	stream.linear.gather [hbm4b:s5+s3], $0x28, $0x38;
	[tilespmem:$0x19D48] =	vst v63  }
0x78: {  	s1 =	sadd.s32 s0, s11  }
0x79: {  	[tilespmem:s22], [sflag:$0x2] =	stream.linear.gather [hbm4b:s1+s3], $0x1400, $0x38;
	[tilespmem:$0x19D48] =	vst v63  }
0x7a: {  	s10 =	sadd.s32 $0x19, s10;
	s11 =	rddreg [dreg:$0x4]  }
0x7b: {  	[tilespmem:s23], [sflag:$0x1] =	stream.linear.gather [hbm4b:s10+s3], $0x28, $0x38;
	[tilespmem:$0x19D48] =	vst v63  }
0x7c: {  	s11 =	sadd.s32 s0, s11  }
0x7d: {  	[tilespmem:s24], [sflag:$0x2] =	stream.linear.gather [hbm4b:s11+s3], $0x1400, $0x38;
	[tilespmem:$0x19D48] =	vst v63  }
0x7e: {  	_ =	swait.ge [sflag:s25], $0x28  }
0x7f: {  	[sflag:s25] =	ssyncset.done $0x0  }
0x80: {  	[sflag:s25] =	ssyncadd.s32 $0xFFFFFFD8  }
0x81: {  	_ =	swait.ge [sflag:s26], $0x1400  }
0x82: {  	[sflag:s26] =	ssyncset.done $0x0  }
0x83: {  	[sflag:s26] =	ssyncadd.s32 $0xFFFFEC00  }
0x84: {  	[spmem:s2] =	stream.indirect.scatter.add.f32 [tilespmem:s16], [sflag:$0x3], $0x80, s15, s28, $0xb8;
	[tilespmem:$0x19D48] =	vst v63  }
0x85: {  	_ =	swait.ge [sflag:s25], $0x28  }
0x86: {  	[sflag:s25] =	ssyncset.done $0x0  }
0x87: {  	[sflag:s25] =	ssyncadd.s32 $0xFFFFFFD8  }
0x88: {  	_ =	swait.ge [sflag:s26], $0x1400  }
0x89: {  	[sflag:s26] =	ssyncset.done $0x0  }
0x8a: {  	[sflag:s26] =	ssyncadd.s32 $0xFFFFEC00  }
0x8b: {  	[spmem:s2] =	stream.indirect.scatter.add.f32 [tilespmem:s18], [sflag:$0x3], $0x80, s17, s28, $0xb8;
	[tilespmem:$0x19D48] =	vst v63  }
0x8c: {  	_ =	swait.ge [sflag:s25], $0x28  }
0x8d: {  	[sflag:s25] =	ssyncset.done $0x0  }
0x8e: {  	[sflag:s25] =	ssyncadd.s32 $0xFFFFFFD8  }
0x8f: {  	_ =	swait.ge [sflag:s26], $0x1400  }
0x90: {  	[sflag:s26] =	ssyncset.done $0x0  }
0x91: {  	[sflag:s26] =	ssyncadd.s32 $0xFFFFEC00  }
0x92: {  	[spmem:s2] =	stream.indirect.scatter.add.f32 [tilespmem:s20], [sflag:$0x3], $0x80, s19, s28, $0xb8;
	[tilespmem:$0x19D48] =	vst v63  }
0x93: {  	_ =	swait.ge [sflag:s25], $0x28  }
0x94: {  	[sflag:s25] =	ssyncset.done $0x0  }
0x95: {  	[sflag:s25] =	ssyncadd.s32 $0xFFFFFFD8  }
0x96: {  	_ =	swait.ge [sflag:s26], $0x1400  }
0x97: {  	[sflag:s26] =	ssyncset.done $0x0  }
0x98: {  	[sflag:s26] =	ssyncadd.s32 $0xFFFFEC00  }
0x99: {  	[spmem:s2] =	stream.indirect.scatter.add.f32 [tilespmem:s22], [sflag:$0x3], $0x80, s21, s28, $0xb8;
	[tilespmem:$0x19D48] =	vst v63  }
0x9a: {  	_ =	swait.ge [sflag:s25], $0x28  }
0x9b: {  	[sflag:s25] =	ssyncset.done $0x0  }
0x9c: {  	[sflag:s25] =	ssyncadd.s32 $0xFFFFFFD8  }
0x9d: {  	_ =	swait.ge [sflag:s26], $0x1400  }
0x9e: {  	[sflag:s26] =	ssyncset.done $0x0  }
0x9f: {  	[sflag:s26] =	ssyncadd.s32 $0xFFFFEC00  }
0xa0: {  	[spmem:s2] =	stream.indirect.scatter.add.f32 [tilespmem:s24], [sflag:$0x3], $0x80, s23, s28, $0xb8;
	[tilespmem:$0x19D48] =	vst v63  }
0xa1: {  	_ =	swait.ge [sflag:s29], $0x1400  }
0xa2: {  	[sflag:s29] =	ssyncset.done $0x0  }
0xa3: {  	[sflag:s29] =	ssyncadd.s32 $0xFFFFEC00  }
0xa4: {  	_ =	swait.ge [sflag:s29], $0x1400  }
0xa5: {  	[sflag:s29] =	ssyncset.done $0x0  }
0xa6: {  	[sflag:s29] =	ssyncadd.s32 $0xFFFFEC00  }
0xa7: {  	_ =	swait.ge [sflag:s29], $0x1400  }
0xa8: {  	[sflag:s29] =	ssyncset.done $0x0  }
0xa9: {  	p0 =	sne.s32 s8, $0x12C00;
	[sflag:s29] =	ssyncadd.s32 $0xFFFFEC00  }
.Ltmp0:
0xaa: {  	_ =	swait.ge [sflag:s29], $0x1400;
	(pc) =	sbr.rel @p0 .LBB2_2-.Ltmp0, $4  }
0xab: {  	s6 =	smov.u32 s8;
	[sflag:s29] =	ssyncset.done $0x0  }
0xac: {  	s8 =	sadd.s32 $0xC80, s8;
	s7 =	sadd.s32 $0x19, s7;
	[sflag:s29] =	ssyncadd.s32 $0xFFFFEC00  }
0xad: {  	s4 =	sadd.s32 $0x19, s4;
	s0 =	smov.u32 s6;
	_ =	swait.ge [sflag:s29], $0x1400  }
0xae: {  	s5 =	sadd.s32 $0x19, s5;
	s6 =	rddreg [dreg:$0x3];
	[sflag:s29] =	ssyncset.done $0x0  }
0xaf: {  	[sflag:s29] =	ssyncadd.s32 $0xFFFFEC00;
	s1 =	sadd.s32 $0x19, s9  }
0xb0: {  	[tilespmem:s15], [sflag:$0x1] =	stream.linear.gather [hbm4b:s1+s3], $0x28, $0x38;
	[tilespmem:$0x19D48] =	vst v63  }
0xb1: {  	s9 =	sadd.s32 s0, s6  }
0xb2: {  	[tilespmem:s16], [sflag:$0x2] =	stream.linear.gather [hbm4b:s9+s3], $0x1400, $0x38;
	[tilespmem:$0x19D48] =	vst v63  }
0xb3: {  	s11 =	rddreg [dreg:$0x7]  }
0xb4: {  	[tilespmem:s17], [sflag:$0x1] =	stream.linear.gather [hbm4b:s7+s3], $0x28, $0x38;
	[tilespmem:$0x19D48] =	vst v63  }
0xb5: {  	s1 =	sadd.s32 s0, s11  }
0xb6: {  	[tilespmem:s18], [sflag:$0x2] =	stream.linear.gather [hbm4b:s1+s3], $0x1400, $0x38;
	[tilespmem:$0x19D48] =	vst v63  }
0xb7: {  	s6 =	rddreg [dreg:$0x6]  }
0xb8: {  	[tilespmem:s19], [sflag:$0x1] =	stream.linear.gather [hbm4b:s4+s3], $0x28, $0x38;
	[tilespmem:$0x19D48] =	vst v63  }
0xb9: {  	s1 =	sadd.s32 s0, s6  }
0xba: {  	[tilespmem:s20], [sflag:$0x2] =	stream.linear.gather [hbm4b:s1+s3], $0x1400, $0x38;
	[tilespmem:$0x19D48] =	vst v63  }
0xbb: {  	s7 =	rddreg [dreg:$0x5]  }
0xbc: {  	[tilespmem:s21], [sflag:$0x1] =	stream.linear.gather [hbm4b:s5+s3], $0x28, $0x38;
	[tilespmem:$0x19D48] =	vst v63  }
0xbd: {  	s1 =	sadd.s32 s0, s7  }
0xbe: {  	[tilespmem:s22], [sflag:$0x2] =	stream.linear.gather [hbm4b:s1+s3], $0x1400, $0x38;
	[tilespmem:$0x19D48] =	vst v63  }
0xbf: {  	s8 =	rddreg [dreg:$0x4];
	s9 =	sadd.s32 $0x19, s10  }
0xc0: {  	[tilespmem:s23], [sflag:$0x1] =	stream.linear.gather [hbm4b:s9+s3], $0x28, $0x38;
	[tilespmem:$0x19D48] =	vst v63  }
0xc1: {  	s10 =	sadd.s32 s0, s8  }
0xc2: {  	[tilespmem:s24], [sflag:$0x2] =	stream.linear.gather [hbm4b:s10+s3], $0x1400, $0x38;
	[tilespmem:$0x19D48] =	vst v63  }
0xc3: {  	_ =	swait.ge [sflag:s25], $0x28  }
0xc4: {  	[sflag:s25] =	ssyncset.done $0x0  }
0xc5: {  	[sflag:s25] =	ssyncadd.s32 $0xFFFFFFD8  }
0xc6: {  	_ =	swait.ge [sflag:s26], $0x1400  }
0xc7: {  	[sflag:s26] =	ssyncset.done $0x0  }
0xc8: {  	[sflag:s26] =	ssyncadd.s32 $0xFFFFEC00  }
0xc9: {  	[spmem:s2] =	stream.indirect.scatter.add.f32 [tilespmem:s16], [sflag:$0x3], $0x80, s15, s28, $0xb8;
	[tilespmem:$0x19D48] =	vst v63  }
0xca: {  	_ =	swait.ge [sflag:s25], $0x28  }
0xcb: {  	[sflag:s25] =	ssyncset.done $0x0  }
0xcc: {  	[sflag:s25] =	ssyncadd.s32 $0xFFFFFFD8  }
0xcd: {  	_ =	swait.ge [sflag:s26], $0x1400  }
0xce: {  	[sflag:s26] =	ssyncset.done $0x0  }
0xcf: {  	[sflag:s26] =	ssyncadd.s32 $0xFFFFEC00  }
0xd0: {  	[spmem:s2] =	stream.indirect.scatter.add.f32 [tilespmem:s18], [sflag:$0x3], $0x80, s17, s28, $0xb8;
	[tilespmem:$0x19D48] =	vst v63  }
0xd1: {  	_ =	swait.ge [sflag:s25], $0x28  }
0xd2: {  	[sflag:s25] =	ssyncset.done $0x0  }
0xd3: {  	[sflag:s25] =	ssyncadd.s32 $0xFFFFFFD8  }
0xd4: {  	_ =	swait.ge [sflag:s26], $0x1400  }
0xd5: {  	[sflag:s26] =	ssyncset.done $0x0  }
0xd6: {  	[sflag:s26] =	ssyncadd.s32 $0xFFFFEC00  }
0xd7: {  	[spmem:s2] =	stream.indirect.scatter.add.f32 [tilespmem:s20], [sflag:$0x3], $0x80, s19, s28, $0xb8;
	[tilespmem:$0x19D48] =	vst v63  }
0xd8: {  	_ =	swait.ge [sflag:s25], $0x28  }
0xd9: {  	[sflag:s25] =	ssyncset.done $0x0  }
0xda: {  	[sflag:s25] =	ssyncadd.s32 $0xFFFFFFD8  }
0xdb: {  	_ =	swait.ge [sflag:s26], $0x1400  }
0xdc: {  	[sflag:s26] =	ssyncset.done $0x0  }
0xdd: {  	[sflag:s26] =	ssyncadd.s32 $0xFFFFEC00  }
0xde: {  	[spmem:s2] =	stream.indirect.scatter.add.f32 [tilespmem:s22], [sflag:$0x3], $0x80, s21, s28, $0xb8;
	[tilespmem:$0x19D48] =	vst v63  }
0xdf: {  	_ =	swait.ge [sflag:s25], $0x28  }
0xe0: {  	[sflag:s25] =	ssyncset.done $0x0  }
0xe1: {  	[sflag:s25] =	ssyncadd.s32 $0xFFFFFFD8  }
0xe2: {  	_ =	swait.ge [sflag:s26], $0x1400  }
0xe3: {  	[sflag:s26] =	ssyncset.done $0x0  }
0xe4: {  	[sflag:s26] =	ssyncadd.s32 $0xFFFFEC00  }
0xe5: {  	[spmem:s2] =	stream.indirect.scatter.add.f32 [tilespmem:s24], [sflag:$0x3], $0x80, s23, s28, $0xb8;
	[tilespmem:$0x19D48] =	vst v63  }
0xe6: {  	_ =	swait.ge [sflag:s29], $0x1400  }
0xe7: {  	[sflag:s29] =	ssyncset.done $0x0  }
0xe8: {  	[sflag:s29] =	ssyncadd.s32 $0xFFFFEC00  }
0xe9: {  	_ =	swait.ge [sflag:s29], $0x1400  }
0xea: {  	[sflag:s29] =	ssyncset.done $0x0  }
0xeb: {  	[sflag:s29] =	ssyncadd.s32 $0xFFFFEC00  }
0xec: {  	_ =	swait.ge [sflag:s29], $0x1400  }
0xed: {  	[sflag:s29] =	ssyncset.done $0x0  }
0xee: {  	[sflag:s29] =	ssyncadd.s32 $0xFFFFEC00  }
0xef: {  	_ =	swait.ge [sflag:s29], $0x1400  }
0xf0: {  	[sflag:s29] =	ssyncset.done $0x0  }
0xf1: {  	[sflag:s29] =	ssyncadd.s32 $0xFFFFEC00  }
0xf2: {  	_ =	swait.ge [sflag:s29], $0x1400  }
0xf3: {  	[sflag:s29] =	ssyncset.done $0x0  }
0xf4: {  	[sflag:s29] =	ssyncadd.s32 $0xFFFFEC00  }
0xf5: {  	[bflag:$0x0] =	sbarrier.arrive $0xFFFF  }
0xf6: {  	s11 =	rddreg [dreg:$0xa]  }
0xf7: {  	[hbm:s11], [sflag:s12] =	dma.local [spmem:s31], $0x2710  }
0xf8: {  	_ =	swait.ge [sflag:s14], $0x2710  }
0xf9: {  	s30 =	sadd.s32 $0x1, s30;
	s31 =	rddreg [dreg:$0xb]  }
0xfa: {  	p0 =	sne.s32 s30, s31  }
.Ltmp1:
0xfb: {  	_ = 	snop;
	(pc) =	sbr.rel @p0 .LBB2_1-.Ltmp1, $3  }
0xfc: {  	_ =	sdelay $0x1  }
0xfd: {  	[sflag:s14] =	ssyncset.done $0x0  }
0xfe: {  	s9 =	smov.u32 s12;
	[sflag:s14] =	ssyncadd.s32 $0xFFFFD8F0  }
0xff: {  	_ =	sfence.sel $0x180000  }
0x100: {  	[bflag:$0x0] =	sbarrier.arrive $0xFFFF  }
0x101: {  	_ =	strace $0x90000050  }
0x102: {  	s0 =	stileid.u32;
	[bflag:$0x2] =	sbarrier.arrive $0xFFFF  }
0x103: {  	p0 =	sne.s32 s0, $0x0;
	s0 =	rddreg [dreg:$0x2]  }
0x104: {  	s0 =	sadd.s32 @!p0 $0x100000, s0  }
0x105: {  	[sflag:s0] =	ssyncadd.tile.s32 @!p0 $0x1;
	_ =	shalt  }
.Lfunc_end2:
_tile_overlayer_lowered:
.L_overlay_start_2:
0x106: {  	(tag) =	ssettag $0x2  }
0x107: {  	s0 =	rddreg [dreg:$0x0];
	s2 =	stileid.u32  }
0x108: {  	s1 =	rddreg [dreg:$0x1];
	p0 =	sne.s32 s2, $0x0  }
0x109: {  	s3 =	rddreg [dreg:$0x2];
	[bflag:$0x3] =	sbarrier.arrive $0xFFFF;
	s2 =	simm.s32 @!p0 $0x1C04  }
0x10a: {  	[timem:s3], [sflag:s2] =	dma.local @!p0 [hbm:s0], s1  }
0x10b: {  	s0 =	simm.s32 @!p0 $0x4  }
0x10c: {  	_ =	swait.ge @!p0 [sflag:s0], s1  }
0x10d: {  	s1 =	ssub.s32 @!p0 $0x0, s1;
	[sflag:s0] =	ssyncset.done @!p0 $0x0  }
0x10e: {  	[sflag:s0] =	ssyncadd.s32 @!p0 s1  }
0x10f: {  	[bflag:$0x3] =	sbarrier.arrive $0xFFFF  }
0x110: {  	_ =	shalt  }

</sc_bundles>
